<compile_context>
chip_gen: v7x
topology: tpu7x:2x2x1
jax: 0.10.2.dev20260603
libtpu: 0.0.44.dev20260713+nightly
codegen_flags: <defaults>
</compile_context>

<pallas_src>
import functools

import jax
import jax.numpy as jnp
from jax import lax
from jax.experimental import pallas as pl
from jax.experimental.pallas import tpu as pltpu
from jax.experimental.pallas import tpu_sc as plsc

SEQ = 200
DIM = 128
BATCH = 4096
NC = 2
NS = 16
NW = NC * NS
ROWS = BATCH * SEQ
ROWS_PER_W = ROWS // NW
NCHUNK = ROWS_PER_W // SEQ
NBUF = 4


def _emb_body(idx_hbm, tok_hbm, pos_hbm, out_hbm,
              g0, g1, g2, g3, i0, i1, i2, i3, pos_v,
              gs0, gs1, gs2, gs3, is0, is1, is2, is3,
              ss0, ss1, ss2, ss3):
    G = [g0, g1, g2, g3]
    I = [i0, i1, i2, i3]
    GS = [gs0, gs1, gs2, gs3]
    IS = [is0, is1, is2, is3]
    SS = [ss0, ss1, ss2, ss3]

    wid = lax.axis_index("s") * NC + lax.axis_index("c")
    base = wid * ROWS_PER_W

    def idx_issue(c, slot):
        pltpu.async_copy(idx_hbm.at[pl.ds(base + c * SEQ, SEQ)],
                         I[slot], IS[slot])

    def idx_wait(slot):
        pltpu.make_async_copy(idx_hbm.at[pl.ds(0, SEQ)],
                              I[slot], IS[slot]).wait()

    def gather_issue(slot):
        pltpu.async_copy(tok_hbm.at[I[slot]], G[slot], GS[slot])

    def gather_wait(slot):
        pltpu.make_async_copy(tok_hbm.at[pl.ds(0, SEQ)],
                              G[slot], GS[slot]).wait()

    def store_issue(c, slot):
        pltpu.async_copy(G[slot], out_hbm.at[pl.ds(base + c * SEQ, SEQ)],
                         SS[slot])

    def store_wait(slot):
        pltpu.make_async_copy(G[slot], out_hbm.at[pl.ds(0, SEQ)],
                              SS[slot]).wait()

    def add_chunk(slot):
        gbuf = G[slot]

        @plsc.parallel_loop(0, SEQ, 1, unroll=4)
        def _(p):
            for d in range(DIM // 16):
                sl = pl.ds(d * 16, 16)
                gbuf[p, sl] = gbuf[p, sl] + pos_v[p, sl]

    def substep(c, b, do_idx, do_gather2, do_store_wait):
        b2 = (b + 2) % NBUF
        gather_wait(b)
        if do_idx:
            idx_issue(c + NBUF, b)
        if do_gather2:
            if do_store_wait:
                store_wait(b2)
            idx_wait(b2)
            gather_issue(b2)
        add_chunk(b)
        store_issue(c, b)

    pltpu.sync_copy(pos_hbm, pos_v)
    for b in range(NBUF):
        idx_issue(b, b)
    idx_wait(0)
    gather_issue(0)
    idx_wait(1)
    gather_issue(1)
    substep(0, 0, True, True, False)
    substep(1, 1, True, True, False)
    substep(2, 2, True, True, True)
    substep(3, 3, True, True, True)

    def outer(t, carry):
        for b in range(NBUF):
            substep(t * NBUF + b, b, True, True, True)
        return carry

    lax.fori_loop(1, 31, outer, 0, unroll=False)

    for c in range(124, NCHUNK):
        substep(c, c % NBUF, False, c + 2 < NCHUNK, c + 2 < NCHUNK)
    for b in range(NBUF):
        store_wait(b)


def kernel(inputs, token_table, pos_table):
    idx_flat = inputs.reshape(ROWS).astype(jnp.int32)
    mesh = plsc.VectorSubcoreMesh(core_axis_name="c", subcore_axis_name="s")
    k = functools.partial(
        pl.kernel,
        out_type=jax.ShapeDtypeStruct((ROWS, DIM), jnp.float32),
        mesh=mesh,
        scratch_types=(
            [pltpu.VMEM((SEQ, DIM), jnp.float32) for _ in range(NBUF)]
            + [pltpu.VMEM((SEQ,), jnp.int32) for _ in range(NBUF)]
            + [pltpu.VMEM((SEQ, DIM), jnp.float32)]
            + [pltpu.SemaphoreType.DMA for _ in range(3 * NBUF)]
        ),
    )(_emb_body)
    out = k(idx_flat, token_table, pos_table)
    return out.reshape(BATCH, SEQ, DIM)

# --- scband reference (transcript-rebuilt; emitter-appended) ---
"""Pipeline reference for scband-positional-embedding-14491219656934 (READ-ONLY COPY).

The authoritative reference and input builder live on the scoring server;
editing this copy changes nothing except your own understanding.
"""

import jax, jax.numpy as jnp
import numpy as np

SEQ_LEN = 200
VOCAB = 100000
DIM = 128
BATCH = 4096


def setup_inputs(seed: int = 0) -> dict:
    key = jax.random.key(seed)
    k1, k2, k3 = jax.random.split(key, 3)
    inputs = jax.random.randint(k1, (BATCH, SEQ_LEN), 0, VOCAB, dtype=jnp.int64 if jax.config.jax_enable_x64 else jnp.int32)
    token_table = jax.random.normal(k2, (VOCAB, DIM), dtype=jnp.float32) * 0.02
    pos_table = jax.random.normal(k3, (SEQ_LEN, DIM), dtype=jnp.float32) * 0.02
    return {"inputs": inputs, "token_table": token_table, "pos_table": pos_table}


def reference(inputs, token_table, pos_table):
    # token embedding lookup: [B, L] -> [B, L, D]
    embedded_tokens = jnp.take(token_table, inputs, axis=0)
    # position embedding lookup for positions 0..L-1: [L, D]
    length = inputs.shape[-1]
    positions = jnp.arange(length)
    embedded_positions = jnp.take(pos_table, positions, axis=0)
    # broadcast add: [B, L, D] + [L, D]
    return embedded_tokens + embedded_positions

if __name__ == "__main__":
    import jax
    _d = setup_inputs()
    print(jax.jit(kernel)(*tuple(_d.values())))

</pallas_src>

<mosaic_0001>
#map = affine_map<(d0, d1) -> (0)>
#map1 = affine_map<(d0, d1) -> (0, 0)>
module attributes {stable_mosaic.version = 14 : i64} {
  func.func @_emb_body(%arg0: i32, %arg1: i32, %arg2: memref<819200xi32, #tpu.memory_space<hbm>>, %arg3: memref<100000x128xf32, #tpu.memory_space<hbm>>, %arg4: memref<200x128xf32, #tpu.memory_space<hbm>>, %arg5: memref<819200x128xf32, #tpu.memory_space<hbm>>, %arg6: memref<200x128xf32, #tpu.memory_space<vmem>>, %arg7: memref<200x128xf32, #tpu.memory_space<vmem>>, %arg8: memref<200x128xf32, #tpu.memory_space<vmem>>, %arg9: memref<200x128xf32, #tpu.memory_space<vmem>>, %arg10: memref<200xi32, #tpu.memory_space<vmem>>, %arg11: memref<200xi32, #tpu.memory_space<vmem>>, %arg12: memref<200xi32, #tpu.memory_space<vmem>>, %arg13: memref<200xi32, #tpu.memory_space<vmem>>, %arg14: memref<200x128xf32, #tpu.memory_space<vmem>>, %arg15: memref<!tpu.dma_semaphore, #tpu.memory_space<semaphore_mem>>, %arg16: memref<!tpu.dma_semaphore, #tpu.memory_space<semaphore_mem>>, %arg17: memref<!tpu.dma_semaphore, #tpu.memory_space<semaphore_mem>>, %arg18: memref<!tpu.dma_semaphore, #tpu.memory_space<semaphore_mem>>, %arg19: memref<!tpu.dma_semaphore, #tpu.memory_space<semaphore_mem>>, %arg20: memref<!tpu.dma_semaphore, #tpu.memory_space<semaphore_mem>>, %arg21: memref<!tpu.dma_semaphore, #tpu.memory_space<semaphore_mem>>, %arg22: memref<!tpu.dma_semaphore, #tpu.memory_space<semaphore_mem>>, %arg23: memref<!tpu.dma_semaphore, #tpu.memory_space<semaphore_mem>>, %arg24: memref<!tpu.dma_semaphore, #tpu.memory_space<semaphore_mem>>, %arg25: memref<!tpu.dma_semaphore, #tpu.memory_space<semaphore_mem>>, %arg26: memref<!tpu.dma_semaphore, #tpu.memory_space<semaphore_mem>>) attributes {dimension_semantics = [#tpu.dimension_semantics<core_parallel>, #tpu.dimension_semantics<subcore_parallel>], iteration_bounds = array<i64: 2, 16>, scalar_prefetch = 0 : i64, scratch_operands = 21 : i64, tpu.core_type = #tpu.core_type<sc_vector_subcore>, window_params = [{transform_indices = #map}, {transform_indices = #map1}, {transform_indices = #map1}, {transform_indices = #map1}]} {
    %mul3A = arith.constant 2 : i32
    %mul3A_0 = arith.muli %arg1, %mul3A : i32
    %add3A = arith.addi %mul3A_0, %arg0 : i32
    %mul3A_1 = arith.constant 25600 : i32
    %mul3A_2 = arith.muli %add3A, %mul3A_1 : i32
    "tpu.region"() ({
      %run_scoped3A = tpu.sem_alloc : memref<!tpu.dma_semaphore, #tpu.memory_space<semaphore_mem>>
      tpu.enqueue_dma source(%arg4 : memref<200x128xf32, #tpu.memory_space<hbm>>) target(%arg14 : memref<200x128xf32, #tpu.memory_space<vmem>>) target_semaphore(%run_scoped3A : memref<!tpu.dma_semaphore, #tpu.memory_space<semaphore_mem>>)
      tpu.wait_dma2 semaphore(%run_scoped3A : memref<!tpu.dma_semaphore, #tpu.memory_space<semaphore_mem>>) src(%arg4 : memref<200x128xf32, #tpu.memory_space<hbm>>) dst(%arg14 : memref<200x128xf32, #tpu.memory_space<vmem>>)
      tpu.yield
    }) : () -> ()
    %add3A_3 = arith.constant 0 : i32
    %add3A_4 = arith.addi %mul3A_2, %add3A_3 : i32
    %dma_start3A = tpu.memref_slice %arg2[%add3A_4] : memref<819200xi32, #tpu.memory_space<hbm>> -> memref<200xi32, #tpu.memory_space<hbm>>
    %dma_start3A_5 = tpu.memref_slice %arg2[%add3A_4] : memref<819200xi32, #tpu.memory_space<hbm>> -> memref<200xi32, #tpu.memory_space<hbm>>
    tpu.enqueue_dma source(%dma_start3A_5 : memref<200xi32, #tpu.memory_space<hbm>>) target(%arg10 : memref<200xi32, #tpu.memory_space<vmem>>) target_semaphore(%arg19 : memref<!tpu.dma_semaphore, #tpu.memory_space<semaphore_mem>>)
    %add3A_6 = arith.constant 200 : i32
    %add3A_7 = arith.addi %mul3A_2, %add3A_6 : i32
    %dma_start3A_8 = tpu.memref_slice %arg2[%add3A_7] : memref<819200xi32, #tpu.memory_space<hbm>> -> memref<200xi32, #tpu.memory_space<hbm>>
    %dma_start3A_9 = tpu.memref_slice %arg2[%add3A_7] : memref<819200xi32, #tpu.memory_space<hbm>> -> memref<200xi32, #tpu.memory_space<hbm>>
    tpu.enqueue_dma source(%dma_start3A_9 : memref<200xi32, #tpu.memory_space<hbm>>) target(%arg11 : memref<200xi32, #tpu.memory_space<vmem>>) target_semaphore(%arg20 : memref<!tpu.dma_semaphore, #tpu.memory_space<semaphore_mem>>)
    %add3A_10 = arith.constant 400 : i32
    %add3A_11 = arith.addi %mul3A_2, %add3A_10 : i32
    %dma_start3A_12 = tpu.memref_slice %arg2[%add3A_11] : memref<819200xi32, #tpu.memory_space<hbm>> -> memref<200xi32, #tpu.memory_space<hbm>>
    %dma_start3A_13 = tpu.memref_slice %arg2[%add3A_11] : memref<819200xi32, #tpu.memory_space<hbm>> -> memref<200xi32, #tpu.memory_space<hbm>>
    tpu.enqueue_dma source(%dma_start3A_13 : memref<200xi32, #tpu.memory_space<hbm>>) target(%arg12 : memref<200xi32, #tpu.memory_space<vmem>>) target_semaphore(%arg21 : memref<!tpu.dma_semaphore, #tpu.memory_space<semaphore_mem>>)
    %add3A_14 = arith.constant 600 : i32
    %add3A_15 = arith.addi %mul3A_2, %add3A_14 : i32
    %dma_start3A_16 = tpu.memref_slice %arg2[%add3A_15] : memref<819200xi32, #tpu.memory_space<hbm>> -> memref<200xi32, #tpu.memory_space<hbm>>
    %dma_start3A_17 = tpu.memref_slice %arg2[%add3A_15] : memref<819200xi32, #tpu.memory_space<hbm>> -> memref<200xi32, #tpu.memory_space<hbm>>
    tpu.enqueue_dma source(%dma_start3A_17 : memref<200xi32, #tpu.memory_space<hbm>>) target(%arg13 : memref<200xi32, #tpu.memory_space<vmem>>) target_semaphore(%arg22 : memref<!tpu.dma_semaphore, #tpu.memory_space<semaphore_mem>>)
    %dma_wait3A = arith.constant 0 : i32
    %dma_wait3A_18 = tpu.memref_slice %arg2[%dma_wait3A] : memref<819200xi32, #tpu.memory_space<hbm>> -> memref<200xi32, #tpu.memory_space<hbm>>
    %dma_wait3A_19 = arith.constant 0 : i32
    %dma_wait3A_20 = tpu.memref_slice %arg2[%dma_wait3A_19] : memref<819200xi32, #tpu.memory_space<hbm>> -> memref<200xi32, #tpu.memory_space<hbm>>
    tpu.wait_dma2 semaphore(%arg19 : memref<!tpu.dma_semaphore, #tpu.memory_space<semaphore_mem>>) src(%dma_wait3A_20 : memref<200xi32, #tpu.memory_space<hbm>>) dst(%arg10 : memref<200xi32, #tpu.memory_space<vmem>>)
    %dma_start3A_21 = arith.constant 0 : i32
    %dma_start3A_22 = arith.constant 0 : i32
    %dma_start3A_23 = tpu.memref_slice %arg3[%dma_start3A_21, %dma_start3A_22] : memref<100000x128xf32, #tpu.memory_space<hbm>> -> memref<100000x128xf32, #tpu.memory_space<hbm>>
    tpu.enqueue_indirect_dma source(%dma_start3A_23 : memref<100000x128xf32, #tpu.memory_space<hbm>>) target(%arg6 : memref<200x128xf32, #tpu.memory_space<vmem>>) offsets(%arg10 : memref<200xi32, #tpu.memory_space<vmem>>) semaphore(%arg15 : memref<!tpu.dma_semaphore, #tpu.memory_space<semaphore_mem>>)
    %dma_wait3A_24 = arith.constant 0 : i32
    %dma_wait3A_25 = tpu.memref_slice %arg2[%dma_wait3A_24] : memref<819200xi32, #tpu.memory_space<hbm>> -> memref<200xi32, #tpu.memory_space<hbm>>
    %dma_wait3A_26 = arith.constant 0 : i32
    %dma_wait3A_27 = tpu.memref_slice %arg2[%dma_wait3A_26] : memref<819200xi32, #tpu.memory_space<hbm>> -> memref<200xi32, #tpu.memory_space<hbm>>
    tpu.wait_dma2 semaphore(%arg20 : memref<!tpu.dma_semaphore, #tpu.memory_space<semaphore_mem>>) src(%dma_wait3A_27 : memref<200xi32, #tpu.memory_space<hbm>>) dst(%arg11 : memref<200xi32, #tpu.memory_space<vmem>>)
    %dma_start3A_28 = arith.constant 0 : i32
    %dma_start3A_29 = arith.constant 0 : i32
    %dma_start3A_30 = tpu.memref_slice %arg3[%dma_start3A_28, %dma_start3A_29] : memref<100000x128xf32, #tpu.memory_space<hbm>> -> memref<100000x128xf32, #tpu.memory_space<hbm>>
    tpu.enqueue_indirect_dma source(%dma_start3A_30 : memref<100000x128xf32, #tpu.memory_space<hbm>>) target(%arg7 : memref<200x128xf32, #tpu.memory_space<vmem>>) offsets(%arg11 : memref<200xi32, #tpu.memory_space<vmem>>) semaphore(%arg16 : memref<!tpu.dma_semaphore, #tpu.memory_space<semaphore_mem>>)
    %dma_wait3A_31 = arith.constant 0 : i32
    %dma_wait3A_32 = arith.constant 0 : i32
    %dma_wait3A_33 = tpu.memref_slice %arg3[%dma_wait3A_31, %dma_wait3A_32] : memref<100000x128xf32, #tpu.memory_space<hbm>> -> memref<200x128xf32, #tpu.memory_space<hbm>>
    %dma_wait3A_34 = arith.constant 0 : i32
    %dma_wait3A_35 = arith.constant 0 : i32
    %dma_wait3A_36 = tpu.memref_slice %arg3[%dma_wait3A_34, %dma_wait3A_35] : memref<100000x128xf32, #tpu.memory_space<hbm>> -> memref<200x128xf32, #tpu.memory_space<hbm>>
    tpu.wait_dma2 semaphore(%arg15 : memref<!tpu.dma_semaphore, #tpu.memory_space<semaphore_mem>>) src(%dma_wait3A_36 : memref<200x128xf32, #tpu.memory_space<hbm>>) dst(%arg6 : memref<200x128xf32, #tpu.memory_space<vmem>>)
    %add3A_37 = arith.constant 800 : i32
    %add3A_38 = arith.addi %mul3A_2, %add3A_37 : i32
    %dma_start3A_39 = tpu.memref_slice %arg2[%add3A_38] : memref<819200xi32, #tpu.memory_space<hbm>> -> memref<200xi32, #tpu.memory_space<hbm>>
    %dma_start3A_40 = tpu.memref_slice %arg2[%add3A_38] : memref<819200xi32, #tpu.memory_space<hbm>> -> memref<200xi32, #tpu.memory_space<hbm>>
    tpu.enqueue_dma source(%dma_start3A_40 : memref<200xi32, #tpu.memory_space<hbm>>) target(%arg10 : memref<200xi32, #tpu.memory_space<vmem>>) target_semaphore(%arg19 : memref<!tpu.dma_semaphore, #tpu.memory_space<semaphore_mem>>)
    %dma_wait3A_41 = arith.constant 0 : i32
    %dma_wait3A_42 = tpu.memref_slice %arg2[%dma_wait3A_41] : memref<819200xi32, #tpu.memory_space<hbm>> -> memref<200xi32, #tpu.memory_space<hbm>>
    %dma_wait3A_43 = arith.constant 0 : i32
    %dma_wait3A_44 = tpu.memref_slice %arg2[%dma_wait3A_43] : memref<819200xi32, #tpu.memory_space<hbm>> -> memref<200xi32, #tpu.memory_space<hbm>>
    tpu.wait_dma2 semaphore(%arg21 : memref<!tpu.dma_semaphore, #tpu.memory_space<semaphore_mem>>) src(%dma_wait3A_44 : memref<200xi32, #tpu.memory_space<hbm>>) dst(%arg12 : memref<200xi32, #tpu.memory_space<vmem>>)
    %dma_start3A_45 = arith.constant 0 : i32
    %dma_start3A_46 = arith.constant 0 : i32
    %dma_start3A_47 = tpu.memref_slice %arg3[%dma_start3A_45, %dma_start3A_46] : memref<100000x128xf32, #tpu.memory_space<hbm>> -> memref<100000x128xf32, #tpu.memory_space<hbm>>
    tpu.enqueue_indirect_dma source(%dma_start3A_47 : memref<100000x128xf32, #tpu.memory_space<hbm>>) target(%arg8 : memref<200x128xf32, #tpu.memory_space<vmem>>) offsets(%arg12 : memref<200xi32, #tpu.memory_space<vmem>>) semaphore(%arg17 : memref<!tpu.dma_semaphore, #tpu.memory_space<semaphore_mem>>)
    %parallel_loop3A = arith.constant 0 : i32
    %parallel_loop3A_48 = arith.constant 200 : i32
    %parallel_loop3A_49 = arith.constant 1 : i32
    scf.for %parallel_loop3A_261 = %parallel_loop3A to %parallel_loop3A_48 step %parallel_loop3A_49  : i32 {
      %parallel_loop3A_262 = arith.index_cast %parallel_loop3A_261 : i32 to index
      %parallel_loop3A_263 = arith.constant 0 : index
      %parallel_loop3A_264 = tpu.vector_load %arg6[%parallel_loop3A_262, %parallel_loop3A_263] {strides = array<i32>} : memref<200x128xf32, #tpu.memory_space<vmem>>, vector<1x16xf32>,
      %parallel_loop3A_265 = vector.shape_cast %parallel_loop3A_264 : vector<1x16xf32> to vector<16xf32>
      %parallel_loop3A_266 = arith.index_cast %parallel_loop3A_261 : i32 to index
      %parallel_loop3A_267 = arith.constant 0 : index
      %parallel_loop3A_268 = tpu.vector_load %arg14[%parallel_loop3A_266, %parallel_loop3A_267] {strides = array<i32>} : memref<200x128xf32, #tpu.memory_space<vmem>>, vector<1x16xf32>,
      %parallel_loop3A_269 = vector.shape_cast %parallel_loop3A_268 : vector<1x16xf32> to vector<16xf32>
      %parallel_loop3A_270 = arith.addf %parallel_loop3A_265, %parallel_loop3A_269 : vector<16xf32>
      %parallel_loop3A_271 = arith.index_cast %parallel_loop3A_261 : i32 to index
      %parallel_loop3A_272 = arith.constant 0 : index
      %parallel_loop3A_273 = tpu.vector_load %arg6[%parallel_loop3A_271, %parallel_loop3A_272] {strides = array<i32>} : memref<200x128xf32, #tpu.memory_space<vmem>>, vector<1x16xf32>,
      %parallel_loop3A_274 = vector.shape_cast %parallel_loop3A_273 : vector<1x16xf32> to vector<16xf32>
      %parallel_loop3A_275 = vector.shape_cast %parallel_loop3A_270 : vector<16xf32> to vector<1x16xf32>
      tpu.vector_store %arg6[%parallel_loop3A_271, %parallel_loop3A_272], %parallel_loop3A_275 {strides = array<i32>} : memref<200x128xf32, #tpu.memory_space<vmem>>, vector<1x16xf32>,
      %parallel_loop3A_276 = arith.index_cast %parallel_loop3A_261 : i32 to index
      %parallel_loop3A_277 = arith.constant 16 : index
      %parallel_loop3A_278 = tpu.vector_load %arg6[%parallel_loop3A_276, %parallel_loop3A_277] {strides = array<i32>} : memref<200x128xf32, #tpu.memory_space<vmem>>, vector<1x16xf32>,
      %parallel_loop3A_279 = vector.shape_cast %parallel_loop3A_278 : vector<1x16xf32> to vector<16xf32>
      %parallel_loop3A_280 = arith.index_cast %parallel_loop3A_261 : i32 to index
      %parallel_loop3A_281 = arith.constant 16 : index
      %parallel_loop3A_282 = tpu.vector_load %arg14[%parallel_loop3A_280, %parallel_loop3A_281] {strides = array<i32>} : memref<200x128xf32, #tpu.memory_space<vmem>>, vector<1x16xf32>,
      %parallel_loop3A_283 = vector.shape_cast %parallel_loop3A_282 : vector<1x16xf32> to vector<16xf32>
      %parallel_loop3A_284 = arith.addf %parallel_loop3A_279, %parallel_loop3A_283 : vector<16xf32>
      %parallel_loop3A_285 = arith.index_cast %parallel_loop3A_261 : i32 to index
      %parallel_loop3A_286 = arith.constant 16 : index
      %parallel_loop3A_287 = tpu.vector_load %arg6[%parallel_loop3A_285, %parallel_loop3A_286] {strides = array<i32>} : memref<200x128xf32, #tpu.memory_space<vmem>>, vector<1x16xf32>,
      %parallel_loop3A_288 = vector.shape_cast %parallel_loop3A_287 : vector<1x16xf32> to vector<16xf32>
      %parallel_loop3A_289 = vector.shape_cast %parallel_loop3A_284 : vector<16xf32> to vector<1x16xf32>
      tpu.vector_store %arg6[%parallel_loop3A_285, %parallel_loop3A_286], %parallel_loop3A_289 {strides = array<i32>} : memref<200x128xf32, #tpu.memory_space<vmem>>, vector<1x16xf32>,
      %parallel_loop3A_290 = arith.index_cast %parallel_loop3A_261 : i32 to index
      %parallel_loop3A_291 = arith.constant 32 : index
      %parallel_loop3A_292 = tpu.vector_load %arg6[%parallel_loop3A_290, %parallel_loop3A_291] {strides = array<i32>} : memref<200x128xf32, #tpu.memory_space<vmem>>, vector<1x16xf32>,
      %parallel_loop3A_293 = vector.shape_cast %parallel_loop3A_292 : vector<1x16xf32> to vector<16xf32>
      %parallel_loop3A_294 = arith.index_cast %parallel_loop3A_261 : i32 to index
      %parallel_loop3A_295 = arith.constant 32 : index
      %parallel_loop3A_296 = tpu.vector_load %arg14[%parallel_loop3A_294, %parallel_loop3A_295] {strides = array<i32>} : memref<200x128xf32, #tpu.memory_space<vmem>>, vector<1x16xf32>,
      %parallel_loop3A_297 = vector.shape_cast %parallel_loop3A_296 : vector<1x16xf32> to vector<16xf32>
      %parallel_loop3A_298 = arith.addf %parallel_loop3A_293, %parallel_loop3A_297 : vector<16xf32>
      %parallel_loop3A_299 = arith.index_cast %parallel_loop3A_261 : i32 to index
      %parallel_loop3A_300 = arith.constant 32 : index
      %parallel_loop3A_301 = tpu.vector_load %arg6[%parallel_loop3A_299, %parallel_loop3A_300] {strides = array<i32>} : memref<200x128xf32, #tpu.memory_space<vmem>>, vector<1x16xf32>,
      %parallel_loop3A_302 = vector.shape_cast %parallel_loop3A_301 : vector<1x16xf32> to vector<16xf32>
      %parallel_loop3A_303 = vector.shape_cast %parallel_loop3A_298 : vector<16xf32> to vector<1x16xf32>
      tpu.vector_store %arg6[%parallel_loop3A_299, %parallel_loop3A_300], %parallel_loop3A_303 {strides = array<i32>} : memref<200x128xf32, #tpu.memory_space<vmem>>, vector<1x16xf32>,
      %parallel_loop3A_304 = arith.index_cast %parallel_loop3A_261 : i32 to index
      %parallel_loop3A_305 = arith.constant 48 : index
      %parallel_loop3A_306 = tpu.vector_load %arg6[%parallel_loop3A_304, %parallel_loop3A_305] {strides = array<i32>} : memref<200x128xf32, #tpu.memory_space<vmem>>, vector<1x16xf32>,
      %parallel_loop3A_307 = vector.shape_cast %parallel_loop3A_306 : vector<1x16xf32> to vector<16xf32>
      %parallel_loop3A_308 = arith.index_cast %parallel_loop3A_261 : i32 to index
      %parallel_loop3A_309 = arith.constant 48 : index
      %parallel_loop3A_310 = tpu.vector_load %arg14[%parallel_loop3A_308, %parallel_loop3A_309] {strides = array<i32>} : memref<200x128xf32, #tpu.memory_space<vmem>>, vector<1x16xf32>,
      %parallel_loop3A_311 = vector.shape_cast %parallel_loop3A_310 : vector<1x16xf32> to vector<16xf32>
      %parallel_loop3A_312 = arith.addf %parallel_loop3A_307, %parallel_loop3A_311 : vector<16xf32>
      %parallel_loop3A_313 = arith.index_cast %parallel_loop3A_261 : i32 to index
      %parallel_loop3A_314 = arith.constant 48 : index
      %parallel_loop3A_315 = tpu.vector_load %arg6[%parallel_loop3A_313, %parallel_loop3A_314] {strides = array<i32>} : memref<200x128xf32, #tpu.memory_space<vmem>>, vector<1x16xf32>,
      %parallel_loop3A_316 = vector.shape_cast %parallel_loop3A_315 : vector<1x16xf32> to vector<16xf32>
      %parallel_loop3A_317 = vector.shape_cast %parallel_loop3A_312 : vector<16xf32> to vector<1x16xf32>
      tpu.vector_store %arg6[%parallel_loop3A_313, %parallel_loop3A_314], %parallel_loop3A_317 {strides = array<i32>} : memref<200x128xf32, #tpu.memory_space<vmem>>, vector<1x16xf32>,
      %parallel_loop3A_318 = arith.index_cast %parallel_loop3A_261 : i32 to index
      %parallel_loop3A_319 = arith.constant 64 : index
      %parallel_loop3A_320 = tpu.vector_load %arg6[%parallel_loop3A_318, %parallel_loop3A_319] {strides = array<i32>} : memref<200x128xf32, #tpu.memory_space<vmem>>, vector<1x16xf32>,
      %parallel_loop3A_321 = vector.shape_cast %parallel_loop3A_320 : vector<1x16xf32> to vector<16xf32>
      %parallel_loop3A_322 = arith.index_cast %parallel_loop3A_261 : i32 to index
      %parallel_loop3A_323 = arith.constant 64 : index
      %parallel_loop3A_324 = tpu.vector_load %arg14[%parallel_loop3A_322, %parallel_loop3A_323] {strides = array<i32>} : memref<200x128xf32, #tpu.memory_space<vmem>>, vector<1x16xf32>,
      %parallel_loop3A_325 = vector.shape_cast %parallel_loop3A_324 : vector<1x16xf32> to vector<16xf32>
      %parallel_loop3A_326 = arith.addf %parallel_loop3A_321, %parallel_loop3A_325 : vector<16xf32>
      %parallel_loop3A_327 = arith.index_cast %parallel_loop3A_261 : i32 to index
      %parallel_loop3A_328 = arith.constant 64 : index
      %parallel_loop3A_329 = tpu.vector_load %arg6[%parallel_loop3A_327, %parallel_loop3A_328] {strides = array<i32>} : memref<200x128xf32, #tpu.memory_space<vmem>>, vector<1x16xf32>,
      %parallel_loop3A_330 = vector.shape_cast %parallel_loop3A_329 : vector<1x16xf32> to vector<16xf32>
      %parallel_loop3A_331 = vector.shape_cast %parallel_loop3A_326 : vector<16xf32> to vector<1x16xf32>
      tpu.vector_store %arg6[%parallel_loop3A_327, %parallel_loop3A_328], %parallel_loop3A_331 {strides = array<i32>} : memref<200x128xf32, #tpu.memory_space<vmem>>, vector<1x16xf32>,
      %parallel_loop3A_332 = arith.index_cast %parallel_loop3A_261 : i32 to index
      %parallel_loop3A_333 = arith.constant 80 : index
      %parallel_loop3A_334 = tpu.vector_load %arg6[%parallel_loop3A_332, %parallel_loop3A_333] {strides = array<i32>} : memref<200x128xf32, #tpu.memory_space<vmem>>, vector<1x16xf32>,
      %parallel_loop3A_335 = vector.shape_cast %parallel_loop3A_334 : vector<1x16xf32> to vector<16xf32>
      %parallel_loop3A_336 = arith.index_cast %parallel_loop3A_261 : i32 to index
      %parallel_loop3A_337 = arith.constant 80 : index
      %parallel_loop3A_338 = tpu.vector_load %arg14[%parallel_loop3A_336, %parallel_loop3A_337] {strides = array<i32>} : memref<200x128xf32, #tpu.memory_space<vmem>>, vector<1x16xf32>,
      %parallel_loop3A_339 = vector.shape_cast %parallel_loop3A_338 : vector<1x16xf32> to vector<16xf32>
      %parallel_loop3A_340 = arith.addf %parallel_loop3A_335, %parallel_loop3A_339 : vector<16xf32>
      %parallel_loop3A_341 = arith.index_cast %parallel_loop3A_261 : i32 to index
      %parallel_loop3A_342 = arith.constant 80 : index
      %parallel_loop3A_343 = tpu.vector_load %arg6[%parallel_loop3A_341, %parallel_loop3A_342] {strides = array<i32>} : memref<200x128xf32, #tpu.memory_space<vmem>>, vector<1x16xf32>,
      %parallel_loop3A_344 = vector.shape_cast %parallel_loop3A_343 : vector<1x16xf32> to vector<16xf32>
      %parallel_loop3A_345 = vector.shape_cast %parallel_loop3A_340 : vector<16xf32> to vector<1x16xf32>
      tpu.vector_store %arg6[%parallel_loop3A_341, %parallel_loop3A_342], %parallel_loop3A_345 {strides = array<i32>} : memref<200x128xf32, #tpu.memory_space<vmem>>, vector<1x16xf32>,
      %parallel_loop3A_346 = arith.index_cast %parallel_loop3A_261 : i32 to index
      %parallel_loop3A_347 = arith.constant 96 : index
      %parallel_loop3A_348 = tpu.vector_load %arg6[%parallel_loop3A_346, %parallel_loop3A_347] {strides = array<i32>} : memref<200x128xf32, #tpu.memory_space<vmem>>, vector<1x16xf32>,
      %parallel_loop3A_349 = vector.shape_cast %parallel_loop3A_348 : vector<1x16xf32> to vector<16xf32>
      %parallel_loop3A_350 = arith.index_cast %parallel_loop3A_261 : i32 to index
      %parallel_loop3A_351 = arith.constant 96 : index
      %parallel_loop3A_352 = tpu.vector_load %arg14[%parallel_loop3A_350, %parallel_loop3A_351] {strides = array<i32>} : memref<200x128xf32, #tpu.memory_space<vmem>>, vector<1x16xf32>,
      %parallel_loop3A_353 = vector.shape_cast %parallel_loop3A_352 : vector<1x16xf32> to vector<16xf32>
      %parallel_loop3A_354 = arith.addf %parallel_loop3A_349, %parallel_loop3A_353 : vector<16xf32>
      %parallel_loop3A_355 = arith.index_cast %parallel_loop3A_261 : i32 to index
      %parallel_loop3A_356 = arith.constant 96 : index
      %parallel_loop3A_357 = tpu.vector_load %arg6[%parallel_loop3A_355, %parallel_loop3A_356] {strides = array<i32>} : memref<200x128xf32, #tpu.memory_space<vmem>>, vector<1x16xf32>,
      %parallel_loop3A_358 = vector.shape_cast %parallel_loop3A_357 : vector<1x16xf32> to vector<16xf32>
      %parallel_loop3A_359 = vector.shape_cast %parallel_loop3A_354 : vector<16xf32> to vector<1x16xf32>
      tpu.vector_store %arg6[%parallel_loop3A_355, %parallel_loop3A_356], %parallel_loop3A_359 {strides = array<i32>} : memref<200x128xf32, #tpu.memory_space<vmem>>, vector<1x16xf32>,
      %parallel_loop3A_360 = arith.index_cast %parallel_loop3A_261 : i32 to index
      %parallel_loop3A_361 = arith.constant 112 : index
      %parallel_loop3A_362 = tpu.vector_load %arg6[%parallel_loop3A_360, %parallel_loop3A_361] {strides = array<i32>} : memref<200x128xf32, #tpu.memory_space<vmem>>, vector<1x16xf32>,
      %parallel_loop3A_363 = vector.shape_cast %parallel_loop3A_362 : vector<1x16xf32> to vector<16xf32>
      %parallel_loop3A_364 = arith.index_cast %parallel_loop3A_261 : i32 to index
      %parallel_loop3A_365 = arith.constant 112 : index
      %parallel_loop3A_366 = tpu.vector_load %arg14[%parallel_loop3A_364, %parallel_loop3A_365] {strides = array<i32>} : memref<200x128xf32, #tpu.memory_space<vmem>>, vector<1x16xf32>,
      %parallel_loop3A_367 = vector.shape_cast %parallel_loop3A_366 : vector<1x16xf32> to vector<16xf32>
      %parallel_loop3A_368 = arith.addf %parallel_loop3A_363, %parallel_loop3A_367 : vector<16xf32>
      %parallel_loop3A_369 = arith.index_cast %parallel_loop3A_261 : i32 to index
      %parallel_loop3A_370 = arith.constant 112 : index
      %parallel_loop3A_371 = tpu.vector_load %arg6[%parallel_loop3A_369, %parallel_loop3A_370] {strides = array<i32>} : memref<200x128xf32, #tpu.memory_space<vmem>>, vector<1x16xf32>,
      %parallel_loop3A_372 = vector.shape_cast %parallel_loop3A_371 : vector<1x16xf32> to vector<16xf32>
      %parallel_loop3A_373 = vector.shape_cast %parallel_loop3A_368 : vector<16xf32> to vector<1x16xf32>
      tpu.vector_store %arg6[%parallel_loop3A_369, %parallel_loop3A_370], %parallel_loop3A_373 {strides = array<i32>} : memref<200x128xf32, #tpu.memory_space<vmem>>, vector<1x16xf32>,
    } {sc.loop_unroll_factor = 4 : i64, sc.parallel_access}
    %add3A_50 = arith.constant 0 : i32
    %add3A_51 = arith.addi %mul3A_2, %add3A_50 : i32
    %dma_start3A_52 = arith.constant 0 : i32
    %dma_start3A_53 = tpu.memref_slice %arg5[%add3A_51, %dma_start3A_52] : memref<819200x128xf32, #tpu.memory_space<hbm>> -> memref<200x128xf32, #tpu.memory_space<hbm>>
    %dma_start3A_54 = arith.constant 0 : i32
    %dma_start3A_55 = tpu.memref_slice %arg5[%add3A_51, %dma_start3A_54] : memref<819200x128xf32, #tpu.memory_space<hbm>> -> memref<200x128xf32, #tpu.memory_space<hbm>>
    tpu.enqueue_dma source(%arg6 : memref<200x128xf32, #tpu.memory_space<vmem>>) target(%dma_start3A_55 : memref<200x128xf32, #tpu.memory_space<hbm>>) target_semaphore(%arg23 : memref<!tpu.dma_semaphore, #tpu.memory_space<semaphore_mem>>)
    %dma_wait3A_56 = arith.constant 0 : i32
    %dma_wait3A_57 = arith.constant 0 : i32
    %dma_wait3A_58 = tpu.memref_slice %arg3[%dma_wait3A_56, %dma_wait3A_57] : memref<100000x128xf32, #tpu.memory_space<hbm>> -> memref<200x128xf32, #tpu.memory_space<hbm>>
    %dma_wait3A_59 = arith.constant 0 : i32
    %dma_wait3A_60 = arith.constant 0 : i32
    %dma_wait3A_61 = tpu.memref_slice %arg3[%dma_wait3A_59, %dma_wait3A_60] : memref<100000x128xf32, #tpu.memory_space<hbm>> -> memref<200x128xf32, #tpu.memory_space<hbm>>
    tpu.wait_dma2 semaphore(%arg16 : memref<!tpu.dma_semaphore, #tpu.memory_space<semaphore_mem>>) src(%dma_wait3A_61 : memref<200x128xf32, #tpu.memory_space<hbm>>) dst(%arg7 : memref<200x128xf32, #tpu.memory_space<vmem>>)
    %add3A_62 = arith.constant 1000 : i32
    %add3A_63 = arith.addi %mul3A_2, %add3A_62 : i32
    %dma_start3A_64 = tpu.memref_slice %arg2[%add3A_63] : memref<819200xi32, #tpu.memory_space<hbm>> -> memref<200xi32, #tpu.memory_space<hbm>>
    %dma_start3A_65 = tpu.memref_slice %arg2[%add3A_63] : memref<819200xi32, #tpu.memory_space<hbm>> -> memref<200xi32, #tpu.memory_space<hbm>>
    tpu.enqueue_dma source(%dma_start3A_65 : memref<200xi32, #tpu.memory_space<hbm>>) target(%arg11 : memref<200xi32, #tpu.memory_space<vmem>>) target_semaphore(%arg20 : memref<!tpu.dma_semaphore, #tpu.memory_space<semaphore_mem>>)
    %dma_wait3A_66 = arith.constant 0 : i32
    %dma_wait3A_67 = tpu.memref_slice %arg2[%dma_wait3A_66] : memref<819200xi32, #tpu.memory_space<hbm>> -> memref<200xi32, #tpu.memory_space<hbm>>
    %dma_wait3A_68 = arith.constant 0 : i32
    %dma_wait3A_69 = tpu.memref_slice %arg2[%dma_wait3A_68] : memref<819200xi32, #tpu.memory_space<hbm>> -> memref<200xi32, #tpu.memory_space<hbm>>
    tpu.wait_dma2 semaphore(%arg22 : memref<!tpu.dma_semaphore, #tpu.memory_space<semaphore_mem>>) src(%dma_wait3A_69 : memref<200xi32, #tpu.memory_space<hbm>>) dst(%arg13 : memref<200xi32, #tpu.memory_space<vmem>>)
    %dma_start3A_70 = arith.constant 0 : i32
    %dma_start3A_71 = arith.constant 0 : i32
    %dma_start3A_72 = tpu.memref_slice %arg3[%dma_start3A_70, %dma_start3A_71] : memref<100000x128xf32, #tpu.memory_space<hbm>> -> memref<100000x128xf32, #tpu.memory_space<hbm>>
    tpu.enqueue_indirect_dma source(%dma_start3A_72 : memref<100000x128xf32, #tpu.memory_space<hbm>>) target(%arg9 : memref<200x128xf32, #tpu.memory_space<vmem>>) offsets(%arg13 : memref<200xi32, #tpu.memory_space<vmem>>) semaphore(%arg18 : memref<!tpu.dma_semaphore, #tpu.memory_space<semaphore_mem>>)
    %parallel_loop3A_73 = arith.constant 0 : i32
    %parallel_loop3A_74 = arith.constant 200 : i32
    %parallel_loop3A_75 = arith.constant 1 : i32
    scf.for %parallel_loop3A_261 = %parallel_loop3A_73 to %parallel_loop3A_74 step %parallel_loop3A_75  : i32 {
      %parallel_loop3A_262 = arith.index_cast %parallel_loop3A_261 : i32 to index
      %parallel_loop3A_263 = arith.constant 0 : index
      %parallel_loop3A_264 = tpu.vector_load %arg7[%parallel_loop3A_262, %parallel_loop3A_263] {strides = array<i32>} : memref<200x128xf32, #tpu.memory_space<vmem>>, vector<1x16xf32>,
      %parallel_loop3A_265 = vector.shape_cast %parallel_loop3A_264 : vector<1x16xf32> to vector<16xf32>
      %parallel_loop3A_266 = arith.index_cast %parallel_loop3A_261 : i32 to index
      %parallel_loop3A_267 = arith.constant 0 : index
      %parallel_loop3A_268 = tpu.vector_load %arg14[%parallel_loop3A_266, %parallel_loop3A_267] {strides = array<i32>} : memref<200x128xf32, #tpu.memory_space<vmem>>, vector<1x16xf32>,
      %parallel_loop3A_269 = vector.shape_cast %parallel_loop3A_268 : vector<1x16xf32> to vector<16xf32>
      %parallel_loop3A_270 = arith.addf %parallel_loop3A_265, %parallel_loop3A_269 : vector<16xf32>
      %parallel_loop3A_271 = arith.index_cast %parallel_loop3A_261 : i32 to index
      %parallel_loop3A_272 = arith.constant 0 : index
      %parallel_loop3A_273 = tpu.vector_load %arg7[%parallel_loop3A_271, %parallel_loop3A_272] {strides = array<i32>} : memref<200x128xf32, #tpu.memory_space<vmem>>, vector<1x16xf32>,
      %parallel_loop3A_274 = vector.shape_cast %parallel_loop3A_273 : vector<1x16xf32> to vector<16xf32>
      %parallel_loop3A_275 = vector.shape_cast %parallel_loop3A_270 : vector<16xf32> to vector<1x16xf32>
      tpu.vector_store %arg7[%parallel_loop3A_271, %parallel_loop3A_272], %parallel_loop3A_275 {strides = array<i32>} : memref<200x128xf32, #tpu.memory_space<vmem>>, vector<1x16xf32>,
      %parallel_loop3A_276 = arith.index_cast %parallel_loop3A_261 : i32 to index
      %parallel_loop3A_277 = arith.constant 16 : index
      %parallel_loop3A_278 = tpu.vector_load %arg7[%parallel_loop3A_276, %parallel_loop3A_277] {strides = array<i32>} : memref<200x128xf32, #tpu.memory_space<vmem>>, vector<1x16xf32>,
      %parallel_loop3A_279 = vector.shape_cast %parallel_loop3A_278 : vector<1x16xf32> to vector<16xf32>
      %parallel_loop3A_280 = arith.index_cast %parallel_loop3A_261 : i32 to index
      %parallel_loop3A_281 = arith.constant 16 : index
      %parallel_loop3A_282 = tpu.vector_load %arg14[%parallel_loop3A_280, %parallel_loop3A_281] {strides = array<i32>} : memref<200x128xf32, #tpu.memory_space<vmem>>, vector<1x16xf32>,
      %parallel_loop3A_283 = vector.shape_cast %parallel_loop3A_282 : vector<1x16xf32> to vector<16xf32>
      %parallel_loop3A_284 = arith.addf %parallel_loop3A_279, %parallel_loop3A_283 : vector<16xf32>
      %parallel_loop3A_285 = arith.index_cast %parallel_loop3A_261 : i32 to index
      %parallel_loop3A_286 = arith.constant 16 : index
      %parallel_loop3A_287 = tpu.vector_load %arg7[%parallel_loop3A_285, %parallel_loop3A_286] {strides = array<i32>} : memref<200x128xf32, #tpu.memory_space<vmem>>, vector<1x16xf32>,
      %parallel_loop3A_288 = vector.shape_cast %parallel_loop3A_287 : vector<1x16xf32> to vector<16xf32>
      %parallel_loop3A_289 = vector.shape_cast %parallel_loop3A_284 : vector<16xf32> to vector<1x16xf32>
      tpu.vector_store %arg7[%parallel_loop3A_285, %parallel_loop3A_286], %parallel_loop3A_289 {strides = array<i32>} : memref<200x128xf32, #tpu.memory_space<vmem>>, vector<1x16xf32>,
      %parallel_loop3A_290 = arith.index_cast %parallel_loop3A_261 : i32 to index
      %parallel_loop3A_291 = arith.constant 32 : index
      %parallel_loop3A_292 = tpu.vector_load %arg7[%parallel_loop3A_290, %parallel_loop3A_291] {strides = array<i32>} : memref<200x128xf32, #tpu.memory_space<vmem>>, vector<1x16xf32>,
      %parallel_loop3A_293 = vector.shape_cast %parallel_loop3A_292 : vector<1x16xf32> to vector<16xf32>
      %parallel_loop3A_294 = arith.index_cast %parallel_loop3A_261 : i32 to index
      %parallel_loop3A_295 = arith.constant 32 : index
      %parallel_loop3A_296 = tpu.vector_load %arg14[%parallel_loop3A_294, %parallel_loop3A_295] {strides = array<i32>} : memref<200x128xf32, #tpu.memory_space<vmem>>, vector<1x16xf32>,
      %parallel_loop3A_297 = vector.shape_cast %parallel_loop3A_296 : vector<1x16xf32> to vector<16xf32>
      %parallel_loop3A_298 = arith.addf %parallel_loop3A_293, %parallel_loop3A_297 : vector<16xf32>
      %parallel_loop3A_299 = arith.index_cast %parallel_loop3A_261 : i32 to index
      %parallel_loop3A_300 = arith.constant 32 : index
      %parallel_loop3A_301 = tpu.vector_load %arg7[%parallel_loop3A_299, %parallel_loop3A_300] {strides = array<i32>} : memref<200x128xf32, #tpu.memory_space<vmem>>, vector<1x16xf32>,
      %parallel_loop3A_302 = vector.shape_cast %parallel_loop3A_301 : vector<1x16xf32> to vector<16xf32>
      %parallel_loop3A_303 = vector.shape_cast %parallel_loop3A_298 : vector<16xf32> to vector<1x16xf32>
      tpu.vector_store %arg7[%parallel_loop3A_299, %parallel_loop3A_300], %parallel_loop3A_303 {strides = array<i32>} : memref<200x128xf32, #tpu.memory_space<vmem>>, vector<1x16xf32>,
      %parallel_loop3A_304 = arith.index_cast %parallel_loop3A_261 : i32 to index
      %parallel_loop3A_305 = arith.constant 48 : index
      %parallel_loop3A_306 = tpu.vector_load %arg7[%parallel_loop3A_304, %parallel_loop3A_305] {strides = array<i32>} : memref<200x128xf32, #tpu.memory_space<vmem>>, vector<1x16xf32>,
      %parallel_loop3A_307 = vector.shape_cast %parallel_loop3A_306 : vector<1x16xf32> to vector<16xf32>
      %parallel_loop3A_308 = arith.index_cast %parallel_loop3A_261 : i32 to index
      %parallel_loop3A_309 = arith.constant 48 : index
      %parallel_loop3A_310 = tpu.vector_load %arg14[%parallel_loop3A_308, %parallel_loop3A_309] {strides = array<i32>} : memref<200x128xf32, #tpu.memory_space<vmem>>, vector<1x16xf32>,
      %parallel_loop3A_311 = vector.shape_cast %parallel_loop3A_310 : vector<1x16xf32> to vector<16xf32>
      %parallel_loop3A_312 = arith.addf %parallel_loop3A_307, %parallel_loop3A_311 : vector<16xf32>
      %parallel_loop3A_313 = arith.index_cast %parallel_loop3A_261 : i32 to index
      %parallel_loop3A_314 = arith.constant 48 : index
      %parallel_loop3A_315 = tpu.vector_load %arg7[%parallel_loop3A_313, %parallel_loop3A_314] {strides = array<i32>} : memref<200x128xf32, #tpu.memory_space<vmem>>, vector<1x16xf32>,
      %parallel_loop3A_316 = vector.shape_cast %parallel_loop3A_315 : vector<1x16xf32> to vector<16xf32>
      %parallel_loop3A_317 = vector.shape_cast %parallel_loop3A_312 : vector<16xf32> to vector<1x16xf32>
      tpu.vector_store %arg7[%parallel_loop3A_313, %parallel_loop3A_314], %parallel_loop3A_317 {strides = array<i32>} : memref<200x128xf32, #tpu.memory_space<vmem>>, vector<1x16xf32>,
      %parallel_loop3A_318 = arith.index_cast %parallel_loop3A_261 : i32 to index
      %parallel_loop3A_319 = arith.constant 64 : index
      %parallel_loop3A_320 = tpu.vector_load %arg7[%parallel_loop3A_318, %parallel_loop3A_319] {strides = array<i32>} : memref<200x128xf32, #tpu.memory_space<vmem>>, vector<1x16xf32>,
      %parallel_loop3A_321 = vector.shape_cast %parallel_loop3A_320 : vector<1x16xf32> to vector<16xf32>
      %parallel_loop3A_322 = arith.index_cast %parallel_loop3A_261 : i32 to index
      %parallel_loop3A_323 = arith.constant 64 : index
      %parallel_loop3A_324 = tpu.vector_load %arg14[%parallel_loop3A_322, %parallel_loop3A_323] {strides = array<i32>} : memref<200x128xf32, #tpu.memory_space<vmem>>, vector<1x16xf32>,
      %parallel_loop3A_325 = vector.shape_cast %parallel_loop3A_324 : vector<1x16xf32> to vector<16xf32>
      %parallel_loop3A_326 = arith.addf %parallel_loop3A_321, %parallel_loop3A_325 : vector<16xf32>
      %parallel_loop3A_327 = arith.index_cast %parallel_loop3A_261 : i32 to index
      %parallel_loop3A_328 = arith.constant 64 : index
      %parallel_loop3A_329 = tpu.vector_load %arg7[%parallel_loop3A_327, %parallel_loop3A_328] {strides = array<i32>} : memref<200x128xf32, #tpu.memory_space<vmem>>, vector<1x16xf32>,
      %parallel_loop3A_330 = vector.shape_cast %parallel_loop3A_329 : vector<1x16xf32> to vector<16xf32>
      %parallel_loop3A_331 = vector.shape_cast %parallel_loop3A_326 : vector<16xf32> to vector<1x16xf32>
      tpu.vector_store %arg7[%parallel_loop3A_327, %parallel_loop3A_328], %parallel_loop3A_331 {strides = array<i32>} : memref<200x128xf32, #tpu.memory_space<vmem>>, vector<1x16xf32>,
      %parallel_loop3A_332 = arith.index_cast %parallel_loop3A_261 : i32 to index
      %parallel_loop3A_333 = arith.constant 80 : index
      %parallel_loop3A_334 = tpu.vector_load %arg7[%parallel_loop3A_332, %parallel_loop3A_333] {strides = array<i32>} : memref<200x128xf32, #tpu.memory_space<vmem>>, vector<1x16xf32>,
      %parallel_loop3A_335 = vector.shape_cast %parallel_loop3A_334 : vector<1x16xf32> to vector<16xf32>
      %parallel_loop3A_336 = arith.index_cast %parallel_loop3A_261 : i32 to index
      %parallel_loop3A_337 = arith.constant 80 : index
      %parallel_loop3A_338 = tpu.vector_load %arg14[%parallel_loop3A_336, %parallel_loop3A_337] {strides = array<i32>} : memref<200x128xf32, #tpu.memory_space<vmem>>, vector<1x16xf32>,
      %parallel_loop3A_339 = vector.shape_cast %parallel_loop3A_338 : vector<1x16xf32> to vector<16xf32>
      %parallel_loop3A_340 = arith.addf %parallel_loop3A_335, %parallel_loop3A_339 : vector<16xf32>
      %parallel_loop3A_341 = arith.index_cast %parallel_loop3A_261 : i32 to index
      %parallel_loop3A_342 = arith.constant 80 : index
      %parallel_loop3A_343 = tpu.vector_load %arg7[%parallel_loop3A_341, %parallel_loop3A_342] {strides = array<i32>} : memref<200x128xf32, #tpu.memory_space<vmem>>, vector<1x16xf32>,
      %parallel_loop3A_344 = vector.shape_cast %parallel_loop3A_343 : vector<1x16xf32> to vector<16xf32>
      %parallel_loop3A_345 = vector.shape_cast %parallel_loop3A_340 : vector<16xf32> to vector<1x16xf32>
      tpu.vector_store %arg7[%parallel_loop3A_341, %parallel_loop3A_342], %parallel_loop3A_345 {strides = array<i32>} : memref<200x128xf32, #tpu.memory_space<vmem>>, vector<1x16xf32>,
      %parallel_loop3A_346 = arith.index_cast %parallel_loop3A_261 : i32 to index
      %parallel_loop3A_347 = arith.constant 96 : index
      %parallel_loop3A_348 = tpu.vector_load %arg7[%parallel_loop3A_346, %parallel_loop3A_347] {strides = array<i32>} : memref<200x128xf32, #tpu.memory_space<vmem>>, vector<1x16xf32>,
      %parallel_loop3A_349 = vector.shape_cast %parallel_loop3A_348 : vector<1x16xf32> to vector<16xf32>
      %parallel_loop3A_350 = arith.index_cast %parallel_loop3A_261 : i32 to index
      %parallel_loop3A_351 = arith.constant 96 : index
      %parallel_loop3A_352 = tpu.vector_load %arg14[%parallel_loop3A_350, %parallel_loop3A_351] {strides = array<i32>} : memref<200x128xf32, #tpu.memory_space<vmem>>, vector<1x16xf32>,
      %parallel_loop3A_353 = vector.shape_cast %parallel_loop3A_352 : vector<1x16xf32> to vector<16xf32>
      %parallel_loop3A_354 = arith.addf %parallel_loop3A_349, %parallel_loop3A_353 : vector<16xf32>
      %parallel_loop3A_355 = arith.index_cast %parallel_loop3A_261 : i32 to index
      %parallel_loop3A_356 = arith.constant 96 : index
      %parallel_loop3A_357 = tpu.vector_load %arg7[%parallel_loop3A_355, %parallel_loop3A_356] {strides = array<i32>} : memref<200x128xf32, #tpu.memory_space<vmem>>, vector<1x16xf32>,
      %parallel_loop3A_358 = vector.shape_cast %parallel_loop3A_357 : vector<1x16xf32> to vector<16xf32>
      %parallel_loop3A_359 = vector.shape_cast %parallel_loop3A_354 : vector<16xf32> to vector<1x16xf32>
      tpu.vector_store %arg7[%parallel_loop3A_355, %parallel_loop3A_356], %parallel_loop3A_359 {strides = array<i32>} : memref<200x128xf32, #tpu.memory_space<vmem>>, vector<1x16xf32>,
      %parallel_loop3A_360 = arith.index_cast %parallel_loop3A_261 : i32 to index
      %parallel_loop3A_361 = arith.constant 112 : index
      %parallel_loop3A_362 = tpu.vector_load %arg7[%parallel_loop3A_360, %parallel_loop3A_361] {strides = array<i32>} : memref<200x128xf32, #tpu.memory_space<vmem>>, vector<1x16xf32>,
      %parallel_loop3A_363 = vector.shape_cast %parallel_loop3A_362 : vector<1x16xf32> to vector<16xf32>
      %parallel_loop3A_364 = arith.index_cast %parallel_loop3A_261 : i32 to index
      %parallel_loop3A_365 = arith.constant 112 : index
      %parallel_loop3A_366 = tpu.vector_load %arg14[%parallel_loop3A_364, %parallel_loop3A_365] {strides = array<i32>} : memref<200x128xf32, #tpu.memory_space<vmem>>, vector<1x16xf32>,
      %parallel_loop3A_367 = vector.shape_cast %parallel_loop3A_366 : vector<1x16xf32> to vector<16xf32>
      %parallel_loop3A_368 = arith.addf %parallel_loop3A_363, %parallel_loop3A_367 : vector<16xf32>
      %parallel_loop3A_369 = arith.index_cast %parallel_loop3A_261 : i32 to index
      %parallel_loop3A_370 = arith.constant 112 : index
      %parallel_loop3A_371 = tpu.vector_load %arg7[%parallel_loop3A_369, %parallel_loop3A_370] {strides = array<i32>} : memref<200x128xf32, #tpu.memory_space<vmem>>, vector<1x16xf32>,
      %parallel_loop3A_372 = vector.shape_cast %parallel_loop3A_371 : vector<1x16xf32> to vector<16xf32>
      %parallel_loop3A_373 = vector.shape_cast %parallel_loop3A_368 : vector<16xf32> to vector<1x16xf32>
      tpu.vector_store %arg7[%parallel_loop3A_369, %parallel_loop3A_370], %parallel_loop3A_373 {strides = array<i32>} : memref<200x128xf32, #tpu.memory_space<vmem>>, vector<1x16xf32>,
    } {sc.loop_unroll_factor = 4 : i64, sc.parallel_access}
    %add3A_76 = arith.constant 200 : i32
    %add3A_77 = arith.addi %mul3A_2, %add3A_76 : i32
    %dma_start3A_78 = arith.constant 0 : i32
    %dma_start3A_79 = tpu.memref_slice %arg5[%add3A_77, %dma_start3A_78] : memref<819200x128xf32, #tpu.memory_space<hbm>> -> memref<200x128xf32, #tpu.memory_space<hbm>>
    %dma_start3A_80 = arith.constant 0 : i32
    %dma_start3A_81 = tpu.memref_slice %arg5[%add3A_77, %dma_start3A_80] : memref<819200x128xf32, #tpu.memory_space<hbm>> -> memref<200x128xf32, #tpu.memory_space<hbm>>
    tpu.enqueue_dma source(%arg7 : memref<200x128xf32, #tpu.memory_space<vmem>>) target(%dma_start3A_81 : memref<200x128xf32, #tpu.memory_space<hbm>>) target_semaphore(%arg24 : memref<!tpu.dma_semaphore, #tpu.memory_space<semaphore_mem>>)
    %dma_wait3A_82 = arith.constant 0 : i32
    %dma_wait3A_83 = arith.constant 0 : i32
    %dma_wait3A_84 = tpu.memref_slice %arg3[%dma_wait3A_82, %dma_wait3A_83] : memref<100000x128xf32, #tpu.memory_space<hbm>> -> memref<200x128xf32, #tpu.memory_space<hbm>>
    %dma_wait3A_85 = arith.constant 0 : i32
    %dma_wait3A_86 = arith.constant 0 : i32
    %dma_wait3A_87 = tpu.memref_slice %arg3[%dma_wait3A_85, %dma_wait3A_86] : memref<100000x128xf32, #tpu.memory_space<hbm>> -> memref<200x128xf32, #tpu.memory_space<hbm>>
    tpu.wait_dma2 semaphore(%arg17 : memref<!tpu.dma_semaphore, #tpu.memory_space<semaphore_mem>>) src(%dma_wait3A_87 : memref<200x128xf32, #tpu.memory_space<hbm>>) dst(%arg8 : memref<200x128xf32, #tpu.memory_space<vmem>>)
    %add3A_88 = arith.constant 1200 : i32
    %add3A_89 = arith.addi %mul3A_2, %add3A_88 : i32
    %dma_start3A_90 = tpu.memref_slice %arg2[%add3A_89] : memref<819200xi32, #tpu.memory_space<hbm>> -> memref<200xi32, #tpu.memory_space<hbm>>
    %dma_start3A_91 = tpu.memref_slice %arg2[%add3A_89] : memref<819200xi32, #tpu.memory_space<hbm>> -> memref<200xi32, #tpu.memory_space<hbm>>
    tpu.enqueue_dma source(%dma_start3A_91 : memref<200xi32, #tpu.memory_space<hbm>>) target(%arg12 : memref<200xi32, #tpu.memory_space<vmem>>) target_semaphore(%arg21 : memref<!tpu.dma_semaphore, #tpu.memory_space<semaphore_mem>>)
    %dma_wait3A_92 = arith.constant 0 : i32
    %dma_wait3A_93 = arith.constant 0 : i32
    %dma_wait3A_94 = tpu.memref_slice %arg5[%dma_wait3A_92, %dma_wait3A_93] : memref<819200x128xf32, #tpu.memory_space<hbm>> -> memref<200x128xf32, #tpu.memory_space<hbm>>
    %dma_wait3A_95 = arith.constant 0 : i32
    %dma_wait3A_96 = arith.constant 0 : i32
    %dma_wait3A_97 = tpu.memref_slice %arg5[%dma_wait3A_95, %dma_wait3A_96] : memref<819200x128xf32, #tpu.memory_space<hbm>> -> memref<200x128xf32, #tpu.memory_space<hbm>>
    tpu.wait_dma2 semaphore(%arg23 : memref<!tpu.dma_semaphore, #tpu.memory_space<semaphore_mem>>) src(%arg6 : memref<200x128xf32, #tpu.memory_space<vmem>>) dst(%dma_wait3A_97 : memref<200x128xf32, #tpu.memory_space<hbm>>)
    %dma_wait3A_98 = arith.constant 0 : i32
    %dma_wait3A_99 = tpu.memref_slice %arg2[%dma_wait3A_98] : memref<819200xi32, #tpu.memory_space<hbm>> -> memref<200xi32, #tpu.memory_space<hbm>>
    %dma_wait3A_100 = arith.constant 0 : i32
    %dma_wait3A_101 = tpu.memref_slice %arg2[%dma_wait3A_100] : memref<819200xi32, #tpu.memory_space<hbm>> -> memref<200xi32, #tpu.memory_space<hbm>>
    tpu.wait_dma2 semaphore(%arg19 : memref<!tpu.dma_semaphore, #tpu.memory_space<semaphore_mem>>) src(%dma_wait3A_101 : memref<200xi32, #tpu.memory_space<hbm>>) dst(%arg10 : memref<200xi32, #tpu.memory_space<vmem>>)
    %dma_start3A_102 = arith.constant 0 : i32
    %dma_start3A_103 = arith.constant 0 : i32
    %dma_start3A_104 = tpu.memref_slice %arg3[%dma_start3A_102, %dma_start3A_103] : memref<100000x128xf32, #tpu.memory_space<hbm>> -> memref<100000x128xf32, #tpu.memory_space<hbm>>
    tpu.enqueue_indirect_dma source(%dma_start3A_104 : memref<100000x128xf32, #tpu.memory_space<hbm>>) target(%arg6 : memref<200x128xf32, #tpu.memory_space<vmem>>) offsets(%arg10 : memref<200xi32, #tpu.memory_space<vmem>>) semaphore(%arg15 : memref<!tpu.dma_semaphore, #tpu.memory_space<semaphore_mem>>)
    %parallel_loop3A_105 = arith.constant 0 : i32
    %parallel_loop3A_106 = arith.constant 200 : i32
    %parallel_loop3A_107 = arith.constant 1 : i32
    scf.for %parallel_loop3A_261 = %parallel_loop3A_105 to %parallel_loop3A_106 step %parallel_loop3A_107  : i32 {
      %parallel_loop3A_262 = arith.index_cast %parallel_loop3A_261 : i32 to index
      %parallel_loop3A_263 = arith.constant 0 : index
      %parallel_loop3A_264 = tpu.vector_load %arg8[%parallel_loop3A_262, %parallel_loop3A_263] {strides = array<i32>} : memref<200x128xf32, #tpu.memory_space<vmem>>, vector<1x16xf32>,
      %parallel_loop3A_265 = vector.shape_cast %parallel_loop3A_264 : vector<1x16xf32> to vector<16xf32>
      %parallel_loop3A_266 = arith.index_cast %parallel_loop3A_261 : i32 to index
      %parallel_loop3A_267 = arith.constant 0 : index
      %parallel_loop3A_268 = tpu.vector_load %arg14[%parallel_loop3A_266, %parallel_loop3A_267] {strides = array<i32>} : memref<200x128xf32, #tpu.memory_space<vmem>>, vector<1x16xf32>,
      %parallel_loop3A_269 = vector.shape_cast %parallel_loop3A_268 : vector<1x16xf32> to vector<16xf32>
      %parallel_loop3A_270 = arith.addf %parallel_loop3A_265, %parallel_loop3A_269 : vector<16xf32>
      %parallel_loop3A_271 = arith.index_cast %parallel_loop3A_261 : i32 to index
      %parallel_loop3A_272 = arith.constant 0 : index
      %parallel_loop3A_273 = tpu.vector_load %arg8[%parallel_loop3A_271, %parallel_loop3A_272] {strides = array<i32>} : memref<200x128xf32, #tpu.memory_space<vmem>>, vector<1x16xf32>,
      %parallel_loop3A_274 = vector.shape_cast %parallel_loop3A_273 : vector<1x16xf32> to vector<16xf32>
      %parallel_loop3A_275 = vector.shape_cast %parallel_loop3A_270 : vector<16xf32> to vector<1x16xf32>
      tpu.vector_store %arg8[%parallel_loop3A_271, %parallel_loop3A_272], %parallel_loop3A_275 {strides = array<i32>} : memref<200x128xf32, #tpu.memory_space<vmem>>, vector<1x16xf32>,
      %parallel_loop3A_276 = arith.index_cast %parallel_loop3A_261 : i32 to index
      %parallel_loop3A_277 = arith.constant 16 : index
      %parallel_loop3A_278 = tpu.vector_load %arg8[%parallel_loop3A_276, %parallel_loop3A_277] {strides = array<i32>} : memref<200x128xf32, #tpu.memory_space<vmem>>, vector<1x16xf32>,
      %parallel_loop3A_279 = vector.shape_cast %parallel_loop3A_278 : vector<1x16xf32> to vector<16xf32>
      %parallel_loop3A_280 = arith.index_cast %parallel_loop3A_261 : i32 to index
      %parallel_loop3A_281 = arith.constant 16 : index
      %parallel_loop3A_282 = tpu.vector_load %arg14[%parallel_loop3A_280, %parallel_loop3A_281] {strides = array<i32>} : memref<200x128xf32, #tpu.memory_space<vmem>>, vector<1x16xf32>,
      %parallel_loop3A_283 = vector.shape_cast %parallel_loop3A_282 : vector<1x16xf32> to vector<16xf32>
      %parallel_loop3A_284 = arith.addf %parallel_loop3A_279, %parallel_loop3A_283 : vector<16xf32>
      %parallel_loop3A_285 = arith.index_cast %parallel_loop3A_261 : i32 to index
      %parallel_loop3A_286 = arith.constant 16 : index
      %parallel_loop3A_287 = tpu.vector_load %arg8[%parallel_loop3A_285, %parallel_loop3A_286] {strides = array<i32>} : memref<200x128xf32, #tpu.memory_space<vmem>>, vector<1x16xf32>,
      %parallel_loop3A_288 = vector.shape_cast %parallel_loop3A_287 : vector<1x16xf32> to vector<16xf32>
      %parallel_loop3A_289 = vector.shape_cast %parallel_loop3A_284 : vector<16xf32> to vector<1x16xf32>
      tpu.vector_store %arg8[%parallel_loop3A_285, %parallel_loop3A_286], %parallel_loop3A_289 {strides = array<i32>} : memref<200x128xf32, #tpu.memory_space<vmem>>, vector<1x16xf32>,
      %parallel_loop3A_290 = arith.index_cast %parallel_loop3A_261 : i32 to index
      %parallel_loop3A_291 = arith.constant 32 : index
      %parallel_loop3A_292 = tpu.vector_load %arg8[%parallel_loop3A_290, %parallel_loop3A_291] {strides = array<i32>} : memref<200x128xf32, #tpu.memory_space<vmem>>, vector<1x16xf32>,
      %parallel_loop3A_293 = vector.shape_cast %parallel_loop3A_292 : vector<1x16xf32> to vector<16xf32>
      %parallel_loop3A_294 = arith.index_cast %parallel_loop3A_261 : i32 to index
      %parallel_loop3A_295 = arith.constant 32 : index
      %parallel_loop3A_296 = tpu.vector_load %arg14[%parallel_loop3A_294, %parallel_loop3A_295] {strides = array<i32>} : memref<200x128xf32, #tpu.memory_space<vmem>>, vector<1x16xf32>,
      %parallel_loop3A_297 = vector.shape_cast %parallel_loop3A_296 : vector<1x16xf32> to vector<16xf32>
      %parallel_loop3A_298 = arith.addf %parallel_loop3A_293, %parallel_loop3A_297 : vector<16xf32>
      %parallel_loop3A_299 = arith.index_cast %parallel_loop3A_261 : i32 to index
      %parallel_loop3A_300 = arith.constant 32 : index
      %parallel_loop3A_301 = tpu.vector_load %arg8[%parallel_loop3A_299, %parallel_loop3A_300] {strides = array<i32>} : memref<200x128xf32, #tpu.memory_space<vmem>>, vector<1x16xf32>,
      %parallel_loop3A_302 = vector.shape_cast %parallel_loop3A_301 : vector<1x16xf32> to vector<16xf32>
      %parallel_loop3A_303 = vector.shape_cast %parallel_loop3A_298 : vector<16xf32> to vector<1x16xf32>
      tpu.vector_store %arg8[%parallel_loop3A_299, %parallel_loop3A_300], %parallel_loop3A_303 {strides = array<i32>} : memref<200x128xf32, #tpu.memory_space<vmem>>, vector<1x16xf32>,
      %parallel_loop3A_304 = arith.index_cast %parallel_loop3A_261 : i32 to index
      %parallel_loop3A_305 = arith.constant 48 : index
      %parallel_loop3A_306 = tpu.vector_load %arg8[%parallel_loop3A_304, %parallel_loop3A_305] {strides = array<i32>} : memref<200x128xf32, #tpu.memory_space<vmem>>, vector<1x16xf32>,
      %parallel_loop3A_307 = vector.shape_cast %parallel_loop3A_306 : vector<1x16xf32> to vector<16xf32>
      %parallel_loop3A_308 = arith.index_cast %parallel_loop3A_261 : i32 to index
      %parallel_loop3A_309 = arith.constant 48 : index
      %parallel_loop3A_310 = tpu.vector_load %arg14[%parallel_loop3A_308, %parallel_loop3A_309] {strides = array<i32>} : memref<200x128xf32, #tpu.memory_space<vmem>>, vector<1x16xf32>,
      %parallel_loop3A_311 = vector.shape_cast %parallel_loop3A_310 : vector<1x16xf32> to vector<16xf32>
      %parallel_loop3A_312 = arith.addf %parallel_loop3A_307, %parallel_loop3A_311 : vector<16xf32>
      %parallel_loop3A_313 = arith.index_cast %parallel_loop3A_261 : i32 to index
      %parallel_loop3A_314 = arith.constant 48 : index
      %parallel_loop3A_315 = tpu.vector_load %arg8[%parallel_loop3A_313, %parallel_loop3A_314] {strides = array<i32>} : memref<200x128xf32, #tpu.memory_space<vmem>>, vector<1x16xf32>,
      %parallel_loop3A_316 = vector.shape_cast %parallel_loop3A_315 : vector<1x16xf32> to vector<16xf32>
      %parallel_loop3A_317 = vector.shape_cast %parallel_loop3A_312 : vector<16xf32> to vector<1x16xf32>
      tpu.vector_store %arg8[%parallel_loop3A_313, %parallel_loop3A_314], %parallel_loop3A_317 {strides = array<i32>} : memref<200x128xf32, #tpu.memory_space<vmem>>, vector<1x16xf32>,
      %parallel_loop3A_318 = arith.index_cast %parallel_loop3A_261 : i32 to index
      %parallel_loop3A_319 = arith.constant 64 : index
      %parallel_loop3A_320 = tpu.vector_load %arg8[%parallel_loop3A_318, %parallel_loop3A_319] {strides = array<i32>} : memref<200x128xf32, #tpu.memory_space<vmem>>, vector<1x16xf32>,
      %parallel_loop3A_321 = vector.shape_cast %parallel_loop3A_320 : vector<1x16xf32> to vector<16xf32>
      %parallel_loop3A_322 = arith.index_cast %parallel_loop3A_261 : i32 to index
      %parallel_loop3A_323 = arith.constant 64 : index
      %parallel_loop3A_324 = tpu.vector_load %arg14[%parallel_loop3A_322, %parallel_loop3A_323] {strides = array<i32>} : memref<200x128xf32, #tpu.memory_space<vmem>>, vector<1x16xf32>,
      %parallel_loop3A_325 = vector.shape_cast %parallel_loop3A_324 : vector<1x16xf32> to vector<16xf32>
      %parallel_loop3A_326 = arith.addf %parallel_loop3A_321, %parallel_loop3A_325 : vector<16xf32>
      %parallel_loop3A_327 = arith.index_cast %parallel_loop3A_261 : i32 to index
      %parallel_loop3A_328 = arith.constant 64 : index
      %parallel_loop3A_329 = tpu.vector_load %arg8[%parallel_loop3A_327, %parallel_loop3A_328] {strides = array<i32>} : memref<200x128xf32, #tpu.memory_space<vmem>>, vector<1x16xf32>,
      %parallel_loop3A_330 = vector.shape_cast %parallel_loop3A_329 : vector<1x16xf32> to vector<16xf32>
      %parallel_loop3A_331 = vector.shape_cast %parallel_loop3A_326 : vector<16xf32> to vector<1x16xf32>
      tpu.vector_store %arg8[%parallel_loop3A_327, %parallel_loop3A_328], %parallel_loop3A_331 {strides = array<i32>} : memref<200x128xf32, #tpu.memory_space<vmem>>, vector<1x16xf32>,
      %parallel_loop3A_332 = arith.index_cast %parallel_loop3A_261 : i32 to index
      %parallel_loop3A_333 = arith.constant 80 : index
      %parallel_loop3A_334 = tpu.vector_load %arg8[%parallel_loop3A_332, %parallel_loop3A_333] {strides = array<i32>} : memref<200x128xf32, #tpu.memory_space<vmem>>, vector<1x16xf32>,
      %parallel_loop3A_335 = vector.shape_cast %parallel_loop3A_334 : vector<1x16xf32> to vector<16xf32>
      %parallel_loop3A_336 = arith.index_cast %parallel_loop3A_261 : i32 to index
      %parallel_loop3A_337 = arith.constant 80 : index
      %parallel_loop3A_338 = tpu.vector_load %arg14[%parallel_loop3A_336, %parallel_loop3A_337] {strides = array<i32>} : memref<200x128xf32, #tpu.memory_space<vmem>>, vector<1x16xf32>,
      %parallel_loop3A_339 = vector.shape_cast %parallel_loop3A_338 : vector<1x16xf32> to vector<16xf32>
      %parallel_loop3A_340 = arith.addf %parallel_loop3A_335, %parallel_loop3A_339 : vector<16xf32>
      %parallel_loop3A_341 = arith.index_cast %parallel_loop3A_261 : i32 to index
      %parallel_loop3A_342 = arith.constant 80 : index
      %parallel_loop3A_343 = tpu.vector_load %arg8[%parallel_loop3A_341, %parallel_loop3A_342] {strides = array<i32>} : memref<200x128xf32, #tpu.memory_space<vmem>>, vector<1x16xf32>,
      %parallel_loop3A_344 = vector.shape_cast %parallel_loop3A_343 : vector<1x16xf32> to vector<16xf32>
      %parallel_loop3A_345 = vector.shape_cast %parallel_loop3A_340 : vector<16xf32> to vector<1x16xf32>
      tpu.vector_store %arg8[%parallel_loop3A_341, %parallel_loop3A_342], %parallel_loop3A_345 {strides = array<i32>} : memref<200x128xf32, #tpu.memory_space<vmem>>, vector<1x16xf32>,
      %parallel_loop3A_346 = arith.index_cast %parallel_loop3A_261 : i32 to index
      %parallel_loop3A_347 = arith.constant 96 : index
      %parallel_loop3A_348 = tpu.vector_load %arg8[%parallel_loop3A_346, %parallel_loop3A_347] {strides = array<i32>} : memref<200x128xf32, #tpu.memory_space<vmem>>, vector<1x16xf32>,
      %parallel_loop3A_349 = vector.shape_cast %parallel_loop3A_348 : vector<1x16xf32> to vector<16xf32>
      %parallel_loop3A_350 = arith.index_cast %parallel_loop3A_261 : i32 to index
      %parallel_loop3A_351 = arith.constant 96 : index
      %parallel_loop3A_352 = tpu.vector_load %arg14[%parallel_loop3A_350, %parallel_loop3A_351] {strides = array<i32>} : memref<200x128xf32, #tpu.memory_space<vmem>>, vector<1x16xf32>,
      %parallel_loop3A_353 = vector.shape_cast %parallel_loop3A_352 : vector<1x16xf32> to vector<16xf32>
      %parallel_loop3A_354 = arith.addf %parallel_loop3A_349, %parallel_loop3A_353 : vector<16xf32>
      %parallel_loop3A_355 = arith.index_cast %parallel_loop3A_261 : i32 to index
      %parallel_loop3A_356 = arith.constant 96 : index
      %parallel_loop3A_357 = tpu.vector_load %arg8[%parallel_loop3A_355, %parallel_loop3A_356] {strides = array<i32>} : memref<200x128xf32, #tpu.memory_space<vmem>>, vector<1x16xf32>,
      %parallel_loop3A_358 = vector.shape_cast %parallel_loop3A_357 : vector<1x16xf32> to vector<16xf32>
      %parallel_loop3A_359 = vector.shape_cast %parallel_loop3A_354 : vector<16xf32> to vector<1x16xf32>
      tpu.vector_store %arg8[%parallel_loop3A_355, %parallel_loop3A_356], %parallel_loop3A_359 {strides = array<i32>} : memref<200x128xf32, #tpu.memory_space<vmem>>, vector<1x16xf32>,
      %parallel_loop3A_360 = arith.index_cast %parallel_loop3A_261 : i32 to index
      %parallel_loop3A_361 = arith.constant 112 : index
      %parallel_loop3A_362 = tpu.vector_load %arg8[%parallel_loop3A_360, %parallel_loop3A_361] {strides = array<i32>} : memref<200x128xf32, #tpu.memory_space<vmem>>, vector<1x16xf32>,
      %parallel_loop3A_363 = vector.shape_cast %parallel_loop3A_362 : vector<1x16xf32> to vector<16xf32>
      %parallel_loop3A_364 = arith.index_cast %parallel_loop3A_261 : i32 to index
      %parallel_loop3A_365 = arith.constant 112 : index
      %parallel_loop3A_366 = tpu.vector_load %arg14[%parallel_loop3A_364, %parallel_loop3A_365] {strides = array<i32>} : memref<200x128xf32, #tpu.memory_space<vmem>>, vector<1x16xf32>,
      %parallel_loop3A_367 = vector.shape_cast %parallel_loop3A_366 : vector<1x16xf32> to vector<16xf32>
      %parallel_loop3A_368 = arith.addf %parallel_loop3A_363, %parallel_loop3A_367 : vector<16xf32>
      %parallel_loop3A_369 = arith.index_cast %parallel_loop3A_261 : i32 to index
      %parallel_loop3A_370 = arith.constant 112 : index
      %parallel_loop3A_371 = tpu.vector_load %arg8[%parallel_loop3A_369, %parallel_loop3A_370] {strides = array<i32>} : memref<200x128xf32, #tpu.memory_space<vmem>>, vector<1x16xf32>,
      %parallel_loop3A_372 = vector.shape_cast %parallel_loop3A_371 : vector<1x16xf32> to vector<16xf32>
      %parallel_loop3A_373 = vector.shape_cast %parallel_loop3A_368 : vector<16xf32> to vector<1x16xf32>
      tpu.vector_store %arg8[%parallel_loop3A_369, %parallel_loop3A_370], %parallel_loop3A_373 {strides = array<i32>} : memref<200x128xf32, #tpu.memory_space<vmem>>, vector<1x16xf32>,
    } {sc.loop_unroll_factor = 4 : i64, sc.parallel_access}
    %add3A_108 = arith.constant 400 : i32
    %add3A_109 = arith.addi %mul3A_2, %add3A_108 : i32
    %dma_start3A_110 = arith.constant 0 : i32
    %dma_start3A_111 = tpu.memref_slice %arg5[%add3A_109, %dma_start3A_110] : memref<819200x128xf32, #tpu.memory_space<hbm>> -> memref<200x128xf32, #tpu.memory_space<hbm>>
    %dma_start3A_112 = arith.constant 0 : i32
    %dma_start3A_113 = tpu.memref_slice %arg5[%add3A_109, %dma_start3A_112] : memref<819200x128xf32, #tpu.memory_space<hbm>> -> memref<200x128xf32, #tpu.memory_space<hbm>>
    tpu.enqueue_dma source(%arg8 : memref<200x128xf32, #tpu.memory_space<vmem>>) target(%dma_start3A_113 : memref<200x128xf32, #tpu.memory_space<hbm>>) target_semaphore(%arg25 : memref<!tpu.dma_semaphore, #tpu.memory_space<semaphore_mem>>)
    %dma_wait3A_114 = arith.constant 0 : i32
    %dma_wait3A_115 = arith.constant 0 : i32
    %dma_wait3A_116 = tpu.memref_slice %arg3[%dma_wait3A_114, %dma_wait3A_115] : memref<100000x128xf32, #tpu.memory_space<hbm>> -> memref<200x128xf32, #tpu.memory_space<hbm>>
    %dma_wait3A_117 = arith.constant 0 : i32
    %dma_wait3A_118 = arith.constant 0 : i32
    %dma_wait3A_119 = tpu.memref_slice %arg3[%dma_wait3A_117, %dma_wait3A_118] : memref<100000x128xf32, #tpu.memory_space<hbm>> -> memref<200x128xf32, #tpu.memory_space<hbm>>
    tpu.wait_dma2 semaphore(%arg18 : memref<!tpu.dma_semaphore, #tpu.memory_space<semaphore_mem>>) src(%dma_wait3A_119 : memref<200x128xf32, #tpu.memory_space<hbm>>) dst(%arg9 : memref<200x128xf32, #tpu.memory_space<vmem>>)
    %add3A_120 = arith.constant 1400 : i32
    %add3A_121 = arith.addi %mul3A_2, %add3A_120 : i32
    %dma_start3A_122 = tpu.memref_slice %arg2[%add3A_121] : memref<819200xi32, #tpu.memory_space<hbm>> -> memref<200xi32, #tpu.memory_space<hbm>>
    %dma_start3A_123 = tpu.memref_slice %arg2[%add3A_121] : memref<819200xi32, #tpu.memory_space<hbm>> -> memref<200xi32, #tpu.memory_space<hbm>>
    tpu.enqueue_dma source(%dma_start3A_123 : memref<200xi32, #tpu.memory_space<hbm>>) target(%arg13 : memref<200xi32, #tpu.memory_space<vmem>>) target_semaphore(%arg22 : memref<!tpu.dma_semaphore, #tpu.memory_space<semaphore_mem>>)
    %dma_wait3A_124 = arith.constant 0 : i32
    %dma_wait3A_125 = arith.constant 0 : i32
    %dma_wait3A_126 = tpu.memref_slice %arg5[%dma_wait3A_124, %dma_wait3A_125] : memref<819200x128xf32, #tpu.memory_space<hbm>> -> memref<200x128xf32, #tpu.memory_space<hbm>>
    %dma_wait3A_127 = arith.constant 0 : i32
    %dma_wait3A_128 = arith.constant 0 : i32
    %dma_wait3A_129 = tpu.memref_slice %arg5[%dma_wait3A_127, %dma_wait3A_128] : memref<819200x128xf32, #tpu.memory_space<hbm>> -> memref<200x128xf32, #tpu.memory_space<hbm>>
    tpu.wait_dma2 semaphore(%arg24 : memref<!tpu.dma_semaphore, #tpu.memory_space<semaphore_mem>>) src(%arg7 : memref<200x128xf32, #tpu.memory_space<vmem>>) dst(%dma_wait3A_129 : memref<200x128xf32, #tpu.memory_space<hbm>>)
    %dma_wait3A_130 = arith.constant 0 : i32
    %dma_wait3A_131 = tpu.memref_slice %arg2[%dma_wait3A_130] : memref<819200xi32, #tpu.memory_space<hbm>> -> memref<200xi32, #tpu.memory_space<hbm>>
    %dma_wait3A_132 = arith.constant 0 : i32
    %dma_wait3A_133 = tpu.memref_slice %arg2[%dma_wait3A_132] : memref<819200xi32, #tpu.memory_space<hbm>> -> memref<200xi32, #tpu.memory_space<hbm>>
    tpu.wait_dma2 semaphore(%arg20 : memref<!tpu.dma_semaphore, #tpu.memory_space<semaphore_mem>>) src(%dma_wait3A_133 : memref<200xi32, #tpu.memory_space<hbm>>) dst(%arg11 : memref<200xi32, #tpu.memory_space<vmem>>)
    %dma_start3A_134 = arith.constant 0 : i32
    %dma_start3A_135 = arith.constant 0 : i32
    %dma_start3A_136 = tpu.memref_slice %arg3[%dma_start3A_134, %dma_start3A_135] : memref<100000x128xf32, #tpu.memory_space<hbm>> -> memref<100000x128xf32, #tpu.memory_space<hbm>>
    tpu.enqueue_indirect_dma source(%dma_start3A_136 : memref<100000x128xf32, #tpu.memory_space<hbm>>) target(%arg7 : memref<200x128xf32, #tpu.memory_space<vmem>>) offsets(%arg11 : memref<200xi32, #tpu.memory_space<vmem>>) semaphore(%arg16 : memref<!tpu.dma_semaphore, #tpu.memory_space<semaphore_mem>>)
    %parallel_loop3A_137 = arith.constant 0 : i32
    %parallel_loop3A_138 = arith.constant 200 : i32
    %parallel_loop3A_139 = arith.constant 1 : i32
    scf.for %parallel_loop3A_261 = %parallel_loop3A_137 to %parallel_loop3A_138 step %parallel_loop3A_139  : i32 {
      %parallel_loop3A_262 = arith.index_cast %parallel_loop3A_261 : i32 to index
      %parallel_loop3A_263 = arith.constant 0 : index
      %parallel_loop3A_264 = tpu.vector_load %arg9[%parallel_loop3A_262, %parallel_loop3A_263] {strides = array<i32>} : memref<200x128xf32, #tpu.memory_space<vmem>>, vector<1x16xf32>,
      %parallel_loop3A_265 = vector.shape_cast %parallel_loop3A_264 : vector<1x16xf32> to vector<16xf32>
      %parallel_loop3A_266 = arith.index_cast %parallel_loop3A_261 : i32 to index
      %parallel_loop3A_267 = arith.constant 0 : index
      %parallel_loop3A_268 = tpu.vector_load %arg14[%parallel_loop3A_266, %parallel_loop3A_267] {strides = array<i32>} : memref<200x128xf32, #tpu.memory_space<vmem>>, vector<1x16xf32>,
      %parallel_loop3A_269 = vector.shape_cast %parallel_loop3A_268 : vector<1x16xf32> to vector<16xf32>
      %parallel_loop3A_270 = arith.addf %parallel_loop3A_265, %parallel_loop3A_269 : vector<16xf32>
      %parallel_loop3A_271 = arith.index_cast %parallel_loop3A_261 : i32 to index
      %parallel_loop3A_272 = arith.constant 0 : index
      %parallel_loop3A_273 = tpu.vector_load %arg9[%parallel_loop3A_271, %parallel_loop3A_272] {strides = array<i32>} : memref<200x128xf32, #tpu.memory_space<vmem>>, vector<1x16xf32>,
      %parallel_loop3A_274 = vector.shape_cast %parallel_loop3A_273 : vector<1x16xf32> to vector<16xf32>
      %parallel_loop3A_275 = vector.shape_cast %parallel_loop3A_270 : vector<16xf32> to vector<1x16xf32>
      tpu.vector_store %arg9[%parallel_loop3A_271, %parallel_loop3A_272], %parallel_loop3A_275 {strides = array<i32>} : memref<200x128xf32, #tpu.memory_space<vmem>>, vector<1x16xf32>,
      %parallel_loop3A_276 = arith.index_cast %parallel_loop3A_261 : i32 to index
      %parallel_loop3A_277 = arith.constant 16 : index
      %parallel_loop3A_278 = tpu.vector_load %arg9[%parallel_loop3A_276, %parallel_loop3A_277] {strides = array<i32>} : memref<200x128xf32, #tpu.memory_space<vmem>>, vector<1x16xf32>,
      %parallel_loop3A_279 = vector.shape_cast %parallel_loop3A_278 : vector<1x16xf32> to vector<16xf32>
      %parallel_loop3A_280 = arith.index_cast %parallel_loop3A_261 : i32 to index
      %parallel_loop3A_281 = arith.constant 16 : index
      %parallel_loop3A_282 = tpu.vector_load %arg14[%parallel_loop3A_280, %parallel_loop3A_281] {strides = array<i32>} : memref<200x128xf32, #tpu.memory_space<vmem>>, vector<1x16xf32>,
      %parallel_loop3A_283 = vector.shape_cast %parallel_loop3A_282 : vector<1x16xf32> to vector<16xf32>
      %parallel_loop3A_284 = arith.addf %parallel_loop3A_279, %parallel_loop3A_283 : vector<16xf32>
      %parallel_loop3A_285 = arith.index_cast %parallel_loop3A_261 : i32 to index
      %parallel_loop3A_286 = arith.constant 16 : index
      %parallel_loop3A_287 = tpu.vector_load %arg9[%parallel_loop3A_285, %parallel_loop3A_286] {strides = array<i32>} : memref<200x128xf32, #tpu.memory_space<vmem>>, vector<1x16xf32>,
      %parallel_loop3A_288 = vector.shape_cast %parallel_loop3A_287 : vector<1x16xf32> to vector<16xf32>
      %parallel_loop3A_289 = vector.shape_cast %parallel_loop3A_284 : vector<16xf32> to vector<1x16xf32>
      tpu.vector_store %arg9[%parallel_loop3A_285, %parallel_loop3A_286], %parallel_loop3A_289 {strides = array<i32>} : memref<200x128xf32, #tpu.memory_space<vmem>>, vector<1x16xf32>,
      %parallel_loop3A_290 = arith.index_cast %parallel_loop3A_261 : i32 to index
      %parallel_loop3A_291 = arith.constant 32 : index
      %parallel_loop3A_292 = tpu.vector_load %arg9[%parallel_loop3A_290, %parallel_loop3A_291] {strides = array<i32>} : memref<200x128xf32, #tpu.memory_space<vmem>>, vector<1x16xf32>,
      %parallel_loop3A_293 = vector.shape_cast %parallel_loop3A_292 : vector<1x16xf32> to vector<16xf32>
      %parallel_loop3A_294 = arith.index_cast %parallel_loop3A_261 : i32 to index
      %parallel_loop3A_295 = arith.constant 32 : index
      %parallel_loop3A_296 = tpu.vector_load %arg14[%parallel_loop3A_294, %parallel_loop3A_295] {strides = array<i32>} : memref<200x128xf32, #tpu.memory_space<vmem>>, vector<1x16xf32>,
      %parallel_loop3A_297 = vector.shape_cast %parallel_loop3A_296 : vector<1x16xf32> to vector<16xf32>
      %parallel_loop3A_298 = arith.addf %parallel_loop3A_293, %parallel_loop3A_297 : vector<16xf32>
      %parallel_loop3A_299 = arith.index_cast %parallel_loop3A_261 : i32 to index
      %parallel_loop3A_300 = arith.constant 32 : index
      %parallel_loop3A_301 = tpu.vector_load %arg9[%parallel_loop3A_299, %parallel_loop3A_300] {strides = array<i32>} : memref<200x128xf32, #tpu.memory_space<vmem>>, vector<1x16xf32>,
      %parallel_loop3A_302 = vector.shape_cast %parallel_loop3A_301 : vector<1x16xf32> to vector<16xf32>
      %parallel_loop3A_303 = vector.shape_cast %parallel_loop3A_298 : vector<16xf32> to vector<1x16xf32>
      tpu.vector_store %arg9[%parallel_loop3A_299, %parallel_loop3A_300], %parallel_loop3A_303 {strides = array<i32>} : memref<200x128xf32, #tpu.memory_space<vmem>>, vector<1x16xf32>,
      %parallel_loop3A_304 = arith.index_cast %parallel_loop3A_261 : i32 to index
      %parallel_loop3A_305 = arith.constant 48 : index
      %parallel_loop3A_306 = tpu.vector_load %arg9[%parallel_loop3A_304, %parallel_loop3A_305] {strides = array<i32>} : memref<200x128xf32, #tpu.memory_space<vmem>>, vector<1x16xf32>,
      %parallel_loop3A_307 = vector.shape_cast %parallel_loop3A_306 : vector<1x16xf32> to vector<16xf32>
      %parallel_loop3A_308 = arith.index_cast %parallel_loop3A_261 : i32 to index
      %parallel_loop3A_309 = arith.constant 48 : index
      %parallel_loop3A_310 = tpu.vector_load %arg14[%parallel_loop3A_308, %parallel_loop3A_309] {strides = array<i32>} : memref<200x128xf32, #tpu.memory_space<vmem>>, vector<1x16xf32>,
      %parallel_loop3A_311 = vector.shape_cast %parallel_loop3A_310 : vector<1x16xf32> to vector<16xf32>
      %parallel_loop3A_312 = arith.addf %parallel_loop3A_307, %parallel_loop3A_311 : vector<16xf32>
      %parallel_loop3A_313 = arith.index_cast %parallel_loop3A_261 : i32 to index
      %parallel_loop3A_314 = arith.constant 48 : index
      %parallel_loop3A_315 = tpu.vector_load %arg9[%parallel_loop3A_313, %parallel_loop3A_314] {strides = array<i32>} : memref<200x128xf32, #tpu.memory_space<vmem>>, vector<1x16xf32>,
      %parallel_loop3A_316 = vector.shape_cast %parallel_loop3A_315 : vector<1x16xf32> to vector<16xf32>
      %parallel_loop3A_317 = vector.shape_cast %parallel_loop3A_312 : vector<16xf32> to vector<1x16xf32>
      tpu.vector_store %arg9[%parallel_loop3A_313, %parallel_loop3A_314], %parallel_loop3A_317 {strides = array<i32>} : memref<200x128xf32, #tpu.memory_space<vmem>>, vector<1x16xf32>,
      %parallel_loop3A_318 = arith.index_cast %parallel_loop3A_261 : i32 to index
      %parallel_loop3A_319 = arith.constant 64 : index
      %parallel_loop3A_320 = tpu.vector_load %arg9[%parallel_loop3A_318, %parallel_loop3A_319] {strides = array<i32>} : memref<200x128xf32, #tpu.memory_space<vmem>>, vector<1x16xf32>,
      %parallel_loop3A_321 = vector.shape_cast %parallel_loop3A_320 : vector<1x16xf32> to vector<16xf32>
      %parallel_loop3A_322 = arith.index_cast %parallel_loop3A_261 : i32 to index
      %parallel_loop3A_323 = arith.constant 64 : index
      %parallel_loop3A_324 = tpu.vector_load %arg14[%parallel_loop3A_322, %parallel_loop3A_323] {strides = array<i32>} : memref<200x128xf32, #tpu.memory_space<vmem>>, vector<1x16xf32>,
      %parallel_loop3A_325 = vector.shape_cast %parallel_loop3A_324 : vector<1x16xf32> to vector<16xf32>
      %parallel_loop3A_326 = arith.addf %parallel_loop3A_321, %parallel_loop3A_325 : vector<16xf32>
      %parallel_loop3A_327 = arith.index_cast %parallel_loop3A_261 : i32 to index
      %parallel_loop3A_328 = arith.constant 64 : index
      %parallel_loop3A_329 = tpu.vector_load %arg9[%parallel_loop3A_327, %parallel_loop3A_328] {strides = array<i32>} : memref<200x128xf32, #tpu.memory_space<vmem>>, vector<1x16xf32>,
      %parallel_loop3A_330 = vector.shape_cast %parallel_loop3A_329 : vector<1x16xf32> to vector<16xf32>
      %parallel_loop3A_331 = vector.shape_cast %parallel_loop3A_326 : vector<16xf32> to vector<1x16xf32>
      tpu.vector_store %arg9[%parallel_loop3A_327, %parallel_loop3A_328], %parallel_loop3A_331 {strides = array<i32>} : memref<200x128xf32, #tpu.memory_space<vmem>>, vector<1x16xf32>,
      %parallel_loop3A_332 = arith.index_cast %parallel_loop3A_261 : i32 to index
      %parallel_loop3A_333 = arith.constant 80 : index
      %parallel_loop3A_334 = tpu.vector_load %arg9[%parallel_loop3A_332, %parallel_loop3A_333] {strides = array<i32>} : memref<200x128xf32, #tpu.memory_space<vmem>>, vector<1x16xf32>,
      %parallel_loop3A_335 = vector.shape_cast %parallel_loop3A_334 : vector<1x16xf32> to vector<16xf32>
      %parallel_loop3A_336 = arith.index_cast %parallel_loop3A_261 : i32 to index
      %parallel_loop3A_337 = arith.constant 80 : index
      %parallel_loop3A_338 = tpu.vector_load %arg14[%parallel_loop3A_336, %parallel_loop3A_337] {strides = array<i32>} : memref<200x128xf32, #tpu.memory_space<vmem>>, vector<1x16xf32>,
      %parallel_loop3A_339 = vector.shape_cast %parallel_loop3A_338 : vector<1x16xf32> to vector<16xf32>
      %parallel_loop3A_340 = arith.addf %parallel_loop3A_335, %parallel_loop3A_339 : vector<16xf32>
      %parallel_loop3A_341 = arith.index_cast %parallel_loop3A_261 : i32 to index
      %parallel_loop3A_342 = arith.constant 80 : index
      %parallel_loop3A_343 = tpu.vector_load %arg9[%parallel_loop3A_341, %parallel_loop3A_342] {strides = array<i32>} : memref<200x128xf32, #tpu.memory_space<vmem>>, vector<1x16xf32>,
      %parallel_loop3A_344 = vector.shape_cast %parallel_loop3A_343 : vector<1x16xf32> to vector<16xf32>
      %parallel_loop3A_345 = vector.shape_cast %parallel_loop3A_340 : vector<16xf32> to vector<1x16xf32>
      tpu.vector_store %arg9[%parallel_loop3A_341, %parallel_loop3A_342], %parallel_loop3A_345 {strides = array<i32>} : memref<200x128xf32, #tpu.memory_space<vmem>>, vector<1x16xf32>,
      %parallel_loop3A_346 = arith.index_cast %parallel_loop3A_261 : i32 to index
      %parallel_loop3A_347 = arith.constant 96 : index
      %parallel_loop3A_348 = tpu.vector_load %arg9[%parallel_loop3A_346, %parallel_loop3A_347] {strides = array<i32>} : memref<200x128xf32, #tpu.memory_space<vmem>>, vector<1x16xf32>,
      %parallel_loop3A_349 = vector.shape_cast %parallel_loop3A_348 : vector<1x16xf32> to vector<16xf32>
      %parallel_loop3A_350 = arith.index_cast %parallel_loop3A_261 : i32 to index
      %parallel_loop3A_351 = arith.constant 96 : index
      %parallel_loop3A_352 = tpu.vector_load %arg14[%parallel_loop3A_350, %parallel_loop3A_351] {strides = array<i32>} : memref<200x128xf32, #tpu.memory_space<vmem>>, vector<1x16xf32>,
      %parallel_loop3A_353 = vector.shape_cast %parallel_loop3A_352 : vector<1x16xf32> to vector<16xf32>
      %parallel_loop3A_354 = arith.addf %parallel_loop3A_349, %parallel_loop3A_353 : vector<16xf32>
      %parallel_loop3A_355 = arith.index_cast %parallel_loop3A_261 : i32 to index
      %parallel_loop3A_356 = arith.constant 96 : index
      %parallel_loop3A_357 = tpu.vector_load %arg9[%parallel_loop3A_355, %parallel_loop3A_356] {strides = array<i32>} : memref<200x128xf32, #tpu.memory_space<vmem>>, vector<1x16xf32>,
      %parallel_loop3A_358 = vector.shape_cast %parallel_loop3A_357 : vector<1x16xf32> to vector<16xf32>
      %parallel_loop3A_359 = vector.shape_cast %parallel_loop3A_354 : vector<16xf32> to vector<1x16xf32>
      tpu.vector_store %arg9[%parallel_loop3A_355, %parallel_loop3A_356], %parallel_loop3A_359 {strides = array<i32>} : memref<200x128xf32, #tpu.memory_space<vmem>>, vector<1x16xf32>,
      %parallel_loop3A_360 = arith.index_cast %parallel_loop3A_261 : i32 to index
      %parallel_loop3A_361 = arith.constant 112 : index
      %parallel_loop3A_362 = tpu.vector_load %arg9[%parallel_loop3A_360, %parallel_loop3A_361] {strides = array<i32>} : memref<200x128xf32, #tpu.memory_space<vmem>>, vector<1x16xf32>,
      %parallel_loop3A_363 = vector.shape_cast %parallel_loop3A_362 : vector<1x16xf32> to vector<16xf32>
      %parallel_loop3A_364 = arith.index_cast %parallel_loop3A_261 : i32 to index
      %parallel_loop3A_365 = arith.constant 112 : index
      %parallel_loop3A_366 = tpu.vector_load %arg14[%parallel_loop3A_364, %parallel_loop3A_365] {strides = array<i32>} : memref<200x128xf32, #tpu.memory_space<vmem>>, vector<1x16xf32>,
      %parallel_loop3A_367 = vector.shape_cast %parallel_loop3A_366 : vector<1x16xf32> to vector<16xf32>
      %parallel_loop3A_368 = arith.addf %parallel_loop3A_363, %parallel_loop3A_367 : vector<16xf32>
      %parallel_loop3A_369 = arith.index_cast %parallel_loop3A_261 : i32 to index
      %parallel_loop3A_370 = arith.constant 112 : index
      %parallel_loop3A_371 = tpu.vector_load %arg9[%parallel_loop3A_369, %parallel_loop3A_370] {strides = array<i32>} : memref<200x128xf32, #tpu.memory_space<vmem>>, vector<1x16xf32>,
      %parallel_loop3A_372 = vector.shape_cast %parallel_loop3A_371 : vector<1x16xf32> to vector<16xf32>
      %parallel_loop3A_373 = vector.shape_cast %parallel_loop3A_368 : vector<16xf32> to vector<1x16xf32>
      tpu.vector_store %arg9[%parallel_loop3A_369, %parallel_loop3A_370], %parallel_loop3A_373 {strides = array<i32>} : memref<200x128xf32, #tpu.memory_space<vmem>>, vector<1x16xf32>,
    } {sc.loop_unroll_factor = 4 : i64, sc.parallel_access}
    %add3A_140 = arith.constant 600 : i32
    %add3A_141 = arith.addi %mul3A_2, %add3A_140 : i32
    %dma_start3A_142 = arith.constant 0 : i32
    %dma_start3A_143 = tpu.memref_slice %arg5[%add3A_141, %dma_start3A_142] : memref<819200x128xf32, #tpu.memory_space<hbm>> -> memref<200x128xf32, #tpu.memory_space<hbm>>
    %dma_start3A_144 = arith.constant 0 : i32
    %dma_start3A_145 = tpu.memref_slice %arg5[%add3A_141, %dma_start3A_144] : memref<819200x128xf32, #tpu.memory_space<hbm>> -> memref<200x128xf32, #tpu.memory_space<hbm>>
    tpu.enqueue_dma source(%arg9 : memref<200x128xf32, #tpu.memory_space<vmem>>) target(%dma_start3A_145 : memref<200x128xf32, #tpu.memory_space<hbm>>) target_semaphore(%arg26 : memref<!tpu.dma_semaphore, #tpu.memory_space<semaphore_mem>>)
    %scan3A = arith.constant 0 : i32
    %scan3A_146 = arith.constant 1 : i32
    %scan3A_147 = arith.constant 30 : i32
    %scan3A_148 = arith.addi %scan3A_146, %scan3A_147 : i32
    %scan3A_149 = arith.constant 1 : i32
    scf.for %scan3A_261 = %scan3A_146 to %scan3A_148 step %scan3A_149  : i32 {
      %mul3A_262 = arith.constant 4 : i32
      %mul3A_263 = arith.muli %scan3A_261, %mul3A_262 : i32
      %add3A_264 = arith.constant 0 : i32
      %add3A_265 = arith.addi %mul3A_263, %add3A_264 : i32
      %dma_wait3A_266 = arith.constant 0 : i32
      %dma_wait3A_267 = arith.constant 0 : i32
      %dma_wait3A_268 = tpu.memref_slice %arg3[%dma_wait3A_266, %dma_wait3A_267] : memref<100000x128xf32, #tpu.memory_space<hbm>> -> memref<200x128xf32, #tpu.memory_space<hbm>>
      %dma_wait3A_269 = arith.constant 0 : i32
      %dma_wait3A_270 = arith.constant 0 : i32
      %dma_wait3A_271 = tpu.memref_slice %arg3[%dma_wait3A_269, %dma_wait3A_270] : memref<100000x128xf32, #tpu.memory_space<hbm>> -> memref<200x128xf32, #tpu.memory_space<hbm>>
      tpu.wait_dma2 semaphore(%arg15 : memref<!tpu.dma_semaphore, #tpu.memory_space<semaphore_mem>>) src(%dma_wait3A_271 : memref<200x128xf32, #tpu.memory_space<hbm>>) dst(%arg6 : memref<200x128xf32, #tpu.memory_space<vmem>>)
      %add3A_272 = arith.constant 4 : i32
      %add3A_273 = arith.addi %add3A_265, %add3A_272 : i32
      %mul3A_274 = arith.constant 200 : i32
      %mul3A_275 = arith.muli %add3A_273, %mul3A_274 : i32
      %add3A_276 = arith.addi %mul3A_2, %mul3A_275 : i32
      %dma_start3A_277 = tpu.memref_slice %arg2[%add3A_276] : memref<819200xi32, #tpu.memory_space<hbm>> -> memref<200xi32, #tpu.memory_space<hbm>>
      %dma_start3A_278 = tpu.memref_slice %arg2[%add3A_276] : memref<819200xi32, #tpu.memory_space<hbm>> -> memref<200xi32, #tpu.memory_space<hbm>>
      tpu.enqueue_dma source(%dma_start3A_278 : memref<200xi32, #tpu.memory_space<hbm>>) target(%arg10 : memref<200xi32, #tpu.memory_space<vmem>>) target_semaphore(%arg19 : memref<!tpu.dma_semaphore, #tpu.memory_space<semaphore_mem>>)
      %dma_wait3A_279 = arith.constant 0 : i32
      %dma_wait3A_280 = arith.constant 0 : i32
      %dma_wait3A_281 = tpu.memref_slice %arg5[%dma_wait3A_279, %dma_wait3A_280] : memref<819200x128xf32, #tpu.memory_space<hbm>> -> memref<200x128xf32, #tpu.memory_space<hbm>>
      %dma_wait3A_282 = arith.constant 0 : i32
      %dma_wait3A_283 = arith.constant 0 : i32
      %dma_wait3A_284 = tpu.memref_slice %arg5[%dma_wait3A_282, %dma_wait3A_283] : memref<819200x128xf32, #tpu.memory_space<hbm>> -> memref<200x128xf32, #tpu.memory_space<hbm>>
      tpu.wait_dma2 semaphore(%arg25 : memref<!tpu.dma_semaphore, #tpu.memory_space<semaphore_mem>>) src(%arg8 : memref<200x128xf32, #tpu.memory_space<vmem>>) dst(%dma_wait3A_284 : memref<200x128xf32, #tpu.memory_space<hbm>>)
      %dma_wait3A_285 = arith.constant 0 : i32
      %dma_wait3A_286 = tpu.memref_slice %arg2[%dma_wait3A_285] : memref<819200xi32, #tpu.memory_space<hbm>> -> memref<200xi32, #tpu.memory_space<hbm>>
      %dma_wait3A_287 = arith.constant 0 : i32
      %dma_wait3A_288 = tpu.memref_slice %arg2[%dma_wait3A_287] : memref<819200xi32, #tpu.memory_space<hbm>> -> memref<200xi32, #tpu.memory_space<hbm>>
      tpu.wait_dma2 semaphore(%arg21 : memref<!tpu.dma_semaphore, #tpu.memory_space<semaphore_mem>>) src(%dma_wait3A_288 : memref<200xi32, #tpu.memory_space<hbm>>) dst(%arg12 : memref<200xi32, #tpu.memory_space<vmem>>)
      %dma_start3A_289 = arith.constant 0 : i32
      %dma_start3A_290 = arith.constant 0 : i32
      %dma_start3A_291 = tpu.memref_slice %arg3[%dma_start3A_289, %dma_start3A_290] : memref<100000x128xf32, #tpu.memory_space<hbm>> -> memref<100000x128xf32, #tpu.memory_space<hbm>>
      tpu.enqueue_indirect_dma source(%dma_start3A_291 : memref<100000x128xf32, #tpu.memory_space<hbm>>) target(%arg8 : memref<200x128xf32, #tpu.memory_space<vmem>>) offsets(%arg12 : memref<200xi32, #tpu.memory_space<vmem>>) semaphore(%arg17 : memref<!tpu.dma_semaphore, #tpu.memory_space<semaphore_mem>>)
      %parallel_loop3A_292 = arith.constant 0 : i32
      %parallel_loop3A_293 = arith.constant 200 : i32
      %parallel_loop3A_294 = arith.constant 1 : i32
      scf.for %parallel_loop3A_422 = %parallel_loop3A_292 to %parallel_loop3A_293 step %parallel_loop3A_294  : i32 {
        %parallel_loop3A_423 = arith.index_cast %parallel_loop3A_422 : i32 to index
        %parallel_loop3A_424 = arith.constant 0 : index
        %parallel_loop3A_425 = tpu.vector_load %arg6[%parallel_loop3A_423, %parallel_loop3A_424] {strides = array<i32>} : memref<200x128xf32, #tpu.memory_space<vmem>>, vector<1x16xf32>,
        %parallel_loop3A_426 = vector.shape_cast %parallel_loop3A_425 : vector<1x16xf32> to vector<16xf32>
        %parallel_loop3A_427 = arith.index_cast %parallel_loop3A_422 : i32 to index
        %parallel_loop3A_428 = arith.constant 0 : index
        %parallel_loop3A_429 = tpu.vector_load %arg14[%parallel_loop3A_427, %parallel_loop3A_428] {strides = array<i32>} : memref<200x128xf32, #tpu.memory_space<vmem>>, vector<1x16xf32>,
        %parallel_loop3A_430 = vector.shape_cast %parallel_loop3A_429 : vector<1x16xf32> to vector<16xf32>
        %parallel_loop3A_431 = arith.addf %parallel_loop3A_426, %parallel_loop3A_430 : vector<16xf32>
        %parallel_loop3A_432 = arith.index_cast %parallel_loop3A_422 : i32 to index
        %parallel_loop3A_433 = arith.constant 0 : index
        %parallel_loop3A_434 = tpu.vector_load %arg6[%parallel_loop3A_432, %parallel_loop3A_433] {strides = array<i32>} : memref<200x128xf32, #tpu.memory_space<vmem>>, vector<1x16xf32>,
        %parallel_loop3A_435 = vector.shape_cast %parallel_loop3A_434 : vector<1x16xf32> to vector<16xf32>
        %parallel_loop3A_436 = vector.shape_cast %parallel_loop3A_431 : vector<16xf32> to vector<1x16xf32>
        tpu.vector_store %arg6[%parallel_loop3A_432, %parallel_loop3A_433], %parallel_loop3A_436 {strides = array<i32>} : memref<200x128xf32, #tpu.memory_space<vmem>>, vector<1x16xf32>,
        %parallel_loop3A_437 = arith.index_cast %parallel_loop3A_422 : i32 to index
        %parallel_loop3A_438 = arith.constant 16 : index
        %parallel_loop3A_439 = tpu.vector_load %arg6[%parallel_loop3A_437, %parallel_loop3A_438] {strides = array<i32>} : memref<200x128xf32, #tpu.memory_space<vmem>>, vector<1x16xf32>,
        %parallel_loop3A_440 = vector.shape_cast %parallel_loop3A_439 : vector<1x16xf32> to vector<16xf32>
        %parallel_loop3A_441 = arith.index_cast %parallel_loop3A_422 : i32 to index
        %parallel_loop3A_442 = arith.constant 16 : index
        %parallel_loop3A_443 = tpu.vector_load %arg14[%parallel_loop3A_441, %parallel_loop3A_442] {strides = array<i32>} : memref<200x128xf32, #tpu.memory_space<vmem>>, vector<1x16xf32>,
        %parallel_loop3A_444 = vector.shape_cast %parallel_loop3A_443 : vector<1x16xf32> to vector<16xf32>
        %parallel_loop3A_445 = arith.addf %parallel_loop3A_440, %parallel_loop3A_444 : vector<16xf32>
        %parallel_loop3A_446 = arith.index_cast %parallel_loop3A_422 : i32 to index
        %parallel_loop3A_447 = arith.constant 16 : index
        %parallel_loop3A_448 = tpu.vector_load %arg6[%parallel_loop3A_446, %parallel_loop3A_447] {strides = array<i32>} : memref<200x128xf32, #tpu.memory_space<vmem>>, vector<1x16xf32>,
        %parallel_loop3A_449 = vector.shape_cast %parallel_loop3A_448 : vector<1x16xf32> to vector<16xf32>
        %parallel_loop3A_450 = vector.shape_cast %parallel_loop3A_445 : vector<16xf32> to vector<1x16xf32>
        tpu.vector_store %arg6[%parallel_loop3A_446, %parallel_loop3A_447], %parallel_loop3A_450 {strides = array<i32>} : memref<200x128xf32, #tpu.memory_space<vmem>>, vector<1x16xf32>,
        %parallel_loop3A_451 = arith.index_cast %parallel_loop3A_422 : i32 to index
        %parallel_loop3A_452 = arith.constant 32 : index
        %parallel_loop3A_453 = tpu.vector_load %arg6[%parallel_loop3A_451, %parallel_loop3A_452] {strides = array<i32>} : memref<200x128xf32, #tpu.memory_space<vmem>>, vector<1x16xf32>,
        %parallel_loop3A_454 = vector.shape_cast %parallel_loop3A_453 : vector<1x16xf32> to vector<16xf32>
        %parallel_loop3A_455 = arith.index_cast %parallel_loop3A_422 : i32 to index
        %parallel_loop3A_456 = arith.constant 32 : index
        %parallel_loop3A_457 = tpu.vector_load %arg14[%parallel_loop3A_455, %parallel_loop3A_456] {strides = array<i32>} : memref<200x128xf32, #tpu.memory_space<vmem>>, vector<1x16xf32>,
        %parallel_loop3A_458 = vector.shape_cast %parallel_loop3A_457 : vector<1x16xf32> to vector<16xf32>
        %parallel_loop3A_459 = arith.addf %parallel_loop3A_454, %parallel_loop3A_458 : vector<16xf32>
        %parallel_loop3A_460 = arith.index_cast %parallel_loop3A_422 : i32 to index
        %parallel_loop3A_461 = arith.constant 32 : index
        %parallel_loop3A_462 = tpu.vector_load %arg6[%parallel_loop3A_460, %parallel_loop3A_461] {strides = array<i32>} : memref<200x128xf32, #tpu.memory_space<vmem>>, vector<1x16xf32>,
        %parallel_loop3A_463 = vector.shape_cast %parallel_loop3A_462 : vector<1x16xf32> to vector<16xf32>
        %parallel_loop3A_464 = vector.shape_cast %parallel_loop3A_459 : vector<16xf32> to vector<1x16xf32>
        tpu.vector_store %arg6[%parallel_loop3A_460, %parallel_loop3A_461], %parallel_loop3A_464 {strides = array<i32>} : memref<200x128xf32, #tpu.memory_space<vmem>>, vector<1x16xf32>,
        %parallel_loop3A_465 = arith.index_cast %parallel_loop3A_422 : i32 to index
        %parallel_loop3A_466 = arith.constant 48 : index
        %parallel_loop3A_467 = tpu.vector_load %arg6[%parallel_loop3A_465, %parallel_loop3A_466] {strides = array<i32>} : memref<200x128xf32, #tpu.memory_space<vmem>>, vector<1x16xf32>,
        %parallel_loop3A_468 = vector.shape_cast %parallel_loop3A_467 : vector<1x16xf32> to vector<16xf32>
        %parallel_loop3A_469 = arith.index_cast %parallel_loop3A_422 : i32 to index
        %parallel_loop3A_470 = arith.constant 48 : index
        %parallel_loop3A_471 = tpu.vector_load %arg14[%parallel_loop3A_469, %parallel_loop3A_470] {strides = array<i32>} : memref<200x128xf32, #tpu.memory_space<vmem>>, vector<1x16xf32>,
        %parallel_loop3A_472 = vector.shape_cast %parallel_loop3A_471 : vector<1x16xf32> to vector<16xf32>
        %parallel_loop3A_473 = arith.addf %parallel_loop3A_468, %parallel_loop3A_472 : vector<16xf32>
        %parallel_loop3A_474 = arith.index_cast %parallel_loop3A_422 : i32 to index
        %parallel_loop3A_475 = arith.constant 48 : index
        %parallel_loop3A_476 = tpu.vector_load %arg6[%parallel_loop3A_474, %parallel_loop3A_475] {strides = array<i32>} : memref<200x128xf32, #tpu.memory_space<vmem>>, vector<1x16xf32>,
        %parallel_loop3A_477 = vector.shape_cast %parallel_loop3A_476 : vector<1x16xf32> to vector<16xf32>
        %parallel_loop3A_478 = vector.shape_cast %parallel_loop3A_473 : vector<16xf32> to vector<1x16xf32>
        tpu.vector_store %arg6[%parallel_loop3A_474, %parallel_loop3A_475], %parallel_loop3A_478 {strides = array<i32>} : memref<200x128xf32, #tpu.memory_space<vmem>>, vector<1x16xf32>,
        %parallel_loop3A_479 = arith.index_cast %parallel_loop3A_422 : i32 to index
        %parallel_loop3A_480 = arith.constant 64 : index
        %parallel_loop3A_481 = tpu.vector_load %arg6[%parallel_loop3A_479, %parallel_loop3A_480] {strides = array<i32>} : memref<200x128xf32, #tpu.memory_space<vmem>>, vector<1x16xf32>,
        %parallel_loop3A_482 = vector.shape_cast %parallel_loop3A_481 : vector<1x16xf32> to vector<16xf32>
        %parallel_loop3A_483 = arith.index_cast %parallel_loop3A_422 : i32 to index
        %parallel_loop3A_484 = arith.constant 64 : index
        %parallel_loop3A_485 = tpu.vector_load %arg14[%parallel_loop3A_483, %parallel_loop3A_484] {strides = array<i32>} : memref<200x128xf32, #tpu.memory_space<vmem>>, vector<1x16xf32>,
        %parallel_loop3A_486 = vector.shape_cast %parallel_loop3A_485 : vector<1x16xf32> to vector<16xf32>
        %parallel_loop3A_487 = arith.addf %parallel_loop3A_482, %parallel_loop3A_486 : vector<16xf32>
        %parallel_loop3A_488 = arith.index_cast %parallel_loop3A_422 : i32 to index
        %parallel_loop3A_489 = arith.constant 64 : index
        %parallel_loop3A_490 = tpu.vector_load %arg6[%parallel_loop3A_488, %parallel_loop3A_489] {strides = array<i32>} : memref<200x128xf32, #tpu.memory_space<vmem>>, vector<1x16xf32>,
        %parallel_loop3A_491 = vector.shape_cast %parallel_loop3A_490 : vector<1x16xf32> to vector<16xf32>
        %parallel_loop3A_492 = vector.shape_cast %parallel_loop3A_487 : vector<16xf32> to vector<1x16xf32>
        tpu.vector_store %arg6[%parallel_loop3A_488, %parallel_loop3A_489], %parallel_loop3A_492 {strides = array<i32>} : memref<200x128xf32, #tpu.memory_space<vmem>>, vector<1x16xf32>,
        %parallel_loop3A_493 = arith.index_cast %parallel_loop3A_422 : i32 to index
        %parallel_loop3A_494 = arith.constant 80 : index
        %parallel_loop3A_495 = tpu.vector_load %arg6[%parallel_loop3A_493, %parallel_loop3A_494] {strides = array<i32>} : memref<200x128xf32, #tpu.memory_space<vmem>>, vector<1x16xf32>,
        %parallel_loop3A_496 = vector.shape_cast %parallel_loop3A_495 : vector<1x16xf32> to vector<16xf32>
        %parallel_loop3A_497 = arith.index_cast %parallel_loop3A_422 : i32 to index
        %parallel_loop3A_498 = arith.constant 80 : index
        %parallel_loop3A_499 = tpu.vector_load %arg14[%parallel_loop3A_497, %parallel_loop3A_498] {strides = array<i32>} : memref<200x128xf32, #tpu.memory_space<vmem>>, vector<1x16xf32>,
        %parallel_loop3A_500 = vector.shape_cast %parallel_loop3A_499 : vector<1x16xf32> to vector<16xf32>
        %parallel_loop3A_501 = arith.addf %parallel_loop3A_496, %parallel_loop3A_500 : vector<16xf32>
        %parallel_loop3A_502 = arith.index_cast %parallel_loop3A_422 : i32 to index
        %parallel_loop3A_503 = arith.constant 80 : index
        %parallel_loop3A_504 = tpu.vector_load %arg6[%parallel_loop3A_502, %parallel_loop3A_503] {strides = array<i32>} : memref<200x128xf32, #tpu.memory_space<vmem>>, vector<1x16xf32>,
        %parallel_loop3A_505 = vector.shape_cast %parallel_loop3A_504 : vector<1x16xf32> to vector<16xf32>
        %parallel_loop3A_506 = vector.shape_cast %parallel_loop3A_501 : vector<16xf32> to vector<1x16xf32>
        tpu.vector_store %arg6[%parallel_loop3A_502, %parallel_loop3A_503], %parallel_loop3A_506 {strides = array<i32>} : memref<200x128xf32, #tpu.memory_space<vmem>>, vector<1x16xf32>,
        %parallel_loop3A_507 = arith.index_cast %parallel_loop3A_422 : i32 to index
        %parallel_loop3A_508 = arith.constant 96 : index
        %parallel_loop3A_509 = tpu.vector_load %arg6[%parallel_loop3A_507, %parallel_loop3A_508] {strides = array<i32>} : memref<200x128xf32, #tpu.memory_space<vmem>>, vector<1x16xf32>,
        %parallel_loop3A_510 = vector.shape_cast %parallel_loop3A_509 : vector<1x16xf32> to vector<16xf32>
        %parallel_loop3A_511 = arith.index_cast %parallel_loop3A_422 : i32 to index
        %parallel_loop3A_512 = arith.constant 96 : index
        %parallel_loop3A_513 = tpu.vector_load %arg14[%parallel_loop3A_511, %parallel_loop3A_512] {strides = array<i32>} : memref<200x128xf32, #tpu.memory_space<vmem>>, vector<1x16xf32>,
        %parallel_loop3A_514 = vector.shape_cast %parallel_loop3A_513 : vector<1x16xf32> to vector<16xf32>
        %parallel_loop3A_515 = arith.addf %parallel_loop3A_510, %parallel_loop3A_514 : vector<16xf32>
        %parallel_loop3A_516 = arith.index_cast %parallel_loop3A_422 : i32 to index
        %parallel_loop3A_517 = arith.constant 96 : index
        %parallel_loop3A_518 = tpu.vector_load %arg6[%parallel_loop3A_516, %parallel_loop3A_517] {strides = array<i32>} : memref<200x128xf32, #tpu.memory_space<vmem>>, vector<1x16xf32>,
        %parallel_loop3A_519 = vector.shape_cast %parallel_loop3A_518 : vector<1x16xf32> to vector<16xf32>
        %parallel_loop3A_520 = vector.shape_cast %parallel_loop3A_515 : vector<16xf32> to vector<1x16xf32>
        tpu.vector_store %arg6[%parallel_loop3A_516, %parallel_loop3A_517], %parallel_loop3A_520 {strides = array<i32>} : memref<200x128xf32, #tpu.memory_space<vmem>>, vector<1x16xf32>,
        %parallel_loop3A_521 = arith.index_cast %parallel_loop3A_422 : i32 to index
        %parallel_loop3A_522 = arith.constant 112 : index
        %parallel_loop3A_523 = tpu.vector_load %arg6[%parallel_loop3A_521, %parallel_loop3A_522] {strides = array<i32>} : memref<200x128xf32, #tpu.memory_space<vmem>>, vector<1x16xf32>,
        %parallel_loop3A_524 = vector.shape_cast %parallel_loop3A_523 : vector<1x16xf32> to vector<16xf32>
        %parallel_loop3A_525 = arith.index_cast %parallel_loop3A_422 : i32 to index
        %parallel_loop3A_526 = arith.constant 112 : index
        %parallel_loop3A_527 = tpu.vector_load %arg14[%parallel_loop3A_525, %parallel_loop3A_526] {strides = array<i32>} : memref<200x128xf32, #tpu.memory_space<vmem>>, vector<1x16xf32>,
        %parallel_loop3A_528 = vector.shape_cast %parallel_loop3A_527 : vector<1x16xf32> to vector<16xf32>
        %parallel_loop3A_529 = arith.addf %parallel_loop3A_524, %parallel_loop3A_528 : vector<16xf32>
        %parallel_loop3A_530 = arith.index_cast %parallel_loop3A_422 : i32 to index
        %parallel_loop3A_531 = arith.constant 112 : index
        %parallel_loop3A_532 = tpu.vector_load %arg6[%parallel_loop3A_530, %parallel_loop3A_531] {strides = array<i32>} : memref<200x128xf32, #tpu.memory_space<vmem>>, vector<1x16xf32>,
        %parallel_loop3A_533 = vector.shape_cast %parallel_loop3A_532 : vector<1x16xf32> to vector<16xf32>
        %parallel_loop3A_534 = vector.shape_cast %parallel_loop3A_529 : vector<16xf32> to vector<1x16xf32>
        tpu.vector_store %arg6[%parallel_loop3A_530, %parallel_loop3A_531], %parallel_loop3A_534 {strides = array<i32>} : memref<200x128xf32, #tpu.memory_space<vmem>>, vector<1x16xf32>,
      } {sc.loop_unroll_factor = 4 : i64, sc.parallel_access}
      %mul3A_295 = arith.constant 200 : i32
      %mul3A_296 = arith.muli %add3A_265, %mul3A_295 : i32
      %add3A_297 = arith.addi %mul3A_2, %mul3A_296 : i32
      %dma_start3A_298 = arith.constant 0 : i32
      %dma_start3A_299 = tpu.memref_slice %arg5[%add3A_297, %dma_start3A_298] : memref<819200x128xf32, #tpu.memory_space<hbm>> -> memref<200x128xf32, #tpu.memory_space<hbm>>
      %dma_start3A_300 = arith.constant 0 : i32
      %dma_start3A_301 = tpu.memref_slice %arg5[%add3A_297, %dma_start3A_300] : memref<819200x128xf32, #tpu.memory_space<hbm>> -> memref<200x128xf32, #tpu.memory_space<hbm>>
      tpu.enqueue_dma source(%arg6 : memref<200x128xf32, #tpu.memory_space<vmem>>) target(%dma_start3A_301 : memref<200x128xf32, #tpu.memory_space<hbm>>) target_semaphore(%arg23 : memref<!tpu.dma_semaphore, #tpu.memory_space<semaphore_mem>>)
      %mul3A_302 = arith.constant 4 : i32
      %mul3A_303 = arith.muli %scan3A_261, %mul3A_302 : i32
      %add3A_304 = arith.constant 1 : i32
      %add3A_305 = arith.addi %mul3A_303, %add3A_304 : i32
      %dma_wait3A_306 = arith.constant 0 : i32
      %dma_wait3A_307 = arith.constant 0 : i32
      %dma_wait3A_308 = tpu.memref_slice %arg3[%dma_wait3A_306, %dma_wait3A_307] : memref<100000x128xf32, #tpu.memory_space<hbm>> -> memref<200x128xf32, #tpu.memory_space<hbm>>
      %dma_wait3A_309 = arith.constant 0 : i32
      %dma_wait3A_310 = arith.constant 0 : i32
      %dma_wait3A_311 = tpu.memref_slice %arg3[%dma_wait3A_309, %dma_wait3A_310] : memref<100000x128xf32, #tpu.memory_space<hbm>> -> memref<200x128xf32, #tpu.memory_space<hbm>>
      tpu.wait_dma2 semaphore(%arg16 : memref<!tpu.dma_semaphore, #tpu.memory_space<semaphore_mem>>) src(%dma_wait3A_311 : memref<200x128xf32, #tpu.memory_space<hbm>>) dst(%arg7 : memref<200x128xf32, #tpu.memory_space<vmem>>)
      %add3A_312 = arith.constant 4 : i32
      %add3A_313 = arith.addi %add3A_305, %add3A_312 : i32
      %mul3A_314 = arith.constant 200 : i32
      %mul3A_315 = arith.muli %add3A_313, %mul3A_314 : i32
      %add3A_316 = arith.addi %mul3A_2, %mul3A_315 : i32
      %dma_start3A_317 = tpu.memref_slice %arg2[%add3A_316] : memref<819200xi32, #tpu.memory_space<hbm>> -> memref<200xi32, #tpu.memory_space<hbm>>
      %dma_start3A_318 = tpu.memref_slice %arg2[%add3A_316] : memref<819200xi32, #tpu.memory_space<hbm>> -> memref<200xi32, #tpu.memory_space<hbm>>
      tpu.enqueue_dma source(%dma_start3A_318 : memref<200xi32, #tpu.memory_space<hbm>>) target(%arg11 : memref<200xi32, #tpu.memory_space<vmem>>) target_semaphore(%arg20 : memref<!tpu.dma_semaphore, #tpu.memory_space<semaphore_mem>>)
      %dma_wait3A_319 = arith.constant 0 : i32
      %dma_wait3A_320 = arith.constant 0 : i32
      %dma_wait3A_321 = tpu.memref_slice %arg5[%dma_wait3A_319, %dma_wait3A_320] : memref<819200x128xf32, #tpu.memory_space<hbm>> -> memref<200x128xf32, #tpu.memory_space<hbm>>
      %dma_wait3A_322 = arith.constant 0 : i32
      %dma_wait3A_323 = arith.constant 0 : i32
      %dma_wait3A_324 = tpu.memref_slice %arg5[%dma_wait3A_322, %dma_wait3A_323] : memref<819200x128xf32, #tpu.memory_space<hbm>> -> memref<200x128xf32, #tpu.memory_space<hbm>>
      tpu.wait_dma2 semaphore(%arg26 : memref<!tpu.dma_semaphore, #tpu.memory_space<semaphore_mem>>) src(%arg9 : memref<200x128xf32, #tpu.memory_space<vmem>>) dst(%dma_wait3A_324 : memref<200x128xf32, #tpu.memory_space<hbm>>)
      %dma_wait3A_325 = arith.constant 0 : i32
      %dma_wait3A_326 = tpu.memref_slice %arg2[%dma_wait3A_325] : memref<819200xi32, #tpu.memory_space<hbm>> -> memref<200xi32, #tpu.memory_space<hbm>>
      %dma_wait3A_327 = arith.constant 0 : i32
      %dma_wait3A_328 = tpu.memref_slice %arg2[%dma_wait3A_327] : memref<819200xi32, #tpu.memory_space<hbm>> -> memref<200xi32, #tpu.memory_space<hbm>>
      tpu.wait_dma2 semaphore(%arg22 : memref<!tpu.dma_semaphore, #tpu.memory_space<semaphore_mem>>) src(%dma_wait3A_328 : memref<200xi32, #tpu.memory_space<hbm>>) dst(%arg13 : memref<200xi32, #tpu.memory_space<vmem>>)
      %dma_start3A_329 = arith.constant 0 : i32
      %dma_start3A_330 = arith.constant 0 : i32
      %dma_start3A_331 = tpu.memref_slice %arg3[%dma_start3A_329, %dma_start3A_330] : memref<100000x128xf32, #tpu.memory_space<hbm>> -> memref<100000x128xf32, #tpu.memory_space<hbm>>
      tpu.enqueue_indirect_dma source(%dma_start3A_331 : memref<100000x128xf32, #tpu.memory_space<hbm>>) target(%arg9 : memref<200x128xf32, #tpu.memory_space<vmem>>) offsets(%arg13 : memref<200xi32, #tpu.memory_space<vmem>>) semaphore(%arg18 : memref<!tpu.dma_semaphore, #tpu.memory_space<semaphore_mem>>)
      %parallel_loop3A_332 = arith.constant 0 : i32
      %parallel_loop3A_333 = arith.constant 200 : i32
      %parallel_loop3A_334 = arith.constant 1 : i32
      scf.for %parallel_loop3A_422 = %parallel_loop3A_332 to %parallel_loop3A_333 step %parallel_loop3A_334  : i32 {
        %parallel_loop3A_423 = arith.index_cast %parallel_loop3A_422 : i32 to index
        %parallel_loop3A_424 = arith.constant 0 : index
        %parallel_loop3A_425 = tpu.vector_load %arg7[%parallel_loop3A_423, %parallel_loop3A_424] {strides = array<i32>} : memref<200x128xf32, #tpu.memory_space<vmem>>, vector<1x16xf32>,
        %parallel_loop3A_426 = vector.shape_cast %parallel_loop3A_425 : vector<1x16xf32> to vector<16xf32>
        %parallel_loop3A_427 = arith.index_cast %parallel_loop3A_422 : i32 to index
        %parallel_loop3A_428 = arith.constant 0 : index
        %parallel_loop3A_429 = tpu.vector_load %arg14[%parallel_loop3A_427, %parallel_loop3A_428] {strides = array<i32>} : memref<200x128xf32, #tpu.memory_space<vmem>>, vector<1x16xf32>,
        %parallel_loop3A_430 = vector.shape_cast %parallel_loop3A_429 : vector<1x16xf32> to vector<16xf32>
        %parallel_loop3A_431 = arith.addf %parallel_loop3A_426, %parallel_loop3A_430 : vector<16xf32>
        %parallel_loop3A_432 = arith.index_cast %parallel_loop3A_422 : i32 to index
        %parallel_loop3A_433 = arith.constant 0 : index
        %parallel_loop3A_434 = tpu.vector_load %arg7[%parallel_loop3A_432, %parallel_loop3A_433] {strides = array<i32>} : memref<200x128xf32, #tpu.memory_space<vmem>>, vector<1x16xf32>,
        %parallel_loop3A_435 = vector.shape_cast %parallel_loop3A_434 : vector<1x16xf32> to vector<16xf32>
        %parallel_loop3A_436 = vector.shape_cast %parallel_loop3A_431 : vector<16xf32> to vector<1x16xf32>
        tpu.vector_store %arg7[%parallel_loop3A_432, %parallel_loop3A_433], %parallel_loop3A_436 {strides = array<i32>} : memref<200x128xf32, #tpu.memory_space<vmem>>, vector<1x16xf32>,
        %parallel_loop3A_437 = arith.index_cast %parallel_loop3A_422 : i32 to index
        %parallel_loop3A_438 = arith.constant 16 : index
        %parallel_loop3A_439 = tpu.vector_load %arg7[%parallel_loop3A_437, %parallel_loop3A_438] {strides = array<i32>} : memref<200x128xf32, #tpu.memory_space<vmem>>, vector<1x16xf32>,
        %parallel_loop3A_440 = vector.shape_cast %parallel_loop3A_439 : vector<1x16xf32> to vector<16xf32>
        %parallel_loop3A_441 = arith.index_cast %parallel_loop3A_422 : i32 to index
        %parallel_loop3A_442 = arith.constant 16 : index
        %parallel_loop3A_443 = tpu.vector_load %arg14[%parallel_loop3A_441, %parallel_loop3A_442] {strides = array<i32>} : memref<200x128xf32, #tpu.memory_space<vmem>>, vector<1x16xf32>,
        %parallel_loop3A_444 = vector.shape_cast %parallel_loop3A_443 : vector<1x16xf32> to vector<16xf32>
        %parallel_loop3A_445 = arith.addf %parallel_loop3A_440, %parallel_loop3A_444 : vector<16xf32>
        %parallel_loop3A_446 = arith.index_cast %parallel_loop3A_422 : i32 to index
        %parallel_loop3A_447 = arith.constant 16 : index
        %parallel_loop3A_448 = tpu.vector_load %arg7[%parallel_loop3A_446, %parallel_loop3A_447] {strides = array<i32>} : memref<200x128xf32, #tpu.memory_space<vmem>>, vector<1x16xf32>,
        %parallel_loop3A_449 = vector.shape_cast %parallel_loop3A_448 : vector<1x16xf32> to vector<16xf32>
        %parallel_loop3A_450 = vector.shape_cast %parallel_loop3A_445 : vector<16xf32> to vector<1x16xf32>
        tpu.vector_store %arg7[%parallel_loop3A_446, %parallel_loop3A_447], %parallel_loop3A_450 {strides = array<i32>} : memref<200x128xf32, #tpu.memory_space<vmem>>, vector<1x16xf32>,
        %parallel_loop3A_451 = arith.index_cast %parallel_loop3A_422 : i32 to index
        %parallel_loop3A_452 = arith.constant 32 : index
        %parallel_loop3A_453 = tpu.vector_load %arg7[%parallel_loop3A_451, %parallel_loop3A_452] {strides = array<i32>} : memref<200x128xf32, #tpu.memory_space<vmem>>, vector<1x16xf32>,
        %parallel_loop3A_454 = vector.shape_cast %parallel_loop3A_453 : vector<1x16xf32> to vector<16xf32>
        %parallel_loop3A_455 = arith.index_cast %parallel_loop3A_422 : i32 to index
        %parallel_loop3A_456 = arith.constant 32 : index
        %parallel_loop3A_457 = tpu.vector_load %arg14[%parallel_loop3A_455, %parallel_loop3A_456] {strides = array<i32>} : memref<200x128xf32, #tpu.memory_space<vmem>>, vector<1x16xf32>,
        %parallel_loop3A_458 = vector.shape_cast %parallel_loop3A_457 : vector<1x16xf32> to vector<16xf32>
        %parallel_loop3A_459 = arith.addf %parallel_loop3A_454, %parallel_loop3A_458 : vector<16xf32>
        %parallel_loop3A_460 = arith.index_cast %parallel_loop3A_422 : i32 to index
        %parallel_loop3A_461 = arith.constant 32 : index
        %parallel_loop3A_462 = tpu.vector_load %arg7[%parallel_loop3A_460, %parallel_loop3A_461] {strides = array<i32>} : memref<200x128xf32, #tpu.memory_space<vmem>>, vector<1x16xf32>,
        %parallel_loop3A_463 = vector.shape_cast %parallel_loop3A_462 : vector<1x16xf32> to vector<16xf32>
        %parallel_loop3A_464 = vector.shape_cast %parallel_loop3A_459 : vector<16xf32> to vector<1x16xf32>
        tpu.vector_store %arg7[%parallel_loop3A_460, %parallel_loop3A_461], %parallel_loop3A_464 {strides = array<i32>} : memref<200x128xf32, #tpu.memory_space<vmem>>, vector<1x16xf32>,
        %parallel_loop3A_465 = arith.index_cast %parallel_loop3A_422 : i32 to index
        %parallel_loop3A_466 = arith.constant 48 : index
        %parallel_loop3A_467 = tpu.vector_load %arg7[%parallel_loop3A_465, %parallel_loop3A_466] {strides = array<i32>} : memref<200x128xf32, #tpu.memory_space<vmem>>, vector<1x16xf32>,
        %parallel_loop3A_468 = vector.shape_cast %parallel_loop3A_467 : vector<1x16xf32> to vector<16xf32>
        %parallel_loop3A_469 = arith.index_cast %parallel_loop3A_422 : i32 to index
        %parallel_loop3A_470 = arith.constant 48 : index
        %parallel_loop3A_471 = tpu.vector_load %arg14[%parallel_loop3A_469, %parallel_loop3A_470] {strides = array<i32>} : memref<200x128xf32, #tpu.memory_space<vmem>>, vector<1x16xf32>,
        %parallel_loop3A_472 = vector.shape_cast %parallel_loop3A_471 : vector<1x16xf32> to vector<16xf32>
        %parallel_loop3A_473 = arith.addf %parallel_loop3A_468, %parallel_loop3A_472 : vector<16xf32>
        %parallel_loop3A_474 = arith.index_cast %parallel_loop3A_422 : i32 to index
        %parallel_loop3A_475 = arith.constant 48 : index
        %parallel_loop3A_476 = tpu.vector_load %arg7[%parallel_loop3A_474, %parallel_loop3A_475] {strides = array<i32>} : memref<200x128xf32, #tpu.memory_space<vmem>>, vector<1x16xf32>,
        %parallel_loop3A_477 = vector.shape_cast %parallel_loop3A_476 : vector<1x16xf32> to vector<16xf32>
        %parallel_loop3A_478 = vector.shape_cast %parallel_loop3A_473 : vector<16xf32> to vector<1x16xf32>
        tpu.vector_store %arg7[%parallel_loop3A_474, %parallel_loop3A_475], %parallel_loop3A_478 {strides = array<i32>} : memref<200x128xf32, #tpu.memory_space<vmem>>, vector<1x16xf32>,
        %parallel_loop3A_479 = arith.index_cast %parallel_loop3A_422 : i32 to index
        %parallel_loop3A_480 = arith.constant 64 : index
        %parallel_loop3A_481 = tpu.vector_load %arg7[%parallel_loop3A_479, %parallel_loop3A_480] {strides = array<i32>} : memref<200x128xf32, #tpu.memory_space<vmem>>, vector<1x16xf32>,
        %parallel_loop3A_482 = vector.shape_cast %parallel_loop3A_481 : vector<1x16xf32> to vector<16xf32>
        %parallel_loop3A_483 = arith.index_cast %parallel_loop3A_422 : i32 to index
        %parallel_loop3A_484 = arith.constant 64 : index
        %parallel_loop3A_485 = tpu.vector_load %arg14[%parallel_loop3A_483, %parallel_loop3A_484] {strides = array<i32>} : memref<200x128xf32, #tpu.memory_space<vmem>>, vector<1x16xf32>,
        %parallel_loop3A_486 = vector.shape_cast %parallel_loop3A_485 : vector<1x16xf32> to vector<16xf32>
        %parallel_loop3A_487 = arith.addf %parallel_loop3A_482, %parallel_loop3A_486 : vector<16xf32>
        %parallel_loop3A_488 = arith.index_cast %parallel_loop3A_422 : i32 to index
        %parallel_loop3A_489 = arith.constant 64 : index
        %parallel_loop3A_490 = tpu.vector_load %arg7[%parallel_loop3A_488, %parallel_loop3A_489] {strides = array<i32>} : memref<200x128xf32, #tpu.memory_space<vmem>>, vector<1x16xf32>,
        %parallel_loop3A_491 = vector.shape_cast %parallel_loop3A_490 : vector<1x16xf32> to vector<16xf32>
        %parallel_loop3A_492 = vector.shape_cast %parallel_loop3A_487 : vector<16xf32> to vector<1x16xf32>
        tpu.vector_store %arg7[%parallel_loop3A_488, %parallel_loop3A_489], %parallel_loop3A_492 {strides = array<i32>} : memref<200x128xf32, #tpu.memory_space<vmem>>, vector<1x16xf32>,
        %parallel_loop3A_493 = arith.index_cast %parallel_loop3A_422 : i32 to index
        %parallel_loop3A_494 = arith.constant 80 : index
        %parallel_loop3A_495 = tpu.vector_load %arg7[%parallel_loop3A_493, %parallel_loop3A_494] {strides = array<i32>} : memref<200x128xf32, #tpu.memory_space<vmem>>, vector<1x16xf32>,
        %parallel_loop3A_496 = vector.shape_cast %parallel_loop3A_495 : vector<1x16xf32> to vector<16xf32>
        %parallel_loop3A_497 = arith.index_cast %parallel_loop3A_422 : i32 to index
        %parallel_loop3A_498 = arith.constant 80 : index
        %parallel_loop3A_499 = tpu.vector_load %arg14[%parallel_loop3A_497, %parallel_loop3A_498] {strides = array<i32>} : memref<200x128xf32, #tpu.memory_space<vmem>>, vector<1x16xf32>,
        %parallel_loop3A_500 = vector.shape_cast %parallel_loop3A_499 : vector<1x16xf32> to vector<16xf32>
        %parallel_loop3A_501 = arith.addf %parallel_loop3A_496, %parallel_loop3A_500 : vector<16xf32>
        %parallel_loop3A_502 = arith.index_cast %parallel_loop3A_422 : i32 to index
        %parallel_loop3A_503 = arith.constant 80 : index
        %parallel_loop3A_504 = tpu.vector_load %arg7[%parallel_loop3A_502, %parallel_loop3A_503] {strides = array<i32>} : memref<200x128xf32, #tpu.memory_space<vmem>>, vector<1x16xf32>,
        %parallel_loop3A_505 = vector.shape_cast %parallel_loop3A_504 : vector<1x16xf32> to vector<16xf32>
        %parallel_loop3A_506 = vector.shape_cast %parallel_loop3A_501 : vector<16xf32> to vector<1x16xf32>
        tpu.vector_store %arg7[%parallel_loop3A_502, %parallel_loop3A_503], %parallel_loop3A_506 {strides = array<i32>} : memref<200x128xf32, #tpu.memory_space<vmem>>, vector<1x16xf32>,
        %parallel_loop3A_507 = arith.index_cast %parallel_loop3A_422 : i32 to index
        %parallel_loop3A_508 = arith.constant 96 : index
        %parallel_loop3A_509 = tpu.vector_load %arg7[%parallel_loop3A_507, %parallel_loop3A_508] {strides = array<i32>} : memref<200x128xf32, #tpu.memory_space<vmem>>, vector<1x16xf32>,
        %parallel_loop3A_510 = vector.shape_cast %parallel_loop3A_509 : vector<1x16xf32> to vector<16xf32>
        %parallel_loop3A_511 = arith.index_cast %parallel_loop3A_422 : i32 to index
        %parallel_loop3A_512 = arith.constant 96 : index
        %parallel_loop3A_513 = tpu.vector_load %arg14[%parallel_loop3A_511, %parallel_loop3A_512] {strides = array<i32>} : memref<200x128xf32, #tpu.memory_space<vmem>>, vector<1x16xf32>,
        %parallel_loop3A_514 = vector.shape_cast %parallel_loop3A_513 : vector<1x16xf32> to vector<16xf32>
        %parallel_loop3A_515 = arith.addf %parallel_loop3A_510, %parallel_loop3A_514 : vector<16xf32>
        %parallel_loop3A_516 = arith.index_cast %parallel_loop3A_422 : i32 to index
        %parallel_loop3A_517 = arith.constant 96 : index
        %parallel_loop3A_518 = tpu.vector_load %arg7[%parallel_loop3A_516, %parallel_loop3A_517] {strides = array<i32>} : memref<200x128xf32, #tpu.memory_space<vmem>>, vector<1x16xf32>,
        %parallel_loop3A_519 = vector.shape_cast %parallel_loop3A_518 : vector<1x16xf32> to vector<16xf32>
        %parallel_loop3A_520 = vector.shape_cast %parallel_loop3A_515 : vector<16xf32> to vector<1x16xf32>
        tpu.vector_store %arg7[%parallel_loop3A_516, %parallel_loop3A_517], %parallel_loop3A_520 {strides = array<i32>} : memref<200x128xf32, #tpu.memory_space<vmem>>, vector<1x16xf32>,
        %parallel_loop3A_521 = arith.index_cast %parallel_loop3A_422 : i32 to index
        %parallel_loop3A_522 = arith.constant 112 : index
        %parallel_loop3A_523 = tpu.vector_load %arg7[%parallel_loop3A_521, %parallel_loop3A_522] {strides = array<i32>} : memref<200x128xf32, #tpu.memory_space<vmem>>, vector<1x16xf32>,
        %parallel_loop3A_524 = vector.shape_cast %parallel_loop3A_523 : vector<1x16xf32> to vector<16xf32>
        %parallel_loop3A_525 = arith.index_cast %parallel_loop3A_422 : i32 to index
        %parallel_loop3A_526 = arith.constant 112 : index
        %parallel_loop3A_527 = tpu.vector_load %arg14[%parallel_loop3A_525, %parallel_loop3A_526] {strides = array<i32>} : memref<200x128xf32, #tpu.memory_space<vmem>>, vector<1x16xf32>,
        %parallel_loop3A_528 = vector.shape_cast %parallel_loop3A_527 : vector<1x16xf32> to vector<16xf32>
        %parallel_loop3A_529 = arith.addf %parallel_loop3A_524, %parallel_loop3A_528 : vector<16xf32>
        %parallel_loop3A_530 = arith.index_cast %parallel_loop3A_422 : i32 to index
        %parallel_loop3A_531 = arith.constant 112 : index
        %parallel_loop3A_532 = tpu.vector_load %arg7[%parallel_loop3A_530, %parallel_loop3A_531] {strides = array<i32>} : memref<200x128xf32, #tpu.memory_space<vmem>>, vector<1x16xf32>,
        %parallel_loop3A_533 = vector.shape_cast %parallel_loop3A_532 : vector<1x16xf32> to vector<16xf32>
        %parallel_loop3A_534 = vector.shape_cast %parallel_loop3A_529 : vector<16xf32> to vector<1x16xf32>
        tpu.vector_store %arg7[%parallel_loop3A_530, %parallel_loop3A_531], %parallel_loop3A_534 {strides = array<i32>} : memref<200x128xf32, #tpu.memory_space<vmem>>, vector<1x16xf32>,
      } {sc.loop_unroll_factor = 4 : i64, sc.parallel_access}
      %mul3A_335 = arith.constant 200 : i32
      %mul3A_336 = arith.muli %add3A_305, %mul3A_335 : i32
      %add3A_337 = arith.addi %mul3A_2, %mul3A_336 : i32
      %dma_start3A_338 = arith.constant 0 : i32
      %dma_start3A_339 = tpu.memref_slice %arg5[%add3A_337, %dma_start3A_338] : memref<819200x128xf32, #tpu.memory_space<hbm>> -> memref<200x128xf32, #tpu.memory_space<hbm>>
      %dma_start3A_340 = arith.constant 0 : i32
      %dma_start3A_341 = tpu.memref_slice %arg5[%add3A_337, %dma_start3A_340] : memref<819200x128xf32, #tpu.memory_space<hbm>> -> memref<200x128xf32, #tpu.memory_space<hbm>>
      tpu.enqueue_dma source(%arg7 : memref<200x128xf32, #tpu.memory_space<vmem>>) target(%dma_start3A_341 : memref<200x128xf32, #tpu.memory_space<hbm>>) target_semaphore(%arg24 : memref<!tpu.dma_semaphore, #tpu.memory_space<semaphore_mem>>)
      %mul3A_342 = arith.constant 4 : i32
      %mul3A_343 = arith.muli %scan3A_261, %mul3A_342 : i32
      %add3A_344 = arith.constant 2 : i32
      %add3A_345 = arith.addi %mul3A_343, %add3A_344 : i32
      %dma_wait3A_346 = arith.constant 0 : i32
      %dma_wait3A_347 = arith.constant 0 : i32
      %dma_wait3A_348 = tpu.memref_slice %arg3[%dma_wait3A_346, %dma_wait3A_347] : memref<100000x128xf32, #tpu.memory_space<hbm>> -> memref<200x128xf32, #tpu.memory_space<hbm>>
      %dma_wait3A_349 = arith.constant 0 : i32
      %dma_wait3A_350 = arith.constant 0 : i32
      %dma_wait3A_351 = tpu.memref_slice %arg3[%dma_wait3A_349, %dma_wait3A_350] : memref<100000x128xf32, #tpu.memory_space<hbm>> -> memref<200x128xf32, #tpu.memory_space<hbm>>
      tpu.wait_dma2 semaphore(%arg17 : memref<!tpu.dma_semaphore, #tpu.memory_space<semaphore_mem>>) src(%dma_wait3A_351 : memref<200x128xf32, #tpu.memory_space<hbm>>) dst(%arg8 : memref<200x128xf32, #tpu.memory_space<vmem>>)
      %add3A_352 = arith.constant 4 : i32
      %add3A_353 = arith.addi %add3A_345, %add3A_352 : i32
      %mul3A_354 = arith.constant 200 : i32
      %mul3A_355 = arith.muli %add3A_353, %mul3A_354 : i32
      %add3A_356 = arith.addi %mul3A_2, %mul3A_355 : i32
      %dma_start3A_357 = tpu.memref_slice %arg2[%add3A_356] : memref<819200xi32, #tpu.memory_space<hbm>> -> memref<200xi32, #tpu.memory_space<hbm>>
      %dma_start3A_358 = tpu.memref_slice %arg2[%add3A_356] : memref<819200xi32, #tpu.memory_space<hbm>> -> memref<200xi32, #tpu.memory_space<hbm>>
      tpu.enqueue_dma source(%dma_start3A_358 : memref<200xi32, #tpu.memory_space<hbm>>) target(%arg12 : memref<200xi32, #tpu.memory_space<vmem>>) target_semaphore(%arg21 : memref<!tpu.dma_semaphore, #tpu.memory_space<semaphore_mem>>)
      %dma_wait3A_359 = arith.constant 0 : i32
      %dma_wait3A_360 = arith.constant 0 : i32
      %dma_wait3A_361 = tpu.memref_slice %arg5[%dma_wait3A_359, %dma_wait3A_360] : memref<819200x128xf32, #tpu.memory_space<hbm>> -> memref<200x128xf32, #tpu.memory_space<hbm>>
      %dma_wait3A_362 = arith.constant 0 : i32
      %dma_wait3A_363 = arith.constant 0 : i32
      %dma_wait3A_364 = tpu.memref_slice %arg5[%dma_wait3A_362, %dma_wait3A_363] : memref<819200x128xf32, #tpu.memory_space<hbm>> -> memref<200x128xf32, #tpu.memory_space<hbm>>
      tpu.wait_dma2 semaphore(%arg23 : memref<!tpu.dma_semaphore, #tpu.memory_space<semaphore_mem>>) src(%arg6 : memref<200x128xf32, #tpu.memory_space<vmem>>) dst(%dma_wait3A_364 : memref<200x128xf32, #tpu.memory_space<hbm>>)
      %dma_wait3A_365 = arith.constant 0 : i32
      %dma_wait3A_366 = tpu.memref_slice %arg2[%dma_wait3A_365] : memref<819200xi32, #tpu.memory_space<hbm>> -> memref<200xi32, #tpu.memory_space<hbm>>
      %dma_wait3A_367 = arith.constant 0 : i32
      %dma_wait3A_368 = tpu.memref_slice %arg2[%dma_wait3A_367] : memref<819200xi32, #tpu.memory_space<hbm>> -> memref<200xi32, #tpu.memory_space<hbm>>
      tpu.wait_dma2 semaphore(%arg19 : memref<!tpu.dma_semaphore, #tpu.memory_space<semaphore_mem>>) src(%dma_wait3A_368 : memref<200xi32, #tpu.memory_space<hbm>>) dst(%arg10 : memref<200xi32, #tpu.memory_space<vmem>>)
      %dma_start3A_369 = arith.constant 0 : i32
      %dma_start3A_370 = arith.constant 0 : i32
      %dma_start3A_371 = tpu.memref_slice %arg3[%dma_start3A_369, %dma_start3A_370] : memref<100000x128xf32, #tpu.memory_space<hbm>> -> memref<100000x128xf32, #tpu.memory_space<hbm>>
      tpu.enqueue_indirect_dma source(%dma_start3A_371 : memref<100000x128xf32, #tpu.memory_space<hbm>>) target(%arg6 : memref<200x128xf32, #tpu.memory_space<vmem>>) offsets(%arg10 : memref<200xi32, #tpu.memory_space<vmem>>) semaphore(%arg15 : memref<!tpu.dma_semaphore, #tpu.memory_space<semaphore_mem>>)
      %parallel_loop3A_372 = arith.constant 0 : i32
      %parallel_loop3A_373 = arith.constant 200 : i32
      %parallel_loop3A_374 = arith.constant 1 : i32
      scf.for %parallel_loop3A_422 = %parallel_loop3A_372 to %parallel_loop3A_373 step %parallel_loop3A_374  : i32 {
        %parallel_loop3A_423 = arith.index_cast %parallel_loop3A_422 : i32 to index
        %parallel_loop3A_424 = arith.constant 0 : index
        %parallel_loop3A_425 = tpu.vector_load %arg8[%parallel_loop3A_423, %parallel_loop3A_424] {strides = array<i32>} : memref<200x128xf32, #tpu.memory_space<vmem>>, vector<1x16xf32>,
        %parallel_loop3A_426 = vector.shape_cast %parallel_loop3A_425 : vector<1x16xf32> to vector<16xf32>
        %parallel_loop3A_427 = arith.index_cast %parallel_loop3A_422 : i32 to index
        %parallel_loop3A_428 = arith.constant 0 : index
        %parallel_loop3A_429 = tpu.vector_load %arg14[%parallel_loop3A_427, %parallel_loop3A_428] {strides = array<i32>} : memref<200x128xf32, #tpu.memory_space<vmem>>, vector<1x16xf32>,
        %parallel_loop3A_430 = vector.shape_cast %parallel_loop3A_429 : vector<1x16xf32> to vector<16xf32>
        %parallel_loop3A_431 = arith.addf %parallel_loop3A_426, %parallel_loop3A_430 : vector<16xf32>
        %parallel_loop3A_432 = arith.index_cast %parallel_loop3A_422 : i32 to index
        %parallel_loop3A_433 = arith.constant 0 : index
        %parallel_loop3A_434 = tpu.vector_load %arg8[%parallel_loop3A_432, %parallel_loop3A_433] {strides = array<i32>} : memref<200x128xf32, #tpu.memory_space<vmem>>, vector<1x16xf32>,
        %parallel_loop3A_435 = vector.shape_cast %parallel_loop3A_434 : vector<1x16xf32> to vector<16xf32>
        %parallel_loop3A_436 = vector.shape_cast %parallel_loop3A_431 : vector<16xf32> to vector<1x16xf32>
        tpu.vector_store %arg8[%parallel_loop3A_432, %parallel_loop3A_433], %parallel_loop3A_436 {strides = array<i32>} : memref<200x128xf32, #tpu.memory_space<vmem>>, vector<1x16xf32>,
        %parallel_loop3A_437 = arith.index_cast %parallel_loop3A_422 : i32 to index
        %parallel_loop3A_438 = arith.constant 16 : index
        %parallel_loop3A_439 = tpu.vector_load %arg8[%parallel_loop3A_437, %parallel_loop3A_438] {strides = array<i32>} : memref<200x128xf32, #tpu.memory_space<vmem>>, vector<1x16xf32>,
        %parallel_loop3A_440 = vector.shape_cast %parallel_loop3A_439 : vector<1x16xf32> to vector<16xf32>
        %parallel_loop3A_441 = arith.index_cast %parallel_loop3A_422 : i32 to index
        %parallel_loop3A_442 = arith.constant 16 : index
        %parallel_loop3A_443 = tpu.vector_load %arg14[%parallel_loop3A_441, %parallel_loop3A_442] {strides = array<i32>} : memref<200x128xf32, #tpu.memory_space<vmem>>, vector<1x16xf32>,
        %parallel_loop3A_444 = vector.shape_cast %parallel_loop3A_443 : vector<1x16xf32> to vector<16xf32>
        %parallel_loop3A_445 = arith.addf %parallel_loop3A_440, %parallel_loop3A_444 : vector<16xf32>
        %parallel_loop3A_446 = arith.index_cast %parallel_loop3A_422 : i32 to index
        %parallel_loop3A_447 = arith.constant 16 : index
        %parallel_loop3A_448 = tpu.vector_load %arg8[%parallel_loop3A_446, %parallel_loop3A_447] {strides = array<i32>} : memref<200x128xf32, #tpu.memory_space<vmem>>, vector<1x16xf32>,
        %parallel_loop3A_449 = vector.shape_cast %parallel_loop3A_448 : vector<1x16xf32> to vector<16xf32>
        %parallel_loop3A_450 = vector.shape_cast %parallel_loop3A_445 : vector<16xf32> to vector<1x16xf32>
        tpu.vector_store %arg8[%parallel_loop3A_446, %parallel_loop3A_447], %parallel_loop3A_450 {strides = array<i32>} : memref<200x128xf32, #tpu.memory_space<vmem>>, vector<1x16xf32>,
        %parallel_loop3A_451 = arith.index_cast %parallel_loop3A_422 : i32 to index
        %parallel_loop3A_452 = arith.constant 32 : index
        %parallel_loop3A_453 = tpu.vector_load %arg8[%parallel_loop3A_451, %parallel_loop3A_452] {strides = array<i32>} : memref<200x128xf32, #tpu.memory_space<vmem>>, vector<1x16xf32>,
        %parallel_loop3A_454 = vector.shape_cast %parallel_loop3A_453 : vector<1x16xf32> to vector<16xf32>
        %parallel_loop3A_455 = arith.index_cast %parallel_loop3A_422 : i32 to index
        %parallel_loop3A_456 = arith.constant 32 : index
        %parallel_loop3A_457 = tpu.vector_load %arg14[%parallel_loop3A_455, %parallel_loop3A_456] {strides = array<i32>} : memref<200x128xf32, #tpu.memory_space<vmem>>, vector<1x16xf32>,
        %parallel_loop3A_458 = vector.shape_cast %parallel_loop3A_457 : vector<1x16xf32> to vector<16xf32>
        %parallel_loop3A_459 = arith.addf %parallel_loop3A_454, %parallel_loop3A_458 : vector<16xf32>
        %parallel_loop3A_460 = arith.index_cast %parallel_loop3A_422 : i32 to index
        %parallel_loop3A_461 = arith.constant 32 : index
        %parallel_loop3A_462 = tpu.vector_load %arg8[%parallel_loop3A_460, %parallel_loop3A_461] {strides = array<i32>} : memref<200x128xf32, #tpu.memory_space<vmem>>, vector<1x16xf32>,
        %parallel_loop3A_463 = vector.shape_cast %parallel_loop3A_462 : vector<1x16xf32> to vector<16xf32>
        %parallel_loop3A_464 = vector.shape_cast %parallel_loop3A_459 : vector<16xf32> to vector<1x16xf32>
        tpu.vector_store %arg8[%parallel_loop3A_460, %parallel_loop3A_461], %parallel_loop3A_464 {strides = array<i32>} : memref<200x128xf32, #tpu.memory_space<vmem>>, vector<1x16xf32>,
        %parallel_loop3A_465 = arith.index_cast %parallel_loop3A_422 : i32 to index
        %parallel_loop3A_466 = arith.constant 48 : index
        %parallel_loop3A_467 = tpu.vector_load %arg8[%parallel_loop3A_465, %parallel_loop3A_466] {strides = array<i32>} : memref<200x128xf32, #tpu.memory_space<vmem>>, vector<1x16xf32>,
        %parallel_loop3A_468 = vector.shape_cast %parallel_loop3A_467 : vector<1x16xf32> to vector<16xf32>
        %parallel_loop3A_469 = arith.index_cast %parallel_loop3A_422 : i32 to index
        %parallel_loop3A_470 = arith.constant 48 : index
        %parallel_loop3A_471 = tpu.vector_load %arg14[%parallel_loop3A_469, %parallel_loop3A_470] {strides = array<i32>} : memref<200x128xf32, #tpu.memory_space<vmem>>, vector<1x16xf32>,
        %parallel_loop3A_472 = vector.shape_cast %parallel_loop3A_471 : vector<1x16xf32> to vector<16xf32>
        %parallel_loop3A_473 = arith.addf %parallel_loop3A_468, %parallel_loop3A_472 : vector<16xf32>
        %parallel_loop3A_474 = arith.index_cast %parallel_loop3A_422 : i32 to index
        %parallel_loop3A_475 = arith.constant 48 : index
        %parallel_loop3A_476 = tpu.vector_load %arg8[%parallel_loop3A_474, %parallel_loop3A_475] {strides = array<i32>} : memref<200x128xf32, #tpu.memory_space<vmem>>, vector<1x16xf32>,
        %parallel_loop3A_477 = vector.shape_cast %parallel_loop3A_476 : vector<1x16xf32> to vector<16xf32>
        %parallel_loop3A_478 = vector.shape_cast %parallel_loop3A_473 : vector<16xf32> to vector<1x16xf32>
        tpu.vector_store %arg8[%parallel_loop3A_474, %parallel_loop3A_475], %parallel_loop3A_478 {strides = array<i32>} : memref<200x128xf32, #tpu.memory_space<vmem>>, vector<1x16xf32>,
        %parallel_loop3A_479 = arith.index_cast %parallel_loop3A_422 : i32 to index
        %parallel_loop3A_480 = arith.constant 64 : index
        %parallel_loop3A_481 = tpu.vector_load %arg8[%parallel_loop3A_479, %parallel_loop3A_480] {strides = array<i32>} : memref<200x128xf32, #tpu.memory_space<vmem>>, vector<1x16xf32>,
        %parallel_loop3A_482 = vector.shape_cast %parallel_loop3A_481 : vector<1x16xf32> to vector<16xf32>
        %parallel_loop3A_483 = arith.index_cast %parallel_loop3A_422 : i32 to index
        %parallel_loop3A_484 = arith.constant 64 : index
        %parallel_loop3A_485 = tpu.vector_load %arg14[%parallel_loop3A_483, %parallel_loop3A_484] {strides = array<i32>} : memref<200x128xf32, #tpu.memory_space<vmem>>, vector<1x16xf32>,
        %parallel_loop3A_486 = vector.shape_cast %parallel_loop3A_485 : vector<1x16xf32> to vector<16xf32>
        %parallel_loop3A_487 = arith.addf %parallel_loop3A_482, %parallel_loop3A_486 : vector<16xf32>
        %parallel_loop3A_488 = arith.index_cast %parallel_loop3A_422 : i32 to index
        %parallel_loop3A_489 = arith.constant 64 : index
        %parallel_loop3A_490 = tpu.vector_load %arg8[%parallel_loop3A_488, %parallel_loop3A_489] {strides = array<i32>} : memref<200x128xf32, #tpu.memory_space<vmem>>, vector<1x16xf32>,
        %parallel_loop3A_491 = vector.shape_cast %parallel_loop3A_490 : vector<1x16xf32> to vector<16xf32>
        %parallel_loop3A_492 = vector.shape_cast %parallel_loop3A_487 : vector<16xf32> to vector<1x16xf32>
        tpu.vector_store %arg8[%parallel_loop3A_488, %parallel_loop3A_489], %parallel_loop3A_492 {strides = array<i32>} : memref<200x128xf32, #tpu.memory_space<vmem>>, vector<1x16xf32>,
        %parallel_loop3A_493 = arith.index_cast %parallel_loop3A_422 : i32 to index
        %parallel_loop3A_494 = arith.constant 80 : index
        %parallel_loop3A_495 = tpu.vector_load %arg8[%parallel_loop3A_493, %parallel_loop3A_494] {strides = array<i32>} : memref<200x128xf32, #tpu.memory_space<vmem>>, vector<1x16xf32>,
        %parallel_loop3A_496 = vector.shape_cast %parallel_loop3A_495 : vector<1x16xf32> to vector<16xf32>
        %parallel_loop3A_497 = arith.index_cast %parallel_loop3A_422 : i32 to index
        %parallel_loop3A_498 = arith.constant 80 : index
        %parallel_loop3A_499 = tpu.vector_load %arg14[%parallel_loop3A_497, %parallel_loop3A_498] {strides = array<i32>} : memref<200x128xf32, #tpu.memory_space<vmem>>, vector<1x16xf32>,
        %parallel_loop3A_500 = vector.shape_cast %parallel_loop3A_499 : vector<1x16xf32> to vector<16xf32>
        %parallel_loop3A_501 = arith.addf %parallel_loop3A_496, %parallel_loop3A_500 : vector<16xf32>
        %parallel_loop3A_502 = arith.index_cast %parallel_loop3A_422 : i32 to index
        %parallel_loop3A_503 = arith.constant 80 : index
        %parallel_loop3A_504 = tpu.vector_load %arg8[%parallel_loop3A_502, %parallel_loop3A_503] {strides = array<i32>} : memref<200x128xf32, #tpu.memory_space<vmem>>, vector<1x16xf32>,
        %parallel_loop3A_505 = vector.shape_cast %parallel_loop3A_504 : vector<1x16xf32> to vector<16xf32>
        %parallel_loop3A_506 = vector.shape_cast %parallel_loop3A_501 : vector<16xf32> to vector<1x16xf32>
        tpu.vector_store %arg8[%parallel_loop3A_502, %parallel_loop3A_503], %parallel_loop3A_506 {strides = array<i32>} : memref<200x128xf32, #tpu.memory_space<vmem>>, vector<1x16xf32>,
        %parallel_loop3A_507 = arith.index_cast %parallel_loop3A_422 : i32 to index
        %parallel_loop3A_508 = arith.constant 96 : index
        %parallel_loop3A_509 = tpu.vector_load %arg8[%parallel_loop3A_507, %parallel_loop3A_508] {strides = array<i32>} : memref<200x128xf32, #tpu.memory_space<vmem>>, vector<1x16xf32>,
        %parallel_loop3A_510 = vector.shape_cast %parallel_loop3A_509 : vector<1x16xf32> to vector<16xf32>
        %parallel_loop3A_511 = arith.index_cast %parallel_loop3A_422 : i32 to index
        %parallel_loop3A_512 = arith.constant 96 : index
        %parallel_loop3A_513 = tpu.vector_load %arg14[%parallel_loop3A_511, %parallel_loop3A_512] {strides = array<i32>} : memref<200x128xf32, #tpu.memory_space<vmem>>, vector<1x16xf32>,
        %parallel_loop3A_514 = vector.shape_cast %parallel_loop3A_513 : vector<1x16xf32> to vector<16xf32>
        %parallel_loop3A_515 = arith.addf %parallel_loop3A_510, %parallel_loop3A_514 : vector<16xf32>
        %parallel_loop3A_516 = arith.index_cast %parallel_loop3A_422 : i32 to index
        %parallel_loop3A_517 = arith.constant 96 : index
        %parallel_loop3A_518 = tpu.vector_load %arg8[%parallel_loop3A_516, %parallel_loop3A_517] {strides = array<i32>} : memref<200x128xf32, #tpu.memory_space<vmem>>, vector<1x16xf32>,
        %parallel_loop3A_519 = vector.shape_cast %parallel_loop3A_518 : vector<1x16xf32> to vector<16xf32>
        %parallel_loop3A_520 = vector.shape_cast %parallel_loop3A_515 : vector<16xf32> to vector<1x16xf32>
        tpu.vector_store %arg8[%parallel_loop3A_516, %parallel_loop3A_517], %parallel_loop3A_520 {strides = array<i32>} : memref<200x128xf32, #tpu.memory_space<vmem>>, vector<1x16xf32>,
        %parallel_loop3A_521 = arith.index_cast %parallel_loop3A_422 : i32 to index
        %parallel_loop3A_522 = arith.constant 112 : index
        %parallel_loop3A_523 = tpu.vector_load %arg8[%parallel_loop3A_521, %parallel_loop3A_522] {strides = array<i32>} : memref<200x128xf32, #tpu.memory_space<vmem>>, vector<1x16xf32>,
        %parallel_loop3A_524 = vector.shape_cast %parallel_loop3A_523 : vector<1x16xf32> to vector<16xf32>
        %parallel_loop3A_525 = arith.index_cast %parallel_loop3A_422 : i32 to index
        %parallel_loop3A_526 = arith.constant 112 : index
        %parallel_loop3A_527 = tpu.vector_load %arg14[%parallel_loop3A_525, %parallel_loop3A_526] {strides = array<i32>} : memref<200x128xf32, #tpu.memory_space<vmem>>, vector<1x16xf32>,
        %parallel_loop3A_528 = vector.shape_cast %parallel_loop3A_527 : vector<1x16xf32> to vector<16xf32>
        %parallel_loop3A_529 = arith.addf %parallel_loop3A_524, %parallel_loop3A_528 : vector<16xf32>
        %parallel_loop3A_530 = arith.index_cast %parallel_loop3A_422 : i32 to index
        %parallel_loop3A_531 = arith.constant 112 : index
        %parallel_loop3A_532 = tpu.vector_load %arg8[%parallel_loop3A_530, %parallel_loop3A_531] {strides = array<i32>} : memref<200x128xf32, #tpu.memory_space<vmem>>, vector<1x16xf32>,
        %parallel_loop3A_533 = vector.shape_cast %parallel_loop3A_532 : vector<1x16xf32> to vector<16xf32>
        %parallel_loop3A_534 = vector.shape_cast %parallel_loop3A_529 : vector<16xf32> to vector<1x16xf32>
        tpu.vector_store %arg8[%parallel_loop3A_530, %parallel_loop3A_531], %parallel_loop3A_534 {strides = array<i32>} : memref<200x128xf32, #tpu.memory_space<vmem>>, vector<1x16xf32>,
      } {sc.loop_unroll_factor = 4 : i64, sc.parallel_access}
      %mul3A_375 = arith.constant 200 : i32
      %mul3A_376 = arith.muli %add3A_345, %mul3A_375 : i32
      %add3A_377 = arith.addi %mul3A_2, %mul3A_376 : i32
      %dma_start3A_378 = arith.constant 0 : i32
      %dma_start3A_379 = tpu.memref_slice %arg5[%add3A_377, %dma_start3A_378] : memref<819200x128xf32, #tpu.memory_space<hbm>> -> memref<200x128xf32, #tpu.memory_space<hbm>>
      %dma_start3A_380 = arith.constant 0 : i32
      %dma_start3A_381 = tpu.memref_slice %arg5[%add3A_377, %dma_start3A_380] : memref<819200x128xf32, #tpu.memory_space<hbm>> -> memref<200x128xf32, #tpu.memory_space<hbm>>
      tpu.enqueue_dma source(%arg8 : memref<200x128xf32, #tpu.memory_space<vmem>>) target(%dma_start3A_381 : memref<200x128xf32, #tpu.memory_space<hbm>>) target_semaphore(%arg25 : memref<!tpu.dma_semaphore, #tpu.memory_space<semaphore_mem>>)
      %mul3A_382 = arith.constant 4 : i32
      %mul3A_383 = arith.muli %scan3A_261, %mul3A_382 : i32
      %add3A_384 = arith.constant 3 : i32
      %add3A_385 = arith.addi %mul3A_383, %add3A_384 : i32
      %dma_wait3A_386 = arith.constant 0 : i32
      %dma_wait3A_387 = arith.constant 0 : i32
      %dma_wait3A_388 = tpu.memref_slice %arg3[%dma_wait3A_386, %dma_wait3A_387] : memref<100000x128xf32, #tpu.memory_space<hbm>> -> memref<200x128xf32, #tpu.memory_space<hbm>>
      %dma_wait3A_389 = arith.constant 0 : i32
      %dma_wait3A_390 = arith.constant 0 : i32
      %dma_wait3A_391 = tpu.memref_slice %arg3[%dma_wait3A_389, %dma_wait3A_390] : memref<100000x128xf32, #tpu.memory_space<hbm>> -> memref<200x128xf32, #tpu.memory_space<hbm>>
      tpu.wait_dma2 semaphore(%arg18 : memref<!tpu.dma_semaphore, #tpu.memory_space<semaphore_mem>>) src(%dma_wait3A_391 : memref<200x128xf32, #tpu.memory_space<hbm>>) dst(%arg9 : memref<200x128xf32, #tpu.memory_space<vmem>>)
      %add3A_392 = arith.constant 4 : i32
      %add3A_393 = arith.addi %add3A_385, %add3A_392 : i32
      %mul3A_394 = arith.constant 200 : i32
      %mul3A_395 = arith.muli %add3A_393, %mul3A_394 : i32
      %add3A_396 = arith.addi %mul3A_2, %mul3A_395 : i32
      %dma_start3A_397 = tpu.memref_slice %arg2[%add3A_396] : memref<819200xi32, #tpu.memory_space<hbm>> -> memref<200xi32, #tpu.memory_space<hbm>>
      %dma_start3A_398 = tpu.memref_slice %arg2[%add3A_396] : memref<819200xi32, #tpu.memory_space<hbm>> -> memref<200xi32, #tpu.memory_space<hbm>>
      tpu.enqueue_dma source(%dma_start3A_398 : memref<200xi32, #tpu.memory_space<hbm>>) target(%arg13 : memref<200xi32, #tpu.memory_space<vmem>>) target_semaphore(%arg22 : memref<!tpu.dma_semaphore, #tpu.memory_space<semaphore_mem>>)
      %dma_wait3A_399 = arith.constant 0 : i32
      %dma_wait3A_400 = arith.constant 0 : i32
      %dma_wait3A_401 = tpu.memref_slice %arg5[%dma_wait3A_399, %dma_wait3A_400] : memref<819200x128xf32, #tpu.memory_space<hbm>> -> memref<200x128xf32, #tpu.memory_space<hbm>>
      %dma_wait3A_402 = arith.constant 0 : i32
      %dma_wait3A_403 = arith.constant 0 : i32
      %dma_wait3A_404 = tpu.memref_slice %arg5[%dma_wait3A_402, %dma_wait3A_403] : memref<819200x128xf32, #tpu.memory_space<hbm>> -> memref<200x128xf32, #tpu.memory_space<hbm>>
      tpu.wait_dma2 semaphore(%arg24 : memref<!tpu.dma_semaphore, #tpu.memory_space<semaphore_mem>>) src(%arg7 : memref<200x128xf32, #tpu.memory_space<vmem>>) dst(%dma_wait3A_404 : memref<200x128xf32, #tpu.memory_space<hbm>>)
      %dma_wait3A_405 = arith.constant 0 : i32
      %dma_wait3A_406 = tpu.memref_slice %arg2[%dma_wait3A_405] : memref<819200xi32, #tpu.memory_space<hbm>> -> memref<200xi32, #tpu.memory_space<hbm>>
      %dma_wait3A_407 = arith.constant 0 : i32
      %dma_wait3A_408 = tpu.memref_slice %arg2[%dma_wait3A_407] : memref<819200xi32, #tpu.memory_space<hbm>> -> memref<200xi32, #tpu.memory_space<hbm>>
      tpu.wait_dma2 semaphore(%arg20 : memref<!tpu.dma_semaphore, #tpu.memory_space<semaphore_mem>>) src(%dma_wait3A_408 : memref<200xi32, #tpu.memory_space<hbm>>) dst(%arg11 : memref<200xi32, #tpu.memory_space<vmem>>)
      %dma_start3A_409 = arith.constant 0 : i32
      %dma_start3A_410 = arith.constant 0 : i32
      %dma_start3A_411 = tpu.memref_slice %arg3[%dma_start3A_409, %dma_start3A_410] : memref<100000x128xf32, #tpu.memory_space<hbm>> -> memref<100000x128xf32, #tpu.memory_space<hbm>>
      tpu.enqueue_indirect_dma source(%dma_start3A_411 : memref<100000x128xf32, #tpu.memory_space<hbm>>) target(%arg7 : memref<200x128xf32, #tpu.memory_space<vmem>>) offsets(%arg11 : memref<200xi32, #tpu.memory_space<vmem>>) semaphore(%arg16 : memref<!tpu.dma_semaphore, #tpu.memory_space<semaphore_mem>>)
      %parallel_loop3A_412 = arith.constant 0 : i32
      %parallel_loop3A_413 = arith.constant 200 : i32
      %parallel_loop3A_414 = arith.constant 1 : i32
      scf.for %parallel_loop3A_422 = %parallel_loop3A_412 to %parallel_loop3A_413 step %parallel_loop3A_414  : i32 {
        %parallel_loop3A_423 = arith.index_cast %parallel_loop3A_422 : i32 to index
        %parallel_loop3A_424 = arith.constant 0 : index
        %parallel_loop3A_425 = tpu.vector_load %arg9[%parallel_loop3A_423, %parallel_loop3A_424] {strides = array<i32>} : memref<200x128xf32, #tpu.memory_space<vmem>>, vector<1x16xf32>,
        %parallel_loop3A_426 = vector.shape_cast %parallel_loop3A_425 : vector<1x16xf32> to vector<16xf32>
        %parallel_loop3A_427 = arith.index_cast %parallel_loop3A_422 : i32 to index
        %parallel_loop3A_428 = arith.constant 0 : index
        %parallel_loop3A_429 = tpu.vector_load %arg14[%parallel_loop3A_427, %parallel_loop3A_428] {strides = array<i32>} : memref<200x128xf32, #tpu.memory_space<vmem>>, vector<1x16xf32>,
        %parallel_loop3A_430 = vector.shape_cast %parallel_loop3A_429 : vector<1x16xf32> to vector<16xf32>
        %parallel_loop3A_431 = arith.addf %parallel_loop3A_426, %parallel_loop3A_430 : vector<16xf32>
        %parallel_loop3A_432 = arith.index_cast %parallel_loop3A_422 : i32 to index
        %parallel_loop3A_433 = arith.constant 0 : index
        %parallel_loop3A_434 = tpu.vector_load %arg9[%parallel_loop3A_432, %parallel_loop3A_433] {strides = array<i32>} : memref<200x128xf32, #tpu.memory_space<vmem>>, vector<1x16xf32>,
        %parallel_loop3A_435 = vector.shape_cast %parallel_loop3A_434 : vector<1x16xf32> to vector<16xf32>
        %parallel_loop3A_436 = vector.shape_cast %parallel_loop3A_431 : vector<16xf32> to vector<1x16xf32>
        tpu.vector_store %arg9[%parallel_loop3A_432, %parallel_loop3A_433], %parallel_loop3A_436 {strides = array<i32>} : memref<200x128xf32, #tpu.memory_space<vmem>>, vector<1x16xf32>,
        %parallel_loop3A_437 = arith.index_cast %parallel_loop3A_422 : i32 to index
        %parallel_loop3A_438 = arith.constant 16 : index
        %parallel_loop3A_439 = tpu.vector_load %arg9[%parallel_loop3A_437, %parallel_loop3A_438] {strides = array<i32>} : memref<200x128xf32, #tpu.memory_space<vmem>>, vector<1x16xf32>,
        %parallel_loop3A_440 = vector.shape_cast %parallel_loop3A_439 : vector<1x16xf32> to vector<16xf32>
        %parallel_loop3A_441 = arith.index_cast %parallel_loop3A_422 : i32 to index
        %parallel_loop3A_442 = arith.constant 16 : index
        %parallel_loop3A_443 = tpu.vector_load %arg14[%parallel_loop3A_441, %parallel_loop3A_442] {strides = array<i32>} : memref<200x128xf32, #tpu.memory_space<vmem>>, vector<1x16xf32>,
        %parallel_loop3A_444 = vector.shape_cast %parallel_loop3A_443 : vector<1x16xf32> to vector<16xf32>
        %parallel_loop3A_445 = arith.addf %parallel_loop3A_440, %parallel_loop3A_444 : vector<16xf32>
        %parallel_loop3A_446 = arith.index_cast %parallel_loop3A_422 : i32 to index
        %parallel_loop3A_447 = arith.constant 16 : index
        %parallel_loop3A_448 = tpu.vector_load %arg9[%parallel_loop3A_446, %parallel_loop3A_447] {strides = array<i32>} : memref<200x128xf32, #tpu.memory_space<vmem>>, vector<1x16xf32>,
        %parallel_loop3A_449 = vector.shape_cast %parallel_loop3A_448 : vector<1x16xf32> to vector<16xf32>
        %parallel_loop3A_450 = vector.shape_cast %parallel_loop3A_445 : vector<16xf32> to vector<1x16xf32>
        tpu.vector_store %arg9[%parallel_loop3A_446, %parallel_loop3A_447], %parallel_loop3A_450 {strides = array<i32>} : memref<200x128xf32, #tpu.memory_space<vmem>>, vector<1x16xf32>,
        %parallel_loop3A_451 = arith.index_cast %parallel_loop3A_422 : i32 to index
        %parallel_loop3A_452 = arith.constant 32 : index
        %parallel_loop3A_453 = tpu.vector_load %arg9[%parallel_loop3A_451, %parallel_loop3A_452] {strides = array<i32>} : memref<200x128xf32, #tpu.memory_space<vmem>>, vector<1x16xf32>,
        %parallel_loop3A_454 = vector.shape_cast %parallel_loop3A_453 : vector<1x16xf32> to vector<16xf32>
        %parallel_loop3A_455 = arith.index_cast %parallel_loop3A_422 : i32 to index
        %parallel_loop3A_456 = arith.constant 32 : index
        %parallel_loop3A_457 = tpu.vector_load %arg14[%parallel_loop3A_455, %parallel_loop3A_456] {strides = array<i32>} : memref<200x128xf32, #tpu.memory_space<vmem>>, vector<1x16xf32>,
        %parallel_loop3A_458 = vector.shape_cast %parallel_loop3A_457 : vector<1x16xf32> to vector<16xf32>
        %parallel_loop3A_459 = arith.addf %parallel_loop3A_454, %parallel_loop3A_458 : vector<16xf32>
        %parallel_loop3A_460 = arith.index_cast %parallel_loop3A_422 : i32 to index
        %parallel_loop3A_461 = arith.constant 32 : index
        %parallel_loop3A_462 = tpu.vector_load %arg9[%parallel_loop3A_460, %parallel_loop3A_461] {strides = array<i32>} : memref<200x128xf32, #tpu.memory_space<vmem>>, vector<1x16xf32>,
        %parallel_loop3A_463 = vector.shape_cast %parallel_loop3A_462 : vector<1x16xf32> to vector<16xf32>
        %parallel_loop3A_464 = vector.shape_cast %parallel_loop3A_459 : vector<16xf32> to vector<1x16xf32>
        tpu.vector_store %arg9[%parallel_loop3A_460, %parallel_loop3A_461], %parallel_loop3A_464 {strides = array<i32>} : memref<200x128xf32, #tpu.memory_space<vmem>>, vector<1x16xf32>,
        %parallel_loop3A_465 = arith.index_cast %parallel_loop3A_422 : i32 to index
        %parallel_loop3A_466 = arith.constant 48 : index
        %parallel_loop3A_467 = tpu.vector_load %arg9[%parallel_loop3A_465, %parallel_loop3A_466] {strides = array<i32>} : memref<200x128xf32, #tpu.memory_space<vmem>>, vector<1x16xf32>,
        %parallel_loop3A_468 = vector.shape_cast %parallel_loop3A_467 : vector<1x16xf32> to vector<16xf32>
        %parallel_loop3A_469 = arith.index_cast %parallel_loop3A_422 : i32 to index
        %parallel_loop3A_470 = arith.constant 48 : index
        %parallel_loop3A_471 = tpu.vector_load %arg14[%parallel_loop3A_469, %parallel_loop3A_470] {strides = array<i32>} : memref<200x128xf32, #tpu.memory_space<vmem>>, vector<1x16xf32>,
        %parallel_loop3A_472 = vector.shape_cast %parallel_loop3A_471 : vector<1x16xf32> to vector<16xf32>
        %parallel_loop3A_473 = arith.addf %parallel_loop3A_468, %parallel_loop3A_472 : vector<16xf32>
        %parallel_loop3A_474 = arith.index_cast %parallel_loop3A_422 : i32 to index
        %parallel_loop3A_475 = arith.constant 48 : index
        %parallel_loop3A_476 = tpu.vector_load %arg9[%parallel_loop3A_474, %parallel_loop3A_475] {strides = array<i32>} : memref<200x128xf32, #tpu.memory_space<vmem>>, vector<1x16xf32>,
        %parallel_loop3A_477 = vector.shape_cast %parallel_loop3A_476 : vector<1x16xf32> to vector<16xf32>
        %parallel_loop3A_478 = vector.shape_cast %parallel_loop3A_473 : vector<16xf32> to vector<1x16xf32>
        tpu.vector_store %arg9[%parallel_loop3A_474, %parallel_loop3A_475], %parallel_loop3A_478 {strides = array<i32>} : memref<200x128xf32, #tpu.memory_space<vmem>>, vector<1x16xf32>,
        %parallel_loop3A_479 = arith.index_cast %parallel_loop3A_422 : i32 to index
        %parallel_loop3A_480 = arith.constant 64 : index
        %parallel_loop3A_481 = tpu.vector_load %arg9[%parallel_loop3A_479, %parallel_loop3A_480] {strides = array<i32>} : memref<200x128xf32, #tpu.memory_space<vmem>>, vector<1x16xf32>,
        %parallel_loop3A_482 = vector.shape_cast %parallel_loop3A_481 : vector<1x16xf32> to vector<16xf32>
        %parallel_loop3A_483 = arith.index_cast %parallel_loop3A_422 : i32 to index
        %parallel_loop3A_484 = arith.constant 64 : index
        %parallel_loop3A_485 = tpu.vector_load %arg14[%parallel_loop3A_483, %parallel_loop3A_484] {strides = array<i32>} : memref<200x128xf32, #tpu.memory_space<vmem>>, vector<1x16xf32>,
        %parallel_loop3A_486 = vector.shape_cast %parallel_loop3A_485 : vector<1x16xf32> to vector<16xf32>
        %parallel_loop3A_487 = arith.addf %parallel_loop3A_482, %parallel_loop3A_486 : vector<16xf32>
        %parallel_loop3A_488 = arith.index_cast %parallel_loop3A_422 : i32 to index
        %parallel_loop3A_489 = arith.constant 64 : index
        %parallel_loop3A_490 = tpu.vector_load %arg9[%parallel_loop3A_488, %parallel_loop3A_489] {strides = array<i32>} : memref<200x128xf32, #tpu.memory_space<vmem>>, vector<1x16xf32>,
        %parallel_loop3A_491 = vector.shape_cast %parallel_loop3A_490 : vector<1x16xf32> to vector<16xf32>
        %parallel_loop3A_492 = vector.shape_cast %parallel_loop3A_487 : vector<16xf32> to vector<1x16xf32>
        tpu.vector_store %arg9[%parallel_loop3A_488, %parallel_loop3A_489], %parallel_loop3A_492 {strides = array<i32>} : memref<200x128xf32, #tpu.memory_space<vmem>>, vector<1x16xf32>,
        %parallel_loop3A_493 = arith.index_cast %parallel_loop3A_422 : i32 to index
        %parallel_loop3A_494 = arith.constant 80 : index
        %parallel_loop3A_495 = tpu.vector_load %arg9[%parallel_loop3A_493, %parallel_loop3A_494] {strides = array<i32>} : memref<200x128xf32, #tpu.memory_space<vmem>>, vector<1x16xf32>,
        %parallel_loop3A_496 = vector.shape_cast %parallel_loop3A_495 : vector<1x16xf32> to vector<16xf32>
        %parallel_loop3A_497 = arith.index_cast %parallel_loop3A_422 : i32 to index
        %parallel_loop3A_498 = arith.constant 80 : index
        %parallel_loop3A_499 = tpu.vector_load %arg14[%parallel_loop3A_497, %parallel_loop3A_498] {strides = array<i32>} : memref<200x128xf32, #tpu.memory_space<vmem>>, vector<1x16xf32>,
        %parallel_loop3A_500 = vector.shape_cast %parallel_loop3A_499 : vector<1x16xf32> to vector<16xf32>
        %parallel_loop3A_501 = arith.addf %parallel_loop3A_496, %parallel_loop3A_500 : vector<16xf32>
        %parallel_loop3A_502 = arith.index_cast %parallel_loop3A_422 : i32 to index
        %parallel_loop3A_503 = arith.constant 80 : index
        %parallel_loop3A_504 = tpu.vector_load %arg9[%parallel_loop3A_502, %parallel_loop3A_503] {strides = array<i32>} : memref<200x128xf32, #tpu.memory_space<vmem>>, vector<1x16xf32>,
        %parallel_loop3A_505 = vector.shape_cast %parallel_loop3A_504 : vector<1x16xf32> to vector<16xf32>
        %parallel_loop3A_506 = vector.shape_cast %parallel_loop3A_501 : vector<16xf32> to vector<1x16xf32>
        tpu.vector_store %arg9[%parallel_loop3A_502, %parallel_loop3A_503], %parallel_loop3A_506 {strides = array<i32>} : memref<200x128xf32, #tpu.memory_space<vmem>>, vector<1x16xf32>,
        %parallel_loop3A_507 = arith.index_cast %parallel_loop3A_422 : i32 to index
        %parallel_loop3A_508 = arith.constant 96 : index
        %parallel_loop3A_509 = tpu.vector_load %arg9[%parallel_loop3A_507, %parallel_loop3A_508] {strides = array<i32>} : memref<200x128xf32, #tpu.memory_space<vmem>>, vector<1x16xf32>,
        %parallel_loop3A_510 = vector.shape_cast %parallel_loop3A_509 : vector<1x16xf32> to vector<16xf32>
        %parallel_loop3A_511 = arith.index_cast %parallel_loop3A_422 : i32 to index
        %parallel_loop3A_512 = arith.constant 96 : index
        %parallel_loop3A_513 = tpu.vector_load %arg14[%parallel_loop3A_511, %parallel_loop3A_512] {strides = array<i32>} : memref<200x128xf32, #tpu.memory_space<vmem>>, vector<1x16xf32>,
        %parallel_loop3A_514 = vector.shape_cast %parallel_loop3A_513 : vector<1x16xf32> to vector<16xf32>
        %parallel_loop3A_515 = arith.addf %parallel_loop3A_510, %parallel_loop3A_514 : vector<16xf32>
        %parallel_loop3A_516 = arith.index_cast %parallel_loop3A_422 : i32 to index
        %parallel_loop3A_517 = arith.constant 96 : index
        %parallel_loop3A_518 = tpu.vector_load %arg9[%parallel_loop3A_516, %parallel_loop3A_517] {strides = array<i32>} : memref<200x128xf32, #tpu.memory_space<vmem>>, vector<1x16xf32>,
        %parallel_loop3A_519 = vector.shape_cast %parallel_loop3A_518 : vector<1x16xf32> to vector<16xf32>
        %parallel_loop3A_520 = vector.shape_cast %parallel_loop3A_515 : vector<16xf32> to vector<1x16xf32>
        tpu.vector_store %arg9[%parallel_loop3A_516, %parallel_loop3A_517], %parallel_loop3A_520 {strides = array<i32>} : memref<200x128xf32, #tpu.memory_space<vmem>>, vector<1x16xf32>,
        %parallel_loop3A_521 = arith.index_cast %parallel_loop3A_422 : i32 to index
        %parallel_loop3A_522 = arith.constant 112 : index
        %parallel_loop3A_523 = tpu.vector_load %arg9[%parallel_loop3A_521, %parallel_loop3A_522] {strides = array<i32>} : memref<200x128xf32, #tpu.memory_space<vmem>>, vector<1x16xf32>,
        %parallel_loop3A_524 = vector.shape_cast %parallel_loop3A_523 : vector<1x16xf32> to vector<16xf32>
        %parallel_loop3A_525 = arith.index_cast %parallel_loop3A_422 : i32 to index
        %parallel_loop3A_526 = arith.constant 112 : index
        %parallel_loop3A_527 = tpu.vector_load %arg14[%parallel_loop3A_525, %parallel_loop3A_526] {strides = array<i32>} : memref<200x128xf32, #tpu.memory_space<vmem>>, vector<1x16xf32>,
        %parallel_loop3A_528 = vector.shape_cast %parallel_loop3A_527 : vector<1x16xf32> to vector<16xf32>
        %parallel_loop3A_529 = arith.addf %parallel_loop3A_524, %parallel_loop3A_528 : vector<16xf32>
        %parallel_loop3A_530 = arith.index_cast %parallel_loop3A_422 : i32 to index
        %parallel_loop3A_531 = arith.constant 112 : index
        %parallel_loop3A_532 = tpu.vector_load %arg9[%parallel_loop3A_530, %parallel_loop3A_531] {strides = array<i32>} : memref<200x128xf32, #tpu.memory_space<vmem>>, vector<1x16xf32>,
        %parallel_loop3A_533 = vector.shape_cast %parallel_loop3A_532 : vector<1x16xf32> to vector<16xf32>
        %parallel_loop3A_534 = vector.shape_cast %parallel_loop3A_529 : vector<16xf32> to vector<1x16xf32>
        tpu.vector_store %arg9[%parallel_loop3A_530, %parallel_loop3A_531], %parallel_loop3A_534 {strides = array<i32>} : memref<200x128xf32, #tpu.memory_space<vmem>>, vector<1x16xf32>,
      } {sc.loop_unroll_factor = 4 : i64, sc.parallel_access}
      %mul3A_415 = arith.constant 200 : i32
      %mul3A_416 = arith.muli %add3A_385, %mul3A_415 : i32
      %add3A_417 = arith.addi %mul3A_2, %mul3A_416 : i32
      %dma_start3A_418 = arith.constant 0 : i32
      %dma_start3A_419 = tpu.memref_slice %arg5[%add3A_417, %dma_start3A_418] : memref<819200x128xf32, #tpu.memory_space<hbm>> -> memref<200x128xf32, #tpu.memory_space<hbm>>
      %dma_start3A_420 = arith.constant 0 : i32
      %dma_start3A_421 = tpu.memref_slice %arg5[%add3A_417, %dma_start3A_420] : memref<819200x128xf32, #tpu.memory_space<hbm>> -> memref<200x128xf32, #tpu.memory_space<hbm>>
      tpu.enqueue_dma source(%arg9 : memref<200x128xf32, #tpu.memory_space<vmem>>) target(%dma_start3A_421 : memref<200x128xf32, #tpu.memory_space<hbm>>) target_semaphore(%arg26 : memref<!tpu.dma_semaphore, #tpu.memory_space<semaphore_mem>>)
    }
    %scan3A_150 = arith.constant 30 : i32
    %dma_wait3A_151 = arith.constant 0 : i32
    %dma_wait3A_152 = arith.constant 0 : i32
    %dma_wait3A_153 = tpu.memref_slice %arg3[%dma_wait3A_151, %dma_wait3A_152] : memref<100000x128xf32, #tpu.memory_space<hbm>> -> memref<200x128xf32, #tpu.memory_space<hbm>>
    %dma_wait3A_154 = arith.constant 0 : i32
    %dma_wait3A_155 = arith.constant 0 : i32
    %dma_wait3A_156 = tpu.memref_slice %arg3[%dma_wait3A_154, %dma_wait3A_155] : memref<100000x128xf32, #tpu.memory_space<hbm>> -> memref<200x128xf32, #tpu.memory_space<hbm>>
    tpu.wait_dma2 semaphore(%arg15 : memref<!tpu.dma_semaphore, #tpu.memory_space<semaphore_mem>>) src(%dma_wait3A_156 : memref<200x128xf32, #tpu.memory_space<hbm>>) dst(%arg6 : memref<200x128xf32, #tpu.memory_space<vmem>>)
    %dma_wait3A_157 = arith.constant 0 : i32
    %dma_wait3A_158 = arith.constant 0 : i32
    %dma_wait3A_159 = tpu.memref_slice %arg5[%dma_wait3A_157, %dma_wait3A_158] : memref<819200x128xf32, #tpu.memory_space<hbm>> -> memref<200x128xf32, #tpu.memory_space<hbm>>
    %dma_wait3A_160 = arith.constant 0 : i32
    %dma_wait3A_161 = arith.constant 0 : i32
    %dma_wait3A_162 = tpu.memref_slice %arg5[%dma_wait3A_160, %dma_wait3A_161] : memref<819200x128xf32, #tpu.memory_space<hbm>> -> memref<200x128xf32, #tpu.memory_space<hbm>>
    tpu.wait_dma2 semaphore(%arg25 : memref<!tpu.dma_semaphore, #tpu.memory_space<semaphore_mem>>) src(%arg8 : memref<200x128xf32, #tpu.memory_space<vmem>>) dst(%dma_wait3A_162 : memref<200x128xf32, #tpu.memory_space<hbm>>)
    %dma_wait3A_163 = arith.constant 0 : i32
    %dma_wait3A_164 = tpu.memref_slice %arg2[%dma_wait3A_163] : memref<819200xi32, #tpu.memory_space<hbm>> -> memref<200xi32, #tpu.memory_space<hbm>>
    %dma_wait3A_165 = arith.constant 0 : i32
    %dma_wait3A_166 = tpu.memref_slice %arg2[%dma_wait3A_165] : memref<819200xi32, #tpu.memory_space<hbm>> -> memref<200xi32, #tpu.memory_space<hbm>>
    tpu.wait_dma2 semaphore(%arg21 : memref<!tpu.dma_semaphore, #tpu.memory_space<semaphore_mem>>) src(%dma_wait3A_166 : memref<200xi32, #tpu.memory_space<hbm>>) dst(%arg12 : memref<200xi32, #tpu.memory_space<vmem>>)
    %dma_start3A_167 = arith.constant 0 : i32
    %dma_start3A_168 = arith.constant 0 : i32
    %dma_start3A_169 = tpu.memref_slice %arg3[%dma_start3A_167, %dma_start3A_168] : memref<100000x128xf32, #tpu.memory_space<hbm>> -> memref<100000x128xf32, #tpu.memory_space<hbm>>
    tpu.enqueue_indirect_dma source(%dma_start3A_169 : memref<100000x128xf32, #tpu.memory_space<hbm>>) target(%arg8 : memref<200x128xf32, #tpu.memory_space<vmem>>) offsets(%arg12 : memref<200xi32, #tpu.memory_space<vmem>>) semaphore(%arg17 : memref<!tpu.dma_semaphore, #tpu.memory_space<semaphore_mem>>)
    %parallel_loop3A_170 = arith.constant 0 : i32
    %parallel_loop3A_171 = arith.constant 200 : i32
    %parallel_loop3A_172 = arith.constant 1 : i32
    scf.for %parallel_loop3A_261 = %parallel_loop3A_170 to %parallel_loop3A_171 step %parallel_loop3A_172  : i32 {
      %parallel_loop3A_262 = arith.index_cast %parallel_loop3A_261 : i32 to index
      %parallel_loop3A_263 = arith.constant 0 : index
      %parallel_loop3A_264 = tpu.vector_load %arg6[%parallel_loop3A_262, %parallel_loop3A_263] {strides = array<i32>} : memref<200x128xf32, #tpu.memory_space<vmem>>, vector<1x16xf32>,
      %parallel_loop3A_265 = vector.shape_cast %parallel_loop3A_264 : vector<1x16xf32> to vector<16xf32>
      %parallel_loop3A_266 = arith.index_cast %parallel_loop3A_261 : i32 to index
      %parallel_loop3A_267 = arith.constant 0 : index
      %parallel_loop3A_268 = tpu.vector_load %arg14[%parallel_loop3A_266, %parallel_loop3A_267] {strides = array<i32>} : memref<200x128xf32, #tpu.memory_space<vmem>>, vector<1x16xf32>,
      %parallel_loop3A_269 = vector.shape_cast %parallel_loop3A_268 : vector<1x16xf32> to vector<16xf32>
      %parallel_loop3A_270 = arith.addf %parallel_loop3A_265, %parallel_loop3A_269 : vector<16xf32>
      %parallel_loop3A_271 = arith.index_cast %parallel_loop3A_261 : i32 to index
      %parallel_loop3A_272 = arith.constant 0 : index
      %parallel_loop3A_273 = tpu.vector_load %arg6[%parallel_loop3A_271, %parallel_loop3A_272] {strides = array<i32>} : memref<200x128xf32, #tpu.memory_space<vmem>>, vector<1x16xf32>,
      %parallel_loop3A_274 = vector.shape_cast %parallel_loop3A_273 : vector<1x16xf32> to vector<16xf32>
      %parallel_loop3A_275 = vector.shape_cast %parallel_loop3A_270 : vector<16xf32> to vector<1x16xf32>
      tpu.vector_store %arg6[%parallel_loop3A_271, %parallel_loop3A_272], %parallel_loop3A_275 {strides = array<i32>} : memref<200x128xf32, #tpu.memory_space<vmem>>, vector<1x16xf32>,
      %parallel_loop3A_276 = arith.index_cast %parallel_loop3A_261 : i32 to index
      %parallel_loop3A_277 = arith.constant 16 : index
      %parallel_loop3A_278 = tpu.vector_load %arg6[%parallel_loop3A_276, %parallel_loop3A_277] {strides = array<i32>} : memref<200x128xf32, #tpu.memory_space<vmem>>, vector<1x16xf32>,
      %parallel_loop3A_279 = vector.shape_cast %parallel_loop3A_278 : vector<1x16xf32> to vector<16xf32>
      %parallel_loop3A_280 = arith.index_cast %parallel_loop3A_261 : i32 to index
      %parallel_loop3A_281 = arith.constant 16 : index
      %parallel_loop3A_282 = tpu.vector_load %arg14[%parallel_loop3A_280, %parallel_loop3A_281] {strides = array<i32>} : memref<200x128xf32, #tpu.memory_space<vmem>>, vector<1x16xf32>,
      %parallel_loop3A_283 = vector.shape_cast %parallel_loop3A_282 : vector<1x16xf32> to vector<16xf32>
      %parallel_loop3A_284 = arith.addf %parallel_loop3A_279, %parallel_loop3A_283 : vector<16xf32>
      %parallel_loop3A_285 = arith.index_cast %parallel_loop3A_261 : i32 to index
      %parallel_loop3A_286 = arith.constant 16 : index
      %parallel_loop3A_287 = tpu.vector_load %arg6[%parallel_loop3A_285, %parallel_loop3A_286] {strides = array<i32>} : memref<200x128xf32, #tpu.memory_space<vmem>>, vector<1x16xf32>,
      %parallel_loop3A_288 = vector.shape_cast %parallel_loop3A_287 : vector<1x16xf32> to vector<16xf32>
      %parallel_loop3A_289 = vector.shape_cast %parallel_loop3A_284 : vector<16xf32> to vector<1x16xf32>
      tpu.vector_store %arg6[%parallel_loop3A_285, %parallel_loop3A_286], %parallel_loop3A_289 {strides = array<i32>} : memref<200x128xf32, #tpu.memory_space<vmem>>, vector<1x16xf32>,
      %parallel_loop3A_290 = arith.index_cast %parallel_loop3A_261 : i32 to index
      %parallel_loop3A_291 = arith.constant 32 : index
      %parallel_loop3A_292 = tpu.vector_load %arg6[%parallel_loop3A_290, %parallel_loop3A_291] {strides = array<i32>} : memref<200x128xf32, #tpu.memory_space<vmem>>, vector<1x16xf32>,
      %parallel_loop3A_293 = vector.shape_cast %parallel_loop3A_292 : vector<1x16xf32> to vector<16xf32>
      %parallel_loop3A_294 = arith.index_cast %parallel_loop3A_261 : i32 to index
      %parallel_loop3A_295 = arith.constant 32 : index
      %parallel_loop3A_296 = tpu.vector_load %arg14[%parallel_loop3A_294, %parallel_loop3A_295] {strides = array<i32>} : memref<200x128xf32, #tpu.memory_space<vmem>>, vector<1x16xf32>,
      %parallel_loop3A_297 = vector.shape_cast %parallel_loop3A_296 : vector<1x16xf32> to vector<16xf32>
      %parallel_loop3A_298 = arith.addf %parallel_loop3A_293, %parallel_loop3A_297 : vector<16xf32>
      %parallel_loop3A_299 = arith.index_cast %parallel_loop3A_261 : i32 to index
      %parallel_loop3A_300 = arith.constant 32 : index
      %parallel_loop3A_301 = tpu.vector_load %arg6[%parallel_loop3A_299, %parallel_loop3A_300] {strides = array<i32>} : memref<200x128xf32, #tpu.memory_space<vmem>>, vector<1x16xf32>,
      %parallel_loop3A_302 = vector.shape_cast %parallel_loop3A_301 : vector<1x16xf32> to vector<16xf32>
      %parallel_loop3A_303 = vector.shape_cast %parallel_loop3A_298 : vector<16xf32> to vector<1x16xf32>
      tpu.vector_store %arg6[%parallel_loop3A_299, %parallel_loop3A_300], %parallel_loop3A_303 {strides = array<i32>} : memref<200x128xf32, #tpu.memory_space<vmem>>, vector<1x16xf32>,
      %parallel_loop3A_304 = arith.index_cast %parallel_loop3A_261 : i32 to index
      %parallel_loop3A_305 = arith.constant 48 : index
      %parallel_loop3A_306 = tpu.vector_load %arg6[%parallel_loop3A_304, %parallel_loop3A_305] {strides = array<i32>} : memref<200x128xf32, #tpu.memory_space<vmem>>, vector<1x16xf32>,
      %parallel_loop3A_307 = vector.shape_cast %parallel_loop3A_306 : vector<1x16xf32> to vector<16xf32>
      %parallel_loop3A_308 = arith.index_cast %parallel_loop3A_261 : i32 to index
      %parallel_loop3A_309 = arith.constant 48 : index
      %parallel_loop3A_310 = tpu.vector_load %arg14[%parallel_loop3A_308, %parallel_loop3A_309] {strides = array<i32>} : memref<200x128xf32, #tpu.memory_space<vmem>>, vector<1x16xf32>,
      %parallel_loop3A_311 = vector.shape_cast %parallel_loop3A_310 : vector<1x16xf32> to vector<16xf32>
      %parallel_loop3A_312 = arith.addf %parallel_loop3A_307, %parallel_loop3A_311 : vector<16xf32>
      %parallel_loop3A_313 = arith.index_cast %parallel_loop3A_261 : i32 to index
      %parallel_loop3A_314 = arith.constant 48 : index
      %parallel_loop3A_315 = tpu.vector_load %arg6[%parallel_loop3A_313, %parallel_loop3A_314] {strides = array<i32>} : memref<200x128xf32, #tpu.memory_space<vmem>>, vector<1x16xf32>,
      %parallel_loop3A_316 = vector.shape_cast %parallel_loop3A_315 : vector<1x16xf32> to vector<16xf32>
      %parallel_loop3A_317 = vector.shape_cast %parallel_loop3A_312 : vector<16xf32> to vector<1x16xf32>
      tpu.vector_store %arg6[%parallel_loop3A_313, %parallel_loop3A_314], %parallel_loop3A_317 {strides = array<i32>} : memref<200x128xf32, #tpu.memory_space<vmem>>, vector<1x16xf32>,
      %parallel_loop3A_318 = arith.index_cast %parallel_loop3A_261 : i32 to index
      %parallel_loop3A_319 = arith.constant 64 : index
      %parallel_loop3A_320 = tpu.vector_load %arg6[%parallel_loop3A_318, %parallel_loop3A_319] {strides = array<i32>} : memref<200x128xf32, #tpu.memory_space<vmem>>, vector<1x16xf32>,
      %parallel_loop3A_321 = vector.shape_cast %parallel_loop3A_320 : vector<1x16xf32> to vector<16xf32>
      %parallel_loop3A_322 = arith.index_cast %parallel_loop3A_261 : i32 to index
      %parallel_loop3A_323 = arith.constant 64 : index
      %parallel_loop3A_324 = tpu.vector_load %arg14[%parallel_loop3A_322, %parallel_loop3A_323] {strides = array<i32>} : memref<200x128xf32, #tpu.memory_space<vmem>>, vector<1x16xf32>,
      %parallel_loop3A_325 = vector.shape_cast %parallel_loop3A_324 : vector<1x16xf32> to vector<16xf32>
      %parallel_loop3A_326 = arith.addf %parallel_loop3A_321, %parallel_loop3A_325 : vector<16xf32>
      %parallel_loop3A_327 = arith.index_cast %parallel_loop3A_261 : i32 to index
      %parallel_loop3A_328 = arith.constant 64 : index
      %parallel_loop3A_329 = tpu.vector_load %arg6[%parallel_loop3A_327, %parallel_loop3A_328] {strides = array<i32>} : memref<200x128xf32, #tpu.memory_space<vmem>>, vector<1x16xf32>,
      %parallel_loop3A_330 = vector.shape_cast %parallel_loop3A_329 : vector<1x16xf32> to vector<16xf32>
      %parallel_loop3A_331 = vector.shape_cast %parallel_loop3A_326 : vector<16xf32> to vector<1x16xf32>
      tpu.vector_store %arg6[%parallel_loop3A_327, %parallel_loop3A_328], %parallel_loop3A_331 {strides = array<i32>} : memref<200x128xf32, #tpu.memory_space<vmem>>, vector<1x16xf32>,
      %parallel_loop3A_332 = arith.index_cast %parallel_loop3A_261 : i32 to index
      %parallel_loop3A_333 = arith.constant 80 : index
      %parallel_loop3A_334 = tpu.vector_load %arg6[%parallel_loop3A_332, %parallel_loop3A_333] {strides = array<i32>} : memref<200x128xf32, #tpu.memory_space<vmem>>, vector<1x16xf32>,
      %parallel_loop3A_335 = vector.shape_cast %parallel_loop3A_334 : vector<1x16xf32> to vector<16xf32>
      %parallel_loop3A_336 = arith.index_cast %parallel_loop3A_261 : i32 to index
      %parallel_loop3A_337 = arith.constant 80 : index
      %parallel_loop3A_338 = tpu.vector_load %arg14[%parallel_loop3A_336, %parallel_loop3A_337] {strides = array<i32>} : memref<200x128xf32, #tpu.memory_space<vmem>>, vector<1x16xf32>,
      %parallel_loop3A_339 = vector.shape_cast %parallel_loop3A_338 : vector<1x16xf32> to vector<16xf32>
      %parallel_loop3A_340 = arith.addf %parallel_loop3A_335, %parallel_loop3A_339 : vector<16xf32>
      %parallel_loop3A_341 = arith.index_cast %parallel_loop3A_261 : i32 to index
      %parallel_loop3A_342 = arith.constant 80 : index
      %parallel_loop3A_343 = tpu.vector_load %arg6[%parallel_loop3A_341, %parallel_loop3A_342] {strides = array<i32>} : memref<200x128xf32, #tpu.memory_space<vmem>>, vector<1x16xf32>,
      %parallel_loop3A_344 = vector.shape_cast %parallel_loop3A_343 : vector<1x16xf32> to vector<16xf32>
      %parallel_loop3A_345 = vector.shape_cast %parallel_loop3A_340 : vector<16xf32> to vector<1x16xf32>
      tpu.vector_store %arg6[%parallel_loop3A_341, %parallel_loop3A_342], %parallel_loop3A_345 {strides = array<i32>} : memref<200x128xf32, #tpu.memory_space<vmem>>, vector<1x16xf32>,
      %parallel_loop3A_346 = arith.index_cast %parallel_loop3A_261 : i32 to index
      %parallel_loop3A_347 = arith.constant 96 : index
      %parallel_loop3A_348 = tpu.vector_load %arg6[%parallel_loop3A_346, %parallel_loop3A_347] {strides = array<i32>} : memref<200x128xf32, #tpu.memory_space<vmem>>, vector<1x16xf32>,
      %parallel_loop3A_349 = vector.shape_cast %parallel_loop3A_348 : vector<1x16xf32> to vector<16xf32>
      %parallel_loop3A_350 = arith.index_cast %parallel_loop3A_261 : i32 to index
      %parallel_loop3A_351 = arith.constant 96 : index
      %parallel_loop3A_352 = tpu.vector_load %arg14[%parallel_loop3A_350, %parallel_loop3A_351] {strides = array<i32>} : memref<200x128xf32, #tpu.memory_space<vmem>>, vector<1x16xf32>,
      %parallel_loop3A_353 = vector.shape_cast %parallel_loop3A_352 : vector<1x16xf32> to vector<16xf32>
      %parallel_loop3A_354 = arith.addf %parallel_loop3A_349, %parallel_loop3A_353 : vector<16xf32>
      %parallel_loop3A_355 = arith.index_cast %parallel_loop3A_261 : i32 to index
      %parallel_loop3A_356 = arith.constant 96 : index
      %parallel_loop3A_357 = tpu.vector_load %arg6[%parallel_loop3A_355, %parallel_loop3A_356] {strides = array<i32>} : memref<200x128xf32, #tpu.memory_space<vmem>>, vector<1x16xf32>,
      %parallel_loop3A_358 = vector.shape_cast %parallel_loop3A_357 : vector<1x16xf32> to vector<16xf32>
      %parallel_loop3A_359 = vector.shape_cast %parallel_loop3A_354 : vector<16xf32> to vector<1x16xf32>
      tpu.vector_store %arg6[%parallel_loop3A_355, %parallel_loop3A_356], %parallel_loop3A_359 {strides = array<i32>} : memref<200x128xf32, #tpu.memory_space<vmem>>, vector<1x16xf32>,
      %parallel_loop3A_360 = arith.index_cast %parallel_loop3A_261 : i32 to index
      %parallel_loop3A_361 = arith.constant 112 : index
      %parallel_loop3A_362 = tpu.vector_load %arg6[%parallel_loop3A_360, %parallel_loop3A_361] {strides = array<i32>} : memref<200x128xf32, #tpu.memory_space<vmem>>, vector<1x16xf32>,
      %parallel_loop3A_363 = vector.shape_cast %parallel_loop3A_362 : vector<1x16xf32> to vector<16xf32>
      %parallel_loop3A_364 = arith.index_cast %parallel_loop3A_261 : i32 to index
      %parallel_loop3A_365 = arith.constant 112 : index
      %parallel_loop3A_366 = tpu.vector_load %arg14[%parallel_loop3A_364, %parallel_loop3A_365] {strides = array<i32>} : memref<200x128xf32, #tpu.memory_space<vmem>>, vector<1x16xf32>,
      %parallel_loop3A_367 = vector.shape_cast %parallel_loop3A_366 : vector<1x16xf32> to vector<16xf32>
      %parallel_loop3A_368 = arith.addf %parallel_loop3A_363, %parallel_loop3A_367 : vector<16xf32>
      %parallel_loop3A_369 = arith.index_cast %parallel_loop3A_261 : i32 to index
      %parallel_loop3A_370 = arith.constant 112 : index
      %parallel_loop3A_371 = tpu.vector_load %arg6[%parallel_loop3A_369, %parallel_loop3A_370] {strides = array<i32>} : memref<200x128xf32, #tpu.memory_space<vmem>>, vector<1x16xf32>,
      %parallel_loop3A_372 = vector.shape_cast %parallel_loop3A_371 : vector<1x16xf32> to vector<16xf32>
      %parallel_loop3A_373 = vector.shape_cast %parallel_loop3A_368 : vector<16xf32> to vector<1x16xf32>
      tpu.vector_store %arg6[%parallel_loop3A_369, %parallel_loop3A_370], %parallel_loop3A_373 {strides = array<i32>} : memref<200x128xf32, #tpu.memory_space<vmem>>, vector<1x16xf32>,
    } {sc.loop_unroll_factor = 4 : i64, sc.parallel_access}
    %add3A_173 = arith.constant 24800 : i32
    %add3A_174 = arith.addi %mul3A_2, %add3A_173 : i32
    %dma_start3A_175 = arith.constant 0 : i32
    %dma_start3A_176 = tpu.memref_slice %arg5[%add3A_174, %dma_start3A_175] : memref<819200x128xf32, #tpu.memory_space<hbm>> -> memref<200x128xf32, #tpu.memory_space<hbm>>
    %dma_start3A_177 = arith.constant 0 : i32
    %dma_start3A_178 = tpu.memref_slice %arg5[%add3A_174, %dma_start3A_177] : memref<819200x128xf32, #tpu.memory_space<hbm>> -> memref<200x128xf32, #tpu.memory_space<hbm>>
    tpu.enqueue_dma source(%arg6 : memref<200x128xf32, #tpu.memory_space<vmem>>) target(%dma_start3A_178 : memref<200x128xf32, #tpu.memory_space<hbm>>) target_semaphore(%arg23 : memref<!tpu.dma_semaphore, #tpu.memory_space<semaphore_mem>>)
    %dma_wait3A_179 = arith.constant 0 : i32
    %dma_wait3A_180 = arith.constant 0 : i32
    %dma_wait3A_181 = tpu.memref_slice %arg3[%dma_wait3A_179, %dma_wait3A_180] : memref<100000x128xf32, #tpu.memory_space<hbm>> -> memref<200x128xf32, #tpu.memory_space<hbm>>
    %dma_wait3A_182 = arith.constant 0 : i32
    %dma_wait3A_183 = arith.constant 0 : i32
    %dma_wait3A_184 = tpu.memref_slice %arg3[%dma_wait3A_182, %dma_wait3A_183] : memref<100000x128xf32, #tpu.memory_space<hbm>> -> memref<200x128xf32, #tpu.memory_space<hbm>>
    tpu.wait_dma2 semaphore(%arg16 : memref<!tpu.dma_semaphore, #tpu.memory_space<semaphore_mem>>) src(%dma_wait3A_184 : memref<200x128xf32, #tpu.memory_space<hbm>>) dst(%arg7 : memref<200x128xf32, #tpu.memory_space<vmem>>)
    %dma_wait3A_185 = arith.constant 0 : i32
    %dma_wait3A_186 = arith.constant 0 : i32
    %dma_wait3A_187 = tpu.memref_slice %arg5[%dma_wait3A_185, %dma_wait3A_186] : memref<819200x128xf32, #tpu.memory_space<hbm>> -> memref<200x128xf32, #tpu.memory_space<hbm>>
    %dma_wait3A_188 = arith.constant 0 : i32
    %dma_wait3A_189 = arith.constant 0 : i32
    %dma_wait3A_190 = tpu.memref_slice %arg5[%dma_wait3A_188, %dma_wait3A_189] : memref<819200x128xf32, #tpu.memory_space<hbm>> -> memref<200x128xf32, #tpu.memory_space<hbm>>
    tpu.wait_dma2 semaphore(%arg26 : memref<!tpu.dma_semaphore, #tpu.memory_space<semaphore_mem>>) src(%arg9 : memref<200x128xf32, #tpu.memory_space<vmem>>) dst(%dma_wait3A_190 : memref<200x128xf32, #tpu.memory_space<hbm>>)
    %dma_wait3A_191 = arith.constant 0 : i32
    %dma_wait3A_192 = tpu.memref_slice %arg2[%dma_wait3A_191] : memref<819200xi32, #tpu.memory_space<hbm>> -> memref<200xi32, #tpu.memory_space<hbm>>
    %dma_wait3A_193 = arith.constant 0 : i32
    %dma_wait3A_194 = tpu.memref_slice %arg2[%dma_wait3A_193] : memref<819200xi32, #tpu.memory_space<hbm>> -> memref<200xi32, #tpu.memory_space<hbm>>
    tpu.wait_dma2 semaphore(%arg22 : memref<!tpu.dma_semaphore, #tpu.memory_space<semaphore_mem>>) src(%dma_wait3A_194 : memref<200xi32, #tpu.memory_space<hbm>>) dst(%arg13 : memref<200xi32, #tpu.memory_space<vmem>>)
    %dma_start3A_195 = arith.constant 0 : i32
    %dma_start3A_196 = arith.constant 0 : i32
    %dma_start3A_197 = tpu.memref_slice %arg3[%dma_start3A_195, %dma_start3A_196] : memref<100000x128xf32, #tpu.memory_space<hbm>> -> memref<100000x128xf32, #tpu.memory_space<hbm>>
    tpu.enqueue_indirect_dma source(%dma_start3A_197 : memref<100000x128xf32, #tpu.memory_space<hbm>>) target(%arg9 : memref<200x128xf32, #tpu.memory_space<vmem>>) offsets(%arg13 : memref<200xi32, #tpu.memory_space<vmem>>) semaphore(%arg18 : memref<!tpu.dma_semaphore, #tpu.memory_space<semaphore_mem>>)
    %parallel_loop3A_198 = arith.constant 0 : i32
    %parallel_loop3A_199 = arith.constant 200 : i32
    %parallel_loop3A_200 = arith.constant 1 : i32
    scf.for %parallel_loop3A_261 = %parallel_loop3A_198 to %parallel_loop3A_199 step %parallel_loop3A_200  : i32 {
      %parallel_loop3A_262 = arith.index_cast %parallel_loop3A_261 : i32 to index
      %parallel_loop3A_263 = arith.constant 0 : index
      %parallel_loop3A_264 = tpu.vector_load %arg7[%parallel_loop3A_262, %parallel_loop3A_263] {strides = array<i32>} : memref<200x128xf32, #tpu.memory_space<vmem>>, vector<1x16xf32>,
      %parallel_loop3A_265 = vector.shape_cast %parallel_loop3A_264 : vector<1x16xf32> to vector<16xf32>
      %parallel_loop3A_266 = arith.index_cast %parallel_loop3A_261 : i32 to index
      %parallel_loop3A_267 = arith.constant 0 : index
      %parallel_loop3A_268 = tpu.vector_load %arg14[%parallel_loop3A_266, %parallel_loop3A_267] {strides = array<i32>} : memref<200x128xf32, #tpu.memory_space<vmem>>, vector<1x16xf32>,
      %parallel_loop3A_269 = vector.shape_cast %parallel_loop3A_268 : vector<1x16xf32> to vector<16xf32>
      %parallel_loop3A_270 = arith.addf %parallel_loop3A_265, %parallel_loop3A_269 : vector<16xf32>
      %parallel_loop3A_271 = arith.index_cast %parallel_loop3A_261 : i32 to index
      %parallel_loop3A_272 = arith.constant 0 : index
      %parallel_loop3A_273 = tpu.vector_load %arg7[%parallel_loop3A_271, %parallel_loop3A_272] {strides = array<i32>} : memref<200x128xf32, #tpu.memory_space<vmem>>, vector<1x16xf32>,
      %parallel_loop3A_274 = vector.shape_cast %parallel_loop3A_273 : vector<1x16xf32> to vector<16xf32>
      %parallel_loop3A_275 = vector.shape_cast %parallel_loop3A_270 : vector<16xf32> to vector<1x16xf32>
      tpu.vector_store %arg7[%parallel_loop3A_271, %parallel_loop3A_272], %parallel_loop3A_275 {strides = array<i32>} : memref<200x128xf32, #tpu.memory_space<vmem>>, vector<1x16xf32>,
      %parallel_loop3A_276 = arith.index_cast %parallel_loop3A_261 : i32 to index
      %parallel_loop3A_277 = arith.constant 16 : index
      %parallel_loop3A_278 = tpu.vector_load %arg7[%parallel_loop3A_276, %parallel_loop3A_277] {strides = array<i32>} : memref<200x128xf32, #tpu.memory_space<vmem>>, vector<1x16xf32>,
      %parallel_loop3A_279 = vector.shape_cast %parallel_loop3A_278 : vector<1x16xf32> to vector<16xf32>
      %parallel_loop3A_280 = arith.index_cast %parallel_loop3A_261 : i32 to index
      %parallel_loop3A_281 = arith.constant 16 : index
      %parallel_loop3A_282 = tpu.vector_load %arg14[%parallel_loop3A_280, %parallel_loop3A_281] {strides = array<i32>} : memref<200x128xf32, #tpu.memory_space<vmem>>, vector<1x16xf32>,
      %parallel_loop3A_283 = vector.shape_cast %parallel_loop3A_282 : vector<1x16xf32> to vector<16xf32>
      %parallel_loop3A_284 = arith.addf %parallel_loop3A_279, %parallel_loop3A_283 : vector<16xf32>
      %parallel_loop3A_285 = arith.index_cast %parallel_loop3A_261 : i32 to index
      %parallel_loop3A_286 = arith.constant 16 : index
      %parallel_loop3A_287 = tpu.vector_load %arg7[%parallel_loop3A_285, %parallel_loop3A_286] {strides = array<i32>} : memref<200x128xf32, #tpu.memory_space<vmem>>, vector<1x16xf32>,
      %parallel_loop3A_288 = vector.shape_cast %parallel_loop3A_287 : vector<1x16xf32> to vector<16xf32>
      %parallel_loop3A_289 = vector.shape_cast %parallel_loop3A_284 : vector<16xf32> to vector<1x16xf32>
      tpu.vector_store %arg7[%parallel_loop3A_285, %parallel_loop3A_286], %parallel_loop3A_289 {strides = array<i32>} : memref<200x128xf32, #tpu.memory_space<vmem>>, vector<1x16xf32>,
      %parallel_loop3A_290 = arith.index_cast %parallel_loop3A_261 : i32 to index
      %parallel_loop3A_291 = arith.constant 32 : index
      %parallel_loop3A_292 = tpu.vector_load %arg7[%parallel_loop3A_290, %parallel_loop3A_291] {strides = array<i32>} : memref<200x128xf32, #tpu.memory_space<vmem>>, vector<1x16xf32>,
      %parallel_loop3A_293 = vector.shape_cast %parallel_loop3A_292 : vector<1x16xf32> to vector<16xf32>
      %parallel_loop3A_294 = arith.index_cast %parallel_loop3A_261 : i32 to index
      %parallel_loop3A_295 = arith.constant 32 : index
      %parallel_loop3A_296 = tpu.vector_load %arg14[%parallel_loop3A_294, %parallel_loop3A_295] {strides = array<i32>} : memref<200x128xf32, #tpu.memory_space<vmem>>, vector<1x16xf32>,
      %parallel_loop3A_297 = vector.shape_cast %parallel_loop3A_296 : vector<1x16xf32> to vector<16xf32>
      %parallel_loop3A_298 = arith.addf %parallel_loop3A_293, %parallel_loop3A_297 : vector<16xf32>
      %parallel_loop3A_299 = arith.index_cast %parallel_loop3A_261 : i32 to index
      %parallel_loop3A_300 = arith.constant 32 : index
      %parallel_loop3A_301 = tpu.vector_load %arg7[%parallel_loop3A_299, %parallel_loop3A_300] {strides = array<i32>} : memref<200x128xf32, #tpu.memory_space<vmem>>, vector<1x16xf32>,
      %parallel_loop3A_302 = vector.shape_cast %parallel_loop3A_301 : vector<1x16xf32> to vector<16xf32>
      %parallel_loop3A_303 = vector.shape_cast %parallel_loop3A_298 : vector<16xf32> to vector<1x16xf32>
      tpu.vector_store %arg7[%parallel_loop3A_299, %parallel_loop3A_300], %parallel_loop3A_303 {strides = array<i32>} : memref<200x128xf32, #tpu.memory_space<vmem>>, vector<1x16xf32>,
      %parallel_loop3A_304 = arith.index_cast %parallel_loop3A_261 : i32 to index
      %parallel_loop3A_305 = arith.constant 48 : index
      %parallel_loop3A_306 = tpu.vector_load %arg7[%parallel_loop3A_304, %parallel_loop3A_305] {strides = array<i32>} : memref<200x128xf32, #tpu.memory_space<vmem>>, vector<1x16xf32>,
      %parallel_loop3A_307 = vector.shape_cast %parallel_loop3A_306 : vector<1x16xf32> to vector<16xf32>
      %parallel_loop3A_308 = arith.index_cast %parallel_loop3A_261 : i32 to index
      %parallel_loop3A_309 = arith.constant 48 : index
      %parallel_loop3A_310 = tpu.vector_load %arg14[%parallel_loop3A_308, %parallel_loop3A_309] {strides = array<i32>} : memref<200x128xf32, #tpu.memory_space<vmem>>, vector<1x16xf32>,
      %parallel_loop3A_311 = vector.shape_cast %parallel_loop3A_310 : vector<1x16xf32> to vector<16xf32>
      %parallel_loop3A_312 = arith.addf %parallel_loop3A_307, %parallel_loop3A_311 : vector<16xf32>
      %parallel_loop3A_313 = arith.index_cast %parallel_loop3A_261 : i32 to index
      %parallel_loop3A_314 = arith.constant 48 : index
      %parallel_loop3A_315 = tpu.vector_load %arg7[%parallel_loop3A_313, %parallel_loop3A_314] {strides = array<i32>} : memref<200x128xf32, #tpu.memory_space<vmem>>, vector<1x16xf32>,
      %parallel_loop3A_316 = vector.shape_cast %parallel_loop3A_315 : vector<1x16xf32> to vector<16xf32>
      %parallel_loop3A_317 = vector.shape_cast %parallel_loop3A_312 : vector<16xf32> to vector<1x16xf32>
      tpu.vector_store %arg7[%parallel_loop3A_313, %parallel_loop3A_314], %parallel_loop3A_317 {strides = array<i32>} : memref<200x128xf32, #tpu.memory_space<vmem>>, vector<1x16xf32>,
      %parallel_loop3A_318 = arith.index_cast %parallel_loop3A_261 : i32 to index
      %parallel_loop3A_319 = arith.constant 64 : index
      %parallel_loop3A_320 = tpu.vector_load %arg7[%parallel_loop3A_318, %parallel_loop3A_319] {strides = array<i32>} : memref<200x128xf32, #tpu.memory_space<vmem>>, vector<1x16xf32>,
      %parallel_loop3A_321 = vector.shape_cast %parallel_loop3A_320 : vector<1x16xf32> to vector<16xf32>
      %parallel_loop3A_322 = arith.index_cast %parallel_loop3A_261 : i32 to index
      %parallel_loop3A_323 = arith.constant 64 : index
      %parallel_loop3A_324 = tpu.vector_load %arg14[%parallel_loop3A_322, %parallel_loop3A_323] {strides = array<i32>} : memref<200x128xf32, #tpu.memory_space<vmem>>, vector<1x16xf32>,
      %parallel_loop3A_325 = vector.shape_cast %parallel_loop3A_324 : vector<1x16xf32> to vector<16xf32>
      %parallel_loop3A_326 = arith.addf %parallel_loop3A_321, %parallel_loop3A_325 : vector<16xf32>
      %parallel_loop3A_327 = arith.index_cast %parallel_loop3A_261 : i32 to index
      %parallel_loop3A_328 = arith.constant 64 : index
      %parallel_loop3A_329 = tpu.vector_load %arg7[%parallel_loop3A_327, %parallel_loop3A_328] {strides = array<i32>} : memref<200x128xf32, #tpu.memory_space<vmem>>, vector<1x16xf32>,
      %parallel_loop3A_330 = vector.shape_cast %parallel_loop3A_329 : vector<1x16xf32> to vector<16xf32>
      %parallel_loop3A_331 = vector.shape_cast %parallel_loop3A_326 : vector<16xf32> to vector<1x16xf32>
      tpu.vector_store %arg7[%parallel_loop3A_327, %parallel_loop3A_328], %parallel_loop3A_331 {strides = array<i32>} : memref<200x128xf32, #tpu.memory_space<vmem>>, vector<1x16xf32>,
      %parallel_loop3A_332 = arith.index_cast %parallel_loop3A_261 : i32 to index
      %parallel_loop3A_333 = arith.constant 80 : index
      %parallel_loop3A_334 = tpu.vector_load %arg7[%parallel_loop3A_332, %parallel_loop3A_333] {strides = array<i32>} : memref<200x128xf32, #tpu.memory_space<vmem>>, vector<1x16xf32>,
      %parallel_loop3A_335 = vector.shape_cast %parallel_loop3A_334 : vector<1x16xf32> to vector<16xf32>
      %parallel_loop3A_336 = arith.index_cast %parallel_loop3A_261 : i32 to index
      %parallel_loop3A_337 = arith.constant 80 : index
      %parallel_loop3A_338 = tpu.vector_load %arg14[%parallel_loop3A_336, %parallel_loop3A_337] {strides = array<i32>} : memref<200x128xf32, #tpu.memory_space<vmem>>, vector<1x16xf32>,
      %parallel_loop3A_339 = vector.shape_cast %parallel_loop3A_338 : vector<1x16xf32> to vector<16xf32>
      %parallel_loop3A_340 = arith.addf %parallel_loop3A_335, %parallel_loop3A_339 : vector<16xf32>
      %parallel_loop3A_341 = arith.index_cast %parallel_loop3A_261 : i32 to index
      %parallel_loop3A_342 = arith.constant 80 : index
      %parallel_loop3A_343 = tpu.vector_load %arg7[%parallel_loop3A_341, %parallel_loop3A_342] {strides = array<i32>} : memref<200x128xf32, #tpu.memory_space<vmem>>, vector<1x16xf32>,
      %parallel_loop3A_344 = vector.shape_cast %parallel_loop3A_343 : vector<1x16xf32> to vector<16xf32>
      %parallel_loop3A_345 = vector.shape_cast %parallel_loop3A_340 : vector<16xf32> to vector<1x16xf32>
      tpu.vector_store %arg7[%parallel_loop3A_341, %parallel_loop3A_342], %parallel_loop3A_345 {strides = array<i32>} : memref<200x128xf32, #tpu.memory_space<vmem>>, vector<1x16xf32>,
      %parallel_loop3A_346 = arith.index_cast %parallel_loop3A_261 : i32 to index
      %parallel_loop3A_347 = arith.constant 96 : index
      %parallel_loop3A_348 = tpu.vector_load %arg7[%parallel_loop3A_346, %parallel_loop3A_347] {strides = array<i32>} : memref<200x128xf32, #tpu.memory_space<vmem>>, vector<1x16xf32>,
      %parallel_loop3A_349 = vector.shape_cast %parallel_loop3A_348 : vector<1x16xf32> to vector<16xf32>
      %parallel_loop3A_350 = arith.index_cast %parallel_loop3A_261 : i32 to index
      %parallel_loop3A_351 = arith.constant 96 : index
      %parallel_loop3A_352 = tpu.vector_load %arg14[%parallel_loop3A_350, %parallel_loop3A_351] {strides = array<i32>} : memref<200x128xf32, #tpu.memory_space<vmem>>, vector<1x16xf32>,
      %parallel_loop3A_353 = vector.shape_cast %parallel_loop3A_352 : vector<1x16xf32> to vector<16xf32>
      %parallel_loop3A_354 = arith.addf %parallel_loop3A_349, %parallel_loop3A_353 : vector<16xf32>
      %parallel_loop3A_355 = arith.index_cast %parallel_loop3A_261 : i32 to index
      %parallel_loop3A_356 = arith.constant 96 : index
      %parallel_loop3A_357 = tpu.vector_load %arg7[%parallel_loop3A_355, %parallel_loop3A_356] {strides = array<i32>} : memref<200x128xf32, #tpu.memory_space<vmem>>, vector<1x16xf32>,
      %parallel_loop3A_358 = vector.shape_cast %parallel_loop3A_357 : vector<1x16xf32> to vector<16xf32>
      %parallel_loop3A_359 = vector.shape_cast %parallel_loop3A_354 : vector<16xf32> to vector<1x16xf32>
      tpu.vector_store %arg7[%parallel_loop3A_355, %parallel_loop3A_356], %parallel_loop3A_359 {strides = array<i32>} : memref<200x128xf32, #tpu.memory_space<vmem>>, vector<1x16xf32>,
      %parallel_loop3A_360 = arith.index_cast %parallel_loop3A_261 : i32 to index
      %parallel_loop3A_361 = arith.constant 112 : index
      %parallel_loop3A_362 = tpu.vector_load %arg7[%parallel_loop3A_360, %parallel_loop3A_361] {strides = array<i32>} : memref<200x128xf32, #tpu.memory_space<vmem>>, vector<1x16xf32>,
      %parallel_loop3A_363 = vector.shape_cast %parallel_loop3A_362 : vector<1x16xf32> to vector<16xf32>
      %parallel_loop3A_364 = arith.index_cast %parallel_loop3A_261 : i32 to index
      %parallel_loop3A_365 = arith.constant 112 : index
      %parallel_loop3A_366 = tpu.vector_load %arg14[%parallel_loop3A_364, %parallel_loop3A_365] {strides = array<i32>} : memref<200x128xf32, #tpu.memory_space<vmem>>, vector<1x16xf32>,
      %parallel_loop3A_367 = vector.shape_cast %parallel_loop3A_366 : vector<1x16xf32> to vector<16xf32>
      %parallel_loop3A_368 = arith.addf %parallel_loop3A_363, %parallel_loop3A_367 : vector<16xf32>
      %parallel_loop3A_369 = arith.index_cast %parallel_loop3A_261 : i32 to index
      %parallel_loop3A_370 = arith.constant 112 : index
      %parallel_loop3A_371 = tpu.vector_load %arg7[%parallel_loop3A_369, %parallel_loop3A_370] {strides = array<i32>} : memref<200x128xf32, #tpu.memory_space<vmem>>, vector<1x16xf32>,
      %parallel_loop3A_372 = vector.shape_cast %parallel_loop3A_371 : vector<1x16xf32> to vector<16xf32>
      %parallel_loop3A_373 = vector.shape_cast %parallel_loop3A_368 : vector<16xf32> to vector<1x16xf32>
      tpu.vector_store %arg7[%parallel_loop3A_369, %parallel_loop3A_370], %parallel_loop3A_373 {strides = array<i32>} : memref<200x128xf32, #tpu.memory_space<vmem>>, vector<1x16xf32>,
    } {sc.loop_unroll_factor = 4 : i64, sc.parallel_access}
    %add3A_201 = arith.constant 25000 : i32
    %add3A_202 = arith.addi %mul3A_2, %add3A_201 : i32
    %dma_start3A_203 = arith.constant 0 : i32
    %dma_start3A_204 = tpu.memref_slice %arg5[%add3A_202, %dma_start3A_203] : memref<819200x128xf32, #tpu.memory_space<hbm>> -> memref<200x128xf32, #tpu.memory_space<hbm>>
    %dma_start3A_205 = arith.constant 0 : i32
    %dma_start3A_206 = tpu.memref_slice %arg5[%add3A_202, %dma_start3A_205] : memref<819200x128xf32, #tpu.memory_space<hbm>> -> memref<200x128xf32, #tpu.memory_space<hbm>>
    tpu.enqueue_dma source(%arg7 : memref<200x128xf32, #tpu.memory_space<vmem>>) target(%dma_start3A_206 : memref<200x128xf32, #tpu.memory_space<hbm>>) target_semaphore(%arg24 : memref<!tpu.dma_semaphore, #tpu.memory_space<semaphore_mem>>)
    %dma_wait3A_207 = arith.constant 0 : i32
    %dma_wait3A_208 = arith.constant 0 : i32
    %dma_wait3A_209 = tpu.memref_slice %arg3[%dma_wait3A_207, %dma_wait3A_208] : memref<100000x128xf32, #tpu.memory_space<hbm>> -> memref<200x128xf32, #tpu.memory_space<hbm>>
    %dma_wait3A_210 = arith.constant 0 : i32
    %dma_wait3A_211 = arith.constant 0 : i32
    %dma_wait3A_212 = tpu.memref_slice %arg3[%dma_wait3A_210, %dma_wait3A_211] : memref<100000x128xf32, #tpu.memory_space<hbm>> -> memref<200x128xf32, #tpu.memory_space<hbm>>
    tpu.wait_dma2 semaphore(%arg17 : memref<!tpu.dma_semaphore, #tpu.memory_space<semaphore_mem>>) src(%dma_wait3A_212 : memref<200x128xf32, #tpu.memory_space<hbm>>) dst(%arg8 : memref<200x128xf32, #tpu.memory_space<vmem>>)
    %parallel_loop3A_213 = arith.constant 0 : i32
    %parallel_loop3A_214 = arith.constant 200 : i32
    %parallel_loop3A_215 = arith.constant 1 : i32
    scf.for %parallel_loop3A_261 = %parallel_loop3A_213 to %parallel_loop3A_214 step %parallel_loop3A_215  : i32 {
      %parallel_loop3A_262 = arith.index_cast %parallel_loop3A_261 : i32 to index
      %parallel_loop3A_263 = arith.constant 0 : index
      %parallel_loop3A_264 = tpu.vector_load %arg8[%parallel_loop3A_262, %parallel_loop3A_263] {strides = array<i32>} : memref<200x128xf32, #tpu.memory_space<vmem>>, vector<1x16xf32>,
      %parallel_loop3A_265 = vector.shape_cast %parallel_loop3A_264 : vector<1x16xf32> to vector<16xf32>
      %parallel_loop3A_266 = arith.index_cast %parallel_loop3A_261 : i32 to index
      %parallel_loop3A_267 = arith.constant 0 : index
      %parallel_loop3A_268 = tpu.vector_load %arg14[%parallel_loop3A_266, %parallel_loop3A_267] {strides = array<i32>} : memref<200x128xf32, #tpu.memory_space<vmem>>, vector<1x16xf32>,
      %parallel_loop3A_269 = vector.shape_cast %parallel_loop3A_268 : vector<1x16xf32> to vector<16xf32>
      %parallel_loop3A_270 = arith.addf %parallel_loop3A_265, %parallel_loop3A_269 : vector<16xf32>
      %parallel_loop3A_271 = arith.index_cast %parallel_loop3A_261 : i32 to index
      %parallel_loop3A_272 = arith.constant 0 : index
      %parallel_loop3A_273 = tpu.vector_load %arg8[%parallel_loop3A_271, %parallel_loop3A_272] {strides = array<i32>} : memref<200x128xf32, #tpu.memory_space<vmem>>, vector<1x16xf32>,
      %parallel_loop3A_274 = vector.shape_cast %parallel_loop3A_273 : vector<1x16xf32> to vector<16xf32>
      %parallel_loop3A_275 = vector.shape_cast %parallel_loop3A_270 : vector<16xf32> to vector<1x16xf32>
      tpu.vector_store %arg8[%parallel_loop3A_271, %parallel_loop3A_272], %parallel_loop3A_275 {strides = array<i32>} : memref<200x128xf32, #tpu.memory_space<vmem>>, vector<1x16xf32>,
      %parallel_loop3A_276 = arith.index_cast %parallel_loop3A_261 : i32 to index
      %parallel_loop3A_277 = arith.constant 16 : index
      %parallel_loop3A_278 = tpu.vector_load %arg8[%parallel_loop3A_276, %parallel_loop3A_277] {strides = array<i32>} : memref<200x128xf32, #tpu.memory_space<vmem>>, vector<1x16xf32>,
      %parallel_loop3A_279 = vector.shape_cast %parallel_loop3A_278 : vector<1x16xf32> to vector<16xf32>
      %parallel_loop3A_280 = arith.index_cast %parallel_loop3A_261 : i32 to index
      %parallel_loop3A_281 = arith.constant 16 : index
      %parallel_loop3A_282 = tpu.vector_load %arg14[%parallel_loop3A_280, %parallel_loop3A_281] {strides = array<i32>} : memref<200x128xf32, #tpu.memory_space<vmem>>, vector<1x16xf32>,
      %parallel_loop3A_283 = vector.shape_cast %parallel_loop3A_282 : vector<1x16xf32> to vector<16xf32>
      %parallel_loop3A_284 = arith.addf %parallel_loop3A_279, %parallel_loop3A_283 : vector<16xf32>
      %parallel_loop3A_285 = arith.index_cast %parallel_loop3A_261 : i32 to index
      %parallel_loop3A_286 = arith.constant 16 : index
      %parallel_loop3A_287 = tpu.vector_load %arg8[%parallel_loop3A_285, %parallel_loop3A_286] {strides = array<i32>} : memref<200x128xf32, #tpu.memory_space<vmem>>, vector<1x16xf32>,
      %parallel_loop3A_288 = vector.shape_cast %parallel_loop3A_287 : vector<1x16xf32> to vector<16xf32>
      %parallel_loop3A_289 = vector.shape_cast %parallel_loop3A_284 : vector<16xf32> to vector<1x16xf32>
      tpu.vector_store %arg8[%parallel_loop3A_285, %parallel_loop3A_286], %parallel_loop3A_289 {strides = array<i32>} : memref<200x128xf32, #tpu.memory_space<vmem>>, vector<1x16xf32>,
      %parallel_loop3A_290 = arith.index_cast %parallel_loop3A_261 : i32 to index
      %parallel_loop3A_291 = arith.constant 32 : index
      %parallel_loop3A_292 = tpu.vector_load %arg8[%parallel_loop3A_290, %parallel_loop3A_291] {strides = array<i32>} : memref<200x128xf32, #tpu.memory_space<vmem>>, vector<1x16xf32>,
      %parallel_loop3A_293 = vector.shape_cast %parallel_loop3A_292 : vector<1x16xf32> to vector<16xf32>
      %parallel_loop3A_294 = arith.index_cast %parallel_loop3A_261 : i32 to index
      %parallel_loop3A_295 = arith.constant 32 : index
      %parallel_loop3A_296 = tpu.vector_load %arg14[%parallel_loop3A_294, %parallel_loop3A_295] {strides = array<i32>} : memref<200x128xf32, #tpu.memory_space<vmem>>, vector<1x16xf32>,
      %parallel_loop3A_297 = vector.shape_cast %parallel_loop3A_296 : vector<1x16xf32> to vector<16xf32>
      %parallel_loop3A_298 = arith.addf %parallel_loop3A_293, %parallel_loop3A_297 : vector<16xf32>
      %parallel_loop3A_299 = arith.index_cast %parallel_loop3A_261 : i32 to index
      %parallel_loop3A_300 = arith.constant 32 : index
      %parallel_loop3A_301 = tpu.vector_load %arg8[%parallel_loop3A_299, %parallel_loop3A_300] {strides = array<i32>} : memref<200x128xf32, #tpu.memory_space<vmem>>, vector<1x16xf32>,
      %parallel_loop3A_302 = vector.shape_cast %parallel_loop3A_301 : vector<1x16xf32> to vector<16xf32>
      %parallel_loop3A_303 = vector.shape_cast %parallel_loop3A_298 : vector<16xf32> to vector<1x16xf32>
      tpu.vector_store %arg8[%parallel_loop3A_299, %parallel_loop3A_300], %parallel_loop3A_303 {strides = array<i32>} : memref<200x128xf32, #tpu.memory_space<vmem>>, vector<1x16xf32>,
      %parallel_loop3A_304 = arith.index_cast %parallel_loop3A_261 : i32 to index
      %parallel_loop3A_305 = arith.constant 48 : index
      %parallel_loop3A_306 = tpu.vector_load %arg8[%parallel_loop3A_304, %parallel_loop3A_305] {strides = array<i32>} : memref<200x128xf32, #tpu.memory_space<vmem>>, vector<1x16xf32>,
      %parallel_loop3A_307 = vector.shape_cast %parallel_loop3A_306 : vector<1x16xf32> to vector<16xf32>
      %parallel_loop3A_308 = arith.index_cast %parallel_loop3A_261 : i32 to index
      %parallel_loop3A_309 = arith.constant 48 : index
      %parallel_loop3A_310 = tpu.vector_load %arg14[%parallel_loop3A_308, %parallel_loop3A_309] {strides = array<i32>} : memref<200x128xf32, #tpu.memory_space<vmem>>, vector<1x16xf32>,
      %parallel_loop3A_311 = vector.shape_cast %parallel_loop3A_310 : vector<1x16xf32> to vector<16xf32>
      %parallel_loop3A_312 = arith.addf %parallel_loop3A_307, %parallel_loop3A_311 : vector<16xf32>
      %parallel_loop3A_313 = arith.index_cast %parallel_loop3A_261 : i32 to index
      %parallel_loop3A_314 = arith.constant 48 : index
      %parallel_loop3A_315 = tpu.vector_load %arg8[%parallel_loop3A_313, %parallel_loop3A_314] {strides = array<i32>} : memref<200x128xf32, #tpu.memory_space<vmem>>, vector<1x16xf32>,
      %parallel_loop3A_316 = vector.shape_cast %parallel_loop3A_315 : vector<1x16xf32> to vector<16xf32>
      %parallel_loop3A_317 = vector.shape_cast %parallel_loop3A_312 : vector<16xf32> to vector<1x16xf32>
      tpu.vector_store %arg8[%parallel_loop3A_313, %parallel_loop3A_314], %parallel_loop3A_317 {strides = array<i32>} : memref<200x128xf32, #tpu.memory_space<vmem>>, vector<1x16xf32>,
      %parallel_loop3A_318 = arith.index_cast %parallel_loop3A_261 : i32 to index
      %parallel_loop3A_319 = arith.constant 64 : index
      %parallel_loop3A_320 = tpu.vector_load %arg8[%parallel_loop3A_318, %parallel_loop3A_319] {strides = array<i32>} : memref<200x128xf32, #tpu.memory_space<vmem>>, vector<1x16xf32>,
      %parallel_loop3A_321 = vector.shape_cast %parallel_loop3A_320 : vector<1x16xf32> to vector<16xf32>
      %parallel_loop3A_322 = arith.index_cast %parallel_loop3A_261 : i32 to index
      %parallel_loop3A_323 = arith.constant 64 : index
      %parallel_loop3A_324 = tpu.vector_load %arg14[%parallel_loop3A_322, %parallel_loop3A_323] {strides = array<i32>} : memref<200x128xf32, #tpu.memory_space<vmem>>, vector<1x16xf32>,
      %parallel_loop3A_325 = vector.shape_cast %parallel_loop3A_324 : vector<1x16xf32> to vector<16xf32>
      %parallel_loop3A_326 = arith.addf %parallel_loop3A_321, %parallel_loop3A_325 : vector<16xf32>
      %parallel_loop3A_327 = arith.index_cast %parallel_loop3A_261 : i32 to index
      %parallel_loop3A_328 = arith.constant 64 : index
      %parallel_loop3A_329 = tpu.vector_load %arg8[%parallel_loop3A_327, %parallel_loop3A_328] {strides = array<i32>} : memref<200x128xf32, #tpu.memory_space<vmem>>, vector<1x16xf32>,
      %parallel_loop3A_330 = vector.shape_cast %parallel_loop3A_329 : vector<1x16xf32> to vector<16xf32>
      %parallel_loop3A_331 = vector.shape_cast %parallel_loop3A_326 : vector<16xf32> to vector<1x16xf32>
      tpu.vector_store %arg8[%parallel_loop3A_327, %parallel_loop3A_328], %parallel_loop3A_331 {strides = array<i32>} : memref<200x128xf32, #tpu.memory_space<vmem>>, vector<1x16xf32>,
      %parallel_loop3A_332 = arith.index_cast %parallel_loop3A_261 : i32 to index
      %parallel_loop3A_333 = arith.constant 80 : index
      %parallel_loop3A_334 = tpu.vector_load %arg8[%parallel_loop3A_332, %parallel_loop3A_333] {strides = array<i32>} : memref<200x128xf32, #tpu.memory_space<vmem>>, vector<1x16xf32>,
      %parallel_loop3A_335 = vector.shape_cast %parallel_loop3A_334 : vector<1x16xf32> to vector<16xf32>
      %parallel_loop3A_336 = arith.index_cast %parallel_loop3A_261 : i32 to index
      %parallel_loop3A_337 = arith.constant 80 : index
      %parallel_loop3A_338 = tpu.vector_load %arg14[%parallel_loop3A_336, %parallel_loop3A_337] {strides = array<i32>} : memref<200x128xf32, #tpu.memory_space<vmem>>, vector<1x16xf32>,
      %parallel_loop3A_339 = vector.shape_cast %parallel_loop3A_338 : vector<1x16xf32> to vector<16xf32>
      %parallel_loop3A_340 = arith.addf %parallel_loop3A_335, %parallel_loop3A_339 : vector<16xf32>
      %parallel_loop3A_341 = arith.index_cast %parallel_loop3A_261 : i32 to index
      %parallel_loop3A_342 = arith.constant 80 : index
      %parallel_loop3A_343 = tpu.vector_load %arg8[%parallel_loop3A_341, %parallel_loop3A_342] {strides = array<i32>} : memref<200x128xf32, #tpu.memory_space<vmem>>, vector<1x16xf32>,
      %parallel_loop3A_344 = vector.shape_cast %parallel_loop3A_343 : vector<1x16xf32> to vector<16xf32>
      %parallel_loop3A_345 = vector.shape_cast %parallel_loop3A_340 : vector<16xf32> to vector<1x16xf32>
      tpu.vector_store %arg8[%parallel_loop3A_341, %parallel_loop3A_342], %parallel_loop3A_345 {strides = array<i32>} : memref<200x128xf32, #tpu.memory_space<vmem>>, vector<1x16xf32>,
      %parallel_loop3A_346 = arith.index_cast %parallel_loop3A_261 : i32 to index
      %parallel_loop3A_347 = arith.constant 96 : index
      %parallel_loop3A_348 = tpu.vector_load %arg8[%parallel_loop3A_346, %parallel_loop3A_347] {strides = array<i32>} : memref<200x128xf32, #tpu.memory_space<vmem>>, vector<1x16xf32>,
      %parallel_loop3A_349 = vector.shape_cast %parallel_loop3A_348 : vector<1x16xf32> to vector<16xf32>
      %parallel_loop3A_350 = arith.index_cast %parallel_loop3A_261 : i32 to index
      %parallel_loop3A_351 = arith.constant 96 : index
      %parallel_loop3A_352 = tpu.vector_load %arg14[%parallel_loop3A_350, %parallel_loop3A_351] {strides = array<i32>} : memref<200x128xf32, #tpu.memory_space<vmem>>, vector<1x16xf32>,
      %parallel_loop3A_353 = vector.shape_cast %parallel_loop3A_352 : vector<1x16xf32> to vector<16xf32>
      %parallel_loop3A_354 = arith.addf %parallel_loop3A_349, %parallel_loop3A_353 : vector<16xf32>
      %parallel_loop3A_355 = arith.index_cast %parallel_loop3A_261 : i32 to index
      %parallel_loop3A_356 = arith.constant 96 : index
      %parallel_loop3A_357 = tpu.vector_load %arg8[%parallel_loop3A_355, %parallel_loop3A_356] {strides = array<i32>} : memref<200x128xf32, #tpu.memory_space<vmem>>, vector<1x16xf32>,
      %parallel_loop3A_358 = vector.shape_cast %parallel_loop3A_357 : vector<1x16xf32> to vector<16xf32>
      %parallel_loop3A_359 = vector.shape_cast %parallel_loop3A_354 : vector<16xf32> to vector<1x16xf32>
      tpu.vector_store %arg8[%parallel_loop3A_355, %parallel_loop3A_356], %parallel_loop3A_359 {strides = array<i32>} : memref<200x128xf32, #tpu.memory_space<vmem>>, vector<1x16xf32>,
      %parallel_loop3A_360 = arith.index_cast %parallel_loop3A_261 : i32 to index
      %parallel_loop3A_361 = arith.constant 112 : index
      %parallel_loop3A_362 = tpu.vector_load %arg8[%parallel_loop3A_360, %parallel_loop3A_361] {strides = array<i32>} : memref<200x128xf32, #tpu.memory_space<vmem>>, vector<1x16xf32>,
      %parallel_loop3A_363 = vector.shape_cast %parallel_loop3A_362 : vector<1x16xf32> to vector<16xf32>
      %parallel_loop3A_364 = arith.index_cast %parallel_loop3A_261 : i32 to index
      %parallel_loop3A_365 = arith.constant 112 : index
      %parallel_loop3A_366 = tpu.vector_load %arg14[%parallel_loop3A_364, %parallel_loop3A_365] {strides = array<i32>} : memref<200x128xf32, #tpu.memory_space<vmem>>, vector<1x16xf32>,
      %parallel_loop3A_367 = vector.shape_cast %parallel_loop3A_366 : vector<1x16xf32> to vector<16xf32>
      %parallel_loop3A_368 = arith.addf %parallel_loop3A_363, %parallel_loop3A_367 : vector<16xf32>
      %parallel_loop3A_369 = arith.index_cast %parallel_loop3A_261 : i32 to index
      %parallel_loop3A_370 = arith.constant 112 : index
      %parallel_loop3A_371 = tpu.vector_load %arg8[%parallel_loop3A_369, %parallel_loop3A_370] {strides = array<i32>} : memref<200x128xf32, #tpu.memory_space<vmem>>, vector<1x16xf32>,
      %parallel_loop3A_372 = vector.shape_cast %parallel_loop3A_371 : vector<1x16xf32> to vector<16xf32>
      %parallel_loop3A_373 = vector.shape_cast %parallel_loop3A_368 : vector<16xf32> to vector<1x16xf32>
      tpu.vector_store %arg8[%parallel_loop3A_369, %parallel_loop3A_370], %parallel_loop3A_373 {strides = array<i32>} : memref<200x128xf32, #tpu.memory_space<vmem>>, vector<1x16xf32>,
    } {sc.loop_unroll_factor = 4 : i64, sc.parallel_access}
    %add3A_216 = arith.constant 25200 : i32
    %add3A_217 = arith.addi %mul3A_2, %add3A_216 : i32
    %dma_start3A_218 = arith.constant 0 : i32
    %dma_start3A_219 = tpu.memref_slice %arg5[%add3A_217, %dma_start3A_218] : memref<819200x128xf32, #tpu.memory_space<hbm>> -> memref<200x128xf32, #tpu.memory_space<hbm>>
    %dma_start3A_220 = arith.constant 0 : i32
    %dma_start3A_221 = tpu.memref_slice %arg5[%add3A_217, %dma_start3A_220] : memref<819200x128xf32, #tpu.memory_space<hbm>> -> memref<200x128xf32, #tpu.memory_space<hbm>>
    tpu.enqueue_dma source(%arg8 : memref<200x128xf32, #tpu.memory_space<vmem>>) target(%dma_start3A_221 : memref<200x128xf32, #tpu.memory_space<hbm>>) target_semaphore(%arg25 : memref<!tpu.dma_semaphore, #tpu.memory_space<semaphore_mem>>)
    %dma_wait3A_222 = arith.constant 0 : i32
    %dma_wait3A_223 = arith.constant 0 : i32
    %dma_wait3A_224 = tpu.memref_slice %arg3[%dma_wait3A_222, %dma_wait3A_223] : memref<100000x128xf32, #tpu.memory_space<hbm>> -> memref<200x128xf32, #tpu.memory_space<hbm>>
    %dma_wait3A_225 = arith.constant 0 : i32
    %dma_wait3A_226 = arith.constant 0 : i32
    %dma_wait3A_227 = tpu.memref_slice %arg3[%dma_wait3A_225, %dma_wait3A_226] : memref<100000x128xf32, #tpu.memory_space<hbm>> -> memref<200x128xf32, #tpu.memory_space<hbm>>
    tpu.wait_dma2 semaphore(%arg18 : memref<!tpu.dma_semaphore, #tpu.memory_space<semaphore_mem>>) src(%dma_wait3A_227 : memref<200x128xf32, #tpu.memory_space<hbm>>) dst(%arg9 : memref<200x128xf32, #tpu.memory_space<vmem>>)
    %parallel_loop3A_228 = arith.constant 0 : i32
    %parallel_loop3A_229 = arith.constant 200 : i32
    %parallel_loop3A_230 = arith.constant 1 : i32
    scf.for %parallel_loop3A_261 = %parallel_loop3A_228 to %parallel_loop3A_229 step %parallel_loop3A_230  : i32 {
      %parallel_loop3A_262 = arith.index_cast %parallel_loop3A_261 : i32 to index
      %parallel_loop3A_263 = arith.constant 0 : index
      %parallel_loop3A_264 = tpu.vector_load %arg9[%parallel_loop3A_262, %parallel_loop3A_263] {strides = array<i32>} : memref<200x128xf32, #tpu.memory_space<vmem>>, vector<1x16xf32>,
      %parallel_loop3A_265 = vector.shape_cast %parallel_loop3A_264 : vector<1x16xf32> to vector<16xf32>
      %parallel_loop3A_266 = arith.index_cast %parallel_loop3A_261 : i32 to index
      %parallel_loop3A_267 = arith.constant 0 : index
      %parallel_loop3A_268 = tpu.vector_load %arg14[%parallel_loop3A_266, %parallel_loop3A_267] {strides = array<i32>} : memref<200x128xf32, #tpu.memory_space<vmem>>, vector<1x16xf32>,
      %parallel_loop3A_269 = vector.shape_cast %parallel_loop3A_268 : vector<1x16xf32> to vector<16xf32>
      %parallel_loop3A_270 = arith.addf %parallel_loop3A_265, %parallel_loop3A_269 : vector<16xf32>
      %parallel_loop3A_271 = arith.index_cast %parallel_loop3A_261 : i32 to index
      %parallel_loop3A_272 = arith.constant 0 : index
      %parallel_loop3A_273 = tpu.vector_load %arg9[%parallel_loop3A_271, %parallel_loop3A_272] {strides = array<i32>} : memref<200x128xf32, #tpu.memory_space<vmem>>, vector<1x16xf32>,
      %parallel_loop3A_274 = vector.shape_cast %parallel_loop3A_273 : vector<1x16xf32> to vector<16xf32>
      %parallel_loop3A_275 = vector.shape_cast %parallel_loop3A_270 : vector<16xf32> to vector<1x16xf32>
      tpu.vector_store %arg9[%parallel_loop3A_271, %parallel_loop3A_272], %parallel_loop3A_275 {strides = array<i32>} : memref<200x128xf32, #tpu.memory_space<vmem>>, vector<1x16xf32>,
      %parallel_loop3A_276 = arith.index_cast %parallel_loop3A_261 : i32 to index
      %parallel_loop3A_277 = arith.constant 16 : index
      %parallel_loop3A_278 = tpu.vector_load %arg9[%parallel_loop3A_276, %parallel_loop3A_277] {strides = array<i32>} : memref<200x128xf32, #tpu.memory_space<vmem>>, vector<1x16xf32>,
      %parallel_loop3A_279 = vector.shape_cast %parallel_loop3A_278 : vector<1x16xf32> to vector<16xf32>
      %parallel_loop3A_280 = arith.index_cast %parallel_loop3A_261 : i32 to index
      %parallel_loop3A_281 = arith.constant 16 : index
      %parallel_loop3A_282 = tpu.vector_load %arg14[%parallel_loop3A_280, %parallel_loop3A_281] {strides = array<i32>} : memref<200x128xf32, #tpu.memory_space<vmem>>, vector<1x16xf32>,
      %parallel_loop3A_283 = vector.shape_cast %parallel_loop3A_282 : vector<1x16xf32> to vector<16xf32>
      %parallel_loop3A_284 = arith.addf %parallel_loop3A_279, %parallel_loop3A_283 : vector<16xf32>
      %parallel_loop3A_285 = arith.index_cast %parallel_loop3A_261 : i32 to index
      %parallel_loop3A_286 = arith.constant 16 : index
      %parallel_loop3A_287 = tpu.vector_load %arg9[%parallel_loop3A_285, %parallel_loop3A_286] {strides = array<i32>} : memref<200x128xf32, #tpu.memory_space<vmem>>, vector<1x16xf32>,
      %parallel_loop3A_288 = vector.shape_cast %parallel_loop3A_287 : vector<1x16xf32> to vector<16xf32>
      %parallel_loop3A_289 = vector.shape_cast %parallel_loop3A_284 : vector<16xf32> to vector<1x16xf32>
      tpu.vector_store %arg9[%parallel_loop3A_285, %parallel_loop3A_286], %parallel_loop3A_289 {strides = array<i32>} : memref<200x128xf32, #tpu.memory_space<vmem>>, vector<1x16xf32>,
      %parallel_loop3A_290 = arith.index_cast %parallel_loop3A_261 : i32 to index
      %parallel_loop3A_291 = arith.constant 32 : index
      %parallel_loop3A_292 = tpu.vector_load %arg9[%parallel_loop3A_290, %parallel_loop3A_291] {strides = array<i32>} : memref<200x128xf32, #tpu.memory_space<vmem>>, vector<1x16xf32>,
      %parallel_loop3A_293 = vector.shape_cast %parallel_loop3A_292 : vector<1x16xf32> to vector<16xf32>
      %parallel_loop3A_294 = arith.index_cast %parallel_loop3A_261 : i32 to index
      %parallel_loop3A_295 = arith.constant 32 : index
      %parallel_loop3A_296 = tpu.vector_load %arg14[%parallel_loop3A_294, %parallel_loop3A_295] {strides = array<i32>} : memref<200x128xf32, #tpu.memory_space<vmem>>, vector<1x16xf32>,
      %parallel_loop3A_297 = vector.shape_cast %parallel_loop3A_296 : vector<1x16xf32> to vector<16xf32>
      %parallel_loop3A_298 = arith.addf %parallel_loop3A_293, %parallel_loop3A_297 : vector<16xf32>
      %parallel_loop3A_299 = arith.index_cast %parallel_loop3A_261 : i32 to index
      %parallel_loop3A_300 = arith.constant 32 : index
      %parallel_loop3A_301 = tpu.vector_load %arg9[%parallel_loop3A_299, %parallel_loop3A_300] {strides = array<i32>} : memref<200x128xf32, #tpu.memory_space<vmem>>, vector<1x16xf32>,
      %parallel_loop3A_302 = vector.shape_cast %parallel_loop3A_301 : vector<1x16xf32> to vector<16xf32>
      %parallel_loop3A_303 = vector.shape_cast %parallel_loop3A_298 : vector<16xf32> to vector<1x16xf32>
      tpu.vector_store %arg9[%parallel_loop3A_299, %parallel_loop3A_300], %parallel_loop3A_303 {strides = array<i32>} : memref<200x128xf32, #tpu.memory_space<vmem>>, vector<1x16xf32>,
      %parallel_loop3A_304 = arith.index_cast %parallel_loop3A_261 : i32 to index
      %parallel_loop3A_305 = arith.constant 48 : index
      %parallel_loop3A_306 = tpu.vector_load %arg9[%parallel_loop3A_304, %parallel_loop3A_305] {strides = array<i32>} : memref<200x128xf32, #tpu.memory_space<vmem>>, vector<1x16xf32>,
      %parallel_loop3A_307 = vector.shape_cast %parallel_loop3A_306 : vector<1x16xf32> to vector<16xf32>
      %parallel_loop3A_308 = arith.index_cast %parallel_loop3A_261 : i32 to index
      %parallel_loop3A_309 = arith.constant 48 : index
      %parallel_loop3A_310 = tpu.vector_load %arg14[%parallel_loop3A_308, %parallel_loop3A_309] {strides = array<i32>} : memref<200x128xf32, #tpu.memory_space<vmem>>, vector<1x16xf32>,
      %parallel_loop3A_311 = vector.shape_cast %parallel_loop3A_310 : vector<1x16xf32> to vector<16xf32>
      %parallel_loop3A_312 = arith.addf %parallel_loop3A_307, %parallel_loop3A_311 : vector<16xf32>
      %parallel_loop3A_313 = arith.index_cast %parallel_loop3A_261 : i32 to index
      %parallel_loop3A_314 = arith.constant 48 : index
      %parallel_loop3A_315 = tpu.vector_load %arg9[%parallel_loop3A_313, %parallel_loop3A_314] {strides = array<i32>} : memref<200x128xf32, #tpu.memory_space<vmem>>, vector<1x16xf32>,
      %parallel_loop3A_316 = vector.shape_cast %parallel_loop3A_315 : vector<1x16xf32> to vector<16xf32>
      %parallel_loop3A_317 = vector.shape_cast %parallel_loop3A_312 : vector<16xf32> to vector<1x16xf32>
      tpu.vector_store %arg9[%parallel_loop3A_313, %parallel_loop3A_314], %parallel_loop3A_317 {strides = array<i32>} : memref<200x128xf32, #tpu.memory_space<vmem>>, vector<1x16xf32>,
      %parallel_loop3A_318 = arith.index_cast %parallel_loop3A_261 : i32 to index
      %parallel_loop3A_319 = arith.constant 64 : index
      %parallel_loop3A_320 = tpu.vector_load %arg9[%parallel_loop3A_318, %parallel_loop3A_319] {strides = array<i32>} : memref<200x128xf32, #tpu.memory_space<vmem>>, vector<1x16xf32>,
      %parallel_loop3A_321 = vector.shape_cast %parallel_loop3A_320 : vector<1x16xf32> to vector<16xf32>
      %parallel_loop3A_322 = arith.index_cast %parallel_loop3A_261 : i32 to index
      %parallel_loop3A_323 = arith.constant 64 : index
      %parallel_loop3A_324 = tpu.vector_load %arg14[%parallel_loop3A_322, %parallel_loop3A_323] {strides = array<i32>} : memref<200x128xf32, #tpu.memory_space<vmem>>, vector<1x16xf32>,
      %parallel_loop3A_325 = vector.shape_cast %parallel_loop3A_324 : vector<1x16xf32> to vector<16xf32>
      %parallel_loop3A_326 = arith.addf %parallel_loop3A_321, %parallel_loop3A_325 : vector<16xf32>
      %parallel_loop3A_327 = arith.index_cast %parallel_loop3A_261 : i32 to index
      %parallel_loop3A_328 = arith.constant 64 : index
      %parallel_loop3A_329 = tpu.vector_load %arg9[%parallel_loop3A_327, %parallel_loop3A_328] {strides = array<i32>} : memref<200x128xf32, #tpu.memory_space<vmem>>, vector<1x16xf32>,
      %parallel_loop3A_330 = vector.shape_cast %parallel_loop3A_329 : vector<1x16xf32> to vector<16xf32>
      %parallel_loop3A_331 = vector.shape_cast %parallel_loop3A_326 : vector<16xf32> to vector<1x16xf32>
      tpu.vector_store %arg9[%parallel_loop3A_327, %parallel_loop3A_328], %parallel_loop3A_331 {strides = array<i32>} : memref<200x128xf32, #tpu.memory_space<vmem>>, vector<1x16xf32>,
      %parallel_loop3A_332 = arith.index_cast %parallel_loop3A_261 : i32 to index
      %parallel_loop3A_333 = arith.constant 80 : index
      %parallel_loop3A_334 = tpu.vector_load %arg9[%parallel_loop3A_332, %parallel_loop3A_333] {strides = array<i32>} : memref<200x128xf32, #tpu.memory_space<vmem>>, vector<1x16xf32>,
      %parallel_loop3A_335 = vector.shape_cast %parallel_loop3A_334 : vector<1x16xf32> to vector<16xf32>
      %parallel_loop3A_336 = arith.index_cast %parallel_loop3A_261 : i32 to index
      %parallel_loop3A_337 = arith.constant 80 : index
      %parallel_loop3A_338 = tpu.vector_load %arg14[%parallel_loop3A_336, %parallel_loop3A_337] {strides = array<i32>} : memref<200x128xf32, #tpu.memory_space<vmem>>, vector<1x16xf32>,
      %parallel_loop3A_339 = vector.shape_cast %parallel_loop3A_338 : vector<1x16xf32> to vector<16xf32>
      %parallel_loop3A_340 = arith.addf %parallel_loop3A_335, %parallel_loop3A_339 : vector<16xf32>
      %parallel_loop3A_341 = arith.index_cast %parallel_loop3A_261 : i32 to index
      %parallel_loop3A_342 = arith.constant 80 : index
      %parallel_loop3A_343 = tpu.vector_load %arg9[%parallel_loop3A_341, %parallel_loop3A_342] {strides = array<i32>} : memref<200x128xf32, #tpu.memory_space<vmem>>, vector<1x16xf32>,
      %parallel_loop3A_344 = vector.shape_cast %parallel_loop3A_343 : vector<1x16xf32> to vector<16xf32>
      %parallel_loop3A_345 = vector.shape_cast %parallel_loop3A_340 : vector<16xf32> to vector<1x16xf32>
      tpu.vector_store %arg9[%parallel_loop3A_341, %parallel_loop3A_342], %parallel_loop3A_345 {strides = array<i32>} : memref<200x128xf32, #tpu.memory_space<vmem>>, vector<1x16xf32>,
      %parallel_loop3A_346 = arith.index_cast %parallel_loop3A_261 : i32 to index
      %parallel_loop3A_347 = arith.constant 96 : index
      %parallel_loop3A_348 = tpu.vector_load %arg9[%parallel_loop3A_346, %parallel_loop3A_347] {strides = array<i32>} : memref<200x128xf32, #tpu.memory_space<vmem>>, vector<1x16xf32>,
      %parallel_loop3A_349 = vector.shape_cast %parallel_loop3A_348 : vector<1x16xf32> to vector<16xf32>
      %parallel_loop3A_350 = arith.index_cast %parallel_loop3A_261 : i32 to index
      %parallel_loop3A_351 = arith.constant 96 : index
      %parallel_loop3A_352 = tpu.vector_load %arg14[%parallel_loop3A_350, %parallel_loop3A_351] {strides = array<i32>} : memref<200x128xf32, #tpu.memory_space<vmem>>, vector<1x16xf32>,
      %parallel_loop3A_353 = vector.shape_cast %parallel_loop3A_352 : vector<1x16xf32> to vector<16xf32>
      %parallel_loop3A_354 = arith.addf %parallel_loop3A_349, %parallel_loop3A_353 : vector<16xf32>
      %parallel_loop3A_355 = arith.index_cast %parallel_loop3A_261 : i32 to index
      %parallel_loop3A_356 = arith.constant 96 : index
      %parallel_loop3A_357 = tpu.vector_load %arg9[%parallel_loop3A_355, %parallel_loop3A_356] {strides = array<i32>} : memref<200x128xf32, #tpu.memory_space<vmem>>, vector<1x16xf32>,
      %parallel_loop3A_358 = vector.shape_cast %parallel_loop3A_357 : vector<1x16xf32> to vector<16xf32>
      %parallel_loop3A_359 = vector.shape_cast %parallel_loop3A_354 : vector<16xf32> to vector<1x16xf32>
      tpu.vector_store %arg9[%parallel_loop3A_355, %parallel_loop3A_356], %parallel_loop3A_359 {strides = array<i32>} : memref<200x128xf32, #tpu.memory_space<vmem>>, vector<1x16xf32>,
      %parallel_loop3A_360 = arith.index_cast %parallel_loop3A_261 : i32 to index
      %parallel_loop3A_361 = arith.constant 112 : index
      %parallel_loop3A_362 = tpu.vector_load %arg9[%parallel_loop3A_360, %parallel_loop3A_361] {strides = array<i32>} : memref<200x128xf32, #tpu.memory_space<vmem>>, vector<1x16xf32>,
      %parallel_loop3A_363 = vector.shape_cast %parallel_loop3A_362 : vector<1x16xf32> to vector<16xf32>
      %parallel_loop3A_364 = arith.index_cast %parallel_loop3A_261 : i32 to index
      %parallel_loop3A_365 = arith.constant 112 : index
      %parallel_loop3A_366 = tpu.vector_load %arg14[%parallel_loop3A_364, %parallel_loop3A_365] {strides = array<i32>} : memref<200x128xf32, #tpu.memory_space<vmem>>, vector<1x16xf32>,
      %parallel_loop3A_367 = vector.shape_cast %parallel_loop3A_366 : vector<1x16xf32> to vector<16xf32>
      %parallel_loop3A_368 = arith.addf %parallel_loop3A_363, %parallel_loop3A_367 : vector<16xf32>
      %parallel_loop3A_369 = arith.index_cast %parallel_loop3A_261 : i32 to index
      %parallel_loop3A_370 = arith.constant 112 : index
      %parallel_loop3A_371 = tpu.vector_load %arg9[%parallel_loop3A_369, %parallel_loop3A_370] {strides = array<i32>} : memref<200x128xf32, #tpu.memory_space<vmem>>, vector<1x16xf32>,
      %parallel_loop3A_372 = vector.shape_cast %parallel_loop3A_371 : vector<1x16xf32> to vector<16xf32>
      %parallel_loop3A_373 = vector.shape_cast %parallel_loop3A_368 : vector<16xf32> to vector<1x16xf32>
      tpu.vector_store %arg9[%parallel_loop3A_369, %parallel_loop3A_370], %parallel_loop3A_373 {strides = array<i32>} : memref<200x128xf32, #tpu.memory_space<vmem>>, vector<1x16xf32>,
    } {sc.loop_unroll_factor = 4 : i64, sc.parallel_access}
    %add3A_231 = arith.constant 25400 : i32
    %add3A_232 = arith.addi %mul3A_2, %add3A_231 : i32
    %dma_start3A_233 = arith.constant 0 : i32
    %dma_start3A_234 = tpu.memref_slice %arg5[%add3A_232, %dma_start3A_233] : memref<819200x128xf32, #tpu.memory_space<hbm>> -> memref<200x128xf32, #tpu.memory_space<hbm>>
    %dma_start3A_235 = arith.constant 0 : i32
    %dma_start3A_236 = tpu.memref_slice %arg5[%add3A_232, %dma_start3A_235] : memref<819200x128xf32, #tpu.memory_space<hbm>> -> memref<200x128xf32, #tpu.memory_space<hbm>>
    tpu.enqueue_dma source(%arg9 : memref<200x128xf32, #tpu.memory_space<vmem>>) target(%dma_start3A_236 : memref<200x128xf32, #tpu.memory_space<hbm>>) target_semaphore(%arg26 : memref<!tpu.dma_semaphore, #tpu.memory_space<semaphore_mem>>)
    %dma_wait3A_237 = arith.constant 0 : i32
    %dma_wait3A_238 = arith.constant 0 : i32
    %dma_wait3A_239 = tpu.memref_slice %arg5[%dma_wait3A_237, %dma_wait3A_238] : memref<819200x128xf32, #tpu.memory_space<hbm>> -> memref<200x128xf32, #tpu.memory_space<hbm>>
    %dma_wait3A_240 = arith.constant 0 : i32
    %dma_wait3A_241 = arith.constant 0 : i32
    %dma_wait3A_242 = tpu.memref_slice %arg5[%dma_wait3A_240, %dma_wait3A_241] : memref<819200x128xf32, #tpu.memory_space<hbm>> -> memref<200x128xf32, #tpu.memory_space<hbm>>
    tpu.wait_dma2 semaphore(%arg23 : memref<!tpu.dma_semaphore, #tpu.memory_space<semaphore_mem>>) src(%arg6 : memref<200x128xf32, #tpu.memory_space<vmem>>) dst(%dma_wait3A_242 : memref<200x128xf32, #tpu.memory_space<hbm>>)
    %dma_wait3A_243 = arith.constant 0 : i32
    %dma_wait3A_244 = arith.constant 0 : i32
    %dma_wait3A_245 = tpu.memref_slice %arg5[%dma_wait3A_243, %dma_wait3A_244] : memref<819200x128xf32, #tpu.memory_space<hbm>> -> memref<200x128xf32, #tpu.memory_space<hbm>>
    %dma_wait3A_246 = arith.constant 0 : i32
    %dma_wait3A_247 = arith.constant 0 : i32
    %dma_wait3A_248 = tpu.memref_slice %arg5[%dma_wait3A_246, %dma_wait3A_247] : memref<819200x128xf32, #tpu.memory_space<hbm>> -> memref<200x128xf32, #tpu.memory_space<hbm>>
    tpu.wait_dma2 semaphore(%arg24 : memref<!tpu.dma_semaphore, #tpu.memory_space<semaphore_mem>>) src(%arg7 : memref<200x128xf32, #tpu.memory_space<vmem>>) dst(%dma_wait3A_248 : memref<200x128xf32, #tpu.memory_space<hbm>>)
    %dma_wait3A_249 = arith.constant 0 : i32
    %dma_wait3A_250 = arith.constant 0 : i32
    %dma_wait3A_251 = tpu.memref_slice %arg5[%dma_wait3A_249, %dma_wait3A_250] : memref<819200x128xf32, #tpu.memory_space<hbm>> -> memref<200x128xf32, #tpu.memory_space<hbm>>
    %dma_wait3A_252 = arith.constant 0 : i32
    %dma_wait3A_253 = arith.constant 0 : i32
    %dma_wait3A_254 = tpu.memref_slice %arg5[%dma_wait3A_252, %dma_wait3A_253] : memref<819200x128xf32, #tpu.memory_space<hbm>> -> memref<200x128xf32, #tpu.memory_space<hbm>>
    tpu.wait_dma2 semaphore(%arg25 : memref<!tpu.dma_semaphore, #tpu.memory_space<semaphore_mem>>) src(%arg8 : memref<200x128xf32, #tpu.memory_space<vmem>>) dst(%dma_wait3A_254 : memref<200x128xf32, #tpu.memory_space<hbm>>)
    %dma_wait3A_255 = arith.constant 0 : i32
    %dma_wait3A_256 = arith.constant 0 : i32
    %dma_wait3A_257 = tpu.memref_slice %arg5[%dma_wait3A_255, %dma_wait3A_256] : memref<819200x128xf32, #tpu.memory_space<hbm>> -> memref<200x128xf32, #tpu.memory_space<hbm>>
    %dma_wait3A_258 = arith.constant 0 : i32
    %dma_wait3A_259 = arith.constant 0 : i32
    %dma_wait3A_260 = tpu.memref_slice %arg5[%dma_wait3A_258, %dma_wait3A_259] : memref<819200x128xf32, #tpu.memory_space<hbm>> -> memref<200x128xf32, #tpu.memory_space<hbm>>
    tpu.wait_dma2 semaphore(%arg26 : memref<!tpu.dma_semaphore, #tpu.memory_space<semaphore_mem>>) src(%arg9 : memref<200x128xf32, #tpu.memory_space<vmem>>) dst(%dma_wait3A_260 : memref<200x128xf32, #tpu.memory_space<hbm>>)
    return
  }
}

</mosaic_0001>

<sc_bundles>
// kernel: kernel.3.cloned.1.call-start
scs
__scs_entry_jumppad:
0x0: {  	(pc) =	sbr.rel $0x88, $3  }
0x1: {  	(tag) =	ssettag $0x0;
	lr =	simm.s32 $0x1  }
0x2: {  	[smem:$0x3F9E] =	sst lr;
	_ =	strace $0xD0000000  }
0x3: {  	_ = 	snop  }
0x4: {  	_ = 	snop  }
0x5: {  	_ = 	snop  }
0x6: {  	_ = 	snop  }
0x7: {  	_ = 	snop  }
__scs_overlays_trampoline_lowered:
0x8: {  	[smem:$0x3FAD] =	sst s0  }
0x9: {  	[smem:$0x3FAE] =	sst s1  }
0xa: {  	[smem:$0x3FAF] =	sst s2  }
0xb: {  	[smem:$0x3FB0] =	sst s3  }
0xc: {  	[smem:$0x3FB1] =	sst s4  }
0xd: {  	[smem:$0x3FB2] =	sst s5  }
0xe: {  	[smem:$0x3FB3] =	sst s6  }
0xf: {  	[smem:$0x3FB4] =	sst s7  }
0x10: {  	[smem:$0x3FB5] =	sst s8  }
0x11: {  	[smem:$0x3FB6] =	sst s9;
	s0 =	simm.s32 @!p0 $0x0  }
0x12: {  	s1 =	sld [smem:$0x3F9C];
	s0 =	simm.s32 @p0 $0x1  }
0x13: {  	[smem:$0x3FB7] =	sst s0;
	s0 =	simm.s32 @!p1 $0x0  }
0x14: {  	s2 =	sld [smem:$0x3F9B];
	s0 =	simm.s32 @p1 $0x1  }
0x15: {  	[smem:$0x3FB8] =	sst s0;
	s0 =	simm.s32 @!p2 $0x0  }
0x16: {  	s3 =	sld [smem:$0x3FDB];
	s0 =	simm.s32 @p2 $0x1  }
0x17: {  	s4 =	simm.s32 $0x1BF5;
	[smem:$0x3FBA] =	sst s0  }
0x18: {  	s0 =	sld [smem:$0x3F9D];
	_ =	swait.ge [sflag:s4], $0x0  }
0x19: {  	s7 =	sld [smem:$0x3F9E]  }
0x1a: {  	s8 =	sadd.s32 $0xFFFFE003, lr  }
0x1b: {  	s9 =	sadd.s32 $0xFFFFFEF7, lr;
	s5 =	simm.s32 $0xFFFFFFFF;
	p2 =	slt.u32 s8, $0xFFFFF086  }
0x1c: {  	p1 =	slt.u32 s9, $0xF7A;
	s5 =	simm.s32 @!p2 $0x0  }
0x1d: {  	s5 =	simm.s32 @p1 $0x1;
	p0 =	seq.s32 s7, s2  }
0x1e: {  	s7 =	smul.u32 @!p0 $0xF7A, s2;
	p2 =	seq.s32 @!p0 s5, $0x0  }
0x1f: {  	s9 =	smul.u32 $0xF7A, s1;
	s8 =	simm.s32 @!p0 $0x1BF5;
	p2 =	por !p2, p0  }
0x20: {  	[sflag:s8] =	ssyncset.s32 @!p0 $0xFFFFF086;
	s6 =	sadd.s32 @!p0 s3, s7;
	s7 =	simm.s32 @!p0 $0x108  }
0x21: {  	s3 =	sadd.s32 s3, s9;
	s6 =	sadd.s32 @!p0 $0x88, s6;
	s7 =	simm.s32 @p2 $0x1082  }
0x22: {  	[simem:s7], [sflag:s8] =	dma.local @!p0 [hbm:s6], $0xF7A  }
0x23: {  	s9 =	sor.u32 $0xD0000000, s2;
	s6 =	simm.s32 $0x108;
	_ =	swait.ge @!p0 [sflag:s8], $0x0  }
0x24: {  	s3 =	sadd.s32 $0x88, s3;
	s6 =	simm.s32 @!p1 $0x1082;
	[sflag:s4] =	ssyncset.s32 $0xFFFFF086  }
0x25: {  	[simem:s6], [sflag:s4] =	dma.local [hbm:s3], $0xF7A  }
0x26: {  	[smem:$0x3F9E] =	sst s1;
	(tag) =	ssettag s2;
	_ =	strace s9  }
0x27: {  	s1 =	sld [smem:$0x3FAE]  }
0x28: {  	s2 =	sld [smem:$0x3FAF]  }
0x29: {  	s4 =	sld [smem:$0x3FB1]  }
0x2a: {  	p0 =	seq.s32 s5, $0x0;
	s5 =	sld [smem:$0x3FB2]  }
0x2b: {  	s6 =	sld [smem:$0x3FB3]  }
0x2c: {  	s7 =	sld [smem:$0x3FB4]  }
0x2d: {  	s3 =	simm.s32 $0x108;
	s8 =	sld [smem:$0x3FB5]  }
0x2e: {  	s3 =	simm.s32 @!p0 $0x1082;
	s9 =	sld [smem:$0x3FB6]  }
0x2f: {  	lr =	sadd.s32 s0, s3;
	s0 =	sld [smem:$0x3FAD]  }
0x30: {  	s3 =	sld [smem:$0x3FB0]  }
0x31: {  	[smem:$0x3FB9] =	sst s10  }
0x32: {  	s10 =	sld [smem:$0x3FB7];
	_ =	sdelay $0x3  }
0x33: {  	p0 =	seq.s32 s10, $0x1;
	s10 =	sld [smem:$0x3FB9];
	_ =	sdelay $0x3  }
0x34: {  	[smem:$0x3FB9] =	sst s10  }
0x35: {  	s10 =	sld [smem:$0x3FB8];
	_ =	sdelay $0x3  }
0x36: {  	p1 =	seq.s32 s10, $0x1;
	s10 =	sld [smem:$0x3FB9];
	_ =	sdelay $0x3  }
0x37: {  	[smem:$0x3FB9] =	sst s10  }
0x38: {  	s10 =	sld [smem:$0x3FBA]  }
0x39: {  	_ = 	snop;
	(pc) =	sbr.ind lr, $3  }
0x3a: {  	_ = 	snop  }
0x3b: {  	_ = 	snop  }
0x3c: {  	p2 =	seq.s32 s10, $0x1;
	s10 =	sld [smem:$0x3FB9]  }
0x3d: {  	_ =	shalt  }
0x3e: {  	_ =	shalt  }
0x3f: {  	_ =	shalt  }
0x40: {  	_ =	shalt  }
0x41: {  	_ =	shalt  }
0x42: {  	_ =	shalt  }
0x43: {  	_ =	shalt  }
0x44: {  	_ =	shalt  }
0x45: {  	_ =	shalt  }
0x46: {  	_ =	shalt  }
0x47: {  	_ =	shalt  }
0x48: {  	_ =	shalt  }
0x49: {  	_ =	shalt  }
0x4a: {  	_ =	shalt  }
0x4b: {  	_ =	shalt  }
0x4c: {  	_ =	shalt  }
0x4d: {  	_ =	shalt  }
0x4e: {  	_ =	shalt  }
0x4f: {  	_ =	shalt  }
0x50: {  	_ =	shalt  }
0x51: {  	_ =	shalt  }
0x52: {  	_ =	shalt  }
0x53: {  	_ =	shalt  }
0x54: {  	_ =	shalt  }
0x55: {  	_ =	shalt  }
0x56: {  	_ =	shalt  }
0x57: {  	_ =	shalt  }
0x58: {  	_ =	shalt  }
0x59: {  	_ =	shalt  }
0x5a: {  	_ =	shalt  }
0x5b: {  	_ =	shalt  }
0x5c: {  	_ =	shalt  }
0x5d: {  	_ =	shalt  }
0x5e: {  	_ =	shalt  }
0x5f: {  	_ =	shalt  }
0x60: {  	_ =	shalt  }
0x61: {  	_ =	shalt  }
0x62: {  	_ =	shalt  }
0x63: {  	_ =	shalt  }
0x64: {  	_ =	shalt  }
0x65: {  	_ =	shalt  }
0x66: {  	_ =	shalt  }
0x67: {  	_ =	shalt  }
0x68: {  	_ =	shalt  }
0x69: {  	_ =	shalt  }
0x6a: {  	_ =	shalt  }
0x6b: {  	_ =	shalt  }
0x6c: {  	_ =	shalt  }
0x6d: {  	_ =	shalt  }
0x6e: {  	_ =	shalt  }
0x6f: {  	_ =	shalt  }
0x70: {  	_ =	shalt  }
0x71: {  	_ =	shalt  }
0x72: {  	_ =	shalt  }
0x73: {  	_ =	shalt  }
0x74: {  	_ =	shalt  }
0x75: {  	_ =	shalt  }
0x76: {  	_ =	shalt  }
0x77: {  	_ =	shalt  }
0x78: {  	_ =	shalt  }
0x79: {  	_ =	shalt  }
0x7a: {  	_ =	shalt  }
0x7b: {  	_ =	shalt  }
0x7c: {  	_ =	shalt  }
0x7d: {  	_ =	shalt  }
0x7e: {  	_ =	shalt  }
0x7f: {  	_ =	shalt  }
0x80: {  	_ =	shalt  }
0x81: {  	_ =	shalt  }
0x82: {  	_ =	shalt  }
0x83: {  	_ =	shalt  }
0x84: {  	_ =	shalt  }
0x85: {  	_ =	shalt  }
0x86: {  	_ =	shalt  }
0x87: {  	_ =	shalt  }
.Lfunc_end0:
.L_simem_size_0:
called_computation_lowered:
.L_overlay_start_0:
0x88: {  	s2 =	sld [smem:$0x3FD9]  }
0x89: {  	s3 =	sld [smem:$0x3FFE];
	_ =	sdelay $0x1  }
0x8a: {  	s1 =	srdreg.scid  }
0x8b: {  	s0 =	sand.u32 $0x1, s1  }
0x8c: {  	s17 =	sshll.u32 s0, $0xA;
	s2 =	sadd.s32 s3, s2  }
0x8d: {  	s2 =	sadd.s32 s2, s17  }
0x8e: {  	[smem:$0x3FC5] =	sst s2  }
0x8f: {  	_ = 	snop  }
0x90: {  	s2 =	sld [smem:$0x3FC8]  }
0x91: {  	s18 =	sld [smem:$0x3FC7]  }
0x92: {  	s4 =	sld [smem:$0x3FD0];
	(tm) =	ssettm $0x1  }
0x93: {  	s5 =	sld [smem:$0x3FFB];
	_ =	sdelay $0x3  }
0x94: {  	_ =	strace s5  }
0x95: {  	s5 =	sld [smem:$0x3FFC];
	_ =	sdelay $0x3  }
0x96: {  	_ =	strace s5  }
0x97: {  	s5 =	sld [smem:$0x3FFD];
	_ =	sdelay $0x3  }
0x98: {  	_ =	strace s5  }
0x99: {  	_ =	strace $0x8FFFFFFF  }
0x9a: {  	s19 =	sld [smem:$0x3FDB];
	_ =	sdelay $0x1  }
0x9b: {  	s6 =	simm.s32 $_scs_section_size  }
0x9c: {  	s7 =	simm.s32 $_size__tile_overlayer_lowered;
	s8 =	simm.s32 $_tile_overlayer_lowered  }
0x9d: {  	s22 =	simm.s32 $0x1BFF;
	s21 =	sshll.u32 s8, $0x1;
	s5 =	sadd.s32 s6, s19  }
0x9e: {  	s9 =	simm.s32 $0x0;
	s20 =	sshll.u32 s7, $0x1;
	s7 =	sadd.s32 s21, s5  }
0x9f: {  	[timem:s9], [sflag:s22] =	dma.local [hbm:s7], s20  }
0xa0: {  	_ =	swait.ge [sflag:s22], s20  }
0xa1: {  	s6 =	ssub.s32 $0x0, s20;
	[sflag:s22] =	ssyncset.done $0x0  }
0xa2: {  	[sflag:s22] =	ssyncadd.s32 s6;
	_ =	sdelay $0x1  }
0xa3: {  	s23 =	simm.s32 $0x1B8B  }
0xa4: {  	_ =	swait.ge [sflag:s23], $0x1  }
0xa5: {  	[sflag:s23] =	ssyncset.done $0x0  }
0xa6: {  	s25 =	simm.s32 $0x1B8E;
	s24 =	sld [smem:$0x3FFE];
	[sflag:s23] =	ssyncadd.s32 $0xFFFFFFFF  }
0xa7: {  	s26 =	simm.s32 $execute0_lowered;
	[smem:$0x3FD2] =	sst s25  }
0xa8: {  	s7 =	sshll.u32 s26, $0x1;
	_ =	strace $0x80000046;
	[dreg:$0x1] =	wrdreg $0xFFFFFFFF  }
0xa9: {  	s28 =	simm.s32 $_size_execute0_lowered;
	s5 =	sadd.s32 s5, s7;
	[dreg:$0x0] =	wrdreg $0x0  }
0xaa: {  	s7 =	sshll.u32 s28, $0x1;
	[dreg:$0x2] =	wrdreg s5  }
0xab: {  	[dreg:$0x3] =	wrdreg s7  }
0xac: {  	[dreg:$0x4] =	wrdreg $0xC0  }
0xad: {  	_ =	task [dreg:s9], $0x5FFFF  }
0xae: {  	[dreg:$0x1] =	wrdreg $0xFFFFFFFF  }
0xaf: {  	[dreg:$0x0] =	wrdreg $0x60  }
0xb0: {  	[dreg:$0x2] =	wrdreg s24  }
0xb1: {  	[dreg:$0x3] =	wrdreg s2  }
0xb2: {  	[dreg:$0x4] =	wrdreg s18  }
0xb3: {  	[dreg:$0x5] =	wrdreg s4  }
0xb4: {  	[dreg:$0x6] =	wrdreg $0x9  }
0xb5: {  	_ =	task.clear_ibuf [dreg:s9], $0x7FFFF;
	_ =	strace $0x90000046  }
0xb6: {  	s29 =	simm.s32 $0x9;
	_ =	strace $0x80000048  }
0xb7: {  	_ =	swait.ge [sflag:s29], $0x1  }
0xb8: {  	[sflag:s29] =	ssyncadd.s32 $0xFFFFFFFF  }
0xb9: {  	_ =	strace $0x90000048  }
0xba: {  	_ =	sfence  }
0xbb: {  	s30 =	sld [smem:$0x0];
	_ =	sdelay $0x2  }
0xbc: {  	s31 =	sshll.u32 s1, $0xD;
	s1 =	sshrl.u32 s1, $0x2  }
0xbd: {  	s3 =	sand.u32 $0x4000, s31;
	s1 =	sadd.s32 s1, s30  }
0xbe: {  	s0 =	sor.u32 s3, s0;
	s1 =	sshll.u32 s1, $0x11  }
0xbf: {  	s0 =	sor.u32 s1, s0  }
0xc0: {  	s0 =	sadd.s32 $0x8F2B, s0  }
0xc1: {  	[sflag:s0] =	ssyncadd.remote.s32 $0x1  }
0xc2: {  	_ =	sfence.sel $0xFFFF  }
0xc3: {  	[dreg:$0x0] =	wrdreg $0xFFFFFFFF;
	(pc) =	sbr.abs _section_cstart, $3  }
0xc4: {  	[dreg:$0x1] =	wrdreg $0xFFFFFFFF  }
0xc5: {  	_ =	task.clear_ibuf [dreg:s9], $0x2FFFF;
	_ =	strace $0x9FFFFFFF  }
0xc6: {  	(tm) =	ssettm $0x7FFFFFFF  }
0xc7: {  	_ =	shalt  }
tec
execute0_lowered:
.L_overlay_start_1:
0x0: {  	(tag) =	ssettag $0x1  }
0x1: {  	s0 =	rddreg [dreg:$0x0]  }
0x2: {  	s1 =	rddreg [dreg:$0x1];
	s2 =	srdreg.scid  }
0x3: {  	s3 =	stileid.u32;
	s4 =	rddreg [dreg:$0x3];
	s5 =	simm.s32 $0x0  }
0x4: {  	s28 =	simm.s32 $0x3;
	s2 =	sand.u32 $0x1, s2;
	s3 =	sshll.u32 s3, $0x1  }
0x5: {  	s29 =	simm.s32 $0x9;
	s30 =	simm.s32 $0x4;
	s3 =	sor.u32 s2, s3  }
0x6: {  	[smem:$0x7FF] =	sst s5;
	s7 =	sadd.s32 $0x400, s0;
	s10 =	smul.u32 $0x6400, s3  }
0x7: {  	_ =	strace $0x80000047;
	s2 =	ssub.s32 $0x2, s2;
	s9 =	smul.u32 $0x64000, s3  }
0x8: {  	s24 =	sshrl.u32 s2, $0x1;
	s3 =	smul.u32 $0x320000, s3;
	s12 =	sor.u32 $0xC8, s10  }
0x9: {  	s0 =	ssub.s32 s2, s24;
	s13 =	sor.u32 $0x190, s10;
	[dreg:$0x6] =	wrdreg s12  }
0xa: {  	s6 =	sshrl.u32 s10, $0x3;
	s17 =	sadd.s32 $0x578, s10;
	[dreg:$0x7] =	wrdreg s13  }
0xb: {  	s14 =	sor.u32 $0x258, s10;
	s3 =	sshrl.u32 s3, $0x3;
	[dreg:$0x10] =	wrdreg s17  }
0xc: {  	s0 =	smax.u32 s0, $0x1;
	s11 =	sadd.s32 s7, s6;
	[dreg:$0x8] =	wrdreg s14  }
0xd: {  	s25 =	sshrl.u32 s12, $0x3;
	s26 =	sshrl.u32 s13, $0x3;
	[dreg:$0x18] =	wrdreg s0  }
0xe: {  	s8 =	sshrl.u32 s14, $0x3;
	s2 =	sadd.s32 s7, s25;
	[dreg:$0x5] =	wrdreg s11  }
0xf: {  	s16 =	sshll.u32 s13, $0x4;
	s31 =	sadd.s32 s7, s26;
	[dreg:$0x9] =	wrdreg s2  }
0x10: {  	s18 =	sshrl.u32 s17, $0x3;
	s6 =	sadd.s32 s7, s8;
	[dreg:$0xa] =	wrdreg s31  }
0x11: {  	s3 =	sadd.s32 s4, s3;
	s8 =	sadd.s32 s4, s9;
	[dreg:$0xb] =	wrdreg s6  }
0x12: {  	s9 =	sshll.u32 s12, $0x4;
	s12 =	sadd.s32 $0x4B0, s10;
	[dreg:$0xc] =	wrdreg s8  }
0x13: {  	s19 =	sshll.u32 s14, $0x4;
	s20 =	sadd.s32 $0x60E00, s3;
	[dreg:$0xd] =	wrdreg s12  }
0x14: {  	s0 =	simm.s32 $0x19000;
	s21 =	sadd.s32 $0x61A80, s3;
	[dreg:$0x14] =	wrdreg s20  }
0x15: {  	s13 =	simm.s32 $0x19200;
	s22 =	sadd.s32 $0x62700, s3;
	[dreg:$0x15] =	wrdreg s21  }
0x16: {  	s14 =	simm.s32 $0x19300;
	s23 =	sadd.s32 $0x63380, s3;
	[dreg:$0x16] =	wrdreg s22  }
0x17: {  	s17 =	simm.s32 $0xC8;
	s24 =	sadd.s32 $0x64, s11;
	[dreg:$0x17] =	wrdreg s23  }
0x18: {  	s25 =	sadd.s32 $0x7D, s11;
	s26 =	sor.u32 $0x320, s10;
	[dreg:$0x19] =	wrdreg s24  }
0x19: {  	s3 =	simm.s32 $0xB;
	s2 =	sadd.s32 s4, s9;
	[dreg:$0x1a] =	wrdreg s25  }
0x1a: {  	s15 =	sshrl.u32 s12, $0x3;
	[dreg:$0x1b] =	wrdreg s26;
	s31 =	sor.u32 $0x3E8, s10  }
0x1b: {  	s12 =	simm.s32 $0x19100;
	s20 =	simm.s32 $0x6400;
	s21 =	simm.s32 $0x1  }
0x1c: {  	s22 =	simm.s32 $0x7;
	s23 =	simm.s32 $0xC800;
	s24 =	simm.s32 $0x2  }
0x1d: {  	s25 =	simm.s32 $0x8;
	s26 =	simm.s32 $0x12C00;
	[dreg:$0xe] =	wrdreg s2  }
0x1e: {  	s8 =	simm.s32 $0xA;
	s2 =	sadd.s32 s7, s15;
	[dreg:$0x1c] =	wrdreg s31  }
0x1f: {  	s9 =	simm.s32 $0xC;
	[dreg:$0xf] =	wrdreg s2;
	s2 =	sadd.s32 s4, s16  }
0x20: {  	s15 =	simm.s32 $0x5;
	[dreg:$0x11] =	wrdreg s2;
	s2 =	sadd.s32 s7, s18  }
0x21: {  	s18 =	simm.s32 $0x6;
	[dreg:$0x12] =	wrdreg s2;
	s2 =	sadd.s32 s4, s19  }
0x22: {  	[dreg:$0x13] =	wrdreg s2;
	s2 =	smov.u32 s10;
	s10 =	simm.s32 $0x0  }
.LBB2_1:
0x23: {  	[dreg:$0x1d] =	wrdreg s10  }
0x24: {  	s6 =	rddreg [dreg:$0x2];
	s19 =	simm.s32 $0x19400;
	s31 =	simm.s32 $0xD  }
0x25: {  	[tilespmem:s19], [sflag:$0xD] =	stream.linear.gather [hbm4b:s6+s5], $0x6400, $0x38;
	[tilespmem:$0x1F800] =	vst v63  }
0x26: {  	_ =	swait.ge [sflag:s31], $0x6400  }
0x27: {  	[sflag:s31] =	ssyncset.done $0x0  }
0x28: {  	s10 =	rddreg [dreg:$0x5];
	[sflag:s31] =	ssyncadd.s32 $0xFFFF9C00  }
0x29: {  	[tilespmem:s0], [sflag:$0x5] =	stream.linear.gather [hbm4b:s10+s5], $0xC8, $0x38;
	[tilespmem:$0x1F800] =	vst v63  }
0x2a: {  	s11 =	rddreg [dreg:$0x9]  }
0x2b: {  	[tilespmem:s12], [sflag:$0x6] =	stream.linear.gather [hbm4b:s11+s5], $0xC8, $0x38;
	[tilespmem:$0x1F800] =	vst v63  }
0x2c: {  	s16 =	rddreg [dreg:$0xa]  }
0x2d: {  	[tilespmem:s13], [sflag:$0x7] =	stream.linear.gather [hbm4b:s16+s5], $0xC8, $0x38;
	[tilespmem:$0x1F800] =	vst v63  }
0x2e: {  	s19 =	rddreg [dreg:$0xb]  }
0x2f: {  	[tilespmem:s14], [sflag:$0x8] =	stream.linear.gather [hbm4b:s19+s5], $0xC8, $0x38;
	[tilespmem:$0x1F800] =	vst v63  }
0x30: {  	_ =	swait.ge [sflag:s15], $0xC8  }
0x31: {  	[sflag:s15] =	ssyncset.done $0x0  }
0x32: {  	[sflag:s15] =	ssyncadd.s32 $0xFFFFFF38  }
0x33: {  	[tilespmem:s5], [sflag:$0x1] =	stream.indirect.gather [hbm4b:s1+s17], $0x80, s0, s17, $0xb8;
	[tilespmem:$0x1F800] =	vst v63  }
0x34: {  	_ =	swait.ge [sflag:s18], $0xC8  }
0x35: {  	[sflag:s18] =	ssyncset.done $0x0  }
0x36: {  	[sflag:s18] =	ssyncadd.s32 $0xFFFFFF38  }
0x37: {  	[tilespmem:s20], [sflag:$0x2] =	stream.indirect.gather [hbm4b:s1+s17], $0x80, s12, s17, $0xb8;
	[tilespmem:$0x1F800] =	vst v63  }
0x38: {  	_ =	swait.ge [sflag:s21], $0x6400  }
0x39: {  	[sflag:s21] =	ssyncset.done $0x0  }
0x3a: {  	s31 =	rddreg [dreg:$0x19];
	[sflag:s21] =	ssyncadd.s32 $0xFFFF9C00  }
0x3b: {  	[tilespmem:s0], [sflag:$0x5] =	stream.linear.gather [hbm4b:s31+s5], $0xC8, $0x38;
	[tilespmem:$0x1F800] =	vst v63  }
0x3c: {  	_ =	swait.ge [sflag:s22], $0xC8  }
0x3d: {  	[sflag:s22] =	ssyncset.done $0x0  }
0x3e: {  	s10 =	simm.s32 $0x100;
	[sflag:s22] =	ssyncadd.s32 $0xFFFFFF38  }
0x3f: {  	[tilespmem:s23], [sflag:$0x3] =	stream.indirect.gather [hbm4b:s1+s17], $0x80, s13, s17, $0xb8;
	[tilespmem:$0x1F800] =	vst v63  }
0x40: {  	s11 =	simm.s32 $0x19500;
	v0 =	vld [tilespmem:s10+$0x80]  }
0x41: {  	v1 =	vld [tilespmem:s11+$0x80]  }
0x42: {  	v2 =	vld [tilespmem:s10+$0xFFFFFF80]  }
0x43: {  	v3 =	vld [tilespmem:s11+$0xFFFFFF80]  }
0x44: {  	v4 =	vld [tilespmem:s10+$0x0]  }
0x45: {  	v5 =	vld [tilespmem:s11+$0x0]  }
0x46: {  	v6 =	vld [tilespmem:s10+$0xFFFFFF00];
	v0 =	vadd.f32 v1, v0  }
0x47: {  	v1 =	vld [tilespmem:s11+$0xFFFFFF00]  }
0x48: {  	[tilespmem:s10+$0x80] =	vst v0;
	v0 =	vld [tilespmem:s10+$0x90]  }
0x49: {  	v2 =	vadd.f32 v3, v2;
	v3 =	vld [tilespmem:s11+$0x90]  }
0x4a: {  	v7 =	vld [tilespmem:s10+$0xFFFFFF10]  }
0x4b: {  	[tilespmem:s10+$0xFFFFFF80] =	vst v2;
	v2 =	vadd.f32 v5, v4;
	v4 =	vld [tilespmem:s10+$0xFFFFFF90]  }
0x4c: {  	v5 =	vld [tilespmem:s11+$0xFFFFFF90];
	v1 =	vadd.f32 v1, v6  }
0x4d: {  	[tilespmem:s10+$0x0] =	vst v2;
	v2 =	vld [tilespmem:s10+$0x10]  }
0x4e: {  	v6 =	vld [tilespmem:s11+$0x10];
	[tilespmem:s10+$0xFFFFFF00] =	vst v1;
	v0 =	vadd.f32 v3, v0  }
0x4f: {  	v1 =	vld [tilespmem:s11+$0xFFFFFF10]  }
0x50: {  	[tilespmem:s10+$0x90] =	vst v0;
	v0 =	vld [tilespmem:s10+$0xA0]  }
0x51: {  	v3 =	vadd.f32 v5, v4;
	v4 =	vld [tilespmem:s11+$0xA0]  }
0x52: {  	v5 =	vld [tilespmem:s10+$0xFFFFFF20]  }
0x53: {  	[tilespmem:s10+$0xFFFFFF90] =	vst v3;
	v2 =	vadd.f32 v6, v2;
	v3 =	vld [tilespmem:s10+$0xFFFFFFA0]  }
0x54: {  	v6 =	vld [tilespmem:s11+$0xFFFFFFA0];
	v1 =	vadd.f32 v1, v7  }
0x55: {  	[tilespmem:s10+$0x10] =	vst v2;
	v2 =	vld [tilespmem:s10+$0x20]  }
0x56: {  	v7 =	vld [tilespmem:s11+$0x20];
	[tilespmem:s10+$0xFFFFFF10] =	vst v1;
	v0 =	vadd.f32 v4, v0  }
0x57: {  	v1 =	vld [tilespmem:s11+$0xFFFFFF20]  }
0x58: {  	[tilespmem:s10+$0xA0] =	vst v0;
	v0 =	vld [tilespmem:s10+$0xB0]  }
0x59: {  	v3 =	vadd.f32 v6, v3;
	v4 =	vld [tilespmem:s11+$0xB0]  }
0x5a: {  	v6 =	vld [tilespmem:s10+$0xFFFFFF30]  }
0x5b: {  	[tilespmem:s10+$0xFFFFFFA0] =	vst v3;
	v2 =	vadd.f32 v7, v2;
	v3 =	vld [tilespmem:s10+$0xFFFFFFB0]  }
0x5c: {  	v7 =	vld [tilespmem:s11+$0xFFFFFFB0];
	v1 =	vadd.f32 v1, v5  }
0x5d: {  	[tilespmem:s10+$0x20] =	vst v2;
	v2 =	vld [tilespmem:s10+$0x30]  }
0x5e: {  	v5 =	vld [tilespmem:s11+$0x30];
	[tilespmem:s10+$0xFFFFFF20] =	vst v1;
	v0 =	vadd.f32 v4, v0  }
0x5f: {  	v1 =	vld [tilespmem:s11+$0xFFFFFF30]  }
0x60: {  	[tilespmem:s10+$0xB0] =	vst v0;
	v0 =	vld [tilespmem:s10+$0xC0]  }
0x61: {  	v3 =	vadd.f32 v7, v3;
	v4 =	vld [tilespmem:s11+$0xC0]  }
0x62: {  	v7 =	vld [tilespmem:s10+$0xFFFFFF40]  }
0x63: {  	[tilespmem:s10+$0xFFFFFFB0] =	vst v3;
	v2 =	vadd.f32 v5, v2;
	v3 =	vld [tilespmem:s10+$0xFFFFFFC0]  }
0x64: {  	v5 =	vld [tilespmem:s11+$0xFFFFFFC0];
	v1 =	vadd.f32 v1, v6  }
0x65: {  	[tilespmem:s10+$0x30] =	vst v2;
	v2 =	vld [tilespmem:s10+$0x40]  }
0x66: {  	v6 =	vld [tilespmem:s11+$0x40];
	[tilespmem:s10+$0xFFFFFF30] =	vst v1;
	v0 =	vadd.f32 v4, v0  }
0x67: {  	v1 =	vld [tilespmem:s11+$0xFFFFFF40]  }
0x68: {  	[tilespmem:s10+$0xC0] =	vst v0;
	v0 =	vld [tilespmem:s10+$0xD0]  }
0x69: {  	v3 =	vadd.f32 v5, v3;
	v4 =	vld [tilespmem:s11+$0xD0]  }
0x6a: {  	v5 =	vld [tilespmem:s10+$0xFFFFFF50]  }
0x6b: {  	[tilespmem:s10+$0xFFFFFFC0] =	vst v3;
	v2 =	vadd.f32 v6, v2;
	v3 =	vld [tilespmem:s10+$0xFFFFFFD0]  }
0x6c: {  	v6 =	vld [tilespmem:s11+$0xFFFFFFD0];
	v1 =	vadd.f32 v1, v7  }
0x6d: {  	[tilespmem:s10+$0x40] =	vst v2;
	v2 =	vld [tilespmem:s10+$0x50]  }
0x6e: {  	v7 =	vld [tilespmem:s11+$0x50];
	[tilespmem:s10+$0xFFFFFF40] =	vst v1;
	v0 =	vadd.f32 v4, v0  }
0x6f: {  	v1 =	vld [tilespmem:s11+$0xFFFFFF50]  }
0x70: {  	[tilespmem:s10+$0xD0] =	vst v0;
	v0 =	vld [tilespmem:s10+$0xE0]  }
0x71: {  	v3 =	vadd.f32 v6, v3;
	v4 =	vld [tilespmem:s11+$0xE0]  }
0x72: {  	v6 =	vld [tilespmem:s10+$0xFFFFFF60]  }
0x73: {  	[tilespmem:s10+$0xFFFFFFD0] =	vst v3;
	v2 =	vadd.f32 v7, v2;
	v3 =	vld [tilespmem:s10+$0xFFFFFFE0]  }
0x74: {  	v7 =	vld [tilespmem:s11+$0xFFFFFFE0];
	v1 =	vadd.f32 v1, v5  }
0x75: {  	[tilespmem:s10+$0x50] =	vst v2;
	v2 =	vld [tilespmem:s10+$0x60]  }
0x76: {  	v5 =	vld [tilespmem:s11+$0x60];
	[tilespmem:s10+$0xFFFFFF50] =	vst v1;
	v0 =	vadd.f32 v4, v0  }
0x77: {  	v4 =	vld [tilespmem:s11+$0xFFFFFF60]  }
0x78: {  	v8 =	vld [tilespmem:s10+$0xF0];
	[tilespmem:s10+$0xE0] =	vst v0  }
0x79: {  	v1 =	vadd.f32 v7, v3;
	v7 =	vld [tilespmem:s11+$0xF0]  }
0x7a: {  	v0 =	vld [tilespmem:s10+$0xFFFFFF70]  }
0x7b: {  	[tilespmem:s10+$0xFFFFFFE0] =	vst v1;
	v2 =	vadd.f32 v5, v2;
	v1 =	vld [tilespmem:s10+$0xFFFFFFF0]  }
0x7c: {  	v3 =	vld [tilespmem:s11+$0xFFFFFFF0];
	v4 =	vadd.f32 v4, v6  }
0x7d: {  	[tilespmem:s10+$0x60] =	vst v2;
	v2 =	vld [tilespmem:s10+$0x70]  }
0x7e: {  	[tilespmem:s10+$0xFFFFFF60] =	vst v4;
	v4 =	vld [tilespmem:s11+$0x70];
	v6 =	vadd.f32 v7, v8  }
0x7f: {  	s6 =	simm.s32 $0x300;
	s16 =	simm.s32 $0x0;
	v5 =	vld [tilespmem:s11+$0xFFFFFF70]  }
.LBB2_2:
0x80: {  	v7 =	vld [tilespmem:s6+$0x80];
	[tilespmem:s10+$0xF0] =	vst v6;
	s11 =	sadd.s32 $0x200, s11  }
0x81: {  	s16 =	sadd.s32 $0x4, s16;
	v6 =	vld [tilespmem:s11+$0x80];
	v1 =	vadd.f32 v3, v1  }
0x82: {  	p0 =	slt.u32 s16, $0xC4;
	v3 =	vld [tilespmem:s11+$0xFFFFFF00]  }
0x83: {  	v8 =	vld [tilespmem:s6+$0xFFFFFF80];
	[tilespmem:s10+$0xFFFFFFF0] =	vst v1;
	v1 =	vadd.f32 v4, v2  }
0x84: {  	v2 =	vld [tilespmem:s11+$0xFFFFFF80];
	v0 =	vadd.f32 v5, v0  }
0x85: {  	v4 =	vld [tilespmem:s6+$0x0];
	[tilespmem:s10+$0x70] =	vst v1  }
0x86: {  	v1 =	vld [tilespmem:s11+$0x0];
	v5 =	vadd.f32 v6, v7;
	[tilespmem:s10+$0xFFFFFF70] =	vst v0;
	s10 =	smov.u32 s6  }
0x87: {  	v0 =	vld [tilespmem:s6+$0xFFFFFF00]  }
0x88: {  	[tilespmem:s6+$0x80] =	vst v5;
	v5 =	vld [tilespmem:s6+$0x90]  }
0x89: {  	v2 =	vadd.f32 v2, v8;
	v6 =	vld [tilespmem:s11+$0x90]  }
0x8a: {  	v7 =	vld [tilespmem:s6+$0xFFFFFF10]  }
0x8b: {  	[tilespmem:s6+$0xFFFFFF80] =	vst v2;
	v2 =	vld [tilespmem:s6+$0xFFFFFF90];
	v1 =	vadd.f32 v1, v4  }
0x8c: {  	v0 =	vadd.f32 v3, v0;
	v3 =	vld [tilespmem:s11+$0xFFFFFF90]  }
0x8d: {  	[tilespmem:s6+$0x0] =	vst v1;
	v1 =	vld [tilespmem:s6+$0x10]  }
0x8e: {  	[tilespmem:s6+$0xFFFFFF00] =	vst v0;
	v0 =	vld [tilespmem:s11+$0x10];
	v4 =	vadd.f32 v6, v5  }
0x8f: {  	v5 =	vld [tilespmem:s11+$0xFFFFFF10]  }
0x90: {  	[tilespmem:s6+$0x90] =	vst v4;
	v4 =	vld [tilespmem:s6+$0xA0]  }
0x91: {  	v2 =	vadd.f32 v3, v2;
	v3 =	vld [tilespmem:s11+$0xA0]  }
0x92: {  	v6 =	vld [tilespmem:s6+$0xFFFFFF20]  }
0x93: {  	[tilespmem:s6+$0xFFFFFF90] =	vst v2;
	v2 =	vld [tilespmem:s6+$0xFFFFFFA0];
	v0 =	vadd.f32 v0, v1  }
0x94: {  	v1 =	vadd.f32 v5, v7;
	v5 =	vld [tilespmem:s11+$0xFFFFFFA0]  }
0x95: {  	[tilespmem:s6+$0x10] =	vst v0;
	v0 =	vld [tilespmem:s6+$0x20]  }
0x96: {  	[tilespmem:s6+$0xFFFFFF10] =	vst v1;
	v1 =	vld [tilespmem:s11+$0x20];
	v3 =	vadd.f32 v3, v4  }
0x97: {  	v4 =	vld [tilespmem:s11+$0xFFFFFF20]  }
0x98: {  	[tilespmem:s6+$0xA0] =	vst v3;
	v3 =	vld [tilespmem:s6+$0xB0]  }
0x99: {  	v2 =	vadd.f32 v5, v2;
	v5 =	vld [tilespmem:s11+$0xB0]  }
0x9a: {  	v7 =	vld [tilespmem:s6+$0xFFFFFF30]  }
0x9b: {  	[tilespmem:s6+$0xFFFFFFA0] =	vst v2;
	v2 =	vld [tilespmem:s6+$0xFFFFFFB0];
	v0 =	vadd.f32 v1, v0  }
0x9c: {  	v1 =	vadd.f32 v4, v6;
	v4 =	vld [tilespmem:s11+$0xFFFFFFB0]  }
0x9d: {  	[tilespmem:s6+$0x20] =	vst v0;
	v0 =	vld [tilespmem:s6+$0x30]  }
0x9e: {  	[tilespmem:s6+$0xFFFFFF20] =	vst v1;
	v1 =	vld [tilespmem:s11+$0x30];
	v3 =	vadd.f32 v5, v3  }
0x9f: {  	v5 =	vld [tilespmem:s11+$0xFFFFFF30]  }
0xa0: {  	[tilespmem:s6+$0xB0] =	vst v3;
	v3 =	vld [tilespmem:s6+$0xC0]  }
0xa1: {  	v2 =	vadd.f32 v4, v2;
	v4 =	vld [tilespmem:s11+$0xC0]  }
0xa2: {  	v6 =	vld [tilespmem:s6+$0xFFFFFF40]  }
0xa3: {  	[tilespmem:s6+$0xFFFFFFB0] =	vst v2;
	v2 =	vld [tilespmem:s6+$0xFFFFFFC0];
	v0 =	vadd.f32 v1, v0  }
0xa4: {  	v1 =	vadd.f32 v5, v7;
	v5 =	vld [tilespmem:s11+$0xFFFFFFC0]  }
0xa5: {  	[tilespmem:s6+$0x30] =	vst v0;
	v0 =	vld [tilespmem:s6+$0x40]  }
0xa6: {  	[tilespmem:s6+$0xFFFFFF30] =	vst v1;
	v1 =	vld [tilespmem:s11+$0x40];
	v3 =	vadd.f32 v4, v3  }
0xa7: {  	v4 =	vld [tilespmem:s11+$0xFFFFFF40]  }
0xa8: {  	[tilespmem:s6+$0xC0] =	vst v3;
	v3 =	vld [tilespmem:s6+$0xD0]  }
0xa9: {  	v2 =	vadd.f32 v5, v2;
	v5 =	vld [tilespmem:s11+$0xD0]  }
0xaa: {  	v7 =	vld [tilespmem:s6+$0xFFFFFF50]  }
0xab: {  	[tilespmem:s6+$0xFFFFFFC0] =	vst v2;
	v2 =	vld [tilespmem:s6+$0xFFFFFFD0];
	v0 =	vadd.f32 v1, v0  }
0xac: {  	v1 =	vadd.f32 v4, v6;
	v4 =	vld [tilespmem:s11+$0xFFFFFFD0]  }
0xad: {  	[tilespmem:s6+$0x40] =	vst v0;
	v0 =	vld [tilespmem:s6+$0x50]  }
0xae: {  	[tilespmem:s6+$0xFFFFFF40] =	vst v1;
	v1 =	vld [tilespmem:s11+$0x50];
	v3 =	vadd.f32 v5, v3  }
0xaf: {  	v5 =	vld [tilespmem:s11+$0xFFFFFF50]  }
0xb0: {  	[tilespmem:s6+$0xD0] =	vst v3;
	v3 =	vld [tilespmem:s6+$0xE0]  }
0xb1: {  	v2 =	vadd.f32 v4, v2;
	v4 =	vld [tilespmem:s11+$0xE0]  }
0xb2: {  	v6 =	vld [tilespmem:s6+$0xFFFFFF60]  }
0xb3: {  	[tilespmem:s6+$0xFFFFFFD0] =	vst v2;
	v2 =	vld [tilespmem:s6+$0xFFFFFFE0];
	v0 =	vadd.f32 v1, v0  }
0xb4: {  	v1 =	vadd.f32 v5, v7;
	v5 =	vld [tilespmem:s11+$0xFFFFFFE0]  }
0xb5: {  	[tilespmem:s6+$0x50] =	vst v0;
	v7 =	vld [tilespmem:s6+$0x60]  }
0xb6: {  	[tilespmem:s6+$0xFFFFFF50] =	vst v1;
	v8 =	vld [tilespmem:s11+$0x60];
	v0 =	vadd.f32 v4, v3  }
0xb7: {  	v3 =	vld [tilespmem:s11+$0xFFFFFF60]  }
0xb8: {  	[tilespmem:s6+$0xE0] =	vst v0;
	v9 =	vld [tilespmem:s6+$0xF0]  }
0xb9: {  	v1 =	vadd.f32 v5, v2;
	v5 =	vld [tilespmem:s11+$0xF0]  }
0xba: {  	v0 =	vld [tilespmem:s6+$0xFFFFFF70]  }
.Ltmp0:
0xbb: {  	[tilespmem:s6+$0xFFFFFFE0] =	vst v1;
	v1 =	vld [tilespmem:s6+$0xFFFFFFF0];
	v2 =	vadd.f32 v8, v7;
	(pc) =	sbr.rel @p0 .LBB2_2-.Ltmp0, $4  }
0xbc: {  	v4 =	vadd.f32 v3, v6;
	v3 =	vld [tilespmem:s11+$0xFFFFFFF0]  }
0xbd: {  	[tilespmem:s6+$0x60] =	vst v2;
	v2 =	vld [tilespmem:s6+$0x70]  }
0xbe: {  	[tilespmem:s6+$0xFFFFFF60] =	vst v4;
	v4 =	vld [tilespmem:s11+$0x70];
	v6 =	vadd.f32 v5, v9  }
0xbf: {  	s6 =	sadd.s32 $0x200, s6;
	v5 =	vld [tilespmem:s11+$0xFFFFFF70]  }
0xc0: {  	_ =	sdelay $0x1  }
0xc1: {  	v1 =	vadd.f32 v3, v1  }
0xc2: {  	[tilespmem:s10+$0xF0] =	vst v6;
	v2 =	vadd.f32 v4, v2  }
0xc3: {  	[tilespmem:s10+$0xFFFFFFF0] =	vst v1;
	v0 =	vadd.f32 v5, v0  }
0xc4: {  	[tilespmem:s10+$0x70] =	vst v2  }
0xc5: {  	[tilespmem:s10+$0xFFFFFF70] =	vst v0  }
0xc6: {  	s6 =	rddreg [dreg:$0xc]  }
0xc7: {  	[hbm4b:s6+s5] =	stream.linear.scatter [tilespmem:s5], [sflag:$0x9], $0x6400, $0x38;
	[tilespmem:$0x1F800] =	vst v63  }
0xc8: {  	_ =	swait.ge [sflag:s24], $0x6400  }
0xc9: {  	[sflag:s24] =	ssyncset.done $0x0  }
0xca: {  	s31 =	rddreg [dreg:$0x1a];
	[sflag:s24] =	ssyncadd.s32 $0xFFFF9C00  }
0xcb: {  	[tilespmem:s12], [sflag:$0x6] =	stream.linear.gather [hbm4b:s31+s5], $0xC8, $0x38;
	[tilespmem:$0x1F800] =	vst v63  }
0xcc: {  	_ =	swait.ge [sflag:s25], $0xC8  }
0xcd: {  	[sflag:s25] =	ssyncset.done $0x0  }
0xce: {  	s10 =	simm.s32 $0x6500;
	[sflag:s25] =	ssyncadd.s32 $0xFFFFFF38  }
0xcf: {  	[tilespmem:s26], [sflag:$0x4] =	stream.indirect.gather [hbm4b:s1+s17], $0x80, s14, s17, $0xb8;
	[tilespmem:$0x1F800] =	vst v63  }
0xd0: {  	s11 =	simm.s32 $0x19500;
	v0 =	vld [tilespmem:s10+$0x80]  }
0xd1: {  	v1 =	vld [tilespmem:s11+$0x80]  }
0xd2: {  	v2 =	vld [tilespmem:s10+$0xFFFFFF80]  }
0xd3: {  	v3 =	vld [tilespmem:s11+$0xFFFFFF80]  }
0xd4: {  	v4 =	vld [tilespmem:s10+$0x0]  }
0xd5: {  	v5 =	vld [tilespmem:s11+$0x0]  }
0xd6: {  	v6 =	vld [tilespmem:s10+$0xFFFFFF00];
	v0 =	vadd.f32 v1, v0  }
0xd7: {  	v1 =	vld [tilespmem:s11+$0xFFFFFF00]  }
0xd8: {  	[tilespmem:s10+$0x80] =	vst v0;
	v0 =	vld [tilespmem:s10+$0x90]  }
0xd9: {  	v2 =	vadd.f32 v3, v2;
	v3 =	vld [tilespmem:s11+$0x90]  }
0xda: {  	v7 =	vld [tilespmem:s10+$0xFFFFFF10]  }
0xdb: {  	[tilespmem:s10+$0xFFFFFF80] =	vst v2;
	v2 =	vadd.f32 v5, v4;
	v4 =	vld [tilespmem:s10+$0xFFFFFF90]  }
0xdc: {  	v5 =	vld [tilespmem:s11+$0xFFFFFF90];
	v1 =	vadd.f32 v1, v6  }
0xdd: {  	[tilespmem:s10+$0x0] =	vst v2;
	v2 =	vld [tilespmem:s10+$0x10]  }
0xde: {  	v6 =	vld [tilespmem:s11+$0x10];
	[tilespmem:s10+$0xFFFFFF00] =	vst v1;
	v0 =	vadd.f32 v3, v0  }
0xdf: {  	v1 =	vld [tilespmem:s11+$0xFFFFFF10]  }
0xe0: {  	[tilespmem:s10+$0x90] =	vst v0;
	v0 =	vld [tilespmem:s10+$0xA0]  }
0xe1: {  	v3 =	vadd.f32 v5, v4;
	v4 =	vld [tilespmem:s11+$0xA0]  }
0xe2: {  	v5 =	vld [tilespmem:s10+$0xFFFFFF20]  }
0xe3: {  	[tilespmem:s10+$0xFFFFFF90] =	vst v3;
	v2 =	vadd.f32 v6, v2;
	v3 =	vld [tilespmem:s10+$0xFFFFFFA0]  }
0xe4: {  	v6 =	vld [tilespmem:s11+$0xFFFFFFA0];
	v1 =	vadd.f32 v1, v7  }
0xe5: {  	[tilespmem:s10+$0x10] =	vst v2;
	v2 =	vld [tilespmem:s10+$0x20]  }
0xe6: {  	v7 =	vld [tilespmem:s11+$0x20];
	[tilespmem:s10+$0xFFFFFF10] =	vst v1;
	v0 =	vadd.f32 v4, v0  }
0xe7: {  	v1 =	vld [tilespmem:s11+$0xFFFFFF20]  }
0xe8: {  	[tilespmem:s10+$0xA0] =	vst v0;
	v0 =	vld [tilespmem:s10+$0xB0]  }
0xe9: {  	v3 =	vadd.f32 v6, v3;
	v4 =	vld [tilespmem:s11+$0xB0]  }
0xea: {  	v6 =	vld [tilespmem:s10+$0xFFFFFF30]  }
0xeb: {  	[tilespmem:s10+$0xFFFFFFA0] =	vst v3;
	v2 =	vadd.f32 v7, v2;
	v3 =	vld [tilespmem:s10+$0xFFFFFFB0]  }
0xec: {  	v7 =	vld [tilespmem:s11+$0xFFFFFFB0];
	v1 =	vadd.f32 v1, v5  }
0xed: {  	[tilespmem:s10+$0x20] =	vst v2;
	v2 =	vld [tilespmem:s10+$0x30]  }
0xee: {  	v5 =	vld [tilespmem:s11+$0x30];
	[tilespmem:s10+$0xFFFFFF20] =	vst v1;
	v0 =	vadd.f32 v4, v0  }
0xef: {  	v1 =	vld [tilespmem:s11+$0xFFFFFF30]  }
0xf0: {  	[tilespmem:s10+$0xB0] =	vst v0;
	v0 =	vld [tilespmem:s10+$0xC0]  }
0xf1: {  	v3 =	vadd.f32 v7, v3;
	v4 =	vld [tilespmem:s11+$0xC0]  }
0xf2: {  	v7 =	vld [tilespmem:s10+$0xFFFFFF40]  }
0xf3: {  	[tilespmem:s10+$0xFFFFFFB0] =	vst v3;
	v2 =	vadd.f32 v5, v2;
	v3 =	vld [tilespmem:s10+$0xFFFFFFC0]  }
0xf4: {  	v5 =	vld [tilespmem:s11+$0xFFFFFFC0];
	v1 =	vadd.f32 v1, v6  }
0xf5: {  	[tilespmem:s10+$0x30] =	vst v2;
	v2 =	vld [tilespmem:s10+$0x40]  }
0xf6: {  	v6 =	vld [tilespmem:s11+$0x40];
	[tilespmem:s10+$0xFFFFFF30] =	vst v1;
	v0 =	vadd.f32 v4, v0  }
0xf7: {  	v1 =	vld [tilespmem:s11+$0xFFFFFF40]  }
0xf8: {  	[tilespmem:s10+$0xC0] =	vst v0;
	v0 =	vld [tilespmem:s10+$0xD0]  }
0xf9: {  	v3 =	vadd.f32 v5, v3;
	v4 =	vld [tilespmem:s11+$0xD0]  }
0xfa: {  	v5 =	vld [tilespmem:s10+$0xFFFFFF50]  }
0xfb: {  	[tilespmem:s10+$0xFFFFFFC0] =	vst v3;
	v2 =	vadd.f32 v6, v2;
	v3 =	vld [tilespmem:s10+$0xFFFFFFD0]  }
0xfc: {  	v6 =	vld [tilespmem:s11+$0xFFFFFFD0];
	v1 =	vadd.f32 v1, v7  }
0xfd: {  	[tilespmem:s10+$0x40] =	vst v2;
	v2 =	vld [tilespmem:s10+$0x50]  }
0xfe: {  	v7 =	vld [tilespmem:s11+$0x50];
	[tilespmem:s10+$0xFFFFFF40] =	vst v1;
	v0 =	vadd.f32 v4, v0  }
0xff: {  	v1 =	vld [tilespmem:s11+$0xFFFFFF50]  }
0x100: {  	[tilespmem:s10+$0xD0] =	vst v0;
	v0 =	vld [tilespmem:s10+$0xE0]  }
0x101: {  	v3 =	vadd.f32 v6, v3;
	v4 =	vld [tilespmem:s11+$0xE0]  }
0x102: {  	v6 =	vld [tilespmem:s10+$0xFFFFFF60]  }
0x103: {  	[tilespmem:s10+$0xFFFFFFD0] =	vst v3;
	v2 =	vadd.f32 v7, v2;
	v3 =	vld [tilespmem:s10+$0xFFFFFFE0]  }
0x104: {  	v7 =	vld [tilespmem:s11+$0xFFFFFFE0];
	v1 =	vadd.f32 v1, v5  }
0x105: {  	[tilespmem:s10+$0x50] =	vst v2;
	v2 =	vld [tilespmem:s10+$0x60]  }
0x106: {  	v5 =	vld [tilespmem:s11+$0x60];
	[tilespmem:s10+$0xFFFFFF50] =	vst v1;
	v0 =	vadd.f32 v4, v0  }
0x107: {  	v4 =	vld [tilespmem:s11+$0xFFFFFF60]  }
0x108: {  	v8 =	vld [tilespmem:s10+$0xF0];
	[tilespmem:s10+$0xE0] =	vst v0  }
0x109: {  	v1 =	vadd.f32 v7, v3;
	v7 =	vld [tilespmem:s11+$0xF0]  }
0x10a: {  	v0 =	vld [tilespmem:s10+$0xFFFFFF70]  }
0x10b: {  	[tilespmem:s10+$0xFFFFFFE0] =	vst v1;
	v2 =	vadd.f32 v5, v2;
	v1 =	vld [tilespmem:s10+$0xFFFFFFF0]  }
0x10c: {  	v3 =	vld [tilespmem:s11+$0xFFFFFFF0];
	v4 =	vadd.f32 v4, v6  }
0x10d: {  	[tilespmem:s10+$0x60] =	vst v2;
	v2 =	vld [tilespmem:s10+$0x70]  }
0x10e: {  	[tilespmem:s10+$0xFFFFFF60] =	vst v4;
	v4 =	vld [tilespmem:s11+$0x70];
	v6 =	vadd.f32 v7, v8  }
0x10f: {  	s16 =	simm.s32 $0x0;
	s6 =	simm.s32 $0x6700;
	v5 =	vld [tilespmem:s11+$0xFFFFFF70]  }
.LBB2_4:
0x110: {  	v7 =	vld [tilespmem:s6+$0x80];
	[tilespmem:s10+$0xF0] =	vst v6;
	s11 =	sadd.s32 $0x200, s11  }
0x111: {  	s16 =	sadd.s32 $0x4, s16;
	v6 =	vld [tilespmem:s11+$0x80];
	v1 =	vadd.f32 v3, v1  }
0x112: {  	p0 =	slt.u32 s16, $0xC4;
	v3 =	vld [tilespmem:s11+$0xFFFFFF00]  }
0x113: {  	v8 =	vld [tilespmem:s6+$0xFFFFFF80];
	[tilespmem:s10+$0xFFFFFFF0] =	vst v1;
	v1 =	vadd.f32 v4, v2  }
0x114: {  	v2 =	vld [tilespmem:s11+$0xFFFFFF80];
	v0 =	vadd.f32 v5, v0  }
0x115: {  	v4 =	vld [tilespmem:s6+$0x0];
	[tilespmem:s10+$0x70] =	vst v1  }
0x116: {  	v1 =	vld [tilespmem:s11+$0x0];
	v5 =	vadd.f32 v6, v7;
	[tilespmem:s10+$0xFFFFFF70] =	vst v0;
	s10 =	smov.u32 s6  }
0x117: {  	v0 =	vld [tilespmem:s6+$0xFFFFFF00]  }
0x118: {  	[tilespmem:s6+$0x80] =	vst v5;
	v5 =	vld [tilespmem:s6+$0x90]  }
0x119: {  	v2 =	vadd.f32 v2, v8;
	v6 =	vld [tilespmem:s11+$0x90]  }
0x11a: {  	v7 =	vld [tilespmem:s6+$0xFFFFFF10]  }
0x11b: {  	[tilespmem:s6+$0xFFFFFF80] =	vst v2;
	v2 =	vld [tilespmem:s6+$0xFFFFFF90];
	v1 =	vadd.f32 v1, v4  }
0x11c: {  	v0 =	vadd.f32 v3, v0;
	v3 =	vld [tilespmem:s11+$0xFFFFFF90]  }
0x11d: {  	[tilespmem:s6+$0x0] =	vst v1;
	v1 =	vld [tilespmem:s6+$0x10]  }
0x11e: {  	[tilespmem:s6+$0xFFFFFF00] =	vst v0;
	v0 =	vld [tilespmem:s11+$0x10];
	v4 =	vadd.f32 v6, v5  }
0x11f: {  	v5 =	vld [tilespmem:s11+$0xFFFFFF10]  }
0x120: {  	[tilespmem:s6+$0x90] =	vst v4;
	v4 =	vld [tilespmem:s6+$0xA0]  }
0x121: {  	v2 =	vadd.f32 v3, v2;
	v3 =	vld [tilespmem:s11+$0xA0]  }
0x122: {  	v6 =	vld [tilespmem:s6+$0xFFFFFF20]  }
0x123: {  	[tilespmem:s6+$0xFFFFFF90] =	vst v2;
	v2 =	vld [tilespmem:s6+$0xFFFFFFA0];
	v0 =	vadd.f32 v0, v1  }
0x124: {  	v1 =	vadd.f32 v5, v7;
	v5 =	vld [tilespmem:s11+$0xFFFFFFA0]  }
0x125: {  	[tilespmem:s6+$0x10] =	vst v0;
	v0 =	vld [tilespmem:s6+$0x20]  }
0x126: {  	[tilespmem:s6+$0xFFFFFF10] =	vst v1;
	v1 =	vld [tilespmem:s11+$0x20];
	v3 =	vadd.f32 v3, v4  }
0x127: {  	v4 =	vld [tilespmem:s11+$0xFFFFFF20]  }
0x128: {  	[tilespmem:s6+$0xA0] =	vst v3;
	v3 =	vld [tilespmem:s6+$0xB0]  }
0x129: {  	v2 =	vadd.f32 v5, v2;
	v5 =	vld [tilespmem:s11+$0xB0]  }
0x12a: {  	v7 =	vld [tilespmem:s6+$0xFFFFFF30]  }
0x12b: {  	[tilespmem:s6+$0xFFFFFFA0] =	vst v2;
	v2 =	vld [tilespmem:s6+$0xFFFFFFB0];
	v0 =	vadd.f32 v1, v0  }
0x12c: {  	v1 =	vadd.f32 v4, v6;
	v4 =	vld [tilespmem:s11+$0xFFFFFFB0]  }
0x12d: {  	[tilespmem:s6+$0x20] =	vst v0;
	v0 =	vld [tilespmem:s6+$0x30]  }
0x12e: {  	[tilespmem:s6+$0xFFFFFF20] =	vst v1;
	v1 =	vld [tilespmem:s11+$0x30];
	v3 =	vadd.f32 v5, v3  }
0x12f: {  	v5 =	vld [tilespmem:s11+$0xFFFFFF30]  }
0x130: {  	[tilespmem:s6+$0xB0] =	vst v3;
	v3 =	vld [tilespmem:s6+$0xC0]  }
0x131: {  	v2 =	vadd.f32 v4, v2;
	v4 =	vld [tilespmem:s11+$0xC0]  }
0x132: {  	v6 =	vld [tilespmem:s6+$0xFFFFFF40]  }
0x133: {  	[tilespmem:s6+$0xFFFFFFB0] =	vst v2;
	v2 =	vld [tilespmem:s6+$0xFFFFFFC0];
	v0 =	vadd.f32 v1, v0  }
0x134: {  	v1 =	vadd.f32 v5, v7;
	v5 =	vld [tilespmem:s11+$0xFFFFFFC0]  }
0x135: {  	[tilespmem:s6+$0x30] =	vst v0;
	v0 =	vld [tilespmem:s6+$0x40]  }
0x136: {  	[tilespmem:s6+$0xFFFFFF30] =	vst v1;
	v1 =	vld [tilespmem:s11+$0x40];
	v3 =	vadd.f32 v4, v3  }
0x137: {  	v4 =	vld [tilespmem:s11+$0xFFFFFF40]  }
0x138: {  	[tilespmem:s6+$0xC0] =	vst v3;
	v3 =	vld [tilespmem:s6+$0xD0]  }
0x139: {  	v2 =	vadd.f32 v5, v2;
	v5 =	vld [tilespmem:s11+$0xD0]  }
0x13a: {  	v7 =	vld [tilespmem:s6+$0xFFFFFF50]  }
0x13b: {  	[tilespmem:s6+$0xFFFFFFC0] =	vst v2;
	v2 =	vld [tilespmem:s6+$0xFFFFFFD0];
	v0 =	vadd.f32 v1, v0  }
0x13c: {  	v1 =	vadd.f32 v4, v6;
	v4 =	vld [tilespmem:s11+$0xFFFFFFD0]  }
0x13d: {  	[tilespmem:s6+$0x40] =	vst v0;
	v0 =	vld [tilespmem:s6+$0x50]  }
0x13e: {  	[tilespmem:s6+$0xFFFFFF40] =	vst v1;
	v1 =	vld [tilespmem:s11+$0x50];
	v3 =	vadd.f32 v5, v3  }
0x13f: {  	v5 =	vld [tilespmem:s11+$0xFFFFFF50]  }
0x140: {  	[tilespmem:s6+$0xD0] =	vst v3;
	v3 =	vld [tilespmem:s6+$0xE0]  }
0x141: {  	v2 =	vadd.f32 v4, v2;
	v4 =	vld [tilespmem:s11+$0xE0]  }
0x142: {  	v6 =	vld [tilespmem:s6+$0xFFFFFF60]  }
0x143: {  	[tilespmem:s6+$0xFFFFFFD0] =	vst v2;
	v2 =	vld [tilespmem:s6+$0xFFFFFFE0];
	v0 =	vadd.f32 v1, v0  }
0x144: {  	v1 =	vadd.f32 v5, v7;
	v5 =	vld [tilespmem:s11+$0xFFFFFFE0]  }
0x145: {  	[tilespmem:s6+$0x50] =	vst v0;
	v7 =	vld [tilespmem:s6+$0x60]  }
0x146: {  	[tilespmem:s6+$0xFFFFFF50] =	vst v1;
	v8 =	vld [tilespmem:s11+$0x60];
	v0 =	vadd.f32 v4, v3  }
0x147: {  	v3 =	vld [tilespmem:s11+$0xFFFFFF60]  }
0x148: {  	[tilespmem:s6+$0xE0] =	vst v0;
	v9 =	vld [tilespmem:s6+$0xF0]  }
0x149: {  	v1 =	vadd.f32 v5, v2;
	v5 =	vld [tilespmem:s11+$0xF0]  }
0x14a: {  	v0 =	vld [tilespmem:s6+$0xFFFFFF70]  }
.Ltmp1:
0x14b: {  	[tilespmem:s6+$0xFFFFFFE0] =	vst v1;
	v1 =	vld [tilespmem:s6+$0xFFFFFFF0];
	v2 =	vadd.f32 v8, v7;
	(pc) =	sbr.rel @p0 .LBB2_4-.Ltmp1, $4  }
0x14c: {  	v4 =	vadd.f32 v3, v6;
	v3 =	vld [tilespmem:s11+$0xFFFFFFF0]  }
0x14d: {  	[tilespmem:s6+$0x60] =	vst v2;
	v2 =	vld [tilespmem:s6+$0x70]  }
0x14e: {  	[tilespmem:s6+$0xFFFFFF60] =	vst v4;
	v4 =	vld [tilespmem:s11+$0x70];
	v6 =	vadd.f32 v5, v9  }
0x14f: {  	s6 =	sadd.s32 $0x200, s6;
	v5 =	vld [tilespmem:s11+$0xFFFFFF70]  }
0x150: {  	_ =	sdelay $0x1  }
0x151: {  	v1 =	vadd.f32 v3, v1  }
0x152: {  	[tilespmem:s10+$0xF0] =	vst v6;
	v2 =	vadd.f32 v4, v2  }
0x153: {  	[tilespmem:s10+$0xFFFFFFF0] =	vst v1;
	v0 =	vadd.f32 v5, v0  }
0x154: {  	[tilespmem:s10+$0x70] =	vst v2  }
0x155: {  	[tilespmem:s10+$0xFFFFFF70] =	vst v0  }
0x156: {  	s6 =	rddreg [dreg:$0xe]  }
0x157: {  	[hbm4b:s6+s5] =	stream.linear.scatter [tilespmem:s20], [sflag:$0xA], $0x6400, $0x38;
	[tilespmem:$0x1F800] =	vst v63  }
0x158: {  	_ =	swait.ge [sflag:s28], $0x6400  }
0x159: {  	[sflag:s28] =	ssyncset.done $0x0  }
0x15a: {  	s31 =	rddreg [dreg:$0xf];
	[sflag:s28] =	ssyncadd.s32 $0xFFFF9C00  }
0x15b: {  	[tilespmem:s13], [sflag:$0x7] =	stream.linear.gather [hbm4b:s31+s5], $0xC8, $0x38;
	[tilespmem:$0x1F800] =	vst v63  }
0x15c: {  	_ =	swait.ge [sflag:s29], $0x6400  }
0x15d: {  	[sflag:s29] =	ssyncset.done $0x0  }
0x15e: {  	[sflag:s29] =	ssyncadd.s32 $0xFFFF9C00  }
0x15f: {  	_ =	swait.ge [sflag:s15], $0xC8  }
0x160: {  	[sflag:s15] =	ssyncset.done $0x0  }
0x161: {  	s10 =	simm.s32 $0xC900;
	[sflag:s15] =	ssyncadd.s32 $0xFFFFFF38  }
0x162: {  	[tilespmem:s5], [sflag:$0x1] =	stream.indirect.gather [hbm4b:s1+s17], $0x80, s0, s17, $0xb8;
	[tilespmem:$0x1F800] =	vst v63  }
0x163: {  	s11 =	simm.s32 $0x19500;
	v0 =	vld [tilespmem:s10+$0x80]  }
0x164: {  	v1 =	vld [tilespmem:s11+$0x80]  }
0x165: {  	v2 =	vld [tilespmem:s10+$0xFFFFFF80]  }
0x166: {  	v3 =	vld [tilespmem:s11+$0xFFFFFF80]  }
0x167: {  	v4 =	vld [tilespmem:s10+$0x0]  }
0x168: {  	v5 =	vld [tilespmem:s11+$0x0]  }
0x169: {  	v6 =	vld [tilespmem:s10+$0xFFFFFF00];
	v0 =	vadd.f32 v1, v0  }
0x16a: {  	v1 =	vld [tilespmem:s11+$0xFFFFFF00]  }
0x16b: {  	[tilespmem:s10+$0x80] =	vst v0;
	v0 =	vld [tilespmem:s10+$0x90]  }
0x16c: {  	v2 =	vadd.f32 v3, v2;
	v3 =	vld [tilespmem:s11+$0x90]  }
0x16d: {  	v7 =	vld [tilespmem:s10+$0xFFFFFF10]  }
0x16e: {  	[tilespmem:s10+$0xFFFFFF80] =	vst v2;
	v2 =	vadd.f32 v5, v4;
	v4 =	vld [tilespmem:s10+$0xFFFFFF90]  }
0x16f: {  	v5 =	vld [tilespmem:s11+$0xFFFFFF90];
	v1 =	vadd.f32 v1, v6  }
0x170: {  	[tilespmem:s10+$0x0] =	vst v2;
	v2 =	vld [tilespmem:s10+$0x10]  }
0x171: {  	v6 =	vld [tilespmem:s11+$0x10];
	[tilespmem:s10+$0xFFFFFF00] =	vst v1;
	v0 =	vadd.f32 v3, v0  }
0x172: {  	v1 =	vld [tilespmem:s11+$0xFFFFFF10]  }
0x173: {  	[tilespmem:s10+$0x90] =	vst v0;
	v0 =	vld [tilespmem:s10+$0xA0]  }
0x174: {  	v3 =	vadd.f32 v5, v4;
	v4 =	vld [tilespmem:s11+$0xA0]  }
0x175: {  	v5 =	vld [tilespmem:s10+$0xFFFFFF20]  }
0x176: {  	[tilespmem:s10+$0xFFFFFF90] =	vst v3;
	v2 =	vadd.f32 v6, v2;
	v3 =	vld [tilespmem:s10+$0xFFFFFFA0]  }
0x177: {  	v6 =	vld [tilespmem:s11+$0xFFFFFFA0];
	v1 =	vadd.f32 v1, v7  }
0x178: {  	[tilespmem:s10+$0x10] =	vst v2;
	v2 =	vld [tilespmem:s10+$0x20]  }
0x179: {  	v7 =	vld [tilespmem:s11+$0x20];
	[tilespmem:s10+$0xFFFFFF10] =	vst v1;
	v0 =	vadd.f32 v4, v0  }
0x17a: {  	v1 =	vld [tilespmem:s11+$0xFFFFFF20]  }
0x17b: {  	[tilespmem:s10+$0xA0] =	vst v0;
	v0 =	vld [tilespmem:s10+$0xB0]  }
0x17c: {  	v3 =	vadd.f32 v6, v3;
	v4 =	vld [tilespmem:s11+$0xB0]  }
0x17d: {  	v6 =	vld [tilespmem:s10+$0xFFFFFF30]  }
0x17e: {  	[tilespmem:s10+$0xFFFFFFA0] =	vst v3;
	v2 =	vadd.f32 v7, v2;
	v3 =	vld [tilespmem:s10+$0xFFFFFFB0]  }
0x17f: {  	v7 =	vld [tilespmem:s11+$0xFFFFFFB0];
	v1 =	vadd.f32 v1, v5  }
0x180: {  	[tilespmem:s10+$0x20] =	vst v2;
	v2 =	vld [tilespmem:s10+$0x30]  }
0x181: {  	v5 =	vld [tilespmem:s11+$0x30];
	[tilespmem:s10+$0xFFFFFF20] =	vst v1;
	v0 =	vadd.f32 v4, v0  }
0x182: {  	v1 =	vld [tilespmem:s11+$0xFFFFFF30]  }
0x183: {  	[tilespmem:s10+$0xB0] =	vst v0;
	v0 =	vld [tilespmem:s10+$0xC0]  }
0x184: {  	v3 =	vadd.f32 v7, v3;
	v4 =	vld [tilespmem:s11+$0xC0]  }
0x185: {  	v7 =	vld [tilespmem:s10+$0xFFFFFF40]  }
0x186: {  	[tilespmem:s10+$0xFFFFFFB0] =	vst v3;
	v2 =	vadd.f32 v5, v2;
	v3 =	vld [tilespmem:s10+$0xFFFFFFC0]  }
0x187: {  	v5 =	vld [tilespmem:s11+$0xFFFFFFC0];
	v1 =	vadd.f32 v1, v6  }
0x188: {  	[tilespmem:s10+$0x30] =	vst v2;
	v2 =	vld [tilespmem:s10+$0x40]  }
0x189: {  	v6 =	vld [tilespmem:s11+$0x40];
	[tilespmem:s10+$0xFFFFFF30] =	vst v1;
	v0 =	vadd.f32 v4, v0  }
0x18a: {  	v1 =	vld [tilespmem:s11+$0xFFFFFF40]  }
0x18b: {  	[tilespmem:s10+$0xC0] =	vst v0;
	v0 =	vld [tilespmem:s10+$0xD0]  }
0x18c: {  	v3 =	vadd.f32 v5, v3;
	v4 =	vld [tilespmem:s11+$0xD0]  }
0x18d: {  	v5 =	vld [tilespmem:s10+$0xFFFFFF50]  }
0x18e: {  	[tilespmem:s10+$0xFFFFFFC0] =	vst v3;
	v2 =	vadd.f32 v6, v2;
	v3 =	vld [tilespmem:s10+$0xFFFFFFD0]  }
0x18f: {  	v6 =	vld [tilespmem:s11+$0xFFFFFFD0];
	v1 =	vadd.f32 v1, v7  }
0x190: {  	[tilespmem:s10+$0x40] =	vst v2;
	v2 =	vld [tilespmem:s10+$0x50]  }
0x191: {  	v7 =	vld [tilespmem:s11+$0x50];
	[tilespmem:s10+$0xFFFFFF40] =	vst v1;
	v0 =	vadd.f32 v4, v0  }
0x192: {  	v1 =	vld [tilespmem:s11+$0xFFFFFF50]  }
0x193: {  	[tilespmem:s10+$0xD0] =	vst v0;
	v0 =	vld [tilespmem:s10+$0xE0]  }
0x194: {  	v3 =	vadd.f32 v6, v3;
	v4 =	vld [tilespmem:s11+$0xE0]  }
0x195: {  	v6 =	vld [tilespmem:s10+$0xFFFFFF60]  }
0x196: {  	[tilespmem:s10+$0xFFFFFFD0] =	vst v3;
	v2 =	vadd.f32 v7, v2;
	v3 =	vld [tilespmem:s10+$0xFFFFFFE0]  }
0x197: {  	v7 =	vld [tilespmem:s11+$0xFFFFFFE0];
	v1 =	vadd.f32 v1, v5  }
0x198: {  	[tilespmem:s10+$0x50] =	vst v2;
	v2 =	vld [tilespmem:s10+$0x60]  }
0x199: {  	v5 =	vld [tilespmem:s11+$0x60];
	[tilespmem:s10+$0xFFFFFF50] =	vst v1;
	v0 =	vadd.f32 v4, v0  }
0x19a: {  	v4 =	vld [tilespmem:s11+$0xFFFFFF60]  }
0x19b: {  	v8 =	vld [tilespmem:s10+$0xF0];
	[tilespmem:s10+$0xE0] =	vst v0  }
0x19c: {  	v1 =	vadd.f32 v7, v3;
	v7 =	vld [tilespmem:s11+$0xF0]  }
0x19d: {  	v0 =	vld [tilespmem:s10+$0xFFFFFF70]  }
0x19e: {  	[tilespmem:s10+$0xFFFFFFE0] =	vst v1;
	v2 =	vadd.f32 v5, v2;
	v1 =	vld [tilespmem:s10+$0xFFFFFFF0]  }
0x19f: {  	v3 =	vld [tilespmem:s11+$0xFFFFFFF0];
	v4 =	vadd.f32 v4, v6  }
0x1a0: {  	[tilespmem:s10+$0x60] =	vst v2;
	v2 =	vld [tilespmem:s10+$0x70]  }
0x1a1: {  	[tilespmem:s10+$0xFFFFFF60] =	vst v4;
	v4 =	vld [tilespmem:s11+$0x70];
	v6 =	vadd.f32 v7, v8  }
0x1a2: {  	s16 =	simm.s32 $0x0;
	s6 =	simm.s32 $0xCB00;
	v5 =	vld [tilespmem:s11+$0xFFFFFF70]  }
.LBB2_6:
0x1a3: {  	v7 =	vld [tilespmem:s6+$0x80];
	[tilespmem:s10+$0xF0] =	vst v6;
	s11 =	sadd.s32 $0x200, s11  }
0x1a4: {  	s16 =	sadd.s32 $0x4, s16;
	v6 =	vld [tilespmem:s11+$0x80];
	v1 =	vadd.f32 v3, v1  }
0x1a5: {  	p0 =	slt.u32 s16, $0xC4;
	v3 =	vld [tilespmem:s11+$0xFFFFFF00]  }
0x1a6: {  	v8 =	vld [tilespmem:s6+$0xFFFFFF80];
	[tilespmem:s10+$0xFFFFFFF0] =	vst v1;
	v1 =	vadd.f32 v4, v2  }
0x1a7: {  	v2 =	vld [tilespmem:s11+$0xFFFFFF80];
	v0 =	vadd.f32 v5, v0  }
0x1a8: {  	v4 =	vld [tilespmem:s6+$0x0];
	[tilespmem:s10+$0x70] =	vst v1  }
0x1a9: {  	v1 =	vld [tilespmem:s11+$0x0];
	v5 =	vadd.f32 v6, v7;
	[tilespmem:s10+$0xFFFFFF70] =	vst v0;
	s10 =	smov.u32 s6  }
0x1aa: {  	v0 =	vld [tilespmem:s6+$0xFFFFFF00]  }
0x1ab: {  	[tilespmem:s6+$0x80] =	vst v5;
	v5 =	vld [tilespmem:s6+$0x90]  }
0x1ac: {  	v2 =	vadd.f32 v2, v8;
	v6 =	vld [tilespmem:s11+$0x90]  }
0x1ad: {  	v7 =	vld [tilespmem:s6+$0xFFFFFF10]  }
0x1ae: {  	[tilespmem:s6+$0xFFFFFF80] =	vst v2;
	v2 =	vld [tilespmem:s6+$0xFFFFFF90];
	v1 =	vadd.f32 v1, v4  }
0x1af: {  	v0 =	vadd.f32 v3, v0;
	v3 =	vld [tilespmem:s11+$0xFFFFFF90]  }
0x1b0: {  	[tilespmem:s6+$0x0] =	vst v1;
	v1 =	vld [tilespmem:s6+$0x10]  }
0x1b1: {  	[tilespmem:s6+$0xFFFFFF00] =	vst v0;
	v0 =	vld [tilespmem:s11+$0x10];
	v4 =	vadd.f32 v6, v5  }
0x1b2: {  	v5 =	vld [tilespmem:s11+$0xFFFFFF10]  }
0x1b3: {  	[tilespmem:s6+$0x90] =	vst v4;
	v4 =	vld [tilespmem:s6+$0xA0]  }
0x1b4: {  	v2 =	vadd.f32 v3, v2;
	v3 =	vld [tilespmem:s11+$0xA0]  }
0x1b5: {  	v6 =	vld [tilespmem:s6+$0xFFFFFF20]  }
0x1b6: {  	[tilespmem:s6+$0xFFFFFF90] =	vst v2;
	v2 =	vld [tilespmem:s6+$0xFFFFFFA0];
	v0 =	vadd.f32 v0, v1  }
0x1b7: {  	v1 =	vadd.f32 v5, v7;
	v5 =	vld [tilespmem:s11+$0xFFFFFFA0]  }
0x1b8: {  	[tilespmem:s6+$0x10] =	vst v0;
	v0 =	vld [tilespmem:s6+$0x20]  }
0x1b9: {  	[tilespmem:s6+$0xFFFFFF10] =	vst v1;
	v1 =	vld [tilespmem:s11+$0x20];
	v3 =	vadd.f32 v3, v4  }
0x1ba: {  	v4 =	vld [tilespmem:s11+$0xFFFFFF20]  }
0x1bb: {  	[tilespmem:s6+$0xA0] =	vst v3;
	v3 =	vld [tilespmem:s6+$0xB0]  }
0x1bc: {  	v2 =	vadd.f32 v5, v2;
	v5 =	vld [tilespmem:s11+$0xB0]  }
0x1bd: {  	v7 =	vld [tilespmem:s6+$0xFFFFFF30]  }
0x1be: {  	[tilespmem:s6+$0xFFFFFFA0] =	vst v2;
	v2 =	vld [tilespmem:s6+$0xFFFFFFB0];
	v0 =	vadd.f32 v1, v0  }
0x1bf: {  	v1 =	vadd.f32 v4, v6;
	v4 =	vld [tilespmem:s11+$0xFFFFFFB0]  }
0x1c0: {  	[tilespmem:s6+$0x20] =	vst v0;
	v0 =	vld [tilespmem:s6+$0x30]  }
0x1c1: {  	[tilespmem:s6+$0xFFFFFF20] =	vst v1;
	v1 =	vld [tilespmem:s11+$0x30];
	v3 =	vadd.f32 v5, v3  }
0x1c2: {  	v5 =	vld [tilespmem:s11+$0xFFFFFF30]  }
0x1c3: {  	[tilespmem:s6+$0xB0] =	vst v3;
	v3 =	vld [tilespmem:s6+$0xC0]  }
0x1c4: {  	v2 =	vadd.f32 v4, v2;
	v4 =	vld [tilespmem:s11+$0xC0]  }
0x1c5: {  	v6 =	vld [tilespmem:s6+$0xFFFFFF40]  }
0x1c6: {  	[tilespmem:s6+$0xFFFFFFB0] =	vst v2;
	v2 =	vld [tilespmem:s6+$0xFFFFFFC0];
	v0 =	vadd.f32 v1, v0  }
0x1c7: {  	v1 =	vadd.f32 v5, v7;
	v5 =	vld [tilespmem:s11+$0xFFFFFFC0]  }
0x1c8: {  	[tilespmem:s6+$0x30] =	vst v0;
	v0 =	vld [tilespmem:s6+$0x40]  }
0x1c9: {  	[tilespmem:s6+$0xFFFFFF30] =	vst v1;
	v1 =	vld [tilespmem:s11+$0x40];
	v3 =	vadd.f32 v4, v3  }
0x1ca: {  	v4 =	vld [tilespmem:s11+$0xFFFFFF40]  }
0x1cb: {  	[tilespmem:s6+$0xC0] =	vst v3;
	v3 =	vld [tilespmem:s6+$0xD0]  }
0x1cc: {  	v2 =	vadd.f32 v5, v2;
	v5 =	vld [tilespmem:s11+$0xD0]  }
0x1cd: {  	v7 =	vld [tilespmem:s6+$0xFFFFFF50]  }
0x1ce: {  	[tilespmem:s6+$0xFFFFFFC0] =	vst v2;
	v2 =	vld [tilespmem:s6+$0xFFFFFFD0];
	v0 =	vadd.f32 v1, v0  }
0x1cf: {  	v1 =	vadd.f32 v4, v6;
	v4 =	vld [tilespmem:s11+$0xFFFFFFD0]  }
0x1d0: {  	[tilespmem:s6+$0x40] =	vst v0;
	v0 =	vld [tilespmem:s6+$0x50]  }
0x1d1: {  	[tilespmem:s6+$0xFFFFFF40] =	vst v1;
	v1 =	vld [tilespmem:s11+$0x50];
	v3 =	vadd.f32 v5, v3  }
0x1d2: {  	v5 =	vld [tilespmem:s11+$0xFFFFFF50]  }
0x1d3: {  	[tilespmem:s6+$0xD0] =	vst v3;
	v3 =	vld [tilespmem:s6+$0xE0]  }
0x1d4: {  	v2 =	vadd.f32 v4, v2;
	v4 =	vld [tilespmem:s11+$0xE0]  }
0x1d5: {  	v6 =	vld [tilespmem:s6+$0xFFFFFF60]  }
0x1d6: {  	[tilespmem:s6+$0xFFFFFFD0] =	vst v2;
	v2 =	vld [tilespmem:s6+$0xFFFFFFE0];
	v0 =	vadd.f32 v1, v0  }
0x1d7: {  	v1 =	vadd.f32 v5, v7;
	v5 =	vld [tilespmem:s11+$0xFFFFFFE0]  }
0x1d8: {  	[tilespmem:s6+$0x50] =	vst v0;
	v7 =	vld [tilespmem:s6+$0x60]  }
0x1d9: {  	[tilespmem:s6+$0xFFFFFF50] =	vst v1;
	v8 =	vld [tilespmem:s11+$0x60];
	v0 =	vadd.f32 v4, v3  }
0x1da: {  	v3 =	vld [tilespmem:s11+$0xFFFFFF60]  }
0x1db: {  	[tilespmem:s6+$0xE0] =	vst v0;
	v9 =	vld [tilespmem:s6+$0xF0]  }
0x1dc: {  	v1 =	vadd.f32 v5, v2;
	v5 =	vld [tilespmem:s11+$0xF0]  }
0x1dd: {  	v0 =	vld [tilespmem:s6+$0xFFFFFF70]  }
.Ltmp2:
0x1de: {  	[tilespmem:s6+$0xFFFFFFE0] =	vst v1;
	v1 =	vld [tilespmem:s6+$0xFFFFFFF0];
	v2 =	vadd.f32 v8, v7;
	(pc) =	sbr.rel @p0 .LBB2_6-.Ltmp2, $4  }
0x1df: {  	v4 =	vadd.f32 v3, v6;
	v3 =	vld [tilespmem:s11+$0xFFFFFFF0]  }
0x1e0: {  	[tilespmem:s6+$0x60] =	vst v2;
	v2 =	vld [tilespmem:s6+$0x70]  }
0x1e1: {  	[tilespmem:s6+$0xFFFFFF60] =	vst v4;
	v4 =	vld [tilespmem:s11+$0x70];
	v6 =	vadd.f32 v5, v9  }
0x1e2: {  	s6 =	sadd.s32 $0x200, s6;
	v5 =	vld [tilespmem:s11+$0xFFFFFF70]  }
0x1e3: {  	_ =	sdelay $0x1  }
0x1e4: {  	v1 =	vadd.f32 v3, v1  }
0x1e5: {  	[tilespmem:s10+$0xF0] =	vst v6;
	v2 =	vadd.f32 v4, v2  }
0x1e6: {  	[tilespmem:s10+$0xFFFFFFF0] =	vst v1;
	v0 =	vadd.f32 v5, v0  }
0x1e7: {  	[tilespmem:s10+$0x70] =	vst v2  }
0x1e8: {  	[tilespmem:s10+$0xFFFFFF70] =	vst v0  }
0x1e9: {  	s6 =	rddreg [dreg:$0x11]  }
0x1ea: {  	[hbm4b:s6+s5] =	stream.linear.scatter [tilespmem:s23], [sflag:$0xB], $0x6400, $0x38;
	[tilespmem:$0x1F800] =	vst v63  }
0x1eb: {  	_ =	swait.ge [sflag:s30], $0x6400  }
0x1ec: {  	[sflag:s30] =	ssyncset.done $0x0  }
0x1ed: {  	s31 =	rddreg [dreg:$0x12];
	[sflag:s30] =	ssyncadd.s32 $0xFFFF9C00  }
0x1ee: {  	[tilespmem:s14], [sflag:$0x8] =	stream.linear.gather [hbm4b:s31+s5], $0xC8, $0x38;
	[tilespmem:$0x1F800] =	vst v63  }
0x1ef: {  	_ =	swait.ge [sflag:s8], $0x6400  }
0x1f0: {  	[sflag:s8] =	ssyncset.done $0x0  }
0x1f1: {  	[sflag:s8] =	ssyncadd.s32 $0xFFFF9C00  }
0x1f2: {  	_ =	swait.ge [sflag:s18], $0xC8  }
0x1f3: {  	[sflag:s18] =	ssyncset.done $0x0  }
0x1f4: {  	s10 =	simm.s32 $0x12D00;
	[sflag:s18] =	ssyncadd.s32 $0xFFFFFF38  }
0x1f5: {  	[tilespmem:s20], [sflag:$0x2] =	stream.indirect.gather [hbm4b:s1+s17], $0x80, s12, s17, $0xb8;
	[tilespmem:$0x1F800] =	vst v63  }
0x1f6: {  	s11 =	simm.s32 $0x19500;
	v0 =	vld [tilespmem:s10+$0x80]  }
0x1f7: {  	v1 =	vld [tilespmem:s11+$0x80]  }
0x1f8: {  	v2 =	vld [tilespmem:s10+$0xFFFFFF80]  }
0x1f9: {  	v3 =	vld [tilespmem:s11+$0xFFFFFF80]  }
0x1fa: {  	v4 =	vld [tilespmem:s10+$0x0]  }
0x1fb: {  	v5 =	vld [tilespmem:s11+$0x0]  }
0x1fc: {  	v6 =	vld [tilespmem:s10+$0xFFFFFF00];
	v0 =	vadd.f32 v1, v0  }
0x1fd: {  	v1 =	vld [tilespmem:s11+$0xFFFFFF00]  }
0x1fe: {  	[tilespmem:s10+$0x80] =	vst v0;
	v0 =	vld [tilespmem:s10+$0x90]  }
0x1ff: {  	v2 =	vadd.f32 v3, v2;
	v3 =	vld [tilespmem:s11+$0x90]  }
0x200: {  	v7 =	vld [tilespmem:s10+$0xFFFFFF10]  }
0x201: {  	[tilespmem:s10+$0xFFFFFF80] =	vst v2;
	v2 =	vadd.f32 v5, v4;
	v4 =	vld [tilespmem:s10+$0xFFFFFF90]  }
0x202: {  	v5 =	vld [tilespmem:s11+$0xFFFFFF90];
	v1 =	vadd.f32 v1, v6  }
0x203: {  	[tilespmem:s10+$0x0] =	vst v2;
	v2 =	vld [tilespmem:s10+$0x10]  }
0x204: {  	v6 =	vld [tilespmem:s11+$0x10];
	[tilespmem:s10+$0xFFFFFF00] =	vst v1;
	v0 =	vadd.f32 v3, v0  }
0x205: {  	v1 =	vld [tilespmem:s11+$0xFFFFFF10]  }
0x206: {  	[tilespmem:s10+$0x90] =	vst v0;
	v0 =	vld [tilespmem:s10+$0xA0]  }
0x207: {  	v3 =	vadd.f32 v5, v4;
	v4 =	vld [tilespmem:s11+$0xA0]  }
0x208: {  	v5 =	vld [tilespmem:s10+$0xFFFFFF20]  }
0x209: {  	[tilespmem:s10+$0xFFFFFF90] =	vst v3;
	v2 =	vadd.f32 v6, v2;
	v3 =	vld [tilespmem:s10+$0xFFFFFFA0]  }
0x20a: {  	v6 =	vld [tilespmem:s11+$0xFFFFFFA0];
	v1 =	vadd.f32 v1, v7  }
0x20b: {  	[tilespmem:s10+$0x10] =	vst v2;
	v2 =	vld [tilespmem:s10+$0x20]  }
0x20c: {  	v7 =	vld [tilespmem:s11+$0x20];
	[tilespmem:s10+$0xFFFFFF10] =	vst v1;
	v0 =	vadd.f32 v4, v0  }
0x20d: {  	v1 =	vld [tilespmem:s11+$0xFFFFFF20]  }
0x20e: {  	[tilespmem:s10+$0xA0] =	vst v0;
	v0 =	vld [tilespmem:s10+$0xB0]  }
0x20f: {  	v3 =	vadd.f32 v6, v3;
	v4 =	vld [tilespmem:s11+$0xB0]  }
0x210: {  	v6 =	vld [tilespmem:s10+$0xFFFFFF30]  }
0x211: {  	[tilespmem:s10+$0xFFFFFFA0] =	vst v3;
	v2 =	vadd.f32 v7, v2;
	v3 =	vld [tilespmem:s10+$0xFFFFFFB0]  }
0x212: {  	v7 =	vld [tilespmem:s11+$0xFFFFFFB0];
	v1 =	vadd.f32 v1, v5  }
0x213: {  	[tilespmem:s10+$0x20] =	vst v2;
	v2 =	vld [tilespmem:s10+$0x30]  }
0x214: {  	v5 =	vld [tilespmem:s11+$0x30];
	[tilespmem:s10+$0xFFFFFF20] =	vst v1;
	v0 =	vadd.f32 v4, v0  }
0x215: {  	v1 =	vld [tilespmem:s11+$0xFFFFFF30]  }
0x216: {  	[tilespmem:s10+$0xB0] =	vst v0;
	v0 =	vld [tilespmem:s10+$0xC0]  }
0x217: {  	v3 =	vadd.f32 v7, v3;
	v4 =	vld [tilespmem:s11+$0xC0]  }
0x218: {  	v7 =	vld [tilespmem:s10+$0xFFFFFF40]  }
0x219: {  	[tilespmem:s10+$0xFFFFFFB0] =	vst v3;
	v2 =	vadd.f32 v5, v2;
	v3 =	vld [tilespmem:s10+$0xFFFFFFC0]  }
0x21a: {  	v5 =	vld [tilespmem:s11+$0xFFFFFFC0];
	v1 =	vadd.f32 v1, v6  }
0x21b: {  	[tilespmem:s10+$0x30] =	vst v2;
	v2 =	vld [tilespmem:s10+$0x40]  }
0x21c: {  	v6 =	vld [tilespmem:s11+$0x40];
	[tilespmem:s10+$0xFFFFFF30] =	vst v1;
	v0 =	vadd.f32 v4, v0  }
0x21d: {  	v1 =	vld [tilespmem:s11+$0xFFFFFF40]  }
0x21e: {  	[tilespmem:s10+$0xC0] =	vst v0;
	v0 =	vld [tilespmem:s10+$0xD0]  }
0x21f: {  	v3 =	vadd.f32 v5, v3;
	v4 =	vld [tilespmem:s11+$0xD0]  }
0x220: {  	v5 =	vld [tilespmem:s10+$0xFFFFFF50]  }
0x221: {  	[tilespmem:s10+$0xFFFFFFC0] =	vst v3;
	v2 =	vadd.f32 v6, v2;
	v3 =	vld [tilespmem:s10+$0xFFFFFFD0]  }
0x222: {  	v6 =	vld [tilespmem:s11+$0xFFFFFFD0];
	v1 =	vadd.f32 v1, v7  }
0x223: {  	[tilespmem:s10+$0x40] =	vst v2;
	v2 =	vld [tilespmem:s10+$0x50]  }
0x224: {  	v7 =	vld [tilespmem:s11+$0x50];
	[tilespmem:s10+$0xFFFFFF40] =	vst v1;
	v0 =	vadd.f32 v4, v0  }
0x225: {  	v1 =	vld [tilespmem:s11+$0xFFFFFF50]  }
0x226: {  	[tilespmem:s10+$0xD0] =	vst v0;
	v0 =	vld [tilespmem:s10+$0xE0]  }
0x227: {  	v3 =	vadd.f32 v6, v3;
	v4 =	vld [tilespmem:s11+$0xE0]  }
0x228: {  	v6 =	vld [tilespmem:s10+$0xFFFFFF60]  }
0x229: {  	[tilespmem:s10+$0xFFFFFFD0] =	vst v3;
	v2 =	vadd.f32 v7, v2;
	v3 =	vld [tilespmem:s10+$0xFFFFFFE0]  }
0x22a: {  	v7 =	vld [tilespmem:s11+$0xFFFFFFE0];
	v1 =	vadd.f32 v1, v5  }
0x22b: {  	[tilespmem:s10+$0x50] =	vst v2;
	v2 =	vld [tilespmem:s10+$0x60]  }
0x22c: {  	v5 =	vld [tilespmem:s11+$0x60];
	[tilespmem:s10+$0xFFFFFF50] =	vst v1;
	v0 =	vadd.f32 v4, v0  }
0x22d: {  	v4 =	vld [tilespmem:s11+$0xFFFFFF60]  }
0x22e: {  	v8 =	vld [tilespmem:s10+$0xF0];
	[tilespmem:s10+$0xE0] =	vst v0  }
0x22f: {  	v1 =	vadd.f32 v7, v3;
	v7 =	vld [tilespmem:s11+$0xF0]  }
0x230: {  	v0 =	vld [tilespmem:s10+$0xFFFFFF70]  }
0x231: {  	[tilespmem:s10+$0xFFFFFFE0] =	vst v1;
	v2 =	vadd.f32 v5, v2;
	v1 =	vld [tilespmem:s10+$0xFFFFFFF0]  }
0x232: {  	v3 =	vld [tilespmem:s11+$0xFFFFFFF0];
	v4 =	vadd.f32 v4, v6  }
0x233: {  	[tilespmem:s10+$0x60] =	vst v2;
	v2 =	vld [tilespmem:s10+$0x70]  }
0x234: {  	[tilespmem:s10+$0xFFFFFF60] =	vst v4;
	v4 =	vld [tilespmem:s11+$0x70];
	v6 =	vadd.f32 v7, v8  }
0x235: {  	s16 =	simm.s32 $0x0;
	s6 =	simm.s32 $0x12F00;
	v5 =	vld [tilespmem:s11+$0xFFFFFF70]  }
.LBB2_8:
0x236: {  	v7 =	vld [tilespmem:s6+$0x80];
	[tilespmem:s10+$0xF0] =	vst v6;
	s11 =	sadd.s32 $0x200, s11  }
0x237: {  	s16 =	sadd.s32 $0x4, s16;
	v6 =	vld [tilespmem:s11+$0x80];
	v1 =	vadd.f32 v3, v1  }
0x238: {  	p0 =	slt.u32 s16, $0xC4;
	v3 =	vld [tilespmem:s11+$0xFFFFFF00]  }
0x239: {  	v8 =	vld [tilespmem:s6+$0xFFFFFF80];
	[tilespmem:s10+$0xFFFFFFF0] =	vst v1;
	v1 =	vadd.f32 v4, v2  }
0x23a: {  	v2 =	vld [tilespmem:s11+$0xFFFFFF80];
	v0 =	vadd.f32 v5, v0  }
0x23b: {  	v4 =	vld [tilespmem:s6+$0x0];
	[tilespmem:s10+$0x70] =	vst v1  }
0x23c: {  	v1 =	vld [tilespmem:s11+$0x0];
	v5 =	vadd.f32 v6, v7;
	[tilespmem:s10+$0xFFFFFF70] =	vst v0;
	s10 =	smov.u32 s6  }
0x23d: {  	v0 =	vld [tilespmem:s6+$0xFFFFFF00]  }
0x23e: {  	[tilespmem:s6+$0x80] =	vst v5;
	v5 =	vld [tilespmem:s6+$0x90]  }
0x23f: {  	v2 =	vadd.f32 v2, v8;
	v6 =	vld [tilespmem:s11+$0x90]  }
0x240: {  	v7 =	vld [tilespmem:s6+$0xFFFFFF10]  }
0x241: {  	[tilespmem:s6+$0xFFFFFF80] =	vst v2;
	v2 =	vld [tilespmem:s6+$0xFFFFFF90];
	v1 =	vadd.f32 v1, v4  }
0x242: {  	v0 =	vadd.f32 v3, v0;
	v3 =	vld [tilespmem:s11+$0xFFFFFF90]  }
0x243: {  	[tilespmem:s6+$0x0] =	vst v1;
	v1 =	vld [tilespmem:s6+$0x10]  }
0x244: {  	[tilespmem:s6+$0xFFFFFF00] =	vst v0;
	v0 =	vld [tilespmem:s11+$0x10];
	v4 =	vadd.f32 v6, v5  }
0x245: {  	v5 =	vld [tilespmem:s11+$0xFFFFFF10]  }
0x246: {  	[tilespmem:s6+$0x90] =	vst v4;
	v4 =	vld [tilespmem:s6+$0xA0]  }
0x247: {  	v2 =	vadd.f32 v3, v2;
	v3 =	vld [tilespmem:s11+$0xA0]  }
0x248: {  	v6 =	vld [tilespmem:s6+$0xFFFFFF20]  }
0x249: {  	[tilespmem:s6+$0xFFFFFF90] =	vst v2;
	v2 =	vld [tilespmem:s6+$0xFFFFFFA0];
	v0 =	vadd.f32 v0, v1  }
0x24a: {  	v1 =	vadd.f32 v5, v7;
	v5 =	vld [tilespmem:s11+$0xFFFFFFA0]  }
0x24b: {  	[tilespmem:s6+$0x10] =	vst v0;
	v0 =	vld [tilespmem:s6+$0x20]  }
0x24c: {  	[tilespmem:s6+$0xFFFFFF10] =	vst v1;
	v1 =	vld [tilespmem:s11+$0x20];
	v3 =	vadd.f32 v3, v4  }
0x24d: {  	v4 =	vld [tilespmem:s11+$0xFFFFFF20]  }
0x24e: {  	[tilespmem:s6+$0xA0] =	vst v3;
	v3 =	vld [tilespmem:s6+$0xB0]  }
0x24f: {  	v2 =	vadd.f32 v5, v2;
	v5 =	vld [tilespmem:s11+$0xB0]  }
0x250: {  	v7 =	vld [tilespmem:s6+$0xFFFFFF30]  }
0x251: {  	[tilespmem:s6+$0xFFFFFFA0] =	vst v2;
	v2 =	vld [tilespmem:s6+$0xFFFFFFB0];
	v0 =	vadd.f32 v1, v0  }
0x252: {  	v1 =	vadd.f32 v4, v6;
	v4 =	vld [tilespmem:s11+$0xFFFFFFB0]  }
0x253: {  	[tilespmem:s6+$0x20] =	vst v0;
	v0 =	vld [tilespmem:s6+$0x30]  }
0x254: {  	[tilespmem:s6+$0xFFFFFF20] =	vst v1;
	v1 =	vld [tilespmem:s11+$0x30];
	v3 =	vadd.f32 v5, v3  }
0x255: {  	v5 =	vld [tilespmem:s11+$0xFFFFFF30]  }
0x256: {  	[tilespmem:s6+$0xB0] =	vst v3;
	v3 =	vld [tilespmem:s6+$0xC0]  }
0x257: {  	v2 =	vadd.f32 v4, v2;
	v4 =	vld [tilespmem:s11+$0xC0]  }
0x258: {  	v6 =	vld [tilespmem:s6+$0xFFFFFF40]  }
0x259: {  	[tilespmem:s6+$0xFFFFFFB0] =	vst v2;
	v2 =	vld [tilespmem:s6+$0xFFFFFFC0];
	v0 =	vadd.f32 v1, v0  }
0x25a: {  	v1 =	vadd.f32 v5, v7;
	v5 =	vld [tilespmem:s11+$0xFFFFFFC0]  }
0x25b: {  	[tilespmem:s6+$0x30] =	vst v0;
	v0 =	vld [tilespmem:s6+$0x40]  }
0x25c: {  	[tilespmem:s6+$0xFFFFFF30] =	vst v1;
	v1 =	vld [tilespmem:s11+$0x40];
	v3 =	vadd.f32 v4, v3  }
0x25d: {  	v4 =	vld [tilespmem:s11+$0xFFFFFF40]  }
0x25e: {  	[tilespmem:s6+$0xC0] =	vst v3;
	v3 =	vld [tilespmem:s6+$0xD0]  }
0x25f: {  	v2 =	vadd.f32 v5, v2;
	v5 =	vld [tilespmem:s11+$0xD0]  }
0x260: {  	v7 =	vld [tilespmem:s6+$0xFFFFFF50]  }
0x261: {  	[tilespmem:s6+$0xFFFFFFC0] =	vst v2;
	v2 =	vld [tilespmem:s6+$0xFFFFFFD0];
	v0 =	vadd.f32 v1, v0  }
0x262: {  	v1 =	vadd.f32 v4, v6;
	v4 =	vld [tilespmem:s11+$0xFFFFFFD0]  }
0x263: {  	[tilespmem:s6+$0x40] =	vst v0;
	v0 =	vld [tilespmem:s6+$0x50]  }
0x264: {  	[tilespmem:s6+$0xFFFFFF40] =	vst v1;
	v1 =	vld [tilespmem:s11+$0x50];
	v3 =	vadd.f32 v5, v3  }
0x265: {  	v5 =	vld [tilespmem:s11+$0xFFFFFF50]  }
0x266: {  	[tilespmem:s6+$0xD0] =	vst v3;
	v3 =	vld [tilespmem:s6+$0xE0]  }
0x267: {  	v2 =	vadd.f32 v4, v2;
	v4 =	vld [tilespmem:s11+$0xE0]  }
0x268: {  	v6 =	vld [tilespmem:s6+$0xFFFFFF60]  }
0x269: {  	[tilespmem:s6+$0xFFFFFFD0] =	vst v2;
	v2 =	vld [tilespmem:s6+$0xFFFFFFE0];
	v0 =	vadd.f32 v1, v0  }
0x26a: {  	v1 =	vadd.f32 v5, v7;
	v5 =	vld [tilespmem:s11+$0xFFFFFFE0]  }
0x26b: {  	[tilespmem:s6+$0x50] =	vst v0;
	v7 =	vld [tilespmem:s6+$0x60]  }
0x26c: {  	[tilespmem:s6+$0xFFFFFF50] =	vst v1;
	v8 =	vld [tilespmem:s11+$0x60];
	v0 =	vadd.f32 v4, v3  }
0x26d: {  	v3 =	vld [tilespmem:s11+$0xFFFFFF60]  }
0x26e: {  	[tilespmem:s6+$0xE0] =	vst v0;
	v9 =	vld [tilespmem:s6+$0xF0]  }
0x26f: {  	v1 =	vadd.f32 v5, v2;
	v5 =	vld [tilespmem:s11+$0xF0]  }
0x270: {  	v0 =	vld [tilespmem:s6+$0xFFFFFF70]  }
.Ltmp3:
0x271: {  	[tilespmem:s6+$0xFFFFFFE0] =	vst v1;
	v1 =	vld [tilespmem:s6+$0xFFFFFFF0];
	v2 =	vadd.f32 v8, v7;
	(pc) =	sbr.rel @p0 .LBB2_8-.Ltmp3, $4  }
0x272: {  	v4 =	vadd.f32 v3, v6;
	v3 =	vld [tilespmem:s11+$0xFFFFFFF0]  }
0x273: {  	[tilespmem:s6+$0x60] =	vst v2;
	v2 =	vld [tilespmem:s6+$0x70]  }
0x274: {  	[tilespmem:s6+$0xFFFFFF60] =	vst v4;
	v4 =	vld [tilespmem:s11+$0x70];
	v6 =	vadd.f32 v5, v9  }
0x275: {  	s6 =	sadd.s32 $0x200, s6;
	v5 =	vld [tilespmem:s11+$0xFFFFFF70]  }
0x276: {  	_ =	sdelay $0x1  }
0x277: {  	v1 =	vadd.f32 v3, v1  }
0x278: {  	[tilespmem:s10+$0xF0] =	vst v6;
	v2 =	vadd.f32 v4, v2  }
0x279: {  	[tilespmem:s10+$0xFFFFFFF0] =	vst v1;
	v0 =	vadd.f32 v5, v0  }
0x27a: {  	[tilespmem:s10+$0x70] =	vst v2  }
0x27b: {  	[tilespmem:s10+$0xFFFFFF70] =	vst v0  }
0x27c: {  	s10 =	simm.s32 $0x1;
	s6 =	rddreg [dreg:$0x13]  }
0x27d: {  	[hbm4b:s6+s5] =	stream.linear.scatter [tilespmem:s26], [sflag:$0xC], $0x6400, $0x38;
	[tilespmem:$0x1F800] =	vst v63  }
.LBB2_10:
0x27e: {  	s11 =	smul.u32 $0x320, s10;
	_ =	swait.ge [sflag:s21], $0x6400  }
0x27f: {  	s6 =	rddreg [dreg:$0x1b]  }
0x280: {  	s6 =	sadd.s32 s11, s6  }
0x281: {  	[sflag:s21] =	ssyncset.done $0x0;
	s6 =	sshrl.u32 s6, $0x3  }
0x282: {  	[sflag:s21] =	ssyncadd.s32 $0xFFFF9C00;
	s6 =	sadd.s32 s7, s6  }
0x283: {  	[tilespmem:s0], [sflag:$0x5] =	stream.linear.gather [hbm4b:s6+s5], $0xC8, $0x38;
	[tilespmem:$0x1F800] =	vst v63  }
0x284: {  	_ =	swait.ge [sflag:s3], $0x6400  }
0x285: {  	[sflag:s3] =	ssyncset.done $0x0  }
0x286: {  	[sflag:s3] =	ssyncadd.s32 $0xFFFF9C00  }
0x287: {  	_ =	swait.ge [sflag:s22], $0xC8  }
0x288: {  	[sflag:s22] =	ssyncset.done $0x0  }
0x289: {  	s16 =	simm.s32 $0x100;
	[sflag:s22] =	ssyncadd.s32 $0xFFFFFF38  }
0x28a: {  	[tilespmem:s23], [sflag:$0x3] =	stream.indirect.gather [hbm4b:s1+s17], $0x80, s13, s17, $0xb8;
	[tilespmem:$0x1F800] =	vst v63  }
0x28b: {  	s19 =	simm.s32 $0x19500;
	v0 =	vld [tilespmem:s16+$0x80]  }
0x28c: {  	v1 =	vld [tilespmem:s19+$0x80]  }
0x28d: {  	v2 =	vld [tilespmem:s16+$0xFFFFFF80]  }
0x28e: {  	v3 =	vld [tilespmem:s19+$0xFFFFFF80]  }
0x28f: {  	v4 =	vld [tilespmem:s16+$0x0]  }
0x290: {  	v5 =	vld [tilespmem:s19+$0x0]  }
0x291: {  	v6 =	vld [tilespmem:s16+$0xFFFFFF00];
	v0 =	vadd.f32 v1, v0  }
0x292: {  	v1 =	vld [tilespmem:s19+$0xFFFFFF00]  }
0x293: {  	[tilespmem:s16+$0x80] =	vst v0;
	v0 =	vld [tilespmem:s16+$0x90]  }
0x294: {  	v2 =	vadd.f32 v3, v2;
	v3 =	vld [tilespmem:s19+$0x90]  }
0x295: {  	v7 =	vld [tilespmem:s16+$0xFFFFFF10]  }
0x296: {  	[tilespmem:s16+$0xFFFFFF80] =	vst v2;
	v2 =	vadd.f32 v5, v4;
	v4 =	vld [tilespmem:s16+$0xFFFFFF90]  }
0x297: {  	v5 =	vld [tilespmem:s19+$0xFFFFFF90];
	v1 =	vadd.f32 v1, v6  }
0x298: {  	[tilespmem:s16+$0x0] =	vst v2;
	v2 =	vld [tilespmem:s16+$0x10]  }
0x299: {  	v6 =	vld [tilespmem:s19+$0x10];
	[tilespmem:s16+$0xFFFFFF00] =	vst v1;
	v0 =	vadd.f32 v3, v0  }
0x29a: {  	v1 =	vld [tilespmem:s19+$0xFFFFFF10]  }
0x29b: {  	[tilespmem:s16+$0x90] =	vst v0;
	v0 =	vld [tilespmem:s16+$0xA0]  }
0x29c: {  	v3 =	vadd.f32 v5, v4;
	v4 =	vld [tilespmem:s19+$0xA0]  }
0x29d: {  	v5 =	vld [tilespmem:s16+$0xFFFFFF20]  }
0x29e: {  	[tilespmem:s16+$0xFFFFFF90] =	vst v3;
	v2 =	vadd.f32 v6, v2;
	v3 =	vld [tilespmem:s16+$0xFFFFFFA0]  }
0x29f: {  	v6 =	vld [tilespmem:s19+$0xFFFFFFA0];
	v1 =	vadd.f32 v1, v7  }
0x2a0: {  	[tilespmem:s16+$0x10] =	vst v2;
	v2 =	vld [tilespmem:s16+$0x20]  }
0x2a1: {  	v7 =	vld [tilespmem:s19+$0x20];
	[tilespmem:s16+$0xFFFFFF10] =	vst v1;
	v0 =	vadd.f32 v4, v0  }
0x2a2: {  	v1 =	vld [tilespmem:s19+$0xFFFFFF20]  }
0x2a3: {  	[tilespmem:s16+$0xA0] =	vst v0;
	v0 =	vld [tilespmem:s16+$0xB0]  }
0x2a4: {  	v3 =	vadd.f32 v6, v3;
	v4 =	vld [tilespmem:s19+$0xB0]  }
0x2a5: {  	v6 =	vld [tilespmem:s16+$0xFFFFFF30]  }
0x2a6: {  	[tilespmem:s16+$0xFFFFFFA0] =	vst v3;
	v2 =	vadd.f32 v7, v2;
	v3 =	vld [tilespmem:s16+$0xFFFFFFB0]  }
0x2a7: {  	v7 =	vld [tilespmem:s19+$0xFFFFFFB0];
	v1 =	vadd.f32 v1, v5  }
0x2a8: {  	[tilespmem:s16+$0x20] =	vst v2;
	v2 =	vld [tilespmem:s16+$0x30]  }
0x2a9: {  	v5 =	vld [tilespmem:s19+$0x30];
	[tilespmem:s16+$0xFFFFFF20] =	vst v1;
	v0 =	vadd.f32 v4, v0  }
0x2aa: {  	v1 =	vld [tilespmem:s19+$0xFFFFFF30]  }
0x2ab: {  	[tilespmem:s16+$0xB0] =	vst v0;
	v0 =	vld [tilespmem:s16+$0xC0]  }
0x2ac: {  	v3 =	vadd.f32 v7, v3;
	v4 =	vld [tilespmem:s19+$0xC0]  }
0x2ad: {  	v7 =	vld [tilespmem:s16+$0xFFFFFF40]  }
0x2ae: {  	[tilespmem:s16+$0xFFFFFFB0] =	vst v3;
	v2 =	vadd.f32 v5, v2;
	v3 =	vld [tilespmem:s16+$0xFFFFFFC0]  }
0x2af: {  	v5 =	vld [tilespmem:s19+$0xFFFFFFC0];
	v1 =	vadd.f32 v1, v6  }
0x2b0: {  	[tilespmem:s16+$0x30] =	vst v2;
	v2 =	vld [tilespmem:s16+$0x40]  }
0x2b1: {  	v6 =	vld [tilespmem:s19+$0x40];
	[tilespmem:s16+$0xFFFFFF30] =	vst v1;
	v0 =	vadd.f32 v4, v0  }
0x2b2: {  	v1 =	vld [tilespmem:s19+$0xFFFFFF40]  }
0x2b3: {  	[tilespmem:s16+$0xC0] =	vst v0;
	v0 =	vld [tilespmem:s16+$0xD0]  }
0x2b4: {  	v3 =	vadd.f32 v5, v3;
	v4 =	vld [tilespmem:s19+$0xD0]  }
0x2b5: {  	v5 =	vld [tilespmem:s16+$0xFFFFFF50]  }
0x2b6: {  	[tilespmem:s16+$0xFFFFFFC0] =	vst v3;
	v2 =	vadd.f32 v6, v2;
	v3 =	vld [tilespmem:s16+$0xFFFFFFD0]  }
0x2b7: {  	v6 =	vld [tilespmem:s19+$0xFFFFFFD0];
	v1 =	vadd.f32 v1, v7  }
0x2b8: {  	[tilespmem:s16+$0x40] =	vst v2;
	v2 =	vld [tilespmem:s16+$0x50]  }
0x2b9: {  	v7 =	vld [tilespmem:s19+$0x50];
	[tilespmem:s16+$0xFFFFFF40] =	vst v1;
	v0 =	vadd.f32 v4, v0  }
0x2ba: {  	v1 =	vld [tilespmem:s19+$0xFFFFFF50]  }
0x2bb: {  	[tilespmem:s16+$0xD0] =	vst v0;
	v0 =	vld [tilespmem:s16+$0xE0]  }
0x2bc: {  	v3 =	vadd.f32 v6, v3;
	v4 =	vld [tilespmem:s19+$0xE0]  }
0x2bd: {  	v6 =	vld [tilespmem:s16+$0xFFFFFF60]  }
0x2be: {  	[tilespmem:s16+$0xFFFFFFD0] =	vst v3;
	v2 =	vadd.f32 v7, v2;
	v3 =	vld [tilespmem:s16+$0xFFFFFFE0]  }
0x2bf: {  	v7 =	vld [tilespmem:s19+$0xFFFFFFE0];
	v1 =	vadd.f32 v1, v5  }
0x2c0: {  	[tilespmem:s16+$0x50] =	vst v2;
	v2 =	vld [tilespmem:s16+$0x60]  }
0x2c1: {  	v5 =	vld [tilespmem:s19+$0x60];
	[tilespmem:s16+$0xFFFFFF50] =	vst v1;
	v0 =	vadd.f32 v4, v0  }
0x2c2: {  	v4 =	vld [tilespmem:s19+$0xFFFFFF60]  }
0x2c3: {  	v8 =	vld [tilespmem:s16+$0xF0];
	[tilespmem:s16+$0xE0] =	vst v0  }
0x2c4: {  	v1 =	vadd.f32 v7, v3;
	v7 =	vld [tilespmem:s19+$0xF0]  }
0x2c5: {  	v0 =	vld [tilespmem:s16+$0xFFFFFF70]  }
0x2c6: {  	[tilespmem:s16+$0xFFFFFFE0] =	vst v1;
	v2 =	vadd.f32 v5, v2;
	v1 =	vld [tilespmem:s16+$0xFFFFFFF0]  }
0x2c7: {  	v3 =	vld [tilespmem:s19+$0xFFFFFFF0];
	v4 =	vadd.f32 v4, v6  }
0x2c8: {  	[tilespmem:s16+$0x60] =	vst v2;
	v2 =	vld [tilespmem:s16+$0x70]  }
0x2c9: {  	[tilespmem:s16+$0xFFFFFF60] =	vst v4;
	v4 =	vld [tilespmem:s19+$0x70];
	v6 =	vadd.f32 v7, v8  }
0x2ca: {  	s31 =	simm.s32 $0x300;
	s6 =	simm.s32 $0x0;
	v5 =	vld [tilespmem:s19+$0xFFFFFF70]  }
.LBB2_11:
0x2cb: {  	v7 =	vld [tilespmem:s31+$0x80];
	[tilespmem:s16+$0xF0] =	vst v6;
	s19 =	sadd.s32 $0x200, s19  }
0x2cc: {  	s6 =	sadd.s32 $0x4, s6;
	v6 =	vld [tilespmem:s19+$0x80];
	v1 =	vadd.f32 v3, v1  }
0x2cd: {  	p0 =	slt.u32 s6, $0xC4;
	v3 =	vld [tilespmem:s19+$0xFFFFFF00]  }
0x2ce: {  	v8 =	vld [tilespmem:s31+$0xFFFFFF80];
	[tilespmem:s16+$0xFFFFFFF0] =	vst v1;
	v1 =	vadd.f32 v4, v2  }
0x2cf: {  	v2 =	vld [tilespmem:s19+$0xFFFFFF80];
	v0 =	vadd.f32 v5, v0  }
0x2d0: {  	v4 =	vld [tilespmem:s31+$0x0];
	[tilespmem:s16+$0x70] =	vst v1  }
0x2d1: {  	v1 =	vld [tilespmem:s19+$0x0];
	v5 =	vadd.f32 v6, v7;
	[tilespmem:s16+$0xFFFFFF70] =	vst v0;
	s16 =	smov.u32 s31  }
0x2d2: {  	v0 =	vld [tilespmem:s31+$0xFFFFFF00]  }
0x2d3: {  	[tilespmem:s31+$0x80] =	vst v5;
	v5 =	vld [tilespmem:s31+$0x90]  }
0x2d4: {  	v2 =	vadd.f32 v2, v8;
	v6 =	vld [tilespmem:s19+$0x90]  }
0x2d5: {  	v7 =	vld [tilespmem:s31+$0xFFFFFF10]  }
0x2d6: {  	[tilespmem:s31+$0xFFFFFF80] =	vst v2;
	v2 =	vld [tilespmem:s31+$0xFFFFFF90];
	v1 =	vadd.f32 v1, v4  }
0x2d7: {  	v0 =	vadd.f32 v3, v0;
	v3 =	vld [tilespmem:s19+$0xFFFFFF90]  }
0x2d8: {  	[tilespmem:s31+$0x0] =	vst v1;
	v1 =	vld [tilespmem:s31+$0x10]  }
0x2d9: {  	[tilespmem:s31+$0xFFFFFF00] =	vst v0;
	v0 =	vld [tilespmem:s19+$0x10];
	v4 =	vadd.f32 v6, v5  }
0x2da: {  	v5 =	vld [tilespmem:s19+$0xFFFFFF10]  }
0x2db: {  	[tilespmem:s31+$0x90] =	vst v4;
	v4 =	vld [tilespmem:s31+$0xA0]  }
0x2dc: {  	v2 =	vadd.f32 v3, v2;
	v3 =	vld [tilespmem:s19+$0xA0]  }
0x2dd: {  	v6 =	vld [tilespmem:s31+$0xFFFFFF20]  }
0x2de: {  	[tilespmem:s31+$0xFFFFFF90] =	vst v2;
	v2 =	vld [tilespmem:s31+$0xFFFFFFA0];
	v0 =	vadd.f32 v0, v1  }
0x2df: {  	v1 =	vadd.f32 v5, v7;
	v5 =	vld [tilespmem:s19+$0xFFFFFFA0]  }
0x2e0: {  	[tilespmem:s31+$0x10] =	vst v0;
	v0 =	vld [tilespmem:s31+$0x20]  }
0x2e1: {  	[tilespmem:s31+$0xFFFFFF10] =	vst v1;
	v1 =	vld [tilespmem:s19+$0x20];
	v3 =	vadd.f32 v3, v4  }
0x2e2: {  	v4 =	vld [tilespmem:s19+$0xFFFFFF20]  }
0x2e3: {  	[tilespmem:s31+$0xA0] =	vst v3;
	v3 =	vld [tilespmem:s31+$0xB0]  }
0x2e4: {  	v2 =	vadd.f32 v5, v2;
	v5 =	vld [tilespmem:s19+$0xB0]  }
0x2e5: {  	v7 =	vld [tilespmem:s31+$0xFFFFFF30]  }
0x2e6: {  	[tilespmem:s31+$0xFFFFFFA0] =	vst v2;
	v2 =	vld [tilespmem:s31+$0xFFFFFFB0];
	v0 =	vadd.f32 v1, v0  }
0x2e7: {  	v1 =	vadd.f32 v4, v6;
	v4 =	vld [tilespmem:s19+$0xFFFFFFB0]  }
0x2e8: {  	[tilespmem:s31+$0x20] =	vst v0;
	v0 =	vld [tilespmem:s31+$0x30]  }
0x2e9: {  	[tilespmem:s31+$0xFFFFFF20] =	vst v1;
	v1 =	vld [tilespmem:s19+$0x30];
	v3 =	vadd.f32 v5, v3  }
0x2ea: {  	v5 =	vld [tilespmem:s19+$0xFFFFFF30]  }
0x2eb: {  	[tilespmem:s31+$0xB0] =	vst v3;
	v3 =	vld [tilespmem:s31+$0xC0]  }
0x2ec: {  	v2 =	vadd.f32 v4, v2;
	v4 =	vld [tilespmem:s19+$0xC0]  }
0x2ed: {  	v6 =	vld [tilespmem:s31+$0xFFFFFF40]  }
0x2ee: {  	[tilespmem:s31+$0xFFFFFFB0] =	vst v2;
	v2 =	vld [tilespmem:s31+$0xFFFFFFC0];
	v0 =	vadd.f32 v1, v0  }
0x2ef: {  	v1 =	vadd.f32 v5, v7;
	v5 =	vld [tilespmem:s19+$0xFFFFFFC0]  }
0x2f0: {  	[tilespmem:s31+$0x30] =	vst v0;
	v0 =	vld [tilespmem:s31+$0x40]  }
0x2f1: {  	[tilespmem:s31+$0xFFFFFF30] =	vst v1;
	v1 =	vld [tilespmem:s19+$0x40];
	v3 =	vadd.f32 v4, v3  }
0x2f2: {  	v4 =	vld [tilespmem:s19+$0xFFFFFF40]  }
0x2f3: {  	[tilespmem:s31+$0xC0] =	vst v3;
	v3 =	vld [tilespmem:s31+$0xD0]  }
0x2f4: {  	v2 =	vadd.f32 v5, v2;
	v5 =	vld [tilespmem:s19+$0xD0]  }
0x2f5: {  	v7 =	vld [tilespmem:s31+$0xFFFFFF50]  }
0x2f6: {  	[tilespmem:s31+$0xFFFFFFC0] =	vst v2;
	v2 =	vld [tilespmem:s31+$0xFFFFFFD0];
	v0 =	vadd.f32 v1, v0  }
0x2f7: {  	v1 =	vadd.f32 v4, v6;
	v4 =	vld [tilespmem:s19+$0xFFFFFFD0]  }
0x2f8: {  	[tilespmem:s31+$0x40] =	vst v0;
	v0 =	vld [tilespmem:s31+$0x50]  }
0x2f9: {  	[tilespmem:s31+$0xFFFFFF40] =	vst v1;
	v1 =	vld [tilespmem:s19+$0x50];
	v3 =	vadd.f32 v5, v3  }
0x2fa: {  	v5 =	vld [tilespmem:s19+$0xFFFFFF50]  }
0x2fb: {  	[tilespmem:s31+$0xD0] =	vst v3;
	v3 =	vld [tilespmem:s31+$0xE0]  }
0x2fc: {  	v2 =	vadd.f32 v4, v2;
	v4 =	vld [tilespmem:s19+$0xE0]  }
0x2fd: {  	v6 =	vld [tilespmem:s31+$0xFFFFFF60]  }
0x2fe: {  	[tilespmem:s31+$0xFFFFFFD0] =	vst v2;
	v2 =	vld [tilespmem:s31+$0xFFFFFFE0];
	v0 =	vadd.f32 v1, v0  }
0x2ff: {  	v1 =	vadd.f32 v5, v7;
	v5 =	vld [tilespmem:s19+$0xFFFFFFE0]  }
0x300: {  	[tilespmem:s31+$0x50] =	vst v0;
	v7 =	vld [tilespmem:s31+$0x60]  }
0x301: {  	[tilespmem:s31+$0xFFFFFF50] =	vst v1;
	v8 =	vld [tilespmem:s19+$0x60];
	v0 =	vadd.f32 v4, v3  }
0x302: {  	v3 =	vld [tilespmem:s19+$0xFFFFFF60]  }
0x303: {  	[tilespmem:s31+$0xE0] =	vst v0;
	v9 =	vld [tilespmem:s31+$0xF0]  }
0x304: {  	v1 =	vadd.f32 v5, v2;
	v5 =	vld [tilespmem:s19+$0xF0]  }
0x305: {  	v0 =	vld [tilespmem:s31+$0xFFFFFF70]  }
.Ltmp4:
0x306: {  	[tilespmem:s31+$0xFFFFFFE0] =	vst v1;
	v1 =	vld [tilespmem:s31+$0xFFFFFFF0];
	v2 =	vadd.f32 v8, v7;
	(pc) =	sbr.rel @p0 .LBB2_11-.Ltmp4, $4  }
0x307: {  	v4 =	vadd.f32 v3, v6;
	v3 =	vld [tilespmem:s19+$0xFFFFFFF0]  }
0x308: {  	[tilespmem:s31+$0x60] =	vst v2;
	v2 =	vld [tilespmem:s31+$0x70]  }
0x309: {  	[tilespmem:s31+$0xFFFFFF60] =	vst v4;
	v4 =	vld [tilespmem:s19+$0x70];
	v6 =	vadd.f32 v5, v9  }
0x30a: {  	s31 =	sadd.s32 $0x200, s31;
	v5 =	vld [tilespmem:s19+$0xFFFFFF70]  }
0x30b: {  	_ =	sdelay $0x1  }
0x30c: {  	v1 =	vadd.f32 v3, v1  }
0x30d: {  	[tilespmem:s16+$0xF0] =	vst v6;
	v2 =	vadd.f32 v4, v2  }
0x30e: {  	s6 =	sadd.s32 s2, s11;
	[tilespmem:s16+$0xFFFFFFF0] =	vst v1;
	v0 =	vadd.f32 v5, v0  }
0x30f: {  	s6 =	sshll.u32 s6, $0x4;
	[tilespmem:s16+$0x70] =	vst v2  }
0x310: {  	s6 =	sadd.s32 s4, s6;
	[tilespmem:s16+$0xFFFFFF70] =	vst v0  }
0x311: {  	[hbm4b:s6+s5] =	stream.linear.scatter [tilespmem:s5], [sflag:$0x9], $0x6400, $0x38;
	[tilespmem:$0x1F800] =	vst v63  }
0x312: {  	_ =	swait.ge [sflag:s24], $0x6400  }
0x313: {  	s19 =	rddreg [dreg:$0x1c]  }
0x314: {  	s6 =	sadd.s32 s11, s19  }
0x315: {  	[sflag:s24] =	ssyncset.done $0x0;
	s6 =	sshrl.u32 s6, $0x3  }
0x316: {  	[sflag:s24] =	ssyncadd.s32 $0xFFFF9C00;
	s6 =	sadd.s32 s7, s6  }
0x317: {  	[tilespmem:s12], [sflag:$0x6] =	stream.linear.gather [hbm4b:s6+s5], $0xC8, $0x38;
	[tilespmem:$0x1F800] =	vst v63  }
0x318: {  	_ =	swait.ge [sflag:s9], $0x6400  }
0x319: {  	[sflag:s9] =	ssyncset.done $0x0  }
0x31a: {  	[sflag:s9] =	ssyncadd.s32 $0xFFFF9C00  }
0x31b: {  	_ =	swait.ge [sflag:s25], $0xC8  }
0x31c: {  	[sflag:s25] =	ssyncset.done $0x0  }
0x31d: {  	s16 =	simm.s32 $0x6500;
	[sflag:s25] =	ssyncadd.s32 $0xFFFFFF38  }
0x31e: {  	[tilespmem:s26], [sflag:$0x4] =	stream.indirect.gather [hbm4b:s1+s17], $0x80, s14, s17, $0xb8;
	[tilespmem:$0x1F800] =	vst v63  }
0x31f: {  	s19 =	simm.s32 $0x19500;
	v0 =	vld [tilespmem:s16+$0x80]  }
0x320: {  	v1 =	vld [tilespmem:s19+$0x80]  }
0x321: {  	v2 =	vld [tilespmem:s16+$0xFFFFFF80]  }
0x322: {  	v3 =	vld [tilespmem:s19+$0xFFFFFF80]  }
0x323: {  	v4 =	vld [tilespmem:s16+$0x0]  }
0x324: {  	v5 =	vld [tilespmem:s19+$0x0]  }
0x325: {  	v6 =	vld [tilespmem:s16+$0xFFFFFF00];
	v0 =	vadd.f32 v1, v0  }
0x326: {  	v1 =	vld [tilespmem:s19+$0xFFFFFF00]  }
0x327: {  	[tilespmem:s16+$0x80] =	vst v0;
	v0 =	vld [tilespmem:s16+$0x90]  }
0x328: {  	v2 =	vadd.f32 v3, v2;
	v3 =	vld [tilespmem:s19+$0x90]  }
0x329: {  	v7 =	vld [tilespmem:s16+$0xFFFFFF10]  }
0x32a: {  	[tilespmem:s16+$0xFFFFFF80] =	vst v2;
	v2 =	vadd.f32 v5, v4;
	v4 =	vld [tilespmem:s16+$0xFFFFFF90]  }
0x32b: {  	v5 =	vld [tilespmem:s19+$0xFFFFFF90];
	v1 =	vadd.f32 v1, v6  }
0x32c: {  	[tilespmem:s16+$0x0] =	vst v2;
	v2 =	vld [tilespmem:s16+$0x10]  }
0x32d: {  	v6 =	vld [tilespmem:s19+$0x10];
	[tilespmem:s16+$0xFFFFFF00] =	vst v1;
	v0 =	vadd.f32 v3, v0  }
0x32e: {  	v1 =	vld [tilespmem:s19+$0xFFFFFF10]  }
0x32f: {  	[tilespmem:s16+$0x90] =	vst v0;
	v0 =	vld [tilespmem:s16+$0xA0]  }
0x330: {  	v3 =	vadd.f32 v5, v4;
	v4 =	vld [tilespmem:s19+$0xA0]  }
0x331: {  	v5 =	vld [tilespmem:s16+$0xFFFFFF20]  }
0x332: {  	[tilespmem:s16+$0xFFFFFF90] =	vst v3;
	v2 =	vadd.f32 v6, v2;
	v3 =	vld [tilespmem:s16+$0xFFFFFFA0]  }
0x333: {  	v6 =	vld [tilespmem:s19+$0xFFFFFFA0];
	v1 =	vadd.f32 v1, v7  }
0x334: {  	[tilespmem:s16+$0x10] =	vst v2;
	v2 =	vld [tilespmem:s16+$0x20]  }
0x335: {  	v7 =	vld [tilespmem:s19+$0x20];
	[tilespmem:s16+$0xFFFFFF10] =	vst v1;
	v0 =	vadd.f32 v4, v0  }
0x336: {  	v1 =	vld [tilespmem:s19+$0xFFFFFF20]  }
0x337: {  	[tilespmem:s16+$0xA0] =	vst v0;
	v0 =	vld [tilespmem:s16+$0xB0]  }
0x338: {  	v3 =	vadd.f32 v6, v3;
	v4 =	vld [tilespmem:s19+$0xB0]  }
0x339: {  	v6 =	vld [tilespmem:s16+$0xFFFFFF30]  }
0x33a: {  	[tilespmem:s16+$0xFFFFFFA0] =	vst v3;
	v2 =	vadd.f32 v7, v2;
	v3 =	vld [tilespmem:s16+$0xFFFFFFB0]  }
0x33b: {  	v7 =	vld [tilespmem:s19+$0xFFFFFFB0];
	v1 =	vadd.f32 v1, v5  }
0x33c: {  	[tilespmem:s16+$0x20] =	vst v2;
	v2 =	vld [tilespmem:s16+$0x30]  }
0x33d: {  	v5 =	vld [tilespmem:s19+$0x30];
	[tilespmem:s16+$0xFFFFFF20] =	vst v1;
	v0 =	vadd.f32 v4, v0  }
0x33e: {  	v1 =	vld [tilespmem:s19+$0xFFFFFF30]  }
0x33f: {  	[tilespmem:s16+$0xB0] =	vst v0;
	v0 =	vld [tilespmem:s16+$0xC0]  }
0x340: {  	v3 =	vadd.f32 v7, v3;
	v4 =	vld [tilespmem:s19+$0xC0]  }
0x341: {  	v7 =	vld [tilespmem:s16+$0xFFFFFF40]  }
0x342: {  	[tilespmem:s16+$0xFFFFFFB0] =	vst v3;
	v2 =	vadd.f32 v5, v2;
	v3 =	vld [tilespmem:s16+$0xFFFFFFC0]  }
0x343: {  	v5 =	vld [tilespmem:s19+$0xFFFFFFC0];
	v1 =	vadd.f32 v1, v6  }
0x344: {  	[tilespmem:s16+$0x30] =	vst v2;
	v2 =	vld [tilespmem:s16+$0x40]  }
0x345: {  	v6 =	vld [tilespmem:s19+$0x40];
	[tilespmem:s16+$0xFFFFFF30] =	vst v1;
	v0 =	vadd.f32 v4, v0  }
0x346: {  	v1 =	vld [tilespmem:s19+$0xFFFFFF40]  }
0x347: {  	[tilespmem:s16+$0xC0] =	vst v0;
	v0 =	vld [tilespmem:s16+$0xD0]  }
0x348: {  	v3 =	vadd.f32 v5, v3;
	v4 =	vld [tilespmem:s19+$0xD0]  }
0x349: {  	v5 =	vld [tilespmem:s16+$0xFFFFFF50]  }
0x34a: {  	[tilespmem:s16+$0xFFFFFFC0] =	vst v3;
	v2 =	vadd.f32 v6, v2;
	v3 =	vld [tilespmem:s16+$0xFFFFFFD0]  }
0x34b: {  	v6 =	vld [tilespmem:s19+$0xFFFFFFD0];
	v1 =	vadd.f32 v1, v7  }
0x34c: {  	[tilespmem:s16+$0x40] =	vst v2;
	v2 =	vld [tilespmem:s16+$0x50]  }
0x34d: {  	v7 =	vld [tilespmem:s19+$0x50];
	[tilespmem:s16+$0xFFFFFF40] =	vst v1;
	v0 =	vadd.f32 v4, v0  }
0x34e: {  	v1 =	vld [tilespmem:s19+$0xFFFFFF50]  }
0x34f: {  	[tilespmem:s16+$0xD0] =	vst v0;
	v0 =	vld [tilespmem:s16+$0xE0]  }
0x350: {  	v3 =	vadd.f32 v6, v3;
	v4 =	vld [tilespmem:s19+$0xE0]  }
0x351: {  	v6 =	vld [tilespmem:s16+$0xFFFFFF60]  }
0x352: {  	[tilespmem:s16+$0xFFFFFFD0] =	vst v3;
	v2 =	vadd.f32 v7, v2;
	v3 =	vld [tilespmem:s16+$0xFFFFFFE0]  }
0x353: {  	v7 =	vld [tilespmem:s19+$0xFFFFFFE0];
	v1 =	vadd.f32 v1, v5  }
0x354: {  	[tilespmem:s16+$0x50] =	vst v2;
	v2 =	vld [tilespmem:s16+$0x60]  }
0x355: {  	v5 =	vld [tilespmem:s19+$0x60];
	[tilespmem:s16+$0xFFFFFF50] =	vst v1;
	v0 =	vadd.f32 v4, v0  }
0x356: {  	v4 =	vld [tilespmem:s19+$0xFFFFFF60]  }
0x357: {  	v8 =	vld [tilespmem:s16+$0xF0];
	[tilespmem:s16+$0xE0] =	vst v0  }
0x358: {  	v1 =	vadd.f32 v7, v3;
	v7 =	vld [tilespmem:s19+$0xF0]  }
0x359: {  	v0 =	vld [tilespmem:s16+$0xFFFFFF70]  }
0x35a: {  	[tilespmem:s16+$0xFFFFFFE0] =	vst v1;
	v2 =	vadd.f32 v5, v2;
	v1 =	vld [tilespmem:s16+$0xFFFFFFF0]  }
0x35b: {  	v3 =	vld [tilespmem:s19+$0xFFFFFFF0];
	v4 =	vadd.f32 v4, v6  }
0x35c: {  	[tilespmem:s16+$0x60] =	vst v2;
	v2 =	vld [tilespmem:s16+$0x70]  }
0x35d: {  	[tilespmem:s16+$0xFFFFFF60] =	vst v4;
	v4 =	vld [tilespmem:s19+$0x70];
	v6 =	vadd.f32 v7, v8  }
0x35e: {  	s31 =	simm.s32 $0x6700;
	s6 =	simm.s32 $0x0;
	v5 =	vld [tilespmem:s19+$0xFFFFFF70]  }
.LBB2_13:
0x35f: {  	v7 =	vld [tilespmem:s31+$0x80];
	[tilespmem:s16+$0xF0] =	vst v6;
	s19 =	sadd.s32 $0x200, s19  }
0x360: {  	s6 =	sadd.s32 $0x4, s6;
	v6 =	vld [tilespmem:s19+$0x80];
	v1 =	vadd.f32 v3, v1  }
0x361: {  	p0 =	slt.u32 s6, $0xC4;
	v3 =	vld [tilespmem:s19+$0xFFFFFF00]  }
0x362: {  	v8 =	vld [tilespmem:s31+$0xFFFFFF80];
	[tilespmem:s16+$0xFFFFFFF0] =	vst v1;
	v1 =	vadd.f32 v4, v2  }
0x363: {  	v2 =	vld [tilespmem:s19+$0xFFFFFF80];
	v0 =	vadd.f32 v5, v0  }
0x364: {  	v4 =	vld [tilespmem:s31+$0x0];
	[tilespmem:s16+$0x70] =	vst v1  }
0x365: {  	v1 =	vld [tilespmem:s19+$0x0];
	v5 =	vadd.f32 v6, v7;
	[tilespmem:s16+$0xFFFFFF70] =	vst v0;
	s16 =	smov.u32 s31  }
0x366: {  	v0 =	vld [tilespmem:s31+$0xFFFFFF00]  }
0x367: {  	[tilespmem:s31+$0x80] =	vst v5;
	v5 =	vld [tilespmem:s31+$0x90]  }
0x368: {  	v2 =	vadd.f32 v2, v8;
	v6 =	vld [tilespmem:s19+$0x90]  }
0x369: {  	v7 =	vld [tilespmem:s31+$0xFFFFFF10]  }
0x36a: {  	[tilespmem:s31+$0xFFFFFF80] =	vst v2;
	v2 =	vld [tilespmem:s31+$0xFFFFFF90];
	v1 =	vadd.f32 v1, v4  }
0x36b: {  	v0 =	vadd.f32 v3, v0;
	v3 =	vld [tilespmem:s19+$0xFFFFFF90]  }
0x36c: {  	[tilespmem:s31+$0x0] =	vst v1;
	v1 =	vld [tilespmem:s31+$0x10]  }
0x36d: {  	[tilespmem:s31+$0xFFFFFF00] =	vst v0;
	v0 =	vld [tilespmem:s19+$0x10];
	v4 =	vadd.f32 v6, v5  }
0x36e: {  	v5 =	vld [tilespmem:s19+$0xFFFFFF10]  }
0x36f: {  	[tilespmem:s31+$0x90] =	vst v4;
	v4 =	vld [tilespmem:s31+$0xA0]  }
0x370: {  	v2 =	vadd.f32 v3, v2;
	v3 =	vld [tilespmem:s19+$0xA0]  }
0x371: {  	v6 =	vld [tilespmem:s31+$0xFFFFFF20]  }
0x372: {  	[tilespmem:s31+$0xFFFFFF90] =	vst v2;
	v2 =	vld [tilespmem:s31+$0xFFFFFFA0];
	v0 =	vadd.f32 v0, v1  }
0x373: {  	v1 =	vadd.f32 v5, v7;
	v5 =	vld [tilespmem:s19+$0xFFFFFFA0]  }
0x374: {  	[tilespmem:s31+$0x10] =	vst v0;
	v0 =	vld [tilespmem:s31+$0x20]  }
0x375: {  	[tilespmem:s31+$0xFFFFFF10] =	vst v1;
	v1 =	vld [tilespmem:s19+$0x20];
	v3 =	vadd.f32 v3, v4  }
0x376: {  	v4 =	vld [tilespmem:s19+$0xFFFFFF20]  }
0x377: {  	[tilespmem:s31+$0xA0] =	vst v3;
	v3 =	vld [tilespmem:s31+$0xB0]  }
0x378: {  	v2 =	vadd.f32 v5, v2;
	v5 =	vld [tilespmem:s19+$0xB0]  }
0x379: {  	v7 =	vld [tilespmem:s31+$0xFFFFFF30]  }
0x37a: {  	[tilespmem:s31+$0xFFFFFFA0] =	vst v2;
	v2 =	vld [tilespmem:s31+$0xFFFFFFB0];
	v0 =	vadd.f32 v1, v0  }
0x37b: {  	v1 =	vadd.f32 v4, v6;
	v4 =	vld [tilespmem:s19+$0xFFFFFFB0]  }
0x37c: {  	[tilespmem:s31+$0x20] =	vst v0;
	v0 =	vld [tilespmem:s31+$0x30]  }
0x37d: {  	[tilespmem:s31+$0xFFFFFF20] =	vst v1;
	v1 =	vld [tilespmem:s19+$0x30];
	v3 =	vadd.f32 v5, v3  }
0x37e: {  	v5 =	vld [tilespmem:s19+$0xFFFFFF30]  }
0x37f: {  	[tilespmem:s31+$0xB0] =	vst v3;
	v3 =	vld [tilespmem:s31+$0xC0]  }
0x380: {  	v2 =	vadd.f32 v4, v2;
	v4 =	vld [tilespmem:s19+$0xC0]  }
0x381: {  	v6 =	vld [tilespmem:s31+$0xFFFFFF40]  }
0x382: {  	[tilespmem:s31+$0xFFFFFFB0] =	vst v2;
	v2 =	vld [tilespmem:s31+$0xFFFFFFC0];
	v0 =	vadd.f32 v1, v0  }
0x383: {  	v1 =	vadd.f32 v5, v7;
	v5 =	vld [tilespmem:s19+$0xFFFFFFC0]  }
0x384: {  	[tilespmem:s31+$0x30] =	vst v0;
	v0 =	vld [tilespmem:s31+$0x40]  }
0x385: {  	[tilespmem:s31+$0xFFFFFF30] =	vst v1;
	v1 =	vld [tilespmem:s19+$0x40];
	v3 =	vadd.f32 v4, v3  }
0x386: {  	v4 =	vld [tilespmem:s19+$0xFFFFFF40]  }
0x387: {  	[tilespmem:s31+$0xC0] =	vst v3;
	v3 =	vld [tilespmem:s31+$0xD0]  }
0x388: {  	v2 =	vadd.f32 v5, v2;
	v5 =	vld [tilespmem:s19+$0xD0]  }
0x389: {  	v7 =	vld [tilespmem:s31+$0xFFFFFF50]  }
0x38a: {  	[tilespmem:s31+$0xFFFFFFC0] =	vst v2;
	v2 =	vld [tilespmem:s31+$0xFFFFFFD0];
	v0 =	vadd.f32 v1, v0  }
0x38b: {  	v1 =	vadd.f32 v4, v6;
	v4 =	vld [tilespmem:s19+$0xFFFFFFD0]  }
0x38c: {  	[tilespmem:s31+$0x40] =	vst v0;
	v0 =	vld [tilespmem:s31+$0x50]  }
0x38d: {  	[tilespmem:s31+$0xFFFFFF40] =	vst v1;
	v1 =	vld [tilespmem:s19+$0x50];
	v3 =	vadd.f32 v5, v3  }
0x38e: {  	v5 =	vld [tilespmem:s19+$0xFFFFFF50]  }
0x38f: {  	[tilespmem:s31+$0xD0] =	vst v3;
	v3 =	vld [tilespmem:s31+$0xE0]  }
0x390: {  	v2 =	vadd.f32 v4, v2;
	v4 =	vld [tilespmem:s19+$0xE0]  }
0x391: {  	v6 =	vld [tilespmem:s31+$0xFFFFFF60]  }
0x392: {  	[tilespmem:s31+$0xFFFFFFD0] =	vst v2;
	v2 =	vld [tilespmem:s31+$0xFFFFFFE0];
	v0 =	vadd.f32 v1, v0  }
0x393: {  	v1 =	vadd.f32 v5, v7;
	v5 =	vld [tilespmem:s19+$0xFFFFFFE0]  }
0x394: {  	[tilespmem:s31+$0x50] =	vst v0;
	v7 =	vld [tilespmem:s31+$0x60]  }
0x395: {  	[tilespmem:s31+$0xFFFFFF50] =	vst v1;
	v8 =	vld [tilespmem:s19+$0x60];
	v0 =	vadd.f32 v4, v3  }
0x396: {  	v3 =	vld [tilespmem:s19+$0xFFFFFF60]  }
0x397: {  	[tilespmem:s31+$0xE0] =	vst v0;
	v9 =	vld [tilespmem:s31+$0xF0]  }
0x398: {  	v1 =	vadd.f32 v5, v2;
	v5 =	vld [tilespmem:s19+$0xF0]  }
0x399: {  	v0 =	vld [tilespmem:s31+$0xFFFFFF70]  }
.Ltmp5:
0x39a: {  	[tilespmem:s31+$0xFFFFFFE0] =	vst v1;
	v1 =	vld [tilespmem:s31+$0xFFFFFFF0];
	v2 =	vadd.f32 v8, v7;
	(pc) =	sbr.rel @p0 .LBB2_13-.Ltmp5, $4  }
0x39b: {  	v4 =	vadd.f32 v3, v6;
	v3 =	vld [tilespmem:s19+$0xFFFFFFF0]  }
0x39c: {  	[tilespmem:s31+$0x60] =	vst v2;
	v2 =	vld [tilespmem:s31+$0x70]  }
0x39d: {  	[tilespmem:s31+$0xFFFFFF60] =	vst v4;
	v4 =	vld [tilespmem:s19+$0x70];
	v6 =	vadd.f32 v5, v9  }
0x39e: {  	s31 =	sadd.s32 $0x200, s31;
	v5 =	vld [tilespmem:s19+$0xFFFFFF70]  }
0x39f: {  	_ = 	snop  }
0x3a0: {  	v1 =	vadd.f32 v3, v1  }
0x3a1: {  	[tilespmem:s16+$0xF0] =	vst v6  }
0x3a2: {  	[tilespmem:s16+$0xFFFFFFF0] =	vst v1  }
0x3a3: {  	v2 =	vadd.f32 v4, v2;
	s6 =	rddreg [dreg:$0x6]  }
0x3a4: {  	v0 =	vadd.f32 v5, v0;
	s6 =	sadd.s32 s11, s6  }
0x3a5: {  	[tilespmem:s16+$0x70] =	vst v2;
	s6 =	sshll.u32 s6, $0x4  }
0x3a6: {  	[tilespmem:s16+$0xFFFFFF70] =	vst v0;
	s6 =	sadd.s32 s4, s6  }
0x3a7: {  	[hbm4b:s6+s5] =	stream.linear.scatter [tilespmem:s20], [sflag:$0xA], $0x6400, $0x38;
	[tilespmem:$0x1F800] =	vst v63  }
0x3a8: {  	_ =	swait.ge [sflag:s28], $0x6400  }
0x3a9: {  	s19 =	rddreg [dreg:$0xd]  }
0x3aa: {  	s6 =	sadd.s32 s11, s19  }
0x3ab: {  	[sflag:s28] =	ssyncset.done $0x0;
	s6 =	sshrl.u32 s6, $0x3  }
0x3ac: {  	[sflag:s28] =	ssyncadd.s32 $0xFFFF9C00;
	s6 =	sadd.s32 s7, s6  }
0x3ad: {  	[tilespmem:s13], [sflag:$0x7] =	stream.linear.gather [hbm4b:s6+s5], $0xC8, $0x38;
	[tilespmem:$0x1F800] =	vst v63  }
0x3ae: {  	_ =	swait.ge [sflag:s29], $0x6400  }
0x3af: {  	[sflag:s29] =	ssyncset.done $0x0  }
0x3b0: {  	[sflag:s29] =	ssyncadd.s32 $0xFFFF9C00  }
0x3b1: {  	_ =	swait.ge [sflag:s15], $0xC8  }
0x3b2: {  	[sflag:s15] =	ssyncset.done $0x0  }
0x3b3: {  	s16 =	simm.s32 $0xC900;
	[sflag:s15] =	ssyncadd.s32 $0xFFFFFF38  }
0x3b4: {  	[tilespmem:s5], [sflag:$0x1] =	stream.indirect.gather [hbm4b:s1+s17], $0x80, s0, s17, $0xb8;
	[tilespmem:$0x1F800] =	vst v63  }
0x3b5: {  	s19 =	simm.s32 $0x19500;
	v0 =	vld [tilespmem:s16+$0x80]  }
0x3b6: {  	v1 =	vld [tilespmem:s19+$0x80]  }
0x3b7: {  	v2 =	vld [tilespmem:s16+$0xFFFFFF80]  }
0x3b8: {  	v3 =	vld [tilespmem:s19+$0xFFFFFF80]  }
0x3b9: {  	v4 =	vld [tilespmem:s16+$0x0]  }
0x3ba: {  	v5 =	vld [tilespmem:s19+$0x0]  }
0x3bb: {  	v6 =	vld [tilespmem:s16+$0xFFFFFF00];
	v0 =	vadd.f32 v1, v0  }
0x3bc: {  	v1 =	vld [tilespmem:s19+$0xFFFFFF00]  }
0x3bd: {  	[tilespmem:s16+$0x80] =	vst v0;
	v0 =	vld [tilespmem:s16+$0x90]  }
0x3be: {  	v2 =	vadd.f32 v3, v2;
	v3 =	vld [tilespmem:s19+$0x90]  }
0x3bf: {  	v7 =	vld [tilespmem:s16+$0xFFFFFF10]  }
0x3c0: {  	[tilespmem:s16+$0xFFFFFF80] =	vst v2;
	v2 =	vadd.f32 v5, v4;
	v4 =	vld [tilespmem:s16+$0xFFFFFF90]  }
0x3c1: {  	v5 =	vld [tilespmem:s19+$0xFFFFFF90];
	v1 =	vadd.f32 v1, v6  }
0x3c2: {  	[tilespmem:s16+$0x0] =	vst v2;
	v2 =	vld [tilespmem:s16+$0x10]  }
0x3c3: {  	v6 =	vld [tilespmem:s19+$0x10];
	[tilespmem:s16+$0xFFFFFF00] =	vst v1;
	v0 =	vadd.f32 v3, v0  }
0x3c4: {  	v1 =	vld [tilespmem:s19+$0xFFFFFF10]  }
0x3c5: {  	[tilespmem:s16+$0x90] =	vst v0;
	v0 =	vld [tilespmem:s16+$0xA0]  }
0x3c6: {  	v3 =	vadd.f32 v5, v4;
	v4 =	vld [tilespmem:s19+$0xA0]  }
0x3c7: {  	v5 =	vld [tilespmem:s16+$0xFFFFFF20]  }
0x3c8: {  	[tilespmem:s16+$0xFFFFFF90] =	vst v3;
	v2 =	vadd.f32 v6, v2;
	v3 =	vld [tilespmem:s16+$0xFFFFFFA0]  }
0x3c9: {  	v6 =	vld [tilespmem:s19+$0xFFFFFFA0];
	v1 =	vadd.f32 v1, v7  }
0x3ca: {  	[tilespmem:s16+$0x10] =	vst v2;
	v2 =	vld [tilespmem:s16+$0x20]  }
0x3cb: {  	v7 =	vld [tilespmem:s19+$0x20];
	[tilespmem:s16+$0xFFFFFF10] =	vst v1;
	v0 =	vadd.f32 v4, v0  }
0x3cc: {  	v1 =	vld [tilespmem:s19+$0xFFFFFF20]  }
0x3cd: {  	[tilespmem:s16+$0xA0] =	vst v0;
	v0 =	vld [tilespmem:s16+$0xB0]  }
0x3ce: {  	v3 =	vadd.f32 v6, v3;
	v4 =	vld [tilespmem:s19+$0xB0]  }
0x3cf: {  	v6 =	vld [tilespmem:s16+$0xFFFFFF30]  }
0x3d0: {  	[tilespmem:s16+$0xFFFFFFA0] =	vst v3;
	v2 =	vadd.f32 v7, v2;
	v3 =	vld [tilespmem:s16+$0xFFFFFFB0]  }
0x3d1: {  	v7 =	vld [tilespmem:s19+$0xFFFFFFB0];
	v1 =	vadd.f32 v1, v5  }
0x3d2: {  	[tilespmem:s16+$0x20] =	vst v2;
	v2 =	vld [tilespmem:s16+$0x30]  }
0x3d3: {  	v5 =	vld [tilespmem:s19+$0x30];
	[tilespmem:s16+$0xFFFFFF20] =	vst v1;
	v0 =	vadd.f32 v4, v0  }
0x3d4: {  	v1 =	vld [tilespmem:s19+$0xFFFFFF30]  }
0x3d5: {  	[tilespmem:s16+$0xB0] =	vst v0;
	v0 =	vld [tilespmem:s16+$0xC0]  }
0x3d6: {  	v3 =	vadd.f32 v7, v3;
	v4 =	vld [tilespmem:s19+$0xC0]  }
0x3d7: {  	v7 =	vld [tilespmem:s16+$0xFFFFFF40]  }
0x3d8: {  	[tilespmem:s16+$0xFFFFFFB0] =	vst v3;
	v2 =	vadd.f32 v5, v2;
	v3 =	vld [tilespmem:s16+$0xFFFFFFC0]  }
0x3d9: {  	v5 =	vld [tilespmem:s19+$0xFFFFFFC0];
	v1 =	vadd.f32 v1, v6  }
0x3da: {  	[tilespmem:s16+$0x30] =	vst v2;
	v2 =	vld [tilespmem:s16+$0x40]  }
0x3db: {  	v6 =	vld [tilespmem:s19+$0x40];
	[tilespmem:s16+$0xFFFFFF30] =	vst v1;
	v0 =	vadd.f32 v4, v0  }
0x3dc: {  	v1 =	vld [tilespmem:s19+$0xFFFFFF40]  }
0x3dd: {  	[tilespmem:s16+$0xC0] =	vst v0;
	v0 =	vld [tilespmem:s16+$0xD0]  }
0x3de: {  	v3 =	vadd.f32 v5, v3;
	v4 =	vld [tilespmem:s19+$0xD0]  }
0x3df: {  	v5 =	vld [tilespmem:s16+$0xFFFFFF50]  }
0x3e0: {  	[tilespmem:s16+$0xFFFFFFC0] =	vst v3;
	v2 =	vadd.f32 v6, v2;
	v3 =	vld [tilespmem:s16+$0xFFFFFFD0]  }
0x3e1: {  	v6 =	vld [tilespmem:s19+$0xFFFFFFD0];
	v1 =	vadd.f32 v1, v7  }
0x3e2: {  	[tilespmem:s16+$0x40] =	vst v2;
	v2 =	vld [tilespmem:s16+$0x50]  }
0x3e3: {  	v7 =	vld [tilespmem:s19+$0x50];
	[tilespmem:s16+$0xFFFFFF40] =	vst v1;
	v0 =	vadd.f32 v4, v0  }
0x3e4: {  	v1 =	vld [tilespmem:s19+$0xFFFFFF50]  }
0x3e5: {  	[tilespmem:s16+$0xD0] =	vst v0;
	v0 =	vld [tilespmem:s16+$0xE0]  }
0x3e6: {  	v3 =	vadd.f32 v6, v3;
	v4 =	vld [tilespmem:s19+$0xE0]  }
0x3e7: {  	v6 =	vld [tilespmem:s16+$0xFFFFFF60]  }
0x3e8: {  	[tilespmem:s16+$0xFFFFFFD0] =	vst v3;
	v2 =	vadd.f32 v7, v2;
	v3 =	vld [tilespmem:s16+$0xFFFFFFE0]  }
0x3e9: {  	v7 =	vld [tilespmem:s19+$0xFFFFFFE0];
	v1 =	vadd.f32 v1, v5  }
0x3ea: {  	[tilespmem:s16+$0x50] =	vst v2;
	v2 =	vld [tilespmem:s16+$0x60]  }
0x3eb: {  	v5 =	vld [tilespmem:s19+$0x60];
	[tilespmem:s16+$0xFFFFFF50] =	vst v1;
	v0 =	vadd.f32 v4, v0  }
0x3ec: {  	v4 =	vld [tilespmem:s19+$0xFFFFFF60]  }
0x3ed: {  	v8 =	vld [tilespmem:s16+$0xF0];
	[tilespmem:s16+$0xE0] =	vst v0  }
0x3ee: {  	v1 =	vadd.f32 v7, v3;
	v7 =	vld [tilespmem:s19+$0xF0]  }
0x3ef: {  	v0 =	vld [tilespmem:s16+$0xFFFFFF70]  }
0x3f0: {  	[tilespmem:s16+$0xFFFFFFE0] =	vst v1;
	v2 =	vadd.f32 v5, v2;
	v1 =	vld [tilespmem:s16+$0xFFFFFFF0]  }
0x3f1: {  	v3 =	vld [tilespmem:s19+$0xFFFFFFF0];
	v4 =	vadd.f32 v4, v6  }
0x3f2: {  	[tilespmem:s16+$0x60] =	vst v2;
	v2 =	vld [tilespmem:s16+$0x70]  }
0x3f3: {  	[tilespmem:s16+$0xFFFFFF60] =	vst v4;
	v4 =	vld [tilespmem:s19+$0x70];
	v6 =	vadd.f32 v7, v8  }
0x3f4: {  	s31 =	simm.s32 $0xCB00;
	s6 =	simm.s32 $0x0;
	v5 =	vld [tilespmem:s19+$0xFFFFFF70]  }
.LBB2_15:
0x3f5: {  	v7 =	vld [tilespmem:s31+$0x80];
	[tilespmem:s16+$0xF0] =	vst v6;
	s19 =	sadd.s32 $0x200, s19  }
0x3f6: {  	s6 =	sadd.s32 $0x4, s6;
	v6 =	vld [tilespmem:s19+$0x80];
	v1 =	vadd.f32 v3, v1  }
0x3f7: {  	p0 =	slt.u32 s6, $0xC4;
	v3 =	vld [tilespmem:s19+$0xFFFFFF00]  }
0x3f8: {  	v8 =	vld [tilespmem:s31+$0xFFFFFF80];
	[tilespmem:s16+$0xFFFFFFF0] =	vst v1;
	v1 =	vadd.f32 v4, v2  }
0x3f9: {  	v2 =	vld [tilespmem:s19+$0xFFFFFF80];
	v0 =	vadd.f32 v5, v0  }
0x3fa: {  	v4 =	vld [tilespmem:s31+$0x0];
	[tilespmem:s16+$0x70] =	vst v1  }
0x3fb: {  	v1 =	vld [tilespmem:s19+$0x0];
	v5 =	vadd.f32 v6, v7;
	[tilespmem:s16+$0xFFFFFF70] =	vst v0;
	s16 =	smov.u32 s31  }
0x3fc: {  	v0 =	vld [tilespmem:s31+$0xFFFFFF00]  }
0x3fd: {  	[tilespmem:s31+$0x80] =	vst v5;
	v5 =	vld [tilespmem:s31+$0x90]  }
0x3fe: {  	v2 =	vadd.f32 v2, v8;
	v6 =	vld [tilespmem:s19+$0x90]  }
0x3ff: {  	v7 =	vld [tilespmem:s31+$0xFFFFFF10]  }
0x400: {  	[tilespmem:s31+$0xFFFFFF80] =	vst v2;
	v2 =	vld [tilespmem:s31+$0xFFFFFF90];
	v1 =	vadd.f32 v1, v4  }
0x401: {  	v0 =	vadd.f32 v3, v0;
	v3 =	vld [tilespmem:s19+$0xFFFFFF90]  }
0x402: {  	[tilespmem:s31+$0x0] =	vst v1;
	v1 =	vld [tilespmem:s31+$0x10]  }
0x403: {  	[tilespmem:s31+$0xFFFFFF00] =	vst v0;
	v0 =	vld [tilespmem:s19+$0x10];
	v4 =	vadd.f32 v6, v5  }
0x404: {  	v5 =	vld [tilespmem:s19+$0xFFFFFF10]  }
0x405: {  	[tilespmem:s31+$0x90] =	vst v4;
	v4 =	vld [tilespmem:s31+$0xA0]  }
0x406: {  	v2 =	vadd.f32 v3, v2;
	v3 =	vld [tilespmem:s19+$0xA0]  }
0x407: {  	v6 =	vld [tilespmem:s31+$0xFFFFFF20]  }
0x408: {  	[tilespmem:s31+$0xFFFFFF90] =	vst v2;
	v2 =	vld [tilespmem:s31+$0xFFFFFFA0];
	v0 =	vadd.f32 v0, v1  }
0x409: {  	v1 =	vadd.f32 v5, v7;
	v5 =	vld [tilespmem:s19+$0xFFFFFFA0]  }
0x40a: {  	[tilespmem:s31+$0x10] =	vst v0;
	v0 =	vld [tilespmem:s31+$0x20]  }
0x40b: {  	[tilespmem:s31+$0xFFFFFF10] =	vst v1;
	v1 =	vld [tilespmem:s19+$0x20];
	v3 =	vadd.f32 v3, v4  }
0x40c: {  	v4 =	vld [tilespmem:s19+$0xFFFFFF20]  }
0x40d: {  	[tilespmem:s31+$0xA0] =	vst v3;
	v3 =	vld [tilespmem:s31+$0xB0]  }
0x40e: {  	v2 =	vadd.f32 v5, v2;
	v5 =	vld [tilespmem:s19+$0xB0]  }
0x40f: {  	v7 =	vld [tilespmem:s31+$0xFFFFFF30]  }
0x410: {  	[tilespmem:s31+$0xFFFFFFA0] =	vst v2;
	v2 =	vld [tilespmem:s31+$0xFFFFFFB0];
	v0 =	vadd.f32 v1, v0  }
0x411: {  	v1 =	vadd.f32 v4, v6;
	v4 =	vld [tilespmem:s19+$0xFFFFFFB0]  }
0x412: {  	[tilespmem:s31+$0x20] =	vst v0;
	v0 =	vld [tilespmem:s31+$0x30]  }
0x413: {  	[tilespmem:s31+$0xFFFFFF20] =	vst v1;
	v1 =	vld [tilespmem:s19+$0x30];
	v3 =	vadd.f32 v5, v3  }
0x414: {  	v5 =	vld [tilespmem:s19+$0xFFFFFF30]  }
0x415: {  	[tilespmem:s31+$0xB0] =	vst v3;
	v3 =	vld [tilespmem:s31+$0xC0]  }
0x416: {  	v2 =	vadd.f32 v4, v2;
	v4 =	vld [tilespmem:s19+$0xC0]  }
0x417: {  	v6 =	vld [tilespmem:s31+$0xFFFFFF40]  }
0x418: {  	[tilespmem:s31+$0xFFFFFFB0] =	vst v2;
	v2 =	vld [tilespmem:s31+$0xFFFFFFC0];
	v0 =	vadd.f32 v1, v0  }
0x419: {  	v1 =	vadd.f32 v5, v7;
	v5 =	vld [tilespmem:s19+$0xFFFFFFC0]  }
0x41a: {  	[tilespmem:s31+$0x30] =	vst v0;
	v0 =	vld [tilespmem:s31+$0x40]  }
0x41b: {  	[tilespmem:s31+$0xFFFFFF30] =	vst v1;
	v1 =	vld [tilespmem:s19+$0x40];
	v3 =	vadd.f32 v4, v3  }
0x41c: {  	v4 =	vld [tilespmem:s19+$0xFFFFFF40]  }
0x41d: {  	[tilespmem:s31+$0xC0] =	vst v3;
	v3 =	vld [tilespmem:s31+$0xD0]  }
0x41e: {  	v2 =	vadd.f32 v5, v2;
	v5 =	vld [tilespmem:s19+$0xD0]  }
0x41f: {  	v7 =	vld [tilespmem:s31+$0xFFFFFF50]  }
0x420: {  	[tilespmem:s31+$0xFFFFFFC0] =	vst v2;
	v2 =	vld [tilespmem:s31+$0xFFFFFFD0];
	v0 =	vadd.f32 v1, v0  }
0x421: {  	v1 =	vadd.f32 v4, v6;
	v4 =	vld [tilespmem:s19+$0xFFFFFFD0]  }
0x422: {  	[tilespmem:s31+$0x40] =	vst v0;
	v0 =	vld [tilespmem:s31+$0x50]  }
0x423: {  	[tilespmem:s31+$0xFFFFFF40] =	vst v1;
	v1 =	vld [tilespmem:s19+$0x50];
	v3 =	vadd.f32 v5, v3  }
0x424: {  	v5 =	vld [tilespmem:s19+$0xFFFFFF50]  }
0x425: {  	[tilespmem:s31+$0xD0] =	vst v3;
	v3 =	vld [tilespmem:s31+$0xE0]  }
0x426: {  	v2 =	vadd.f32 v4, v2;
	v4 =	vld [tilespmem:s19+$0xE0]  }
0x427: {  	v6 =	vld [tilespmem:s31+$0xFFFFFF60]  }
0x428: {  	[tilespmem:s31+$0xFFFFFFD0] =	vst v2;
	v2 =	vld [tilespmem:s31+$0xFFFFFFE0];
	v0 =	vadd.f32 v1, v0  }
0x429: {  	v1 =	vadd.f32 v5, v7;
	v5 =	vld [tilespmem:s19+$0xFFFFFFE0]  }
0x42a: {  	[tilespmem:s31+$0x50] =	vst v0;
	v7 =	vld [tilespmem:s31+$0x60]  }
0x42b: {  	[tilespmem:s31+$0xFFFFFF50] =	vst v1;
	v8 =	vld [tilespmem:s19+$0x60];
	v0 =	vadd.f32 v4, v3  }
0x42c: {  	v3 =	vld [tilespmem:s19+$0xFFFFFF60]  }
0x42d: {  	[tilespmem:s31+$0xE0] =	vst v0;
	v9 =	vld [tilespmem:s31+$0xF0]  }
0x42e: {  	v1 =	vadd.f32 v5, v2;
	v5 =	vld [tilespmem:s19+$0xF0]  }
0x42f: {  	v0 =	vld [tilespmem:s31+$0xFFFFFF70]  }
.Ltmp6:
0x430: {  	[tilespmem:s31+$0xFFFFFFE0] =	vst v1;
	v1 =	vld [tilespmem:s31+$0xFFFFFFF0];
	v2 =	vadd.f32 v8, v7;
	(pc) =	sbr.rel @p0 .LBB2_15-.Ltmp6, $4  }
0x431: {  	v4 =	vadd.f32 v3, v6;
	v3 =	vld [tilespmem:s19+$0xFFFFFFF0]  }
0x432: {  	[tilespmem:s31+$0x60] =	vst v2;
	v2 =	vld [tilespmem:s31+$0x70]  }
0x433: {  	[tilespmem:s31+$0xFFFFFF60] =	vst v4;
	v4 =	vld [tilespmem:s19+$0x70];
	v6 =	vadd.f32 v5, v9  }
0x434: {  	s31 =	sadd.s32 $0x200, s31;
	v5 =	vld [tilespmem:s19+$0xFFFFFF70]  }
0x435: {  	_ = 	snop  }
0x436: {  	v1 =	vadd.f32 v3, v1  }
0x437: {  	[tilespmem:s16+$0xF0] =	vst v6  }
0x438: {  	[tilespmem:s16+$0xFFFFFFF0] =	vst v1  }
0x439: {  	v2 =	vadd.f32 v4, v2;
	s6 =	rddreg [dreg:$0x7]  }
0x43a: {  	v0 =	vadd.f32 v5, v0;
	s6 =	sadd.s32 s11, s6  }
0x43b: {  	[tilespmem:s16+$0x70] =	vst v2;
	s6 =	sshll.u32 s6, $0x4  }
0x43c: {  	[tilespmem:s16+$0xFFFFFF70] =	vst v0;
	s6 =	sadd.s32 s4, s6  }
0x43d: {  	[hbm4b:s6+s5] =	stream.linear.scatter [tilespmem:s23], [sflag:$0xB], $0x6400, $0x38;
	[tilespmem:$0x1F800] =	vst v63  }
0x43e: {  	_ =	swait.ge [sflag:s30], $0x6400  }
0x43f: {  	s19 =	rddreg [dreg:$0x10]  }
0x440: {  	s6 =	sadd.s32 s11, s19  }
0x441: {  	[sflag:s30] =	ssyncset.done $0x0;
	s6 =	sshrl.u32 s6, $0x3  }
0x442: {  	[sflag:s30] =	ssyncadd.s32 $0xFFFF9C00;
	s6 =	sadd.s32 s7, s6  }
0x443: {  	[tilespmem:s14], [sflag:$0x8] =	stream.linear.gather [hbm4b:s6+s5], $0xC8, $0x38;
	[tilespmem:$0x1F800] =	vst v63  }
0x444: {  	_ =	swait.ge [sflag:s8], $0x6400  }
0x445: {  	[sflag:s8] =	ssyncset.done $0x0  }
0x446: {  	[sflag:s8] =	ssyncadd.s32 $0xFFFF9C00  }
0x447: {  	_ =	swait.ge [sflag:s18], $0xC8  }
0x448: {  	[sflag:s18] =	ssyncset.done $0x0  }
0x449: {  	s16 =	simm.s32 $0x12D00;
	[sflag:s18] =	ssyncadd.s32 $0xFFFFFF38  }
0x44a: {  	[tilespmem:s20], [sflag:$0x2] =	stream.indirect.gather [hbm4b:s1+s17], $0x80, s12, s17, $0xb8;
	[tilespmem:$0x1F800] =	vst v63  }
0x44b: {  	s19 =	simm.s32 $0x19500;
	v0 =	vld [tilespmem:s16+$0x80]  }
0x44c: {  	v1 =	vld [tilespmem:s19+$0x80]  }
0x44d: {  	v2 =	vld [tilespmem:s16+$0xFFFFFF80]  }
0x44e: {  	v3 =	vld [tilespmem:s19+$0xFFFFFF80]  }
0x44f: {  	v4 =	vld [tilespmem:s16+$0x0]  }
0x450: {  	v5 =	vld [tilespmem:s19+$0x0]  }
0x451: {  	v6 =	vld [tilespmem:s16+$0xFFFFFF00];
	v0 =	vadd.f32 v1, v0  }
0x452: {  	v1 =	vld [tilespmem:s19+$0xFFFFFF00]  }
0x453: {  	[tilespmem:s16+$0x80] =	vst v0;
	v0 =	vld [tilespmem:s16+$0x90]  }
0x454: {  	v2 =	vadd.f32 v3, v2;
	v3 =	vld [tilespmem:s19+$0x90]  }
0x455: {  	v7 =	vld [tilespmem:s16+$0xFFFFFF10]  }
0x456: {  	[tilespmem:s16+$0xFFFFFF80] =	vst v2;
	v2 =	vadd.f32 v5, v4;
	v4 =	vld [tilespmem:s16+$0xFFFFFF90]  }
0x457: {  	v5 =	vld [tilespmem:s19+$0xFFFFFF90];
	v1 =	vadd.f32 v1, v6  }
0x458: {  	[tilespmem:s16+$0x0] =	vst v2;
	v2 =	vld [tilespmem:s16+$0x10]  }
0x459: {  	v6 =	vld [tilespmem:s19+$0x10];
	[tilespmem:s16+$0xFFFFFF00] =	vst v1;
	v0 =	vadd.f32 v3, v0  }
0x45a: {  	v1 =	vld [tilespmem:s19+$0xFFFFFF10]  }
0x45b: {  	[tilespmem:s16+$0x90] =	vst v0;
	v0 =	vld [tilespmem:s16+$0xA0]  }
0x45c: {  	v3 =	vadd.f32 v5, v4;
	v4 =	vld [tilespmem:s19+$0xA0]  }
0x45d: {  	v5 =	vld [tilespmem:s16+$0xFFFFFF20]  }
0x45e: {  	[tilespmem:s16+$0xFFFFFF90] =	vst v3;
	v2 =	vadd.f32 v6, v2;
	v3 =	vld [tilespmem:s16+$0xFFFFFFA0]  }
0x45f: {  	v6 =	vld [tilespmem:s19+$0xFFFFFFA0];
	v1 =	vadd.f32 v1, v7  }
0x460: {  	[tilespmem:s16+$0x10] =	vst v2;
	v2 =	vld [tilespmem:s16+$0x20]  }
0x461: {  	v7 =	vld [tilespmem:s19+$0x20];
	[tilespmem:s16+$0xFFFFFF10] =	vst v1;
	v0 =	vadd.f32 v4, v0  }
0x462: {  	v1 =	vld [tilespmem:s19+$0xFFFFFF20]  }
0x463: {  	[tilespmem:s16+$0xA0] =	vst v0;
	v0 =	vld [tilespmem:s16+$0xB0]  }
0x464: {  	v3 =	vadd.f32 v6, v3;
	v4 =	vld [tilespmem:s19+$0xB0]  }
0x465: {  	v6 =	vld [tilespmem:s16+$0xFFFFFF30]  }
0x466: {  	[tilespmem:s16+$0xFFFFFFA0] =	vst v3;
	v2 =	vadd.f32 v7, v2;
	v3 =	vld [tilespmem:s16+$0xFFFFFFB0]  }
0x467: {  	v7 =	vld [tilespmem:s19+$0xFFFFFFB0];
	v1 =	vadd.f32 v1, v5  }
0x468: {  	[tilespmem:s16+$0x20] =	vst v2;
	v2 =	vld [tilespmem:s16+$0x30]  }
0x469: {  	v5 =	vld [tilespmem:s19+$0x30];
	[tilespmem:s16+$0xFFFFFF20] =	vst v1;
	v0 =	vadd.f32 v4, v0  }
0x46a: {  	v1 =	vld [tilespmem:s19+$0xFFFFFF30]  }
0x46b: {  	[tilespmem:s16+$0xB0] =	vst v0;
	v0 =	vld [tilespmem:s16+$0xC0]  }
0x46c: {  	v3 =	vadd.f32 v7, v3;
	v4 =	vld [tilespmem:s19+$0xC0]  }
0x46d: {  	v7 =	vld [tilespmem:s16+$0xFFFFFF40]  }
0x46e: {  	[tilespmem:s16+$0xFFFFFFB0] =	vst v3;
	v2 =	vadd.f32 v5, v2;
	v3 =	vld [tilespmem:s16+$0xFFFFFFC0]  }
0x46f: {  	v5 =	vld [tilespmem:s19+$0xFFFFFFC0];
	v1 =	vadd.f32 v1, v6  }
0x470: {  	[tilespmem:s16+$0x30] =	vst v2;
	v2 =	vld [tilespmem:s16+$0x40]  }
0x471: {  	v6 =	vld [tilespmem:s19+$0x40];
	[tilespmem:s16+$0xFFFFFF30] =	vst v1;
	v0 =	vadd.f32 v4, v0  }
0x472: {  	v1 =	vld [tilespmem:s19+$0xFFFFFF40]  }
0x473: {  	[tilespmem:s16+$0xC0] =	vst v0;
	v0 =	vld [tilespmem:s16+$0xD0]  }
0x474: {  	v3 =	vadd.f32 v5, v3;
	v4 =	vld [tilespmem:s19+$0xD0]  }
0x475: {  	v5 =	vld [tilespmem:s16+$0xFFFFFF50]  }
0x476: {  	[tilespmem:s16+$0xFFFFFFC0] =	vst v3;
	v2 =	vadd.f32 v6, v2;
	v3 =	vld [tilespmem:s16+$0xFFFFFFD0]  }
0x477: {  	v6 =	vld [tilespmem:s19+$0xFFFFFFD0];
	v1 =	vadd.f32 v1, v7  }
0x478: {  	[tilespmem:s16+$0x40] =	vst v2;
	v2 =	vld [tilespmem:s16+$0x50]  }
0x479: {  	v7 =	vld [tilespmem:s19+$0x50];
	[tilespmem:s16+$0xFFFFFF40] =	vst v1;
	v0 =	vadd.f32 v4, v0  }
0x47a: {  	v1 =	vld [tilespmem:s19+$0xFFFFFF50]  }
0x47b: {  	[tilespmem:s16+$0xD0] =	vst v0;
	v0 =	vld [tilespmem:s16+$0xE0]  }
0x47c: {  	v3 =	vadd.f32 v6, v3;
	v4 =	vld [tilespmem:s19+$0xE0]  }
0x47d: {  	v6 =	vld [tilespmem:s16+$0xFFFFFF60]  }
0x47e: {  	[tilespmem:s16+$0xFFFFFFD0] =	vst v3;
	v2 =	vadd.f32 v7, v2;
	v3 =	vld [tilespmem:s16+$0xFFFFFFE0]  }
0x47f: {  	v7 =	vld [tilespmem:s19+$0xFFFFFFE0];
	v1 =	vadd.f32 v1, v5  }
0x480: {  	[tilespmem:s16+$0x50] =	vst v2;
	v2 =	vld [tilespmem:s16+$0x60]  }
0x481: {  	v5 =	vld [tilespmem:s19+$0x60];
	[tilespmem:s16+$0xFFFFFF50] =	vst v1;
	v0 =	vadd.f32 v4, v0  }
0x482: {  	v4 =	vld [tilespmem:s19+$0xFFFFFF60]  }
0x483: {  	v8 =	vld [tilespmem:s16+$0xF0];
	[tilespmem:s16+$0xE0] =	vst v0  }
0x484: {  	v1 =	vadd.f32 v7, v3;
	v7 =	vld [tilespmem:s19+$0xF0]  }
0x485: {  	v0 =	vld [tilespmem:s16+$0xFFFFFF70]  }
0x486: {  	[tilespmem:s16+$0xFFFFFFE0] =	vst v1;
	v2 =	vadd.f32 v5, v2;
	v1 =	vld [tilespmem:s16+$0xFFFFFFF0]  }
0x487: {  	v3 =	vld [tilespmem:s19+$0xFFFFFFF0];
	v4 =	vadd.f32 v4, v6  }
0x488: {  	[tilespmem:s16+$0x60] =	vst v2;
	v2 =	vld [tilespmem:s16+$0x70]  }
0x489: {  	[tilespmem:s16+$0xFFFFFF60] =	vst v4;
	v4 =	vld [tilespmem:s19+$0x70];
	v6 =	vadd.f32 v7, v8  }
0x48a: {  	s31 =	simm.s32 $0x12F00;
	s6 =	simm.s32 $0x0;
	v5 =	vld [tilespmem:s19+$0xFFFFFF70]  }
.LBB2_17:
0x48b: {  	v7 =	vld [tilespmem:s31+$0x80];
	[tilespmem:s16+$0xF0] =	vst v6;
	s19 =	sadd.s32 $0x200, s19  }
0x48c: {  	s6 =	sadd.s32 $0x4, s6;
	v6 =	vld [tilespmem:s19+$0x80];
	v1 =	vadd.f32 v3, v1  }
0x48d: {  	p0 =	slt.u32 s6, $0xC4;
	v3 =	vld [tilespmem:s19+$0xFFFFFF00]  }
0x48e: {  	v8 =	vld [tilespmem:s31+$0xFFFFFF80];
	[tilespmem:s16+$0xFFFFFFF0] =	vst v1;
	v1 =	vadd.f32 v4, v2  }
0x48f: {  	v2 =	vld [tilespmem:s19+$0xFFFFFF80];
	v0 =	vadd.f32 v5, v0  }
0x490: {  	v4 =	vld [tilespmem:s31+$0x0];
	[tilespmem:s16+$0x70] =	vst v1  }
0x491: {  	v1 =	vld [tilespmem:s19+$0x0];
	v5 =	vadd.f32 v6, v7;
	[tilespmem:s16+$0xFFFFFF70] =	vst v0;
	s16 =	smov.u32 s31  }
0x492: {  	v0 =	vld [tilespmem:s31+$0xFFFFFF00]  }
0x493: {  	[tilespmem:s31+$0x80] =	vst v5;
	v5 =	vld [tilespmem:s31+$0x90]  }
0x494: {  	v2 =	vadd.f32 v2, v8;
	v6 =	vld [tilespmem:s19+$0x90]  }
0x495: {  	v7 =	vld [tilespmem:s31+$0xFFFFFF10]  }
0x496: {  	[tilespmem:s31+$0xFFFFFF80] =	vst v2;
	v2 =	vld [tilespmem:s31+$0xFFFFFF90];
	v1 =	vadd.f32 v1, v4  }
0x497: {  	v0 =	vadd.f32 v3, v0;
	v3 =	vld [tilespmem:s19+$0xFFFFFF90]  }
0x498: {  	[tilespmem:s31+$0x0] =	vst v1;
	v1 =	vld [tilespmem:s31+$0x10]  }
0x499: {  	[tilespmem:s31+$0xFFFFFF00] =	vst v0;
	v0 =	vld [tilespmem:s19+$0x10];
	v4 =	vadd.f32 v6, v5  }
0x49a: {  	v5 =	vld [tilespmem:s19+$0xFFFFFF10]  }
0x49b: {  	[tilespmem:s31+$0x90] =	vst v4;
	v4 =	vld [tilespmem:s31+$0xA0]  }
0x49c: {  	v2 =	vadd.f32 v3, v2;
	v3 =	vld [tilespmem:s19+$0xA0]  }
0x49d: {  	v6 =	vld [tilespmem:s31+$0xFFFFFF20]  }
0x49e: {  	[tilespmem:s31+$0xFFFFFF90] =	vst v2;
	v2 =	vld [tilespmem:s31+$0xFFFFFFA0];
	v0 =	vadd.f32 v0, v1  }
0x49f: {  	v1 =	vadd.f32 v5, v7;
	v5 =	vld [tilespmem:s19+$0xFFFFFFA0]  }
0x4a0: {  	[tilespmem:s31+$0x10] =	vst v0;
	v0 =	vld [tilespmem:s31+$0x20]  }
0x4a1: {  	[tilespmem:s31+$0xFFFFFF10] =	vst v1;
	v1 =	vld [tilespmem:s19+$0x20];
	v3 =	vadd.f32 v3, v4  }
0x4a2: {  	v4 =	vld [tilespmem:s19+$0xFFFFFF20]  }
0x4a3: {  	[tilespmem:s31+$0xA0] =	vst v3;
	v3 =	vld [tilespmem:s31+$0xB0]  }
0x4a4: {  	v2 =	vadd.f32 v5, v2;
	v5 =	vld [tilespmem:s19+$0xB0]  }
0x4a5: {  	v7 =	vld [tilespmem:s31+$0xFFFFFF30]  }
0x4a6: {  	[tilespmem:s31+$0xFFFFFFA0] =	vst v2;
	v2 =	vld [tilespmem:s31+$0xFFFFFFB0];
	v0 =	vadd.f32 v1, v0  }
0x4a7: {  	v1 =	vadd.f32 v4, v6;
	v4 =	vld [tilespmem:s19+$0xFFFFFFB0]  }
0x4a8: {  	[tilespmem:s31+$0x20] =	vst v0;
	v0 =	vld [tilespmem:s31+$0x30]  }
0x4a9: {  	[tilespmem:s31+$0xFFFFFF20] =	vst v1;
	v1 =	vld [tilespmem:s19+$0x30];
	v3 =	vadd.f32 v5, v3  }
0x4aa: {  	v5 =	vld [tilespmem:s19+$0xFFFFFF30]  }
0x4ab: {  	[tilespmem:s31+$0xB0] =	vst v3;
	v3 =	vld [tilespmem:s31+$0xC0]  }
0x4ac: {  	v2 =	vadd.f32 v4, v2;
	v4 =	vld [tilespmem:s19+$0xC0]  }
0x4ad: {  	v6 =	vld [tilespmem:s31+$0xFFFFFF40]  }
0x4ae: {  	[tilespmem:s31+$0xFFFFFFB0] =	vst v2;
	v2 =	vld [tilespmem:s31+$0xFFFFFFC0];
	v0 =	vadd.f32 v1, v0  }
0x4af: {  	v1 =	vadd.f32 v5, v7;
	v5 =	vld [tilespmem:s19+$0xFFFFFFC0]  }
0x4b0: {  	[tilespmem:s31+$0x30] =	vst v0;
	v0 =	vld [tilespmem:s31+$0x40]  }
0x4b1: {  	[tilespmem:s31+$0xFFFFFF30] =	vst v1;
	v1 =	vld [tilespmem:s19+$0x40];
	v3 =	vadd.f32 v4, v3  }
0x4b2: {  	v4 =	vld [tilespmem:s19+$0xFFFFFF40]  }
0x4b3: {  	[tilespmem:s31+$0xC0] =	vst v3;
	v3 =	vld [tilespmem:s31+$0xD0]  }
0x4b4: {  	v2 =	vadd.f32 v5, v2;
	v5 =	vld [tilespmem:s19+$0xD0]  }
0x4b5: {  	v7 =	vld [tilespmem:s31+$0xFFFFFF50]  }
0x4b6: {  	[tilespmem:s31+$0xFFFFFFC0] =	vst v2;
	v2 =	vld [tilespmem:s31+$0xFFFFFFD0];
	v0 =	vadd.f32 v1, v0  }
0x4b7: {  	v1 =	vadd.f32 v4, v6;
	v4 =	vld [tilespmem:s19+$0xFFFFFFD0]  }
0x4b8: {  	[tilespmem:s31+$0x40] =	vst v0;
	v0 =	vld [tilespmem:s31+$0x50]  }
0x4b9: {  	[tilespmem:s31+$0xFFFFFF40] =	vst v1;
	v1 =	vld [tilespmem:s19+$0x50];
	v3 =	vadd.f32 v5, v3  }
0x4ba: {  	v5 =	vld [tilespmem:s19+$0xFFFFFF50]  }
0x4bb: {  	[tilespmem:s31+$0xD0] =	vst v3;
	v3 =	vld [tilespmem:s31+$0xE0]  }
0x4bc: {  	v2 =	vadd.f32 v4, v2;
	v4 =	vld [tilespmem:s19+$0xE0]  }
0x4bd: {  	v6 =	vld [tilespmem:s31+$0xFFFFFF60]  }
0x4be: {  	[tilespmem:s31+$0xFFFFFFD0] =	vst v2;
	v2 =	vld [tilespmem:s31+$0xFFFFFFE0];
	v0 =	vadd.f32 v1, v0  }
0x4bf: {  	v1 =	vadd.f32 v5, v7;
	v5 =	vld [tilespmem:s19+$0xFFFFFFE0]  }
0x4c0: {  	[tilespmem:s31+$0x50] =	vst v0;
	v7 =	vld [tilespmem:s31+$0x60]  }
0x4c1: {  	[tilespmem:s31+$0xFFFFFF50] =	vst v1;
	v8 =	vld [tilespmem:s19+$0x60];
	v0 =	vadd.f32 v4, v3  }
0x4c2: {  	v3 =	vld [tilespmem:s19+$0xFFFFFF60]  }
0x4c3: {  	[tilespmem:s31+$0xE0] =	vst v0;
	v9 =	vld [tilespmem:s31+$0xF0]  }
0x4c4: {  	v1 =	vadd.f32 v5, v2;
	v5 =	vld [tilespmem:s19+$0xF0]  }
0x4c5: {  	v0 =	vld [tilespmem:s31+$0xFFFFFF70]  }
.Ltmp7:
0x4c6: {  	[tilespmem:s31+$0xFFFFFFE0] =	vst v1;
	v1 =	vld [tilespmem:s31+$0xFFFFFFF0];
	v2 =	vadd.f32 v8, v7;
	(pc) =	sbr.rel @p0 .LBB2_17-.Ltmp7, $4  }
0x4c7: {  	v4 =	vadd.f32 v3, v6;
	v3 =	vld [tilespmem:s19+$0xFFFFFFF0]  }
0x4c8: {  	[tilespmem:s31+$0x60] =	vst v2;
	v2 =	vld [tilespmem:s31+$0x70]  }
0x4c9: {  	[tilespmem:s31+$0xFFFFFF60] =	vst v4;
	v4 =	vld [tilespmem:s19+$0x70];
	v6 =	vadd.f32 v5, v9  }
0x4ca: {  	s31 =	sadd.s32 $0x200, s31;
	v5 =	vld [tilespmem:s19+$0xFFFFFF70]  }
0x4cb: {  	_ = 	snop  }
0x4cc: {  	v1 =	vadd.f32 v3, v1  }
0x4cd: {  	[tilespmem:s16+$0xF0] =	vst v6;
	s10 =	sadd.s32 $0x1, s10  }
0x4ce: {  	p0 =	sne.s32 s10, $0x1F;
	[tilespmem:s16+$0xFFFFFFF0] =	vst v1  }
.Ltmp8:
0x4cf: {  	v2 =	vadd.f32 v4, v2;
	s6 =	rddreg [dreg:$0x8];
	(pc) =	sbr.rel @p0 .LBB2_10-.Ltmp8, $4  }
0x4d0: {  	v0 =	vadd.f32 v5, v0;
	s6 =	sadd.s32 s11, s6  }
0x4d1: {  	[tilespmem:s16+$0x70] =	vst v2;
	s6 =	sshll.u32 s6, $0x4  }
0x4d2: {  	[tilespmem:s16+$0xFFFFFF70] =	vst v0;
	s6 =	sadd.s32 s4, s6  }
0x4d3: {  	[hbm4b:s6+s5] =	stream.linear.scatter [tilespmem:s26], [sflag:$0xC], $0x6400, $0x38;
	[tilespmem:$0x1F800] =	vst v63  }
0x4d4: {  	_ =	swait.ge [sflag:s21], $0x6400  }
0x4d5: {  	[sflag:s21] =	ssyncset.done $0x0  }
0x4d6: {  	[sflag:s21] =	ssyncadd.s32 $0xFFFF9C00  }
0x4d7: {  	_ =	swait.ge [sflag:s3], $0x6400  }
0x4d8: {  	[sflag:s3] =	ssyncset.done $0x0  }
0x4d9: {  	[sflag:s3] =	ssyncadd.s32 $0xFFFF9C00  }
0x4da: {  	_ =	swait.ge [sflag:s22], $0xC8  }
0x4db: {  	[sflag:s22] =	ssyncset.done $0x0  }
0x4dc: {  	s10 =	simm.s32 $0x100;
	[sflag:s22] =	ssyncadd.s32 $0xFFFFFF38  }
0x4dd: {  	[tilespmem:s23], [sflag:$0x3] =	stream.indirect.gather [hbm4b:s1+s17], $0x80, s13, s17, $0xb8;
	[tilespmem:$0x1F800] =	vst v63  }
0x4de: {  	s11 =	simm.s32 $0x19500;
	v0 =	vld [tilespmem:s10+$0x80]  }
0x4df: {  	v1 =	vld [tilespmem:s11+$0x80]  }
0x4e0: {  	v2 =	vld [tilespmem:s10+$0xFFFFFF80]  }
0x4e1: {  	v3 =	vld [tilespmem:s11+$0xFFFFFF80]  }
0x4e2: {  	v4 =	vld [tilespmem:s10+$0x0]  }
0x4e3: {  	v5 =	vld [tilespmem:s11+$0x0]  }
0x4e4: {  	v6 =	vld [tilespmem:s10+$0xFFFFFF00];
	v0 =	vadd.f32 v1, v0  }
0x4e5: {  	v1 =	vld [tilespmem:s11+$0xFFFFFF00]  }
0x4e6: {  	[tilespmem:s10+$0x80] =	vst v0;
	v0 =	vld [tilespmem:s10+$0x90]  }
0x4e7: {  	v2 =	vadd.f32 v3, v2;
	v3 =	vld [tilespmem:s11+$0x90]  }
0x4e8: {  	v7 =	vld [tilespmem:s10+$0xFFFFFF10]  }
0x4e9: {  	[tilespmem:s10+$0xFFFFFF80] =	vst v2;
	v2 =	vadd.f32 v5, v4;
	v4 =	vld [tilespmem:s10+$0xFFFFFF90]  }
0x4ea: {  	v5 =	vld [tilespmem:s11+$0xFFFFFF90];
	v1 =	vadd.f32 v1, v6  }
0x4eb: {  	[tilespmem:s10+$0x0] =	vst v2;
	v2 =	vld [tilespmem:s10+$0x10]  }
0x4ec: {  	v6 =	vld [tilespmem:s11+$0x10];
	[tilespmem:s10+$0xFFFFFF00] =	vst v1;
	v0 =	vadd.f32 v3, v0  }
0x4ed: {  	v1 =	vld [tilespmem:s11+$0xFFFFFF10]  }
0x4ee: {  	[tilespmem:s10+$0x90] =	vst v0;
	v0 =	vld [tilespmem:s10+$0xA0]  }
0x4ef: {  	v3 =	vadd.f32 v5, v4;
	v4 =	vld [tilespmem:s11+$0xA0]  }
0x4f0: {  	v5 =	vld [tilespmem:s10+$0xFFFFFF20]  }
0x4f1: {  	[tilespmem:s10+$0xFFFFFF90] =	vst v3;
	v2 =	vadd.f32 v6, v2;
	v3 =	vld [tilespmem:s10+$0xFFFFFFA0]  }
0x4f2: {  	v6 =	vld [tilespmem:s11+$0xFFFFFFA0];
	v1 =	vadd.f32 v1, v7  }
0x4f3: {  	[tilespmem:s10+$0x10] =	vst v2;
	v2 =	vld [tilespmem:s10+$0x20]  }
0x4f4: {  	v7 =	vld [tilespmem:s11+$0x20];
	[tilespmem:s10+$0xFFFFFF10] =	vst v1;
	v0 =	vadd.f32 v4, v0  }
0x4f5: {  	v1 =	vld [tilespmem:s11+$0xFFFFFF20]  }
0x4f6: {  	[tilespmem:s10+$0xA0] =	vst v0;
	v0 =	vld [tilespmem:s10+$0xB0]  }
0x4f7: {  	v3 =	vadd.f32 v6, v3;
	v4 =	vld [tilespmem:s11+$0xB0]  }
0x4f8: {  	v6 =	vld [tilespmem:s10+$0xFFFFFF30]  }
0x4f9: {  	[tilespmem:s10+$0xFFFFFFA0] =	vst v3;
	v2 =	vadd.f32 v7, v2;
	v3 =	vld [tilespmem:s10+$0xFFFFFFB0]  }
0x4fa: {  	v7 =	vld [tilespmem:s11+$0xFFFFFFB0];
	v1 =	vadd.f32 v1, v5  }
0x4fb: {  	[tilespmem:s10+$0x20] =	vst v2;
	v2 =	vld [tilespmem:s10+$0x30]  }
0x4fc: {  	v5 =	vld [tilespmem:s11+$0x30];
	[tilespmem:s10+$0xFFFFFF20] =	vst v1;
	v0 =	vadd.f32 v4, v0  }
0x4fd: {  	v1 =	vld [tilespmem:s11+$0xFFFFFF30]  }
0x4fe: {  	[tilespmem:s10+$0xB0] =	vst v0;
	v0 =	vld [tilespmem:s10+$0xC0]  }
0x4ff: {  	v3 =	vadd.f32 v7, v3;
	v4 =	vld [tilespmem:s11+$0xC0]  }
0x500: {  	v7 =	vld [tilespmem:s10+$0xFFFFFF40]  }
0x501: {  	[tilespmem:s10+$0xFFFFFFB0] =	vst v3;
	v2 =	vadd.f32 v5, v2;
	v3 =	vld [tilespmem:s10+$0xFFFFFFC0]  }
0x502: {  	v5 =	vld [tilespmem:s11+$0xFFFFFFC0];
	v1 =	vadd.f32 v1, v6  }
0x503: {  	[tilespmem:s10+$0x30] =	vst v2;
	v2 =	vld [tilespmem:s10+$0x40]  }
0x504: {  	v6 =	vld [tilespmem:s11+$0x40];
	[tilespmem:s10+$0xFFFFFF30] =	vst v1;
	v0 =	vadd.f32 v4, v0  }
0x505: {  	v1 =	vld [tilespmem:s11+$0xFFFFFF40]  }
0x506: {  	[tilespmem:s10+$0xC0] =	vst v0;
	v0 =	vld [tilespmem:s10+$0xD0]  }
0x507: {  	v3 =	vadd.f32 v5, v3;
	v4 =	vld [tilespmem:s11+$0xD0]  }
0x508: {  	v5 =	vld [tilespmem:s10+$0xFFFFFF50]  }
0x509: {  	[tilespmem:s10+$0xFFFFFFC0] =	vst v3;
	v2 =	vadd.f32 v6, v2;
	v3 =	vld [tilespmem:s10+$0xFFFFFFD0]  }
0x50a: {  	v6 =	vld [tilespmem:s11+$0xFFFFFFD0];
	v1 =	vadd.f32 v1, v7  }
0x50b: {  	[tilespmem:s10+$0x40] =	vst v2;
	v2 =	vld [tilespmem:s10+$0x50]  }
0x50c: {  	v7 =	vld [tilespmem:s11+$0x50];
	[tilespmem:s10+$0xFFFFFF40] =	vst v1;
	v0 =	vadd.f32 v4, v0  }
0x50d: {  	v1 =	vld [tilespmem:s11+$0xFFFFFF50]  }
0x50e: {  	[tilespmem:s10+$0xD0] =	vst v0;
	v0 =	vld [tilespmem:s10+$0xE0]  }
0x50f: {  	v3 =	vadd.f32 v6, v3;
	v4 =	vld [tilespmem:s11+$0xE0]  }
0x510: {  	v6 =	vld [tilespmem:s10+$0xFFFFFF60]  }
0x511: {  	[tilespmem:s10+$0xFFFFFFD0] =	vst v3;
	v2 =	vadd.f32 v7, v2;
	v3 =	vld [tilespmem:s10+$0xFFFFFFE0]  }
0x512: {  	v7 =	vld [tilespmem:s11+$0xFFFFFFE0];
	v1 =	vadd.f32 v1, v5  }
0x513: {  	[tilespmem:s10+$0x50] =	vst v2;
	v2 =	vld [tilespmem:s10+$0x60]  }
0x514: {  	v5 =	vld [tilespmem:s11+$0x60];
	[tilespmem:s10+$0xFFFFFF50] =	vst v1;
	v0 =	vadd.f32 v4, v0  }
0x515: {  	v4 =	vld [tilespmem:s11+$0xFFFFFF60]  }
0x516: {  	v8 =	vld [tilespmem:s10+$0xF0];
	[tilespmem:s10+$0xE0] =	vst v0  }
0x517: {  	v1 =	vadd.f32 v7, v3;
	v7 =	vld [tilespmem:s11+$0xF0]  }
0x518: {  	v0 =	vld [tilespmem:s10+$0xFFFFFF70]  }
0x519: {  	[tilespmem:s10+$0xFFFFFFE0] =	vst v1;
	v2 =	vadd.f32 v5, v2;
	v1 =	vld [tilespmem:s10+$0xFFFFFFF0]  }
0x51a: {  	v3 =	vld [tilespmem:s11+$0xFFFFFFF0];
	v4 =	vadd.f32 v4, v6  }
0x51b: {  	[tilespmem:s10+$0x60] =	vst v2;
	v2 =	vld [tilespmem:s10+$0x70]  }
0x51c: {  	[tilespmem:s10+$0xFFFFFF60] =	vst v4;
	v4 =	vld [tilespmem:s11+$0x70];
	v6 =	vadd.f32 v7, v8  }
0x51d: {  	s6 =	simm.s32 $0x0;
	s16 =	simm.s32 $0x300;
	v5 =	vld [tilespmem:s11+$0xFFFFFF70]  }
.LBB2_20:
0x51e: {  	v7 =	vld [tilespmem:s16+$0x80];
	[tilespmem:s10+$0xF0] =	vst v6;
	s11 =	sadd.s32 $0x200, s11  }
0x51f: {  	s6 =	sadd.s32 $0x4, s6;
	v6 =	vld [tilespmem:s11+$0x80];
	v1 =	vadd.f32 v3, v1  }
0x520: {  	p0 =	slt.u32 s6, $0xC4;
	v3 =	vld [tilespmem:s11+$0xFFFFFF00]  }
0x521: {  	v8 =	vld [tilespmem:s16+$0xFFFFFF80];
	[tilespmem:s10+$0xFFFFFFF0] =	vst v1;
	v1 =	vadd.f32 v4, v2  }
0x522: {  	v2 =	vld [tilespmem:s11+$0xFFFFFF80];
	v0 =	vadd.f32 v5, v0  }
0x523: {  	v4 =	vld [tilespmem:s16+$0x0];
	[tilespmem:s10+$0x70] =	vst v1  }
0x524: {  	v1 =	vld [tilespmem:s11+$0x0];
	v5 =	vadd.f32 v6, v7;
	[tilespmem:s10+$0xFFFFFF70] =	vst v0;
	s10 =	smov.u32 s16  }
0x525: {  	v0 =	vld [tilespmem:s16+$0xFFFFFF00]  }
0x526: {  	[tilespmem:s16+$0x80] =	vst v5;
	v5 =	vld [tilespmem:s16+$0x90]  }
0x527: {  	v2 =	vadd.f32 v2, v8;
	v6 =	vld [tilespmem:s11+$0x90]  }
0x528: {  	v7 =	vld [tilespmem:s16+$0xFFFFFF10]  }
0x529: {  	[tilespmem:s16+$0xFFFFFF80] =	vst v2;
	v2 =	vld [tilespmem:s16+$0xFFFFFF90];
	v1 =	vadd.f32 v1, v4  }
0x52a: {  	v0 =	vadd.f32 v3, v0;
	v3 =	vld [tilespmem:s11+$0xFFFFFF90]  }
0x52b: {  	[tilespmem:s16+$0x0] =	vst v1;
	v1 =	vld [tilespmem:s16+$0x10]  }
0x52c: {  	[tilespmem:s16+$0xFFFFFF00] =	vst v0;
	v0 =	vld [tilespmem:s11+$0x10];
	v4 =	vadd.f32 v6, v5  }
0x52d: {  	v5 =	vld [tilespmem:s11+$0xFFFFFF10]  }
0x52e: {  	[tilespmem:s16+$0x90] =	vst v4;
	v4 =	vld [tilespmem:s16+$0xA0]  }
0x52f: {  	v2 =	vadd.f32 v3, v2;
	v3 =	vld [tilespmem:s11+$0xA0]  }
0x530: {  	v6 =	vld [tilespmem:s16+$0xFFFFFF20]  }
0x531: {  	[tilespmem:s16+$0xFFFFFF90] =	vst v2;
	v2 =	vld [tilespmem:s16+$0xFFFFFFA0];
	v0 =	vadd.f32 v0, v1  }
0x532: {  	v1 =	vadd.f32 v5, v7;
	v5 =	vld [tilespmem:s11+$0xFFFFFFA0]  }
0x533: {  	[tilespmem:s16+$0x10] =	vst v0;
	v0 =	vld [tilespmem:s16+$0x20]  }
0x534: {  	[tilespmem:s16+$0xFFFFFF10] =	vst v1;
	v1 =	vld [tilespmem:s11+$0x20];
	v3 =	vadd.f32 v3, v4  }
0x535: {  	v4 =	vld [tilespmem:s11+$0xFFFFFF20]  }
0x536: {  	[tilespmem:s16+$0xA0] =	vst v3;
	v3 =	vld [tilespmem:s16+$0xB0]  }
0x537: {  	v2 =	vadd.f32 v5, v2;
	v5 =	vld [tilespmem:s11+$0xB0]  }
0x538: {  	v7 =	vld [tilespmem:s16+$0xFFFFFF30]  }
0x539: {  	[tilespmem:s16+$0xFFFFFFA0] =	vst v2;
	v2 =	vld [tilespmem:s16+$0xFFFFFFB0];
	v0 =	vadd.f32 v1, v0  }
0x53a: {  	v1 =	vadd.f32 v4, v6;
	v4 =	vld [tilespmem:s11+$0xFFFFFFB0]  }
0x53b: {  	[tilespmem:s16+$0x20] =	vst v0;
	v0 =	vld [tilespmem:s16+$0x30]  }
0x53c: {  	[tilespmem:s16+$0xFFFFFF20] =	vst v1;
	v1 =	vld [tilespmem:s11+$0x30];
	v3 =	vadd.f32 v5, v3  }
0x53d: {  	v5 =	vld [tilespmem:s11+$0xFFFFFF30]  }
0x53e: {  	[tilespmem:s16+$0xB0] =	vst v3;
	v3 =	vld [tilespmem:s16+$0xC0]  }
0x53f: {  	v2 =	vadd.f32 v4, v2;
	v4 =	vld [tilespmem:s11+$0xC0]  }
0x540: {  	v6 =	vld [tilespmem:s16+$0xFFFFFF40]  }
0x541: {  	[tilespmem:s16+$0xFFFFFFB0] =	vst v2;
	v2 =	vld [tilespmem:s16+$0xFFFFFFC0];
	v0 =	vadd.f32 v1, v0  }
0x542: {  	v1 =	vadd.f32 v5, v7;
	v5 =	vld [tilespmem:s11+$0xFFFFFFC0]  }
0x543: {  	[tilespmem:s16+$0x30] =	vst v0;
	v0 =	vld [tilespmem:s16+$0x40]  }
0x544: {  	[tilespmem:s16+$0xFFFFFF30] =	vst v1;
	v1 =	vld [tilespmem:s11+$0x40];
	v3 =	vadd.f32 v4, v3  }
0x545: {  	v4 =	vld [tilespmem:s11+$0xFFFFFF40]  }
0x546: {  	[tilespmem:s16+$0xC0] =	vst v3;
	v3 =	vld [tilespmem:s16+$0xD0]  }
0x547: {  	v2 =	vadd.f32 v5, v2;
	v5 =	vld [tilespmem:s11+$0xD0]  }
0x548: {  	v7 =	vld [tilespmem:s16+$0xFFFFFF50]  }
0x549: {  	[tilespmem:s16+$0xFFFFFFC0] =	vst v2;
	v2 =	vld [tilespmem:s16+$0xFFFFFFD0];
	v0 =	vadd.f32 v1, v0  }
0x54a: {  	v1 =	vadd.f32 v4, v6;
	v4 =	vld [tilespmem:s11+$0xFFFFFFD0]  }
0x54b: {  	[tilespmem:s16+$0x40] =	vst v0;
	v0 =	vld [tilespmem:s16+$0x50]  }
0x54c: {  	[tilespmem:s16+$0xFFFFFF40] =	vst v1;
	v1 =	vld [tilespmem:s11+$0x50];
	v3 =	vadd.f32 v5, v3  }
0x54d: {  	v5 =	vld [tilespmem:s11+$0xFFFFFF50]  }
0x54e: {  	[tilespmem:s16+$0xD0] =	vst v3;
	v3 =	vld [tilespmem:s16+$0xE0]  }
0x54f: {  	v2 =	vadd.f32 v4, v2;
	v4 =	vld [tilespmem:s11+$0xE0]  }
0x550: {  	v6 =	vld [tilespmem:s16+$0xFFFFFF60]  }
0x551: {  	[tilespmem:s16+$0xFFFFFFD0] =	vst v2;
	v2 =	vld [tilespmem:s16+$0xFFFFFFE0];
	v0 =	vadd.f32 v1, v0  }
0x552: {  	v1 =	vadd.f32 v5, v7;
	v5 =	vld [tilespmem:s11+$0xFFFFFFE0]  }
0x553: {  	[tilespmem:s16+$0x50] =	vst v0;
	v7 =	vld [tilespmem:s16+$0x60]  }
0x554: {  	[tilespmem:s16+$0xFFFFFF50] =	vst v1;
	v8 =	vld [tilespmem:s11+$0x60];
	v0 =	vadd.f32 v4, v3  }
0x555: {  	v3 =	vld [tilespmem:s11+$0xFFFFFF60]  }
0x556: {  	[tilespmem:s16+$0xE0] =	vst v0;
	v9 =	vld [tilespmem:s16+$0xF0]  }
0x557: {  	v1 =	vadd.f32 v5, v2;
	v5 =	vld [tilespmem:s11+$0xF0]  }
0x558: {  	v0 =	vld [tilespmem:s16+$0xFFFFFF70]  }
.Ltmp9:
0x559: {  	[tilespmem:s16+$0xFFFFFFE0] =	vst v1;
	v1 =	vld [tilespmem:s16+$0xFFFFFFF0];
	v2 =	vadd.f32 v8, v7;
	(pc) =	sbr.rel @p0 .LBB2_20-.Ltmp9, $4  }
0x55a: {  	v4 =	vadd.f32 v3, v6;
	v3 =	vld [tilespmem:s11+$0xFFFFFFF0]  }
0x55b: {  	[tilespmem:s16+$0x60] =	vst v2;
	v2 =	vld [tilespmem:s16+$0x70]  }
0x55c: {  	[tilespmem:s16+$0xFFFFFF60] =	vst v4;
	v4 =	vld [tilespmem:s11+$0x70];
	v6 =	vadd.f32 v5, v9  }
0x55d: {  	s16 =	sadd.s32 $0x200, s16;
	v5 =	vld [tilespmem:s11+$0xFFFFFF70]  }
0x55e: {  	_ =	sdelay $0x1  }
0x55f: {  	v1 =	vadd.f32 v3, v1  }
0x560: {  	[tilespmem:s10+$0xF0] =	vst v6;
	v2 =	vadd.f32 v4, v2  }
0x561: {  	[tilespmem:s10+$0xFFFFFFF0] =	vst v1;
	v0 =	vadd.f32 v5, v0  }
0x562: {  	[tilespmem:s10+$0x70] =	vst v2  }
0x563: {  	[tilespmem:s10+$0xFFFFFF70] =	vst v0  }
0x564: {  	s6 =	rddreg [dreg:$0x14]  }
0x565: {  	[hbm4b:s6+s5] =	stream.linear.scatter [tilespmem:s5], [sflag:$0x9], $0x6400, $0x38;
	[tilespmem:$0x1F800] =	vst v63  }
0x566: {  	_ =	swait.ge [sflag:s24], $0x6400  }
0x567: {  	[sflag:s24] =	ssyncset.done $0x0  }
0x568: {  	[sflag:s24] =	ssyncadd.s32 $0xFFFF9C00  }
0x569: {  	_ =	swait.ge [sflag:s9], $0x6400  }
0x56a: {  	[sflag:s9] =	ssyncset.done $0x0  }
0x56b: {  	[sflag:s9] =	ssyncadd.s32 $0xFFFF9C00  }
0x56c: {  	_ =	swait.ge [sflag:s25], $0xC8  }
0x56d: {  	[sflag:s25] =	ssyncset.done $0x0  }
0x56e: {  	s10 =	simm.s32 $0x6500;
	[sflag:s25] =	ssyncadd.s32 $0xFFFFFF38  }
0x56f: {  	[tilespmem:s26], [sflag:$0x4] =	stream.indirect.gather [hbm4b:s1+s17], $0x80, s14, s17, $0xb8;
	[tilespmem:$0x1F800] =	vst v63  }
0x570: {  	s11 =	simm.s32 $0x19500;
	v0 =	vld [tilespmem:s10+$0x80]  }
0x571: {  	v1 =	vld [tilespmem:s11+$0x80]  }
0x572: {  	v2 =	vld [tilespmem:s10+$0xFFFFFF80]  }
0x573: {  	v3 =	vld [tilespmem:s11+$0xFFFFFF80]  }
0x574: {  	v4 =	vld [tilespmem:s10+$0x0]  }
0x575: {  	v5 =	vld [tilespmem:s11+$0x0]  }
0x576: {  	v6 =	vld [tilespmem:s10+$0xFFFFFF00];
	v0 =	vadd.f32 v1, v0  }
0x577: {  	v1 =	vld [tilespmem:s11+$0xFFFFFF00]  }
0x578: {  	[tilespmem:s10+$0x80] =	vst v0;
	v0 =	vld [tilespmem:s10+$0x90]  }
0x579: {  	v2 =	vadd.f32 v3, v2;
	v3 =	vld [tilespmem:s11+$0x90]  }
0x57a: {  	v7 =	vld [tilespmem:s10+$0xFFFFFF10]  }
0x57b: {  	[tilespmem:s10+$0xFFFFFF80] =	vst v2;
	v2 =	vadd.f32 v5, v4;
	v4 =	vld [tilespmem:s10+$0xFFFFFF90]  }
0x57c: {  	v5 =	vld [tilespmem:s11+$0xFFFFFF90];
	v1 =	vadd.f32 v1, v6  }
0x57d: {  	[tilespmem:s10+$0x0] =	vst v2;
	v2 =	vld [tilespmem:s10+$0x10]  }
0x57e: {  	v6 =	vld [tilespmem:s11+$0x10];
	[tilespmem:s10+$0xFFFFFF00] =	vst v1;
	v0 =	vadd.f32 v3, v0  }
0x57f: {  	v1 =	vld [tilespmem:s11+$0xFFFFFF10]  }
0x580: {  	[tilespmem:s10+$0x90] =	vst v0;
	v0 =	vld [tilespmem:s10+$0xA0]  }
0x581: {  	v3 =	vadd.f32 v5, v4;
	v4 =	vld [tilespmem:s11+$0xA0]  }
0x582: {  	v5 =	vld [tilespmem:s10+$0xFFFFFF20]  }
0x583: {  	[tilespmem:s10+$0xFFFFFF90] =	vst v3;
	v2 =	vadd.f32 v6, v2;
	v3 =	vld [tilespmem:s10+$0xFFFFFFA0]  }
0x584: {  	v6 =	vld [tilespmem:s11+$0xFFFFFFA0];
	v1 =	vadd.f32 v1, v7  }
0x585: {  	[tilespmem:s10+$0x10] =	vst v2;
	v2 =	vld [tilespmem:s10+$0x20]  }
0x586: {  	v7 =	vld [tilespmem:s11+$0x20];
	[tilespmem:s10+$0xFFFFFF10] =	vst v1;
	v0 =	vadd.f32 v4, v0  }
0x587: {  	v1 =	vld [tilespmem:s11+$0xFFFFFF20]  }
0x588: {  	[tilespmem:s10+$0xA0] =	vst v0;
	v0 =	vld [tilespmem:s10+$0xB0]  }
0x589: {  	v3 =	vadd.f32 v6, v3;
	v4 =	vld [tilespmem:s11+$0xB0]  }
0x58a: {  	v6 =	vld [tilespmem:s10+$0xFFFFFF30]  }
0x58b: {  	[tilespmem:s10+$0xFFFFFFA0] =	vst v3;
	v2 =	vadd.f32 v7, v2;
	v3 =	vld [tilespmem:s10+$0xFFFFFFB0]  }
0x58c: {  	v7 =	vld [tilespmem:s11+$0xFFFFFFB0];
	v1 =	vadd.f32 v1, v5  }
0x58d: {  	[tilespmem:s10+$0x20] =	vst v2;
	v2 =	vld [tilespmem:s10+$0x30]  }
0x58e: {  	v5 =	vld [tilespmem:s11+$0x30];
	[tilespmem:s10+$0xFFFFFF20] =	vst v1;
	v0 =	vadd.f32 v4, v0  }
0x58f: {  	v1 =	vld [tilespmem:s11+$0xFFFFFF30]  }
0x590: {  	[tilespmem:s10+$0xB0] =	vst v0;
	v0 =	vld [tilespmem:s10+$0xC0]  }
0x591: {  	v3 =	vadd.f32 v7, v3;
	v4 =	vld [tilespmem:s11+$0xC0]  }
0x592: {  	v7 =	vld [tilespmem:s10+$0xFFFFFF40]  }
0x593: {  	[tilespmem:s10+$0xFFFFFFB0] =	vst v3;
	v2 =	vadd.f32 v5, v2;
	v3 =	vld [tilespmem:s10+$0xFFFFFFC0]  }
0x594: {  	v5 =	vld [tilespmem:s11+$0xFFFFFFC0];
	v1 =	vadd.f32 v1, v6  }
0x595: {  	[tilespmem:s10+$0x30] =	vst v2;
	v2 =	vld [tilespmem:s10+$0x40]  }
0x596: {  	v6 =	vld [tilespmem:s11+$0x40];
	[tilespmem:s10+$0xFFFFFF30] =	vst v1;
	v0 =	vadd.f32 v4, v0  }
0x597: {  	v1 =	vld [tilespmem:s11+$0xFFFFFF40]  }
0x598: {  	[tilespmem:s10+$0xC0] =	vst v0;
	v0 =	vld [tilespmem:s10+$0xD0]  }
0x599: {  	v3 =	vadd.f32 v5, v3;
	v4 =	vld [tilespmem:s11+$0xD0]  }
0x59a: {  	v5 =	vld [tilespmem:s10+$0xFFFFFF50]  }
0x59b: {  	[tilespmem:s10+$0xFFFFFFC0] =	vst v3;
	v2 =	vadd.f32 v6, v2;
	v3 =	vld [tilespmem:s10+$0xFFFFFFD0]  }
0x59c: {  	v6 =	vld [tilespmem:s11+$0xFFFFFFD0];
	v1 =	vadd.f32 v1, v7  }
0x59d: {  	[tilespmem:s10+$0x40] =	vst v2;
	v2 =	vld [tilespmem:s10+$0x50]  }
0x59e: {  	v7 =	vld [tilespmem:s11+$0x50];
	[tilespmem:s10+$0xFFFFFF40] =	vst v1;
	v0 =	vadd.f32 v4, v0  }
0x59f: {  	v1 =	vld [tilespmem:s11+$0xFFFFFF50]  }
0x5a0: {  	[tilespmem:s10+$0xD0] =	vst v0;
	v0 =	vld [tilespmem:s10+$0xE0]  }
0x5a1: {  	v3 =	vadd.f32 v6, v3;
	v4 =	vld [tilespmem:s11+$0xE0]  }
0x5a2: {  	v6 =	vld [tilespmem:s10+$0xFFFFFF60]  }
0x5a3: {  	[tilespmem:s10+$0xFFFFFFD0] =	vst v3;
	v2 =	vadd.f32 v7, v2;
	v3 =	vld [tilespmem:s10+$0xFFFFFFE0]  }
0x5a4: {  	v7 =	vld [tilespmem:s11+$0xFFFFFFE0];
	v1 =	vadd.f32 v1, v5  }
0x5a5: {  	[tilespmem:s10+$0x50] =	vst v2;
	v2 =	vld [tilespmem:s10+$0x60]  }
0x5a6: {  	v5 =	vld [tilespmem:s11+$0x60];
	[tilespmem:s10+$0xFFFFFF50] =	vst v1;
	v0 =	vadd.f32 v4, v0  }
0x5a7: {  	v4 =	vld [tilespmem:s11+$0xFFFFFF60]  }
0x5a8: {  	v8 =	vld [tilespmem:s10+$0xF0];
	[tilespmem:s10+$0xE0] =	vst v0  }
0x5a9: {  	v1 =	vadd.f32 v7, v3;
	v7 =	vld [tilespmem:s11+$0xF0]  }
0x5aa: {  	v0 =	vld [tilespmem:s10+$0xFFFFFF70]  }
0x5ab: {  	[tilespmem:s10+$0xFFFFFFE0] =	vst v1;
	v2 =	vadd.f32 v5, v2;
	v1 =	vld [tilespmem:s10+$0xFFFFFFF0]  }
0x5ac: {  	v3 =	vld [tilespmem:s11+$0xFFFFFFF0];
	v4 =	vadd.f32 v4, v6  }
0x5ad: {  	[tilespmem:s10+$0x60] =	vst v2;
	v2 =	vld [tilespmem:s10+$0x70]  }
0x5ae: {  	[tilespmem:s10+$0xFFFFFF60] =	vst v4;
	v4 =	vld [tilespmem:s11+$0x70];
	v6 =	vadd.f32 v7, v8  }
0x5af: {  	s16 =	simm.s32 $0x6700;
	s6 =	simm.s32 $0x0;
	v5 =	vld [tilespmem:s11+$0xFFFFFF70]  }
.LBB2_22:
0x5b0: {  	v7 =	vld [tilespmem:s16+$0x80];
	[tilespmem:s10+$0xF0] =	vst v6;
	s11 =	sadd.s32 $0x200, s11  }
0x5b1: {  	s6 =	sadd.s32 $0x4, s6;
	v6 =	vld [tilespmem:s11+$0x80];
	v1 =	vadd.f32 v3, v1  }
0x5b2: {  	p0 =	slt.u32 s6, $0xC4;
	v3 =	vld [tilespmem:s11+$0xFFFFFF00]  }
0x5b3: {  	v8 =	vld [tilespmem:s16+$0xFFFFFF80];
	[tilespmem:s10+$0xFFFFFFF0] =	vst v1;
	v1 =	vadd.f32 v4, v2  }
0x5b4: {  	v2 =	vld [tilespmem:s11+$0xFFFFFF80];
	v0 =	vadd.f32 v5, v0  }
0x5b5: {  	v4 =	vld [tilespmem:s16+$0x0];
	[tilespmem:s10+$0x70] =	vst v1  }
0x5b6: {  	v1 =	vld [tilespmem:s11+$0x0];
	v5 =	vadd.f32 v6, v7;
	[tilespmem:s10+$0xFFFFFF70] =	vst v0;
	s10 =	smov.u32 s16  }
0x5b7: {  	v0 =	vld [tilespmem:s16+$0xFFFFFF00]  }
0x5b8: {  	[tilespmem:s16+$0x80] =	vst v5;
	v5 =	vld [tilespmem:s16+$0x90]  }
0x5b9: {  	v2 =	vadd.f32 v2, v8;
	v6 =	vld [tilespmem:s11+$0x90]  }
0x5ba: {  	v7 =	vld [tilespmem:s16+$0xFFFFFF10]  }
0x5bb: {  	[tilespmem:s16+$0xFFFFFF80] =	vst v2;
	v2 =	vld [tilespmem:s16+$0xFFFFFF90];
	v1 =	vadd.f32 v1, v4  }
0x5bc: {  	v0 =	vadd.f32 v3, v0;
	v3 =	vld [tilespmem:s11+$0xFFFFFF90]  }
0x5bd: {  	[tilespmem:s16+$0x0] =	vst v1;
	v1 =	vld [tilespmem:s16+$0x10]  }
0x5be: {  	[tilespmem:s16+$0xFFFFFF00] =	vst v0;
	v0 =	vld [tilespmem:s11+$0x10];
	v4 =	vadd.f32 v6, v5  }
0x5bf: {  	v5 =	vld [tilespmem:s11+$0xFFFFFF10]  }
0x5c0: {  	[tilespmem:s16+$0x90] =	vst v4;
	v4 =	vld [tilespmem:s16+$0xA0]  }
0x5c1: {  	v2 =	vadd.f32 v3, v2;
	v3 =	vld [tilespmem:s11+$0xA0]  }
0x5c2: {  	v6 =	vld [tilespmem:s16+$0xFFFFFF20]  }
0x5c3: {  	[tilespmem:s16+$0xFFFFFF90] =	vst v2;
	v2 =	vld [tilespmem:s16+$0xFFFFFFA0];
	v0 =	vadd.f32 v0, v1  }
0x5c4: {  	v1 =	vadd.f32 v5, v7;
	v5 =	vld [tilespmem:s11+$0xFFFFFFA0]  }
0x5c5: {  	[tilespmem:s16+$0x10] =	vst v0;
	v0 =	vld [tilespmem:s16+$0x20]  }
0x5c6: {  	[tilespmem:s16+$0xFFFFFF10] =	vst v1;
	v1 =	vld [tilespmem:s11+$0x20];
	v3 =	vadd.f32 v3, v4  }
0x5c7: {  	v4 =	vld [tilespmem:s11+$0xFFFFFF20]  }
0x5c8: {  	[tilespmem:s16+$0xA0] =	vst v3;
	v3 =	vld [tilespmem:s16+$0xB0]  }
0x5c9: {  	v2 =	vadd.f32 v5, v2;
	v5 =	vld [tilespmem:s11+$0xB0]  }
0x5ca: {  	v7 =	vld [tilespmem:s16+$0xFFFFFF30]  }
0x5cb: {  	[tilespmem:s16+$0xFFFFFFA0] =	vst v2;
	v2 =	vld [tilespmem:s16+$0xFFFFFFB0];
	v0 =	vadd.f32 v1, v0  }
0x5cc: {  	v1 =	vadd.f32 v4, v6;
	v4 =	vld [tilespmem:s11+$0xFFFFFFB0]  }
0x5cd: {  	[tilespmem:s16+$0x20] =	vst v0;
	v0 =	vld [tilespmem:s16+$0x30]  }
0x5ce: {  	[tilespmem:s16+$0xFFFFFF20] =	vst v1;
	v1 =	vld [tilespmem:s11+$0x30];
	v3 =	vadd.f32 v5, v3  }
0x5cf: {  	v5 =	vld [tilespmem:s11+$0xFFFFFF30]  }
0x5d0: {  	[tilespmem:s16+$0xB0] =	vst v3;
	v3 =	vld [tilespmem:s16+$0xC0]  }
0x5d1: {  	v2 =	vadd.f32 v4, v2;
	v4 =	vld [tilespmem:s11+$0xC0]  }
0x5d2: {  	v6 =	vld [tilespmem:s16+$0xFFFFFF40]  }
0x5d3: {  	[tilespmem:s16+$0xFFFFFFB0] =	vst v2;
	v2 =	vld [tilespmem:s16+$0xFFFFFFC0];
	v0 =	vadd.f32 v1, v0  }
0x5d4: {  	v1 =	vadd.f32 v5, v7;
	v5 =	vld [tilespmem:s11+$0xFFFFFFC0]  }
0x5d5: {  	[tilespmem:s16+$0x30] =	vst v0;
	v0 =	vld [tilespmem:s16+$0x40]  }
0x5d6: {  	[tilespmem:s16+$0xFFFFFF30] =	vst v1;
	v1 =	vld [tilespmem:s11+$0x40];
	v3 =	vadd.f32 v4, v3  }
0x5d7: {  	v4 =	vld [tilespmem:s11+$0xFFFFFF40]  }
0x5d8: {  	[tilespmem:s16+$0xC0] =	vst v3;
	v3 =	vld [tilespmem:s16+$0xD0]  }
0x5d9: {  	v2 =	vadd.f32 v5, v2;
	v5 =	vld [tilespmem:s11+$0xD0]  }
0x5da: {  	v7 =	vld [tilespmem:s16+$0xFFFFFF50]  }
0x5db: {  	[tilespmem:s16+$0xFFFFFFC0] =	vst v2;
	v2 =	vld [tilespmem:s16+$0xFFFFFFD0];
	v0 =	vadd.f32 v1, v0  }
0x5dc: {  	v1 =	vadd.f32 v4, v6;
	v4 =	vld [tilespmem:s11+$0xFFFFFFD0]  }
0x5dd: {  	[tilespmem:s16+$0x40] =	vst v0;
	v0 =	vld [tilespmem:s16+$0x50]  }
0x5de: {  	[tilespmem:s16+$0xFFFFFF40] =	vst v1;
	v1 =	vld [tilespmem:s11+$0x50];
	v3 =	vadd.f32 v5, v3  }
0x5df: {  	v5 =	vld [tilespmem:s11+$0xFFFFFF50]  }
0x5e0: {  	[tilespmem:s16+$0xD0] =	vst v3;
	v3 =	vld [tilespmem:s16+$0xE0]  }
0x5e1: {  	v2 =	vadd.f32 v4, v2;
	v4 =	vld [tilespmem:s11+$0xE0]  }
0x5e2: {  	v6 =	vld [tilespmem:s16+$0xFFFFFF60]  }
0x5e3: {  	[tilespmem:s16+$0xFFFFFFD0] =	vst v2;
	v2 =	vld [tilespmem:s16+$0xFFFFFFE0];
	v0 =	vadd.f32 v1, v0  }
0x5e4: {  	v1 =	vadd.f32 v5, v7;
	v5 =	vld [tilespmem:s11+$0xFFFFFFE0]  }
0x5e5: {  	[tilespmem:s16+$0x50] =	vst v0;
	v7 =	vld [tilespmem:s16+$0x60]  }
0x5e6: {  	[tilespmem:s16+$0xFFFFFF50] =	vst v1;
	v8 =	vld [tilespmem:s11+$0x60];
	v0 =	vadd.f32 v4, v3  }
0x5e7: {  	v3 =	vld [tilespmem:s11+$0xFFFFFF60]  }
0x5e8: {  	[tilespmem:s16+$0xE0] =	vst v0;
	v9 =	vld [tilespmem:s16+$0xF0]  }
0x5e9: {  	v1 =	vadd.f32 v5, v2;
	v5 =	vld [tilespmem:s11+$0xF0]  }
0x5ea: {  	v0 =	vld [tilespmem:s16+$0xFFFFFF70]  }
.Ltmp10:
0x5eb: {  	[tilespmem:s16+$0xFFFFFFE0] =	vst v1;
	v1 =	vld [tilespmem:s16+$0xFFFFFFF0];
	v2 =	vadd.f32 v8, v7;
	(pc) =	sbr.rel @p0 .LBB2_22-.Ltmp10, $4  }
0x5ec: {  	v4 =	vadd.f32 v3, v6;
	v3 =	vld [tilespmem:s11+$0xFFFFFFF0]  }
0x5ed: {  	[tilespmem:s16+$0x60] =	vst v2;
	v2 =	vld [tilespmem:s16+$0x70]  }
0x5ee: {  	[tilespmem:s16+$0xFFFFFF60] =	vst v4;
	v4 =	vld [tilespmem:s11+$0x70];
	v6 =	vadd.f32 v5, v9  }
0x5ef: {  	s16 =	sadd.s32 $0x200, s16;
	v5 =	vld [tilespmem:s11+$0xFFFFFF70]  }
0x5f0: {  	_ =	sdelay $0x1  }
0x5f1: {  	v1 =	vadd.f32 v3, v1  }
0x5f2: {  	[tilespmem:s10+$0xF0] =	vst v6;
	v2 =	vadd.f32 v4, v2  }
0x5f3: {  	[tilespmem:s10+$0xFFFFFFF0] =	vst v1;
	v0 =	vadd.f32 v5, v0  }
0x5f4: {  	[tilespmem:s10+$0x70] =	vst v2  }
0x5f5: {  	[tilespmem:s10+$0xFFFFFF70] =	vst v0  }
0x5f6: {  	s6 =	rddreg [dreg:$0x15]  }
0x5f7: {  	[hbm4b:s6+s5] =	stream.linear.scatter [tilespmem:s20], [sflag:$0xA], $0x6400, $0x38;
	[tilespmem:$0x1F800] =	vst v63  }
0x5f8: {  	_ =	swait.ge [sflag:s28], $0x6400  }
0x5f9: {  	[sflag:s28] =	ssyncset.done $0x0  }
0x5fa: {  	s10 =	simm.s32 $0xC900;
	[sflag:s28] =	ssyncadd.s32 $0xFFFF9C00  }
0x5fb: {  	s11 =	simm.s32 $0x19500;
	v0 =	vld [tilespmem:s10+$0x80]  }
0x5fc: {  	v1 =	vld [tilespmem:s11+$0x80]  }
0x5fd: {  	v2 =	vld [tilespmem:s10+$0xFFFFFF80]  }
0x5fe: {  	v3 =	vld [tilespmem:s11+$0xFFFFFF80]  }
0x5ff: {  	v4 =	vld [tilespmem:s10+$0x0]  }
0x600: {  	v5 =	vld [tilespmem:s11+$0x0]  }
0x601: {  	v6 =	vld [tilespmem:s10+$0xFFFFFF00];
	v0 =	vadd.f32 v1, v0  }
0x602: {  	v1 =	vld [tilespmem:s11+$0xFFFFFF00]  }
0x603: {  	[tilespmem:s10+$0x80] =	vst v0;
	v0 =	vld [tilespmem:s10+$0x90]  }
0x604: {  	v2 =	vadd.f32 v3, v2;
	v3 =	vld [tilespmem:s11+$0x90]  }
0x605: {  	v7 =	vld [tilespmem:s10+$0xFFFFFF10]  }
0x606: {  	[tilespmem:s10+$0xFFFFFF80] =	vst v2;
	v2 =	vadd.f32 v5, v4;
	v4 =	vld [tilespmem:s10+$0xFFFFFF90]  }
0x607: {  	v5 =	vld [tilespmem:s11+$0xFFFFFF90];
	v1 =	vadd.f32 v1, v6  }
0x608: {  	[tilespmem:s10+$0x0] =	vst v2;
	v2 =	vld [tilespmem:s10+$0x10]  }
0x609: {  	v6 =	vld [tilespmem:s11+$0x10];
	[tilespmem:s10+$0xFFFFFF00] =	vst v1;
	v0 =	vadd.f32 v3, v0  }
0x60a: {  	v1 =	vld [tilespmem:s11+$0xFFFFFF10]  }
0x60b: {  	[tilespmem:s10+$0x90] =	vst v0;
	v0 =	vld [tilespmem:s10+$0xA0]  }
0x60c: {  	v3 =	vadd.f32 v5, v4;
	v4 =	vld [tilespmem:s11+$0xA0]  }
0x60d: {  	v5 =	vld [tilespmem:s10+$0xFFFFFF20]  }
0x60e: {  	[tilespmem:s10+$0xFFFFFF90] =	vst v3;
	v2 =	vadd.f32 v6, v2;
	v3 =	vld [tilespmem:s10+$0xFFFFFFA0]  }
0x60f: {  	v6 =	vld [tilespmem:s11+$0xFFFFFFA0];
	v1 =	vadd.f32 v1, v7  }
0x610: {  	[tilespmem:s10+$0x10] =	vst v2;
	v2 =	vld [tilespmem:s10+$0x20]  }
0x611: {  	v7 =	vld [tilespmem:s11+$0x20];
	[tilespmem:s10+$0xFFFFFF10] =	vst v1;
	v0 =	vadd.f32 v4, v0  }
0x612: {  	v1 =	vld [tilespmem:s11+$0xFFFFFF20]  }
0x613: {  	[tilespmem:s10+$0xA0] =	vst v0;
	v0 =	vld [tilespmem:s10+$0xB0]  }
0x614: {  	v3 =	vadd.f32 v6, v3;
	v4 =	vld [tilespmem:s11+$0xB0]  }
0x615: {  	v6 =	vld [tilespmem:s10+$0xFFFFFF30]  }
0x616: {  	[tilespmem:s10+$0xFFFFFFA0] =	vst v3;
	v2 =	vadd.f32 v7, v2;
	v3 =	vld [tilespmem:s10+$0xFFFFFFB0]  }
0x617: {  	v7 =	vld [tilespmem:s11+$0xFFFFFFB0];
	v1 =	vadd.f32 v1, v5  }
0x618: {  	[tilespmem:s10+$0x20] =	vst v2;
	v2 =	vld [tilespmem:s10+$0x30]  }
0x619: {  	v5 =	vld [tilespmem:s11+$0x30];
	[tilespmem:s10+$0xFFFFFF20] =	vst v1;
	v0 =	vadd.f32 v4, v0  }
0x61a: {  	v1 =	vld [tilespmem:s11+$0xFFFFFF30]  }
0x61b: {  	[tilespmem:s10+$0xB0] =	vst v0;
	v0 =	vld [tilespmem:s10+$0xC0]  }
0x61c: {  	v3 =	vadd.f32 v7, v3;
	v4 =	vld [tilespmem:s11+$0xC0]  }
0x61d: {  	v7 =	vld [tilespmem:s10+$0xFFFFFF40]  }
0x61e: {  	[tilespmem:s10+$0xFFFFFFB0] =	vst v3;
	v2 =	vadd.f32 v5, v2;
	v3 =	vld [tilespmem:s10+$0xFFFFFFC0]  }
0x61f: {  	v5 =	vld [tilespmem:s11+$0xFFFFFFC0];
	v1 =	vadd.f32 v1, v6  }
0x620: {  	[tilespmem:s10+$0x30] =	vst v2;
	v2 =	vld [tilespmem:s10+$0x40]  }
0x621: {  	v6 =	vld [tilespmem:s11+$0x40];
	[tilespmem:s10+$0xFFFFFF30] =	vst v1;
	v0 =	vadd.f32 v4, v0  }
0x622: {  	v1 =	vld [tilespmem:s11+$0xFFFFFF40]  }
0x623: {  	[tilespmem:s10+$0xC0] =	vst v0;
	v0 =	vld [tilespmem:s10+$0xD0]  }
0x624: {  	v3 =	vadd.f32 v5, v3;
	v4 =	vld [tilespmem:s11+$0xD0]  }
0x625: {  	v5 =	vld [tilespmem:s10+$0xFFFFFF50]  }
0x626: {  	[tilespmem:s10+$0xFFFFFFC0] =	vst v3;
	v2 =	vadd.f32 v6, v2;
	v3 =	vld [tilespmem:s10+$0xFFFFFFD0]  }
0x627: {  	v6 =	vld [tilespmem:s11+$0xFFFFFFD0];
	v1 =	vadd.f32 v1, v7  }
0x628: {  	[tilespmem:s10+$0x40] =	vst v2;
	v2 =	vld [tilespmem:s10+$0x50]  }
0x629: {  	v7 =	vld [tilespmem:s11+$0x50];
	[tilespmem:s10+$0xFFFFFF40] =	vst v1;
	v0 =	vadd.f32 v4, v0  }
0x62a: {  	v1 =	vld [tilespmem:s11+$0xFFFFFF50]  }
0x62b: {  	[tilespmem:s10+$0xD0] =	vst v0;
	v0 =	vld [tilespmem:s10+$0xE0]  }
0x62c: {  	v3 =	vadd.f32 v6, v3;
	v4 =	vld [tilespmem:s11+$0xE0]  }
0x62d: {  	v6 =	vld [tilespmem:s10+$0xFFFFFF60]  }
0x62e: {  	[tilespmem:s10+$0xFFFFFFD0] =	vst v3;
	v2 =	vadd.f32 v7, v2;
	v3 =	vld [tilespmem:s10+$0xFFFFFFE0]  }
0x62f: {  	v7 =	vld [tilespmem:s11+$0xFFFFFFE0];
	v1 =	vadd.f32 v1, v5  }
0x630: {  	[tilespmem:s10+$0x50] =	vst v2;
	v2 =	vld [tilespmem:s10+$0x60]  }
0x631: {  	v5 =	vld [tilespmem:s11+$0x60];
	[tilespmem:s10+$0xFFFFFF50] =	vst v1;
	v0 =	vadd.f32 v4, v0  }
0x632: {  	v4 =	vld [tilespmem:s11+$0xFFFFFF60]  }
0x633: {  	v8 =	vld [tilespmem:s10+$0xF0];
	[tilespmem:s10+$0xE0] =	vst v0  }
0x634: {  	v1 =	vadd.f32 v7, v3;
	v7 =	vld [tilespmem:s11+$0xF0]  }
0x635: {  	v0 =	vld [tilespmem:s10+$0xFFFFFF70]  }
0x636: {  	[tilespmem:s10+$0xFFFFFFE0] =	vst v1;
	v2 =	vadd.f32 v5, v2;
	v1 =	vld [tilespmem:s10+$0xFFFFFFF0]  }
0x637: {  	v3 =	vld [tilespmem:s11+$0xFFFFFFF0];
	v4 =	vadd.f32 v4, v6  }
0x638: {  	[tilespmem:s10+$0x60] =	vst v2;
	v2 =	vld [tilespmem:s10+$0x70]  }
0x639: {  	[tilespmem:s10+$0xFFFFFF60] =	vst v4;
	v4 =	vld [tilespmem:s11+$0x70];
	v6 =	vadd.f32 v7, v8  }
0x63a: {  	s16 =	simm.s32 $0xCB00;
	s6 =	simm.s32 $0x0;
	v5 =	vld [tilespmem:s11+$0xFFFFFF70]  }
.LBB2_24:
0x63b: {  	v7 =	vld [tilespmem:s16+$0x80];
	[tilespmem:s10+$0xF0] =	vst v6;
	s11 =	sadd.s32 $0x200, s11  }
0x63c: {  	s6 =	sadd.s32 $0x4, s6;
	v6 =	vld [tilespmem:s11+$0x80];
	v1 =	vadd.f32 v3, v1  }
0x63d: {  	p0 =	slt.u32 s6, $0xC4;
	v3 =	vld [tilespmem:s11+$0xFFFFFF00]  }
0x63e: {  	v8 =	vld [tilespmem:s16+$0xFFFFFF80];
	[tilespmem:s10+$0xFFFFFFF0] =	vst v1;
	v1 =	vadd.f32 v4, v2  }
0x63f: {  	v2 =	vld [tilespmem:s11+$0xFFFFFF80];
	v0 =	vadd.f32 v5, v0  }
0x640: {  	v4 =	vld [tilespmem:s16+$0x0];
	[tilespmem:s10+$0x70] =	vst v1  }
0x641: {  	v1 =	vld [tilespmem:s11+$0x0];
	v5 =	vadd.f32 v6, v7;
	[tilespmem:s10+$0xFFFFFF70] =	vst v0;
	s10 =	smov.u32 s16  }
0x642: {  	v0 =	vld [tilespmem:s16+$0xFFFFFF00]  }
0x643: {  	[tilespmem:s16+$0x80] =	vst v5;
	v5 =	vld [tilespmem:s16+$0x90]  }
0x644: {  	v2 =	vadd.f32 v2, v8;
	v6 =	vld [tilespmem:s11+$0x90]  }
0x645: {  	v7 =	vld [tilespmem:s16+$0xFFFFFF10]  }
0x646: {  	[tilespmem:s16+$0xFFFFFF80] =	vst v2;
	v2 =	vld [tilespmem:s16+$0xFFFFFF90];
	v1 =	vadd.f32 v1, v4  }
0x647: {  	v0 =	vadd.f32 v3, v0;
	v3 =	vld [tilespmem:s11+$0xFFFFFF90]  }
0x648: {  	[tilespmem:s16+$0x0] =	vst v1;
	v1 =	vld [tilespmem:s16+$0x10]  }
0x649: {  	[tilespmem:s16+$0xFFFFFF00] =	vst v0;
	v0 =	vld [tilespmem:s11+$0x10];
	v4 =	vadd.f32 v6, v5  }
0x64a: {  	v5 =	vld [tilespmem:s11+$0xFFFFFF10]  }
0x64b: {  	[tilespmem:s16+$0x90] =	vst v4;
	v4 =	vld [tilespmem:s16+$0xA0]  }
0x64c: {  	v2 =	vadd.f32 v3, v2;
	v3 =	vld [tilespmem:s11+$0xA0]  }
0x64d: {  	v6 =	vld [tilespmem:s16+$0xFFFFFF20]  }
0x64e: {  	[tilespmem:s16+$0xFFFFFF90] =	vst v2;
	v2 =	vld [tilespmem:s16+$0xFFFFFFA0];
	v0 =	vadd.f32 v0, v1  }
0x64f: {  	v1 =	vadd.f32 v5, v7;
	v5 =	vld [tilespmem:s11+$0xFFFFFFA0]  }
0x650: {  	[tilespmem:s16+$0x10] =	vst v0;
	v0 =	vld [tilespmem:s16+$0x20]  }
0x651: {  	[tilespmem:s16+$0xFFFFFF10] =	vst v1;
	v1 =	vld [tilespmem:s11+$0x20];
	v3 =	vadd.f32 v3, v4  }
0x652: {  	v4 =	vld [tilespmem:s11+$0xFFFFFF20]  }
0x653: {  	[tilespmem:s16+$0xA0] =	vst v3;
	v3 =	vld [tilespmem:s16+$0xB0]  }
0x654: {  	v2 =	vadd.f32 v5, v2;
	v5 =	vld [tilespmem:s11+$0xB0]  }
0x655: {  	v7 =	vld [tilespmem:s16+$0xFFFFFF30]  }
0x656: {  	[tilespmem:s16+$0xFFFFFFA0] =	vst v2;
	v2 =	vld [tilespmem:s16+$0xFFFFFFB0];
	v0 =	vadd.f32 v1, v0  }
0x657: {  	v1 =	vadd.f32 v4, v6;
	v4 =	vld [tilespmem:s11+$0xFFFFFFB0]  }
0x658: {  	[tilespmem:s16+$0x20] =	vst v0;
	v0 =	vld [tilespmem:s16+$0x30]  }
0x659: {  	[tilespmem:s16+$0xFFFFFF20] =	vst v1;
	v1 =	vld [tilespmem:s11+$0x30];
	v3 =	vadd.f32 v5, v3  }
0x65a: {  	v5 =	vld [tilespmem:s11+$0xFFFFFF30]  }
0x65b: {  	[tilespmem:s16+$0xB0] =	vst v3;
	v3 =	vld [tilespmem:s16+$0xC0]  }
0x65c: {  	v2 =	vadd.f32 v4, v2;
	v4 =	vld [tilespmem:s11+$0xC0]  }
0x65d: {  	v6 =	vld [tilespmem:s16+$0xFFFFFF40]  }
0x65e: {  	[tilespmem:s16+$0xFFFFFFB0] =	vst v2;
	v2 =	vld [tilespmem:s16+$0xFFFFFFC0];
	v0 =	vadd.f32 v1, v0  }
0x65f: {  	v1 =	vadd.f32 v5, v7;
	v5 =	vld [tilespmem:s11+$0xFFFFFFC0]  }
0x660: {  	[tilespmem:s16+$0x30] =	vst v0;
	v0 =	vld [tilespmem:s16+$0x40]  }
0x661: {  	[tilespmem:s16+$0xFFFFFF30] =	vst v1;
	v1 =	vld [tilespmem:s11+$0x40];
	v3 =	vadd.f32 v4, v3  }
0x662: {  	v4 =	vld [tilespmem:s11+$0xFFFFFF40]  }
0x663: {  	[tilespmem:s16+$0xC0] =	vst v3;
	v3 =	vld [tilespmem:s16+$0xD0]  }
0x664: {  	v2 =	vadd.f32 v5, v2;
	v5 =	vld [tilespmem:s11+$0xD0]  }
0x665: {  	v7 =	vld [tilespmem:s16+$0xFFFFFF50]  }
0x666: {  	[tilespmem:s16+$0xFFFFFFC0] =	vst v2;
	v2 =	vld [tilespmem:s16+$0xFFFFFFD0];
	v0 =	vadd.f32 v1, v0  }
0x667: {  	v1 =	vadd.f32 v4, v6;
	v4 =	vld [tilespmem:s11+$0xFFFFFFD0]  }
0x668: {  	[tilespmem:s16+$0x40] =	vst v0;
	v0 =	vld [tilespmem:s16+$0x50]  }
0x669: {  	[tilespmem:s16+$0xFFFFFF40] =	vst v1;
	v1 =	vld [tilespmem:s11+$0x50];
	v3 =	vadd.f32 v5, v3  }
0x66a: {  	v5 =	vld [tilespmem:s11+$0xFFFFFF50]  }
0x66b: {  	[tilespmem:s16+$0xD0] =	vst v3;
	v3 =	vld [tilespmem:s16+$0xE0]  }
0x66c: {  	v2 =	vadd.f32 v4, v2;
	v4 =	vld [tilespmem:s11+$0xE0]  }
0x66d: {  	v6 =	vld [tilespmem:s16+$0xFFFFFF60]  }
0x66e: {  	[tilespmem:s16+$0xFFFFFFD0] =	vst v2;
	v2 =	vld [tilespmem:s16+$0xFFFFFFE0];
	v0 =	vadd.f32 v1, v0  }
0x66f: {  	v1 =	vadd.f32 v5, v7;
	v5 =	vld [tilespmem:s11+$0xFFFFFFE0]  }
0x670: {  	[tilespmem:s16+$0x50] =	vst v0;
	v7 =	vld [tilespmem:s16+$0x60]  }
0x671: {  	[tilespmem:s16+$0xFFFFFF50] =	vst v1;
	v8 =	vld [tilespmem:s11+$0x60];
	v0 =	vadd.f32 v4, v3  }
0x672: {  	v3 =	vld [tilespmem:s11+$0xFFFFFF60]  }
0x673: {  	[tilespmem:s16+$0xE0] =	vst v0;
	v9 =	vld [tilespmem:s16+$0xF0]  }
0x674: {  	v1 =	vadd.f32 v5, v2;
	v5 =	vld [tilespmem:s11+$0xF0]  }
0x675: {  	v0 =	vld [tilespmem:s16+$0xFFFFFF70]  }
.Ltmp11:
0x676: {  	[tilespmem:s16+$0xFFFFFFE0] =	vst v1;
	v1 =	vld [tilespmem:s16+$0xFFFFFFF0];
	v2 =	vadd.f32 v8, v7;
	(pc) =	sbr.rel @p0 .LBB2_24-.Ltmp11, $4  }
0x677: {  	v4 =	vadd.f32 v3, v6;
	v3 =	vld [tilespmem:s11+$0xFFFFFFF0]  }
0x678: {  	[tilespmem:s16+$0x60] =	vst v2;
	v2 =	vld [tilespmem:s16+$0x70]  }
0x679: {  	[tilespmem:s16+$0xFFFFFF60] =	vst v4;
	v4 =	vld [tilespmem:s11+$0x70];
	v6 =	vadd.f32 v5, v9  }
0x67a: {  	s16 =	sadd.s32 $0x200, s16;
	v5 =	vld [tilespmem:s11+$0xFFFFFF70]  }
0x67b: {  	_ =	sdelay $0x1  }
0x67c: {  	v1 =	vadd.f32 v3, v1  }
0x67d: {  	[tilespmem:s10+$0xF0] =	vst v6;
	v2 =	vadd.f32 v4, v2  }
0x67e: {  	[tilespmem:s10+$0xFFFFFFF0] =	vst v1;
	v0 =	vadd.f32 v5, v0  }
0x67f: {  	[tilespmem:s10+$0x70] =	vst v2  }
0x680: {  	[tilespmem:s10+$0xFFFFFF70] =	vst v0  }
0x681: {  	s6 =	rddreg [dreg:$0x16]  }
0x682: {  	[hbm4b:s6+s5] =	stream.linear.scatter [tilespmem:s23], [sflag:$0xB], $0x6400, $0x38;
	[tilespmem:$0x1F800] =	vst v63  }
0x683: {  	_ =	swait.ge [sflag:s30], $0x6400  }
0x684: {  	[sflag:s30] =	ssyncset.done $0x0  }
0x685: {  	s10 =	simm.s32 $0x12D00;
	[sflag:s30] =	ssyncadd.s32 $0xFFFF9C00  }
0x686: {  	s11 =	simm.s32 $0x19500;
	v0 =	vld [tilespmem:s10+$0x80]  }
0x687: {  	v1 =	vld [tilespmem:s11+$0x80]  }
0x688: {  	v2 =	vld [tilespmem:s10+$0xFFFFFF80]  }
0x689: {  	v3 =	vld [tilespmem:s11+$0xFFFFFF80]  }
0x68a: {  	v4 =	vld [tilespmem:s10+$0x0]  }
0x68b: {  	v5 =	vld [tilespmem:s11+$0x0]  }
0x68c: {  	v6 =	vld [tilespmem:s10+$0xFFFFFF00];
	v0 =	vadd.f32 v1, v0  }
0x68d: {  	v1 =	vld [tilespmem:s11+$0xFFFFFF00]  }
0x68e: {  	[tilespmem:s10+$0x80] =	vst v0;
	v0 =	vld [tilespmem:s10+$0x90]  }
0x68f: {  	v2 =	vadd.f32 v3, v2;
	v3 =	vld [tilespmem:s11+$0x90]  }
0x690: {  	v7 =	vld [tilespmem:s10+$0xFFFFFF10]  }
0x691: {  	[tilespmem:s10+$0xFFFFFF80] =	vst v2;
	v2 =	vadd.f32 v5, v4;
	v4 =	vld [tilespmem:s10+$0xFFFFFF90]  }
0x692: {  	v5 =	vld [tilespmem:s11+$0xFFFFFF90];
	v1 =	vadd.f32 v1, v6  }
0x693: {  	[tilespmem:s10+$0x0] =	vst v2;
	v2 =	vld [tilespmem:s10+$0x10]  }
0x694: {  	v6 =	vld [tilespmem:s11+$0x10];
	[tilespmem:s10+$0xFFFFFF00] =	vst v1;
	v0 =	vadd.f32 v3, v0  }
0x695: {  	v1 =	vld [tilespmem:s11+$0xFFFFFF10]  }
0x696: {  	[tilespmem:s10+$0x90] =	vst v0;
	v0 =	vld [tilespmem:s10+$0xA0]  }
0x697: {  	v3 =	vadd.f32 v5, v4;
	v4 =	vld [tilespmem:s11+$0xA0]  }
0x698: {  	v5 =	vld [tilespmem:s10+$0xFFFFFF20]  }
0x699: {  	[tilespmem:s10+$0xFFFFFF90] =	vst v3;
	v2 =	vadd.f32 v6, v2;
	v3 =	vld [tilespmem:s10+$0xFFFFFFA0]  }
0x69a: {  	v6 =	vld [tilespmem:s11+$0xFFFFFFA0];
	v1 =	vadd.f32 v1, v7  }
0x69b: {  	[tilespmem:s10+$0x10] =	vst v2;
	v2 =	vld [tilespmem:s10+$0x20]  }
0x69c: {  	v7 =	vld [tilespmem:s11+$0x20];
	[tilespmem:s10+$0xFFFFFF10] =	vst v1;
	v0 =	vadd.f32 v4, v0  }
0x69d: {  	v1 =	vld [tilespmem:s11+$0xFFFFFF20]  }
0x69e: {  	[tilespmem:s10+$0xA0] =	vst v0;
	v0 =	vld [tilespmem:s10+$0xB0]  }
0x69f: {  	v3 =	vadd.f32 v6, v3;
	v4 =	vld [tilespmem:s11+$0xB0]  }
0x6a0: {  	v6 =	vld [tilespmem:s10+$0xFFFFFF30]  }
0x6a1: {  	[tilespmem:s10+$0xFFFFFFA0] =	vst v3;
	v2 =	vadd.f32 v7, v2;
	v3 =	vld [tilespmem:s10+$0xFFFFFFB0]  }
0x6a2: {  	v7 =	vld [tilespmem:s11+$0xFFFFFFB0];
	v1 =	vadd.f32 v1, v5  }
0x6a3: {  	[tilespmem:s10+$0x20] =	vst v2;
	v2 =	vld [tilespmem:s10+$0x30]  }
0x6a4: {  	v5 =	vld [tilespmem:s11+$0x30];
	[tilespmem:s10+$0xFFFFFF20] =	vst v1;
	v0 =	vadd.f32 v4, v0  }
0x6a5: {  	v1 =	vld [tilespmem:s11+$0xFFFFFF30]  }
0x6a6: {  	[tilespmem:s10+$0xB0] =	vst v0;
	v0 =	vld [tilespmem:s10+$0xC0]  }
0x6a7: {  	v3 =	vadd.f32 v7, v3;
	v4 =	vld [tilespmem:s11+$0xC0]  }
0x6a8: {  	v7 =	vld [tilespmem:s10+$0xFFFFFF40]  }
0x6a9: {  	[tilespmem:s10+$0xFFFFFFB0] =	vst v3;
	v2 =	vadd.f32 v5, v2;
	v3 =	vld [tilespmem:s10+$0xFFFFFFC0]  }
0x6aa: {  	v5 =	vld [tilespmem:s11+$0xFFFFFFC0];
	v1 =	vadd.f32 v1, v6  }
0x6ab: {  	[tilespmem:s10+$0x30] =	vst v2;
	v2 =	vld [tilespmem:s10+$0x40]  }
0x6ac: {  	v6 =	vld [tilespmem:s11+$0x40];
	[tilespmem:s10+$0xFFFFFF30] =	vst v1;
	v0 =	vadd.f32 v4, v0  }
0x6ad: {  	v1 =	vld [tilespmem:s11+$0xFFFFFF40]  }
0x6ae: {  	[tilespmem:s10+$0xC0] =	vst v0;
	v0 =	vld [tilespmem:s10+$0xD0]  }
0x6af: {  	v3 =	vadd.f32 v5, v3;
	v4 =	vld [tilespmem:s11+$0xD0]  }
0x6b0: {  	v5 =	vld [tilespmem:s10+$0xFFFFFF50]  }
0x6b1: {  	[tilespmem:s10+$0xFFFFFFC0] =	vst v3;
	v2 =	vadd.f32 v6, v2;
	v3 =	vld [tilespmem:s10+$0xFFFFFFD0]  }
0x6b2: {  	v6 =	vld [tilespmem:s11+$0xFFFFFFD0];
	v1 =	vadd.f32 v1, v7  }
0x6b3: {  	[tilespmem:s10+$0x40] =	vst v2;
	v2 =	vld [tilespmem:s10+$0x50]  }
0x6b4: {  	v7 =	vld [tilespmem:s11+$0x50];
	[tilespmem:s10+$0xFFFFFF40] =	vst v1;
	v0 =	vadd.f32 v4, v0  }
0x6b5: {  	v1 =	vld [tilespmem:s11+$0xFFFFFF50]  }
0x6b6: {  	[tilespmem:s10+$0xD0] =	vst v0;
	v0 =	vld [tilespmem:s10+$0xE0]  }
0x6b7: {  	v3 =	vadd.f32 v6, v3;
	v4 =	vld [tilespmem:s11+$0xE0]  }
0x6b8: {  	v6 =	vld [tilespmem:s10+$0xFFFFFF60]  }
0x6b9: {  	[tilespmem:s10+$0xFFFFFFD0] =	vst v3;
	v2 =	vadd.f32 v7, v2;
	v3 =	vld [tilespmem:s10+$0xFFFFFFE0]  }
0x6ba: {  	v7 =	vld [tilespmem:s11+$0xFFFFFFE0];
	v1 =	vadd.f32 v1, v5  }
0x6bb: {  	[tilespmem:s10+$0x50] =	vst v2;
	v2 =	vld [tilespmem:s10+$0x60]  }
0x6bc: {  	v5 =	vld [tilespmem:s11+$0x60];
	[tilespmem:s10+$0xFFFFFF50] =	vst v1;
	v0 =	vadd.f32 v4, v0  }
0x6bd: {  	v4 =	vld [tilespmem:s11+$0xFFFFFF60]  }
0x6be: {  	v8 =	vld [tilespmem:s10+$0xF0];
	[tilespmem:s10+$0xE0] =	vst v0  }
0x6bf: {  	v1 =	vadd.f32 v7, v3;
	v7 =	vld [tilespmem:s11+$0xF0]  }
0x6c0: {  	v0 =	vld [tilespmem:s10+$0xFFFFFF70]  }
0x6c1: {  	[tilespmem:s10+$0xFFFFFFE0] =	vst v1;
	v2 =	vadd.f32 v5, v2;
	v1 =	vld [tilespmem:s10+$0xFFFFFFF0]  }
0x6c2: {  	v3 =	vld [tilespmem:s11+$0xFFFFFFF0];
	v4 =	vadd.f32 v4, v6  }
0x6c3: {  	[tilespmem:s10+$0x60] =	vst v2;
	v2 =	vld [tilespmem:s10+$0x70]  }
0x6c4: {  	[tilespmem:s10+$0xFFFFFF60] =	vst v4;
	v4 =	vld [tilespmem:s11+$0x70];
	v6 =	vadd.f32 v7, v8  }
0x6c5: {  	s16 =	simm.s32 $0x12F00;
	s6 =	simm.s32 $0x0;
	v5 =	vld [tilespmem:s11+$0xFFFFFF70]  }
.LBB2_26:
0x6c6: {  	v7 =	vld [tilespmem:s16+$0x80];
	[tilespmem:s10+$0xF0] =	vst v6;
	s11 =	sadd.s32 $0x200, s11  }
0x6c7: {  	s6 =	sadd.s32 $0x4, s6;
	v6 =	vld [tilespmem:s11+$0x80];
	v1 =	vadd.f32 v3, v1  }
0x6c8: {  	p0 =	slt.u32 s6, $0xC4;
	v3 =	vld [tilespmem:s11+$0xFFFFFF00]  }
0x6c9: {  	v8 =	vld [tilespmem:s16+$0xFFFFFF80];
	[tilespmem:s10+$0xFFFFFFF0] =	vst v1;
	v1 =	vadd.f32 v4, v2  }
0x6ca: {  	v2 =	vld [tilespmem:s11+$0xFFFFFF80];
	v0 =	vadd.f32 v5, v0  }
0x6cb: {  	v4 =	vld [tilespmem:s16+$0x0];
	[tilespmem:s10+$0x70] =	vst v1  }
0x6cc: {  	v1 =	vld [tilespmem:s11+$0x0];
	v5 =	vadd.f32 v6, v7;
	[tilespmem:s10+$0xFFFFFF70] =	vst v0;
	s10 =	smov.u32 s16  }
0x6cd: {  	v0 =	vld [tilespmem:s16+$0xFFFFFF00]  }
0x6ce: {  	[tilespmem:s16+$0x80] =	vst v5;
	v5 =	vld [tilespmem:s16+$0x90]  }
0x6cf: {  	v2 =	vadd.f32 v2, v8;
	v6 =	vld [tilespmem:s11+$0x90]  }
0x6d0: {  	v7 =	vld [tilespmem:s16+$0xFFFFFF10]  }
0x6d1: {  	[tilespmem:s16+$0xFFFFFF80] =	vst v2;
	v2 =	vld [tilespmem:s16+$0xFFFFFF90];
	v1 =	vadd.f32 v1, v4  }
0x6d2: {  	v0 =	vadd.f32 v3, v0;
	v3 =	vld [tilespmem:s11+$0xFFFFFF90]  }
0x6d3: {  	[tilespmem:s16+$0x0] =	vst v1;
	v1 =	vld [tilespmem:s16+$0x10]  }
0x6d4: {  	[tilespmem:s16+$0xFFFFFF00] =	vst v0;
	v0 =	vld [tilespmem:s11+$0x10];
	v4 =	vadd.f32 v6, v5  }
0x6d5: {  	v5 =	vld [tilespmem:s11+$0xFFFFFF10]  }
0x6d6: {  	[tilespmem:s16+$0x90] =	vst v4;
	v4 =	vld [tilespmem:s16+$0xA0]  }
0x6d7: {  	v2 =	vadd.f32 v3, v2;
	v3 =	vld [tilespmem:s11+$0xA0]  }
0x6d8: {  	v6 =	vld [tilespmem:s16+$0xFFFFFF20]  }
0x6d9: {  	[tilespmem:s16+$0xFFFFFF90] =	vst v2;
	v2 =	vld [tilespmem:s16+$0xFFFFFFA0];
	v0 =	vadd.f32 v0, v1  }
0x6da: {  	v1 =	vadd.f32 v5, v7;
	v5 =	vld [tilespmem:s11+$0xFFFFFFA0]  }
0x6db: {  	[tilespmem:s16+$0x10] =	vst v0;
	v0 =	vld [tilespmem:s16+$0x20]  }
0x6dc: {  	[tilespmem:s16+$0xFFFFFF10] =	vst v1;
	v1 =	vld [tilespmem:s11+$0x20];
	v3 =	vadd.f32 v3, v4  }
0x6dd: {  	v4 =	vld [tilespmem:s11+$0xFFFFFF20]  }
0x6de: {  	[tilespmem:s16+$0xA0] =	vst v3;
	v3 =	vld [tilespmem:s16+$0xB0]  }
0x6df: {  	v2 =	vadd.f32 v5, v2;
	v5 =	vld [tilespmem:s11+$0xB0]  }
0x6e0: {  	v7 =	vld [tilespmem:s16+$0xFFFFFF30]  }
0x6e1: {  	[tilespmem:s16+$0xFFFFFFA0] =	vst v2;
	v2 =	vld [tilespmem:s16+$0xFFFFFFB0];
	v0 =	vadd.f32 v1, v0  }
0x6e2: {  	v1 =	vadd.f32 v4, v6;
	v4 =	vld [tilespmem:s11+$0xFFFFFFB0]  }
0x6e3: {  	[tilespmem:s16+$0x20] =	vst v0;
	v0 =	vld [tilespmem:s16+$0x30]  }
0x6e4: {  	[tilespmem:s16+$0xFFFFFF20] =	vst v1;
	v1 =	vld [tilespmem:s11+$0x30];
	v3 =	vadd.f32 v5, v3  }
0x6e5: {  	v5 =	vld [tilespmem:s11+$0xFFFFFF30]  }
0x6e6: {  	[tilespmem:s16+$0xB0] =	vst v3;
	v3 =	vld [tilespmem:s16+$0xC0]  }
0x6e7: {  	v2 =	vadd.f32 v4, v2;
	v4 =	vld [tilespmem:s11+$0xC0]  }
0x6e8: {  	v6 =	vld [tilespmem:s16+$0xFFFFFF40]  }
0x6e9: {  	[tilespmem:s16+$0xFFFFFFB0] =	vst v2;
	v2 =	vld [tilespmem:s16+$0xFFFFFFC0];
	v0 =	vadd.f32 v1, v0  }
0x6ea: {  	v1 =	vadd.f32 v5, v7;
	v5 =	vld [tilespmem:s11+$0xFFFFFFC0]  }
0x6eb: {  	[tilespmem:s16+$0x30] =	vst v0;
	v0 =	vld [tilespmem:s16+$0x40]  }
0x6ec: {  	[tilespmem:s16+$0xFFFFFF30] =	vst v1;
	v1 =	vld [tilespmem:s11+$0x40];
	v3 =	vadd.f32 v4, v3  }
0x6ed: {  	v4 =	vld [tilespmem:s11+$0xFFFFFF40]  }
0x6ee: {  	[tilespmem:s16+$0xC0] =	vst v3;
	v3 =	vld [tilespmem:s16+$0xD0]  }
0x6ef: {  	v2 =	vadd.f32 v5, v2;
	v5 =	vld [tilespmem:s11+$0xD0]  }
0x6f0: {  	v7 =	vld [tilespmem:s16+$0xFFFFFF50]  }
0x6f1: {  	[tilespmem:s16+$0xFFFFFFC0] =	vst v2;
	v2 =	vld [tilespmem:s16+$0xFFFFFFD0];
	v0 =	vadd.f32 v1, v0  }
0x6f2: {  	v1 =	vadd.f32 v4, v6;
	v4 =	vld [tilespmem:s11+$0xFFFFFFD0]  }
0x6f3: {  	[tilespmem:s16+$0x40] =	vst v0;
	v0 =	vld [tilespmem:s16+$0x50]  }
0x6f4: {  	[tilespmem:s16+$0xFFFFFF40] =	vst v1;
	v1 =	vld [tilespmem:s11+$0x50];
	v3 =	vadd.f32 v5, v3  }
0x6f5: {  	v5 =	vld [tilespmem:s11+$0xFFFFFF50]  }
0x6f6: {  	[tilespmem:s16+$0xD0] =	vst v3;
	v3 =	vld [tilespmem:s16+$0xE0]  }
0x6f7: {  	v2 =	vadd.f32 v4, v2;
	v4 =	vld [tilespmem:s11+$0xE0]  }
0x6f8: {  	v6 =	vld [tilespmem:s16+$0xFFFFFF60]  }
0x6f9: {  	[tilespmem:s16+$0xFFFFFFD0] =	vst v2;
	v2 =	vld [tilespmem:s16+$0xFFFFFFE0];
	v0 =	vadd.f32 v1, v0  }
0x6fa: {  	v1 =	vadd.f32 v5, v7;
	v5 =	vld [tilespmem:s11+$0xFFFFFFE0]  }
0x6fb: {  	[tilespmem:s16+$0x50] =	vst v0;
	v7 =	vld [tilespmem:s16+$0x60]  }
0x6fc: {  	[tilespmem:s16+$0xFFFFFF50] =	vst v1;
	v8 =	vld [tilespmem:s11+$0x60];
	v0 =	vadd.f32 v4, v3  }
0x6fd: {  	v3 =	vld [tilespmem:s11+$0xFFFFFF60]  }
0x6fe: {  	[tilespmem:s16+$0xE0] =	vst v0;
	v9 =	vld [tilespmem:s16+$0xF0]  }
0x6ff: {  	v1 =	vadd.f32 v5, v2;
	v5 =	vld [tilespmem:s11+$0xF0]  }
0x700: {  	v0 =	vld [tilespmem:s16+$0xFFFFFF70]  }
.Ltmp12:
0x701: {  	[tilespmem:s16+$0xFFFFFFE0] =	vst v1;
	v1 =	vld [tilespmem:s16+$0xFFFFFFF0];
	v2 =	vadd.f32 v8, v7;
	(pc) =	sbr.rel @p0 .LBB2_26-.Ltmp12, $4  }
0x702: {  	v4 =	vadd.f32 v3, v6;
	v3 =	vld [tilespmem:s11+$0xFFFFFFF0]  }
0x703: {  	[tilespmem:s16+$0x60] =	vst v2;
	v2 =	vld [tilespmem:s16+$0x70]  }
0x704: {  	[tilespmem:s16+$0xFFFFFF60] =	vst v4;
	v4 =	vld [tilespmem:s11+$0x70];
	v6 =	vadd.f32 v5, v9  }
0x705: {  	s16 =	sadd.s32 $0x200, s16;
	v5 =	vld [tilespmem:s11+$0xFFFFFF70]  }
0x706: {  	_ =	sdelay $0x1  }
0x707: {  	v1 =	vadd.f32 v3, v1  }
0x708: {  	[tilespmem:s10+$0xF0] =	vst v6;
	v2 =	vadd.f32 v4, v2  }
0x709: {  	[tilespmem:s10+$0xFFFFFFF0] =	vst v1;
	v0 =	vadd.f32 v5, v0  }
0x70a: {  	[tilespmem:s10+$0x70] =	vst v2  }
0x70b: {  	[tilespmem:s10+$0xFFFFFF70] =	vst v0  }
0x70c: {  	s6 =	rddreg [dreg:$0x17]  }
0x70d: {  	[hbm4b:s6+s5] =	stream.linear.scatter [tilespmem:s26], [sflag:$0xC], $0x6400, $0x38;
	[tilespmem:$0x1F800] =	vst v63  }
0x70e: {  	_ =	swait.ge [sflag:s29], $0x6400  }
0x70f: {  	[sflag:s29] =	ssyncset.done $0x0  }
0x710: {  	[sflag:s29] =	ssyncadd.s32 $0xFFFF9C00  }
0x711: {  	_ =	swait.ge [sflag:s8], $0x6400  }
0x712: {  	[sflag:s8] =	ssyncset.done $0x0  }
0x713: {  	[sflag:s8] =	ssyncadd.s32 $0xFFFF9C00  }
0x714: {  	_ =	swait.ge [sflag:s3], $0x6400  }
0x715: {  	[sflag:s3] =	ssyncset.done $0x0  }
0x716: {  	[sflag:s3] =	ssyncadd.s32 $0xFFFF9C00  }
0x717: {  	_ =	swait.ge [sflag:s9], $0x6400  }
0x718: {  	s19 =	rddreg [dreg:$0x1d]  }
0x719: {  	s31 =	rddreg [dreg:$0x18];
	s10 =	sadd.s32 $0x1, s19  }
0x71a: {  	p0 =	sne.s32 s10, s31  }
.Ltmp13:
0x71b: {  	_ = 	snop;
	(pc) =	sbr.rel @p0 .LBB2_1-.Ltmp13, $3  }
0x71c: {  	_ =	sdelay $0x1  }
0x71d: {  	[sflag:s9] =	ssyncset.done $0x0  }
0x71e: {  	[sflag:s9] =	ssyncadd.s32 $0xFFFF9C00  }
0x71f: {  	_ =	sfence.sel $0x180000  }
0x720: {  	[bflag:$0x0] =	sbarrier.arrive $0xFFFF  }
0x721: {  	_ =	strace $0x90000047  }
0x722: {  	s0 =	stileid.u32;
	[bflag:$0x2] =	sbarrier.arrive $0xFFFF  }
0x723: {  	p0 =	sne.s32 s0, $0x0;
	s0 =	rddreg [dreg:$0x4]  }
0x724: {  	s0 =	sadd.s32 @!p0 $0x100000, s0  }
0x725: {  	[sflag:s0] =	ssyncadd.tile.s32 @!p0 $0x1;
	_ =	shalt  }
.Lfunc_end2:
_tile_overlayer_lowered:
.L_overlay_start_2:
0x726: {  	(tag) =	ssettag $0x2  }
0x727: {  	s0 =	rddreg [dreg:$0x0];
	s2 =	stileid.u32  }
0x728: {  	s1 =	rddreg [dreg:$0x1];
	p0 =	sne.s32 s2, $0x0  }
0x729: {  	s3 =	rddreg [dreg:$0x2];
	[bflag:$0x3] =	sbarrier.arrive $0xFFFF;
	s2 =	simm.s32 @!p0 $0x1C0D  }
0x72a: {  	[timem:s3], [sflag:s2] =	dma.local @!p0 [hbm:s0], s1  }
0x72b: {  	s0 =	simm.s32 @!p0 $0xD  }
0x72c: {  	_ =	swait.ge @!p0 [sflag:s0], s1  }
0x72d: {  	s1 =	ssub.s32 @!p0 $0x0, s1;
	[sflag:s0] =	ssyncset.done @!p0 $0x0  }
0x72e: {  	[sflag:s0] =	ssyncadd.s32 @!p0 s1  }
0x72f: {  	[bflag:$0x3] =	sbarrier.arrive $0xFFFF  }
0x730: {  	_ =	shalt  }

</sc_bundles>
